<compile_context>
chip_gen: v7x
topology: tpu7x:2x2x1
jax: 0.10.2.dev20260603
libtpu: 0.0.44.dev20260713+nightly
codegen_flags: <defaults>
</compile_context>

<pallas_src>
import jax
import jax.numpy as jnp
from jax import lax
from jax.experimental import pallas as pl
from jax.experimental.pallas import tpu as pltpu
from jax.experimental.pallas import tpu_sc as plsc

N_NODES = 10000
N_EDGES = 320000
D = 128

NC = 2
NS = 16
E_PER_TILE = N_EDGES // (NC * NS)
CHUNK = 128
EPT_PAD = 10240
N_CHUNKS = EPT_PAD // CHUNK
N_PAD = 10240
OWN1D = N_PAD // NS

_MESH = plsc.VectorSubcoreMesh(core_axis_name="c", subcore_axis_name="s")


def _zero_1d(buf, n_vecs):
    zeros = jnp.zeros((16,), jnp.float32)

    def body(i, _):
        buf[pl.ds(i * 16, 16)] = zeros
        return 0

    lax.fori_loop(0, n_vecs, body, 0)


def _zero_rows(buf, n_rows):
    zeros = jnp.zeros((16,), jnp.float32)

    def body(e, _):
        for j in range(8):
            buf[e, pl.ds(j * 16, 16)] = zeros
        return 0

    lax.fori_loop(0, n_rows, body, 0)


def _acc1d_init(s, flat, acc):
    _zero_1d(flat, OWN1D // 16)
    pltpu.sync_copy(flat.at[pl.ds(0, OWN1D)],
                    acc.at[pl.ds(s * OWN1D, OWN1D)])


def _acc1d_dump(c, s, acc, out_hbm):
    pltpu.sync_copy(acc.at[pl.ds(s * OWN1D, OWN1D)],
                    out_hbm.at[c, pl.ds(s * OWN1D, OWN1D)])


def _deg_body(col3_hbm, ew3_hbm, degp_hbm, colv, eww, flat, acc):
    c = lax.axis_index("c")
    s = lax.axis_index("s")
    wid = c * NS + s

    pltpu.sync_copy(col3_hbm.at[wid], colv)
    pltpu.sync_copy(ew3_hbm.at[wid], eww)
    _acc1d_init(s, flat, acc)
    plsc.subcore_barrier()

    def body(i, _):
        pltpu.sync_copy(eww.at[i], acc.at[colv.at[i]], add=True)
        return 0

    lax.fori_loop(0, N_CHUNKS, body, 0)
    plsc.subcore_barrier()
    _acc1d_dump(c, s, acc, degp_hbm)


_deg_pass = pl.kernel(
    _deg_body,
    out_type=jax.ShapeDtypeStruct((NC, N_PAD), jnp.float32),
    mesh=_MESH,
    scratch_types=dict(
        colv=pltpu.VMEM((N_CHUNKS, CHUNK), jnp.int32),
        eww=pltpu.VMEM((N_CHUNKS, CHUNK), jnp.float32),
        flat=pltpu.VMEM((OWN1D,), jnp.float32),
        acc=pltpu.VMEM_SHARED((N_PAD,), jnp.float32),
    ),
)


SUP = 16
N_SUP = N_CHUNKS // SUP


def _agg_body(xw2_hbm, row3_hbm, col3_hbm, ew3_hbm, sp_hbm, rowv, colv, eww,
              buf0, buf1, sem0, sem1, acc):
    c = lax.axis_index("c")
    s = lax.axis_index("s")
    wid = c * NS + s

    _zero_rows(buf0, CHUNK)
    r0 = s * (N_PAD // NS)
    for k in range(OWN1D // CHUNK):
        pltpu.sync_copy(buf0, acc.at[pl.ds(r0 + k * CHUNK, CHUNK)])
    plsc.subcore_barrier()

    def scale(buf, i):
        def g_body(g, _):
            w16 = eww[i, pl.ds(g * 16, 16)]
            for kk in range(16):
                w = jnp.full((16,), w16[kk], jnp.float32)
                e = g * 16 + kk
                for j in range(8):
                    sl = pl.ds(j * 16, 16)
                    buf[e, sl] = buf[e, sl] * w
            return 0

        lax.fori_loop(0, CHUNK // 16, g_body, 0)

    def super_body(u, _):
        u0 = u * SUP
        pltpu.sync_copy(row3_hbm.at[wid, pl.ds(u0, SUP)], rowv)
        pltpu.sync_copy(col3_hbm.at[wid, pl.ds(u0, SUP)], colv)
        pltpu.sync_copy(ew3_hbm.at[wid, pl.ds(u0, SUP)], eww)

        pltpu.async_copy(xw2_hbm.at[rowv.at[0]], buf0, sem0)

        def body(k, _):
            i0 = 2 * k
            i1 = 2 * k + 1
            pltpu.async_copy(xw2_hbm.at[rowv.at[i1]], buf1, sem1)
            pltpu.make_async_copy(xw2_hbm.at[rowv.at[i0]], buf0, sem0).wait()
            scale(buf0, i0)
            pltpu.sync_copy(buf0, acc.at[colv.at[i0]], add=True)

            @pl.when(k < SUP // 2 - 1)
            def _():
                pltpu.async_copy(xw2_hbm.at[rowv.at[i0 + 2]], buf0, sem0)

            pltpu.make_async_copy(xw2_hbm.at[rowv.at[i1]], buf1, sem1).wait()
            scale(buf1, i1)
            pltpu.sync_copy(buf1, acc.at[colv.at[i1]], add=True)
            return 0

        lax.fori_loop(0, SUP // 2, body, 0)
        return 0

    lax.fori_loop(0, N_SUP, super_body, 0)
    plsc.subcore_barrier()
    for k in range(OWN1D // CHUNK):
        pltpu.sync_copy(acc.at[pl.ds(r0 + k * CHUNK, CHUNK)],
                        sp_hbm.at[c, pl.ds(r0 + k * CHUNK, CHUNK)])


_agg_pass = pl.kernel(
    _agg_body,
    out_type=jax.ShapeDtypeStruct((NC, N_PAD, D), jnp.float32),
    mesh=_MESH,
    scratch_types=dict(
        rowv=pltpu.VMEM((SUP, CHUNK), jnp.int32),
        colv=pltpu.VMEM((SUP, CHUNK), jnp.int32),
        eww=pltpu.VMEM((SUP, CHUNK), jnp.float32),
        buf0=pltpu.VMEM((CHUNK, D), jnp.float32),
        buf1=pltpu.VMEM((CHUNK, D), jnp.float32),
        sem0=pltpu.SemaphoreType.DMA,
        sem1=pltpu.SemaphoreType.DMA,
        acc=pltpu.VMEM_SHARED((N_PAD, D), jnp.float32),
    ),
)


def _sagg_body(z2_hbm, row3_hbm, col3_hbm, ew3_hbm, tp_hbm, rowv, colv, eww,
               val0, val1, sem0, sem1, flat, acc):
    c = lax.axis_index("c")
    s = lax.axis_index("s")
    wid = c * NS + s

    pltpu.sync_copy(row3_hbm.at[wid], rowv)
    pltpu.sync_copy(col3_hbm.at[wid], colv)
    pltpu.sync_copy(ew3_hbm.at[wid], eww)
    _acc1d_init(s, flat, acc)
    plsc.subcore_barrier()

    def scale(buf, i):
        def g_body(g, _):
            sl = pl.ds(g * 16, 16)
            buf[sl] = buf[sl] * eww[i, sl]
            return 0

        lax.fori_loop(0, CHUNK // 16, g_body, 0)

    pltpu.async_copy(z2_hbm.at[rowv.at[0]], val0, sem0)

    def body(k, _):
        i0 = 2 * k
        i1 = 2 * k + 1
        pltpu.async_copy(z2_hbm.at[rowv.at[i1]], val1, sem1)
        pltpu.make_async_copy(z2_hbm.at[rowv.at[i0]], val0, sem0).wait()
        scale(val0, i0)
        pltpu.sync_copy(val0, acc.at[colv.at[i0]], add=True)

        @pl.when(k < N_CHUNKS // 2 - 1)
        def _():
            pltpu.async_copy(z2_hbm.at[rowv.at[i0 + 2]], val0, sem0)

        pltpu.make_async_copy(z2_hbm.at[rowv.at[i1]], val1, sem1).wait()
        scale(val1, i1)
        pltpu.sync_copy(val1, acc.at[colv.at[i1]], add=True)
        return 0

    lax.fori_loop(0, N_CHUNKS // 2, body, 0)
    plsc.subcore_barrier()
    _acc1d_dump(c, s, acc, tp_hbm)


_sagg_pass = pl.kernel(
    _sagg_body,
    out_type=jax.ShapeDtypeStruct((NC, N_PAD), jnp.float32),
    mesh=_MESH,
    scratch_types=dict(
        rowv=pltpu.VMEM((N_CHUNKS, CHUNK), jnp.int32),
        colv=pltpu.VMEM((N_CHUNKS, CHUNK), jnp.int32),
        eww=pltpu.VMEM((N_CHUNKS, CHUNK), jnp.float32),
        val0=pltpu.VMEM((CHUNK,), jnp.float32),
        val1=pltpu.VMEM((CHUNK,), jnp.float32),
        sem0=pltpu.SemaphoreType.DMA,
        sem1=pltpu.SemaphoreType.DMA,
        flat=pltpu.VMEM((OWN1D,), jnp.float32),
        acc=pltpu.VMEM_SHARED((N_PAD,), jnp.float32),
    ),
)


_BM = 2000


def _mm_body(x_ref, w_ref, o_ref):
    o_ref[...] = jnp.dot(x_ref[...], w_ref[...],
                         preferred_element_type=jnp.float32)


def _tc_matmul(x, w):
    return pl.pallas_call(
        _mm_body,
        grid=(N_NODES // _BM,),
        in_specs=[
            pl.BlockSpec((_BM, D), lambda i: (i, 0)),
            pl.BlockSpec((D, D), lambda i: (0, 0)),
        ],
        out_specs=pl.BlockSpec((_BM, D), lambda i: (i, 0)),
        out_shape=jax.ShapeDtypeStruct((N_NODES, D), jnp.float32),
    )(x, w)


def _scale_body(degp_ref, xw_ref, dis_ref, xw2_ref):
    deg = degp_ref[0, :, :] + degp_ref[1, :, :] + 1.0
    dis = lax.rsqrt(deg)
    dis_ref[...] = dis
    xw2_ref[...] = xw_ref[...] * dis


def _tc_scale(degp, xw):
    return pl.pallas_call(
        _scale_body,
        grid=(N_NODES // _BM,),
        in_specs=[
            pl.BlockSpec((NC, _BM, 1), lambda i: (0, i, 0)),
            pl.BlockSpec((_BM, D), lambda i: (i, 0)),
        ],
        out_specs=[
            pl.BlockSpec((_BM, 1), lambda i: (i, 0)),
            pl.BlockSpec((_BM, D), lambda i: (i, 0)),
        ],
        out_shape=[
            jax.ShapeDtypeStruct((N_NODES, 1), jnp.float32),
            jax.ShapeDtypeStruct((N_NODES, D), jnp.float32),
        ],
    )(degp.reshape(NC, N_NODES, 1), xw)


def _layer2_body(sp_ref, xw2_ref, dis_ref, b1_ref, w2_ref, z2_ref):
    dis = dis_ref[...]
    h = sp_ref[0, :, :] + sp_ref[1, :, :] + xw2_ref[...]
    h = jnp.maximum(h * dis + b1_ref[...], 0.0)
    z = jnp.dot(h, w2_ref[...], preferred_element_type=jnp.float32)
    z2_ref[...] = z * dis


def _tc_layer2(sp, xw2, dis, b1, w2):
    return pl.pallas_call(
        _layer2_body,
        grid=(N_NODES // _BM,),
        in_specs=[
            pl.BlockSpec((NC, _BM, D), lambda i: (0, i, 0)),
            pl.BlockSpec((_BM, D), lambda i: (i, 0)),
            pl.BlockSpec((_BM, 1), lambda i: (i, 0)),
            pl.BlockSpec((1, D), lambda i: (0, 0)),
            pl.BlockSpec((D, 1), lambda i: (0, 0)),
        ],
        out_specs=pl.BlockSpec((_BM, 1), lambda i: (i, 0)),
        out_shape=jax.ShapeDtypeStruct((N_NODES, 1), jnp.float32),
    )(sp, xw2, dis, b1.reshape(1, D), w2)


def _final_body(tp_ref, z2_ref, dis_ref, b2_ref, o_ref):
    t = tp_ref[0, :, :] + tp_ref[1, :, :] + z2_ref[...]
    o_ref[...] = t * dis_ref[...] + b2_ref[...]


def _tc_final(tp, z2, dis, b2):
    return pl.pallas_call(
        _final_body,
        grid=(N_NODES // _BM,),
        in_specs=[
            pl.BlockSpec((NC, _BM, 1), lambda i: (0, i, 0)),
            pl.BlockSpec((_BM, 1), lambda i: (i, 0)),
            pl.BlockSpec((_BM, 1), lambda i: (i, 0)),
            pl.BlockSpec((1, 1), lambda i: (0, 0)),
        ],
        out_specs=pl.BlockSpec((_BM, 1), lambda i: (i, 0)),
        out_shape=jax.ShapeDtypeStruct((N_NODES, 1), jnp.float32),
    )(tp.reshape(NC, N_NODES, 1), z2, dis, b2.reshape(1, 1))


def _pad_edges(v, fill):
    v = v.reshape(NC * NS, E_PER_TILE)
    pad = jnp.full((NC * NS, EPT_PAD - E_PER_TILE), fill, v.dtype)
    return jnp.concatenate([v, pad], axis=1).reshape(NC * NS, N_CHUNKS, CHUNK)


@jax.jit
def kernel(x, edge_index, edge_attr, W1, b1, W2, b2):
    row = edge_index[0].astype(jnp.int32)
    col = edge_index[1].astype(jnp.int32)
    ew = edge_attr[:, 0]
    row3 = _pad_edges(row, 0)
    col3 = _pad_edges(col, N_PAD - 1)
    ew3 = _pad_edges(ew, 0.0)

    degp = _deg_pass(col3, ew3)[:, :N_NODES]
    xw = _tc_matmul(x, W1)
    dis, xw2 = _tc_scale(degp, xw)
    sp = _agg_pass(xw2, row3, col3, ew3)[:, :N_NODES]
    z2 = _tc_layer2(sp, xw2, dis, b1, W2)
    tp = _sagg_pass(z2[:, 0], row3, col3, ew3)[:, :N_NODES]
    out = _tc_final(tp, z2, dis, b2)
    return out[:, 0]

# --- scband reference (transcript-rebuilt; emitter-appended) ---
"""Pipeline reference for scband-gcn-26568667693833 (READ-ONLY COPY).

The authoritative reference and input builder live on the scoring server;
editing this copy changes nothing except your own understanding.
"""

import jax, jax.numpy as jnp
import numpy as np

N_NODES = 10000
N_EDGES = 320000
D_IN = 128
D_HID = 128


def gcn_conv(x, edge_index, edge_weight, W, b):
    # Faithful PyG GCNConv (add_self_loops=True, normalize=True, eval mode)
    N = x.shape[0]
    row = edge_index[0]
    col = edge_index[1]
    loop = jnp.arange(N, dtype=row.dtype)
    row = jnp.concatenate([row, loop])
    col = jnp.concatenate([col, loop])
    ew = jnp.concatenate([edge_weight, jnp.ones((N,), dtype=edge_weight.dtype)])
    # symmetric normalization D^{-1/2} A D^{-1/2} (degrees from dst-side scatter-add)
    deg = jnp.zeros((N,), dtype=ew.dtype).at[col].add(ew)
    deg_inv_sqrt = jnp.where(deg > 0, deg ** -0.5, 0.0)
    norm = deg_inv_sqrt[row] * ew * deg_inv_sqrt[col]
    xw = x @ W
    msg = xw[row] * norm[:, None]
    out = jnp.zeros((N, xw.shape[1]), dtype=xw.dtype).at[col].add(msg)
    return out + b


def setup_inputs(seed: int = 0) -> dict:
    key = jax.random.key(seed)
    k1, k2, k3, k4, k5 = jax.random.split(key, 5)
    x = jax.random.normal(k1, (N_NODES, D_IN), dtype=jnp.float32)
    edge_index = jax.random.randint(k2, (2, N_EDGES), 0, N_NODES, dtype=jnp.int64)
    edge_attr = jax.random.uniform(k3, (N_EDGES, 1), dtype=jnp.float32)
    s1 = 1.0 / np.sqrt(D_IN)
    s2 = 1.0 / np.sqrt(D_HID)
    W1 = jax.random.normal(k4, (D_IN, D_HID), dtype=jnp.float32) * s1
    b1 = jnp.zeros((D_HID,), dtype=jnp.float32)
    W2 = jax.random.normal(k5, (D_HID, 1), dtype=jnp.float32) * s2
    b2 = jnp.zeros((1,), dtype=jnp.float32)
    return {"x": x, "edge_index": edge_index, "edge_attr": edge_attr,
            "W1": W1, "b1": b1, "W2": W2, "b2": b2}


def reference(x, edge_index, edge_attr, W1, b1, W2, b2):
    edge_weight = edge_attr.squeeze()
    h = gcn_conv(x, edge_index, edge_weight, W1, b1)
    h = jax.nn.relu(h)
    # F.dropout(training=False) is identity in eval mode
    out = gcn_conv(h, edge_index, edge_weight, W2, b2)
    return out.squeeze()

if __name__ == "__main__":
    import jax
    _d = setup_inputs()
    print(jax.jit(kernel)(*tuple(_d.values())))

</pallas_src>

<mosaic_0001>
#map = affine_map<(d0, d1) -> (0)>
#map1 = affine_map<(d0, d1) -> (0, 0, 0)>
#map2 = affine_map<(d0, d1) -> (0, 0)>
module attributes {stable_mosaic.version = 14 : i64} {
  func.func @_sagg_body(%arg0: i32, %arg1: i32, %arg2: memref<10000xf32, #tpu.memory_space<hbm>>, %arg3: memref<32x80x128xi32, #tpu.memory_space<hbm>>, %arg4: memref<32x80x128xi32, #tpu.memory_space<hbm>>, %arg5: memref<32x80x128xf32, #tpu.memory_space<hbm>>, %arg6: memref<2x10240xf32, #tpu.memory_space<hbm>>, %arg7: memref<10240xf32, #tpu.memory_space<vmem_shared>>, %arg8: memref<80x128xi32, #tpu.memory_space<vmem>>, %arg9: memref<80x128xf32, #tpu.memory_space<vmem>>, %arg10: memref<640xf32, #tpu.memory_space<vmem>>, %arg11: memref<80x128xi32, #tpu.memory_space<vmem>>, %arg12: memref<!tpu.dma_semaphore, #tpu.memory_space<semaphore_mem>>, %arg13: memref<!tpu.dma_semaphore, #tpu.memory_space<semaphore_mem>>, %arg14: memref<128xf32, #tpu.memory_space<vmem>>, %arg15: memref<128xf32, #tpu.memory_space<vmem>>) attributes {dimension_semantics = [#tpu.dimension_semantics<core_parallel>, #tpu.dimension_semantics<subcore_parallel>], iteration_bounds = array<i64: 2, 16>, scalar_prefetch = 0 : i64, scratch_operands = 9 : i64, tpu.core_type = #tpu.core_type<sc_vector_subcore>, window_params = [{transform_indices = #map}, {transform_indices = #map1}, {transform_indices = #map1}, {transform_indices = #map1}, {transform_indices = #map2}]} {
    %mul3A = arith.constant 16 : i32
    %mul3A_0 = arith.muli %arg0, %mul3A : i32
    %add3A = arith.addi %mul3A_0, %arg1 : i32
    "tpu.region"() ({
      %run_scoped3A = tpu.sem_alloc : memref<!tpu.dma_semaphore, #tpu.memory_space<semaphore_mem>>
      %dma_start3A_27 = arith.constant 0 : i32
      %dma_start3A_28 = arith.constant 0 : i32
      %dma_start3A_29 = tpu.memref_slice %arg3[%add3A, %dma_start3A_27, %dma_start3A_28] : memref<32x80x128xi32, #tpu.memory_space<hbm>> -> memref<1x80x128xi32, #tpu.memory_space<hbm>>
      %dma_start3A_30 = tpu.memref_squeeze %dma_start3A_29 : memref<1x80x128xi32, #tpu.memory_space<hbm>> -> memref<80x128xi32, #tpu.memory_space<hbm>>
      %dma_start3A_31 = arith.constant 0 : i32
      %dma_start3A_32 = arith.constant 0 : i32
      %dma_start3A_33 = tpu.memref_slice %arg3[%add3A, %dma_start3A_31, %dma_start3A_32] : memref<32x80x128xi32, #tpu.memory_space<hbm>> -> memref<1x80x128xi32, #tpu.memory_space<hbm>>
      %dma_start3A_34 = tpu.memref_squeeze %dma_start3A_33 : memref<1x80x128xi32, #tpu.memory_space<hbm>> -> memref<80x128xi32, #tpu.memory_space<hbm>>
      tpu.enqueue_dma source(%dma_start3A_34 : memref<80x128xi32, #tpu.memory_space<hbm>>) target(%arg11 : memref<80x128xi32, #tpu.memory_space<vmem>>) target_semaphore(%run_scoped3A : memref<!tpu.dma_semaphore, #tpu.memory_space<semaphore_mem>>)
      %dma_wait3A = arith.constant 0 : i32
      %dma_wait3A_35 = arith.constant 0 : i32
      %dma_wait3A_36 = tpu.memref_slice %arg3[%add3A, %dma_wait3A, %dma_wait3A_35] : memref<32x80x128xi32, #tpu.memory_space<hbm>> -> memref<1x80x128xi32, #tpu.memory_space<hbm>>
      %dma_wait3A_37 = tpu.memref_squeeze %dma_wait3A_36 : memref<1x80x128xi32, #tpu.memory_space<hbm>> -> memref<80x128xi32, #tpu.memory_space<hbm>>
      %dma_wait3A_38 = arith.constant 0 : i32
      %dma_wait3A_39 = arith.constant 0 : i32
      %dma_wait3A_40 = tpu.memref_slice %arg3[%add3A, %dma_wait3A_38, %dma_wait3A_39] : memref<32x80x128xi32, #tpu.memory_space<hbm>> -> memref<1x80x128xi32, #tpu.memory_space<hbm>>
      %dma_wait3A_41 = tpu.memref_squeeze %dma_wait3A_40 : memref<1x80x128xi32, #tpu.memory_space<hbm>> -> memref<80x128xi32, #tpu.memory_space<hbm>>
      tpu.wait_dma2 semaphore(%run_scoped3A : memref<!tpu.dma_semaphore, #tpu.memory_space<semaphore_mem>>) src(%dma_wait3A_41 : memref<80x128xi32, #tpu.memory_space<hbm>>) dst(%arg11 : memref<80x128xi32, #tpu.memory_space<vmem>>)
      tpu.yield
    }) : () -> ()
    "tpu.region"() ({
      %run_scoped3A = tpu.sem_alloc : memref<!tpu.dma_semaphore, #tpu.memory_space<semaphore_mem>>
      %dma_start3A_27 = arith.constant 0 : i32
      %dma_start3A_28 = arith.constant 0 : i32
      %dma_start3A_29 = tpu.memref_slice %arg4[%add3A, %dma_start3A_27, %dma_start3A_28] : memref<32x80x128xi32, #tpu.memory_space<hbm>> -> memref<1x80x128xi32, #tpu.memory_space<hbm>>
      %dma_start3A_30 = tpu.memref_squeeze %dma_start3A_29 : memref<1x80x128xi32, #tpu.memory_space<hbm>> -> memref<80x128xi32, #tpu.memory_space<hbm>>
      %dma_start3A_31 = arith.constant 0 : i32
      %dma_start3A_32 = arith.constant 0 : i32
      %dma_start3A_33 = tpu.memref_slice %arg4[%add3A, %dma_start3A_31, %dma_start3A_32] : memref<32x80x128xi32, #tpu.memory_space<hbm>> -> memref<1x80x128xi32, #tpu.memory_space<hbm>>
      %dma_start3A_34 = tpu.memref_squeeze %dma_start3A_33 : memref<1x80x128xi32, #tpu.memory_space<hbm>> -> memref<80x128xi32, #tpu.memory_space<hbm>>
      tpu.enqueue_dma source(%dma_start3A_34 : memref<80x128xi32, #tpu.memory_space<hbm>>) target(%arg8 : memref<80x128xi32, #tpu.memory_space<vmem>>) target_semaphore(%run_scoped3A : memref<!tpu.dma_semaphore, #tpu.memory_space<semaphore_mem>>)
      %dma_wait3A = arith.constant 0 : i32
      %dma_wait3A_35 = arith.constant 0 : i32
      %dma_wait3A_36 = tpu.memref_slice %arg4[%add3A, %dma_wait3A, %dma_wait3A_35] : memref<32x80x128xi32, #tpu.memory_space<hbm>> -> memref<1x80x128xi32, #tpu.memory_space<hbm>>
      %dma_wait3A_37 = tpu.memref_squeeze %dma_wait3A_36 : memref<1x80x128xi32, #tpu.memory_space<hbm>> -> memref<80x128xi32, #tpu.memory_space<hbm>>
      %dma_wait3A_38 = arith.constant 0 : i32
      %dma_wait3A_39 = arith.constant 0 : i32
      %dma_wait3A_40 = tpu.memref_slice %arg4[%add3A, %dma_wait3A_38, %dma_wait3A_39] : memref<32x80x128xi32, #tpu.memory_space<hbm>> -> memref<1x80x128xi32, #tpu.memory_space<hbm>>
      %dma_wait3A_41 = tpu.memref_squeeze %dma_wait3A_40 : memref<1x80x128xi32, #tpu.memory_space<hbm>> -> memref<80x128xi32, #tpu.memory_space<hbm>>
      tpu.wait_dma2 semaphore(%run_scoped3A : memref<!tpu.dma_semaphore, #tpu.memory_space<semaphore_mem>>) src(%dma_wait3A_41 : memref<80x128xi32, #tpu.memory_space<hbm>>) dst(%arg8 : memref<80x128xi32, #tpu.memory_space<vmem>>)
      tpu.yield
    }) : () -> ()
    "tpu.region"() ({
      %run_scoped3A = tpu.sem_alloc : memref<!tpu.dma_semaphore, #tpu.memory_space<semaphore_mem>>
      %dma_start3A_27 = arith.constant 0 : i32
      %dma_start3A_28 = arith.constant 0 : i32
      %dma_start3A_29 = tpu.memref_slice %arg5[%add3A, %dma_start3A_27, %dma_start3A_28] : memref<32x80x128xf32, #tpu.memory_space<hbm>> -> memref<1x80x128xf32, #tpu.memory_space<hbm>>
      %dma_start3A_30 = tpu.memref_squeeze %dma_start3A_29 : memref<1x80x128xf32, #tpu.memory_space<hbm>> -> memref<80x128xf32, #tpu.memory_space<hbm>>
      %dma_start3A_31 = arith.constant 0 : i32
      %dma_start3A_32 = arith.constant 0 : i32
      %dma_start3A_33 = tpu.memref_slice %arg5[%add3A, %dma_start3A_31, %dma_start3A_32] : memref<32x80x128xf32, #tpu.memory_space<hbm>> -> memref<1x80x128xf32, #tpu.memory_space<hbm>>
      %dma_start3A_34 = tpu.memref_squeeze %dma_start3A_33 : memref<1x80x128xf32, #tpu.memory_space<hbm>> -> memref<80x128xf32, #tpu.memory_space<hbm>>
      tpu.enqueue_dma source(%dma_start3A_34 : memref<80x128xf32, #tpu.memory_space<hbm>>) target(%arg9 : memref<80x128xf32, #tpu.memory_space<vmem>>) target_semaphore(%run_scoped3A : memref<!tpu.dma_semaphore, #tpu.memory_space<semaphore_mem>>)
      %dma_wait3A = arith.constant 0 : i32
      %dma_wait3A_35 = arith.constant 0 : i32
      %dma_wait3A_36 = tpu.memref_slice %arg5[%add3A, %dma_wait3A, %dma_wait3A_35] : memref<32x80x128xf32, #tpu.memory_space<hbm>> -> memref<1x80x128xf32, #tpu.memory_space<hbm>>
      %dma_wait3A_37 = tpu.memref_squeeze %dma_wait3A_36 : memref<1x80x128xf32, #tpu.memory_space<hbm>> -> memref<80x128xf32, #tpu.memory_space<hbm>>
      %dma_wait3A_38 = arith.constant 0 : i32
      %dma_wait3A_39 = arith.constant 0 : i32
      %dma_wait3A_40 = tpu.memref_slice %arg5[%add3A, %dma_wait3A_38, %dma_wait3A_39] : memref<32x80x128xf32, #tpu.memory_space<hbm>> -> memref<1x80x128xf32, #tpu.memory_space<hbm>>
      %dma_wait3A_41 = tpu.memref_squeeze %dma_wait3A_40 : memref<1x80x128xf32, #tpu.memory_space<hbm>> -> memref<80x128xf32, #tpu.memory_space<hbm>>
      tpu.wait_dma2 semaphore(%run_scoped3A : memref<!tpu.dma_semaphore, #tpu.memory_space<semaphore_mem>>) src(%dma_wait3A_41 : memref<80x128xf32, #tpu.memory_space<hbm>>) dst(%arg9 : memref<80x128xf32, #tpu.memory_space<vmem>>)
      tpu.yield
    }) : () -> ()
    %broadcast_in_dim3A = arith.constant 0.000000e+00 : f32
    %broadcast_in_dim3A_1 = vector.broadcast %broadcast_in_dim3A : f32 to vector<16xf32>
    %scan3A = arith.constant 0 : i32
    %scan3A_2 = arith.constant 0 : i32
    %scan3A_3 = arith.constant 40 : i32
    %scan3A_4 = arith.addi %scan3A_2, %scan3A_3 : i32
    %scan3A_5 = arith.constant 1 : i32
    %scan3A_6 = scf.for %scan3A_27 = %scan3A_2 to %scan3A_4 step %scan3A_5 iter_args(%scan3A_28 = %scan3A) -> (i32)  : i32 {
      %mul3A_29 = arith.constant 16 : i32
      %mul3A_30 = arith.muli %scan3A_27, %mul3A_29 : i32
      %swap3A = arith.index_cast %mul3A_30 : i32 to index
      %swap3A_31 = tpu.vector_load %arg10[%swap3A] {strides = array<i32>} : memref<640xf32, #tpu.memory_space<vmem>>, vector<16xf32>,
      %swap3A_32 = vector.shape_cast %swap3A_31 : vector<16xf32> to vector<16xf32>
      %swap3A_33 = vector.shape_cast %broadcast_in_dim3A_1 : vector<16xf32> to vector<16xf32>
      tpu.vector_store %arg10[%swap3A], %swap3A_33 {strides = array<i32>} : memref<640xf32, #tpu.memory_space<vmem>>, vector<16xf32>,
      %scan3A_34 = arith.constant 0 : i32
      scf.yield %scan3A_34 : i32
    }
    %scan3A_7 = arith.constant 40 : i32
    %mul3A_8 = arith.constant 640 : i32
    %mul3A_9 = arith.muli %arg1, %mul3A_8 : i32
    "tpu.region"() ({
      %run_scoped3A = tpu.sem_alloc : memref<!tpu.dma_semaphore, #tpu.memory_space<semaphore_mem>>
      %dma_start3A_27 = arith.constant 0 : i32
      %dma_start3A_28 = tpu.memref_slice %arg10[%dma_start3A_27] : memref<640xf32, #tpu.memory_space<vmem>> -> memref<640xf32, #tpu.memory_space<vmem>>
      %dma_start3A_29 = tpu.memref_slice %arg7[%mul3A_9] : memref<10240xf32, #tpu.memory_space<vmem_shared>> -> memref<640xf32, #tpu.memory_space<vmem_shared>>
      %dma_start3A_30 = tpu.memref_slice %arg7[%mul3A_9] : memref<10240xf32, #tpu.memory_space<vmem_shared>> -> memref<640xf32, #tpu.memory_space<vmem_shared>>
      %dma_start3A_31 = arith.constant 0 : i32
      %dma_start3A_32 = tpu.memref_slice %arg10[%dma_start3A_31] : memref<640xf32, #tpu.memory_space<vmem>> -> memref<640xf32, #tpu.memory_space<vmem>>
      tpu.enqueue_dma source(%dma_start3A_32 : memref<640xf32, #tpu.memory_space<vmem>>) target(%dma_start3A_30 : memref<640xf32, #tpu.memory_space<vmem_shared>>) target_semaphore(%run_scoped3A : memref<!tpu.dma_semaphore, #tpu.memory_space<semaphore_mem>>)
      %dma_wait3A = arith.constant 0 : i32
      %dma_wait3A_33 = tpu.memref_slice %arg10[%dma_wait3A] : memref<640xf32, #tpu.memory_space<vmem>> -> memref<640xf32, #tpu.memory_space<vmem>>
      %dma_wait3A_34 = tpu.memref_slice %arg7[%mul3A_9] : memref<10240xf32, #tpu.memory_space<vmem_shared>> -> memref<640xf32, #tpu.memory_space<vmem_shared>>
      %dma_wait3A_35 = tpu.memref_slice %arg7[%mul3A_9] : memref<10240xf32, #tpu.memory_space<vmem_shared>> -> memref<640xf32, #tpu.memory_space<vmem_shared>>
      %dma_wait3A_36 = arith.constant 0 : i32
      %dma_wait3A_37 = tpu.memref_slice %arg10[%dma_wait3A_36] : memref<640xf32, #tpu.memory_space<vmem>> -> memref<640xf32, #tpu.memory_space<vmem>>
      tpu.wait_dma2 semaphore(%run_scoped3A : memref<!tpu.dma_semaphore, #tpu.memory_space<semaphore_mem>>) src(%dma_wait3A_37 : memref<640xf32, #tpu.memory_space<vmem>>) dst(%dma_wait3A_35 : memref<640xf32, #tpu.memory_space<vmem_shared>>)
      tpu.yield
    }) : () -> ()
    %barrier3A = arith.constant 0 : index
    tpu.barrier barrier_id(%barrier3A)
    %dma_start3A = arith.constant 0 : i32
    %dma_start3A_10 = arith.constant 0 : i32
    %dma_start3A_11 = tpu.memref_slice %arg11[%dma_start3A, %dma_start3A_10] : memref<80x128xi32, #tpu.memory_space<vmem>> -> memref<1x128xi32, #tpu.memory_space<vmem>>
    %dma_start3A_12 = tpu.memref_squeeze %dma_start3A_11 : memref<1x128xi32, #tpu.memory_space<vmem>> -> memref<128xi32, #tpu.memory_space<vmem>>
    %dma_start3A_13 = arith.constant 0 : i32
    %dma_start3A_14 = tpu.memref_slice %arg2[%dma_start3A_13] : memref<10000xf32, #tpu.memory_space<hbm>> -> memref<10000xf32, #tpu.memory_space<hbm>>
    tpu.enqueue_indirect_dma source(%dma_start3A_14 : memref<10000xf32, #tpu.memory_space<hbm>>) target(%arg14 : memref<128xf32, #tpu.memory_space<vmem>>) offsets(%dma_start3A_12 : memref<128xi32, #tpu.memory_space<vmem>>) semaphore(%arg12 : memref<!tpu.dma_semaphore, #tpu.memory_space<semaphore_mem>>)
    %scan3A_15 = arith.constant 0 : i32
    %scan3A_16 = arith.constant 0 : i32
    %scan3A_17 = arith.constant 40 : i32
    %scan3A_18 = arith.addi %scan3A_16, %scan3A_17 : i32
    %scan3A_19 = arith.constant 1 : i32
    %scan3A_20 = scf.for %scan3A_27 = %scan3A_16 to %scan3A_18 step %scan3A_19 iter_args(%scan3A_28 = %scan3A_15) -> (i32)  : i32 {
      %mul3A_29 = arith.constant 2 : i32
      %mul3A_30 = arith.muli %mul3A_29, %scan3A_27 : i32
      %mul3A_31 = arith.constant 2 : i32
      %mul3A_32 = arith.muli %mul3A_31, %scan3A_27 : i32
      %add3A_33 = arith.constant 1 : i32
      %add3A_34 = arith.addi %mul3A_32, %add3A_33 : i32
      %dma_start3A_35 = arith.constant 0 : i32
      %dma_start3A_36 = tpu.memref_slice %arg11[%add3A_34, %dma_start3A_35] : memref<80x128xi32, #tpu.memory_space<vmem>> -> memref<1x128xi32, #tpu.memory_space<vmem>>
      %dma_start3A_37 = tpu.memref_squeeze %dma_start3A_36 : memref<1x128xi32, #tpu.memory_space<vmem>> -> memref<128xi32, #tpu.memory_space<vmem>>
      %dma_start3A_38 = arith.constant 0 : i32
      %dma_start3A_39 = tpu.memref_slice %arg2[%dma_start3A_38] : memref<10000xf32, #tpu.memory_space<hbm>> -> memref<10000xf32, #tpu.memory_space<hbm>>
      tpu.enqueue_indirect_dma source(%dma_start3A_39 : memref<10000xf32, #tpu.memory_space<hbm>>) target(%arg15 : memref<128xf32, #tpu.memory_space<vmem>>) offsets(%dma_start3A_37 : memref<128xi32, #tpu.memory_space<vmem>>) semaphore(%arg13 : memref<!tpu.dma_semaphore, #tpu.memory_space<semaphore_mem>>)
      %dma_wait3A = arith.constant 0 : i32
      %dma_wait3A_40 = tpu.memref_slice %arg11[%mul3A_30, %dma_wait3A] : memref<80x128xi32, #tpu.memory_space<vmem>> -> memref<1x128xi32, #tpu.memory_space<vmem>>
      %dma_wait3A_41 = tpu.memref_squeeze %dma_wait3A_40 : memref<1x128xi32, #tpu.memory_space<vmem>> -> memref<128xi32, #tpu.memory_space<vmem>>
      %dma_wait3A_42 = arith.constant 0 : i32
      %dma_wait3A_43 = tpu.memref_slice %arg2[%dma_wait3A_42] : memref<10000xf32, #tpu.memory_space<hbm>> -> memref<10000xf32, #tpu.memory_space<hbm>>
      tpu.wait_indirect_dma semaphore(%arg12 : memref<!tpu.dma_semaphore, #tpu.memory_space<semaphore_mem>>) src(%dma_wait3A_43 : memref<10000xf32, #tpu.memory_space<hbm>>) dst(%arg14 : memref<128xf32, #tpu.memory_space<vmem>>)
      %scan3A_44 = arith.constant 0 : i32
      %scan3A_45 = arith.constant 0 : i32
      %scan3A_46 = arith.constant 8 : i32
      %scan3A_47 = arith.addi %scan3A_45, %scan3A_46 : i32
      %scan3A_48 = arith.constant 1 : i32
      %scan3A_49 = scf.for %scan3A_66 = %scan3A_45 to %scan3A_47 step %scan3A_48 iter_args(%scan3A_67 = %scan3A_44) -> (i32)  : i32 {
        %mul3A_68 = arith.constant 16 : i32
        %mul3A_69 = arith.muli %scan3A_66, %mul3A_68 : i32
        %get3A = arith.index_cast %mul3A_69 : i32 to index
        %get3A_70 = tpu.vector_load %arg14[%get3A] {strides = array<i32>} : memref<128xf32, #tpu.memory_space<vmem>>, vector<16xf32>,
        %get3A_71 = vector.shape_cast %get3A_70 : vector<16xf32> to vector<16xf32>
        %get3A_72 = arith.index_cast %mul3A_30 : i32 to index
        %get3A_73 = arith.index_cast %mul3A_69 : i32 to index
        %get3A_74 = tpu.vector_load %arg9[%get3A_72, %get3A_73] {strides = array<i32>} : memref<80x128xf32, #tpu.memory_space<vmem>>, vector<1x16xf32>,
        %get3A_75 = vector.shape_cast %get3A_74 : vector<1x16xf32> to vector<16xf32>
        %mul3A_76 = arith.mulf %get3A_71, %get3A_75 : vector<16xf32>
        %swap3A = arith.index_cast %mul3A_69 : i32 to index
        %swap3A_77 = tpu.vector_load %arg14[%swap3A] {strides = array<i32>} : memref<128xf32, #tpu.memory_space<vmem>>, vector<16xf32>,
        %swap3A_78 = vector.shape_cast %swap3A_77 : vector<16xf32> to vector<16xf32>
        %swap3A_79 = vector.shape_cast %mul3A_76 : vector<16xf32> to vector<16xf32>
        tpu.vector_store %arg14[%swap3A], %swap3A_79 {strides = array<i32>} : memref<128xf32, #tpu.memory_space<vmem>>, vector<16xf32>,
        %scan3A_80 = arith.constant 0 : i32
        scf.yield %scan3A_80 : i32
      }
      %scan3A_50 = arith.constant 8 : i32
      "tpu.region"() ({
        %run_scoped3A = tpu.sem_alloc : memref<!tpu.dma_semaphore, #tpu.memory_space<semaphore_mem>>
        %dma_start3A_66 = arith.constant 0 : i32
        %dma_start3A_67 = tpu.memref_slice %arg8[%mul3A_30, %dma_start3A_66] : memref<80x128xi32, #tpu.memory_space<vmem>> -> memref<1x128xi32, #tpu.memory_space<vmem>>
        %dma_start3A_68 = tpu.memref_squeeze %dma_start3A_67 : memref<1x128xi32, #tpu.memory_space<vmem>> -> memref<128xi32, #tpu.memory_space<vmem>>
        %dma_start3A_69 = arith.constant 0 : i32
        %dma_start3A_70 = tpu.memref_slice %arg7[%dma_start3A_69] : memref<10240xf32, #tpu.memory_space<vmem_shared>> -> memref<10240xf32, #tpu.memory_space<vmem_shared>>
        tpu.enqueue_indirect_dma source(%arg14 : memref<128xf32, #tpu.memory_space<vmem>>) target(%dma_start3A_70 : memref<10240xf32, #tpu.memory_space<vmem_shared>>) offsets(%dma_start3A_68 : memref<128xi32, #tpu.memory_space<vmem>>) semaphore(%run_scoped3A : memref<!tpu.dma_semaphore, #tpu.memory_space<semaphore_mem>>) {add = true}
        %dma_wait3A_71 = arith.constant 0 : i32
        %dma_wait3A_72 = tpu.memref_slice %arg8[%mul3A_30, %dma_wait3A_71] : memref<80x128xi32, #tpu.memory_space<vmem>> -> memref<1x128xi32, #tpu.memory_space<vmem>>
        %dma_wait3A_73 = tpu.memref_squeeze %dma_wait3A_72 : memref<1x128xi32, #tpu.memory_space<vmem>> -> memref<128xi32, #tpu.memory_space<vmem>>
        %dma_wait3A_74 = arith.constant 0 : i32
        %dma_wait3A_75 = tpu.memref_slice %arg7[%dma_wait3A_74] : memref<10240xf32, #tpu.memory_space<vmem_shared>> -> memref<10240xf32, #tpu.memory_space<vmem_shared>>
        tpu.wait_indirect_dma semaphore(%run_scoped3A : memref<!tpu.dma_semaphore, #tpu.memory_space<semaphore_mem>>) src(%arg14 : memref<128xf32, #tpu.memory_space<vmem>>) dst(%dma_wait3A_75 : memref<10240xf32, #tpu.memory_space<vmem_shared>>)
        tpu.yield
      }) : () -> ()
      %lt3A = arith.constant 39 : i32
      %lt3A_51 = arith.cmpi slt, %scan3A_27, %lt3A : i32
      %convert_element_type3A = arith.extui %lt3A_51 : i1 to i32
      %cond3A = arith.constant 0 : i32
      %cond3A_52 = arith.cmpi ne, %convert_element_type3A, %cond3A : i32
      scf.if %cond3A_52 {
        %add3A_66 = arith.constant 2 : i32
        %add3A_67 = arith.addi %mul3A_30, %add3A_66 : i32
        %dma_start3A_68 = arith.constant 0 : i32
        %dma_start3A_69 = tpu.memref_slice %arg11[%add3A_67, %dma_start3A_68] : memref<80x128xi32, #tpu.memory_space<vmem>> -> memref<1x128xi32, #tpu.memory_space<vmem>>
        %dma_start3A_70 = tpu.memref_squeeze %dma_start3A_69 : memref<1x128xi32, #tpu.memory_space<vmem>> -> memref<128xi32, #tpu.memory_space<vmem>>
        %dma_start3A_71 = arith.constant 0 : i32
        %dma_start3A_72 = tpu.memref_slice %arg2[%dma_start3A_71] : memref<10000xf32, #tpu.memory_space<hbm>> -> memref<10000xf32, #tpu.memory_space<hbm>>
        tpu.enqueue_indirect_dma source(%dma_start3A_72 : memref<10000xf32, #tpu.memory_space<hbm>>) target(%arg14 : memref<128xf32, #tpu.memory_space<vmem>>) offsets(%dma_start3A_70 : memref<128xi32, #tpu.memory_space<vmem>>) semaphore(%arg12 : memref<!tpu.dma_semaphore, #tpu.memory_space<semaphore_mem>>)
      } else {
      }
      %dma_wait3A_53 = arith.constant 0 : i32
      %dma_wait3A_54 = tpu.memref_slice %arg11[%add3A_34, %dma_wait3A_53] : memref<80x128xi32, #tpu.memory_space<vmem>> -> memref<1x128xi32, #tpu.memory_space<vmem>>
      %dma_wait3A_55 = tpu.memref_squeeze %dma_wait3A_54 : memref<1x128xi32, #tpu.memory_space<vmem>> -> memref<128xi32, #tpu.memory_space<vmem>>
      %dma_wait3A_56 = arith.constant 0 : i32
      %dma_wait3A_57 = tpu.memref_slice %arg2[%dma_wait3A_56] : memref<10000xf32, #tpu.memory_space<hbm>> -> memref<10000xf32, #tpu.memory_space<hbm>>
      tpu.wait_indirect_dma semaphore(%arg13 : memref<!tpu.dma_semaphore, #tpu.memory_space<semaphore_mem>>) src(%dma_wait3A_57 : memref<10000xf32, #tpu.memory_space<hbm>>) dst(%arg15 : memref<128xf32, #tpu.memory_space<vmem>>)
      %scan3A_58 = arith.constant 0 : i32
      %scan3A_59 = arith.constant 0 : i32
      %scan3A_60 = arith.constant 8 : i32
      %scan3A_61 = arith.addi %scan3A_59, %scan3A_60 : i32
      %scan3A_62 = arith.constant 1 : i32
      %scan3A_63 = scf.for %scan3A_66 = %scan3A_59 to %scan3A_61 step %scan3A_62 iter_args(%scan3A_67 = %scan3A_58) -> (i32)  : i32 {
        %mul3A_68 = arith.constant 16 : i32
        %mul3A_69 = arith.muli %scan3A_66, %mul3A_68 : i32
        %get3A = arith.index_cast %mul3A_69 : i32 to index
        %get3A_70 = tpu.vector_load %arg15[%get3A] {strides = array<i32>} : memref<128xf32, #tpu.memory_space<vmem>>, vector<16xf32>,
        %get3A_71 = vector.shape_cast %get3A_70 : vector<16xf32> to vector<16xf32>
        %get3A_72 = arith.index_cast %add3A_34 : i32 to index
        %get3A_73 = arith.index_cast %mul3A_69 : i32 to index
        %get3A_74 = tpu.vector_load %arg9[%get3A_72, %get3A_73] {strides = array<i32>} : memref<80x128xf32, #tpu.memory_space<vmem>>, vector<1x16xf32>,
        %get3A_75 = vector.shape_cast %get3A_74 : vector<1x16xf32> to vector<16xf32>
        %mul3A_76 = arith.mulf %get3A_71, %get3A_75 : vector<16xf32>
        %swap3A = arith.index_cast %mul3A_69 : i32 to index
        %swap3A_77 = tpu.vector_load %arg15[%swap3A] {strides = array<i32>} : memref<128xf32, #tpu.memory_space<vmem>>, vector<16xf32>,
        %swap3A_78 = vector.shape_cast %swap3A_77 : vector<16xf32> to vector<16xf32>
        %swap3A_79 = vector.shape_cast %mul3A_76 : vector<16xf32> to vector<16xf32>
        tpu.vector_store %arg15[%swap3A], %swap3A_79 {strides = array<i32>} : memref<128xf32, #tpu.memory_space<vmem>>, vector<16xf32>,
        %scan3A_80 = arith.constant 0 : i32
        scf.yield %scan3A_80 : i32
      }
      %scan3A_64 = arith.constant 8 : i32
      "tpu.region"() ({
        %run_scoped3A = tpu.sem_alloc : memref<!tpu.dma_semaphore, #tpu.memory_space<semaphore_mem>>
        %dma_start3A_66 = arith.constant 0 : i32
        %dma_start3A_67 = tpu.memref_slice %arg8[%add3A_34, %dma_start3A_66] : memref<80x128xi32, #tpu.memory_space<vmem>> -> memref<1x128xi32, #tpu.memory_space<vmem>>
        %dma_start3A_68 = tpu.memref_squeeze %dma_start3A_67 : memref<1x128xi32, #tpu.memory_space<vmem>> -> memref<128xi32, #tpu.memory_space<vmem>>
        %dma_start3A_69 = arith.constant 0 : i32
        %dma_start3A_70 = tpu.memref_slice %arg7[%dma_start3A_69] : memref<10240xf32, #tpu.memory_space<vmem_shared>> -> memref<10240xf32, #tpu.memory_space<vmem_shared>>
        tpu.enqueue_indirect_dma source(%arg15 : memref<128xf32, #tpu.memory_space<vmem>>) target(%dma_start3A_70 : memref<10240xf32, #tpu.memory_space<vmem_shared>>) offsets(%dma_start3A_68 : memref<128xi32, #tpu.memory_space<vmem>>) semaphore(%run_scoped3A : memref<!tpu.dma_semaphore, #tpu.memory_space<semaphore_mem>>) {add = true}
        %dma_wait3A_71 = arith.constant 0 : i32
        %dma_wait3A_72 = tpu.memref_slice %arg8[%add3A_34, %dma_wait3A_71] : memref<80x128xi32, #tpu.memory_space<vmem>> -> memref<1x128xi32, #tpu.memory_space<vmem>>
        %dma_wait3A_73 = tpu.memref_squeeze %dma_wait3A_72 : memref<1x128xi32, #tpu.memory_space<vmem>> -> memref<128xi32, #tpu.memory_space<vmem>>
        %dma_wait3A_74 = arith.constant 0 : i32
        %dma_wait3A_75 = tpu.memref_slice %arg7[%dma_wait3A_74] : memref<10240xf32, #tpu.memory_space<vmem_shared>> -> memref<10240xf32, #tpu.memory_space<vmem_shared>>
        tpu.wait_indirect_dma semaphore(%run_scoped3A : memref<!tpu.dma_semaphore, #tpu.memory_space<semaphore_mem>>) src(%arg15 : memref<128xf32, #tpu.memory_space<vmem>>) dst(%dma_wait3A_75 : memref<10240xf32, #tpu.memory_space<vmem_shared>>)
        tpu.yield
      }) : () -> ()
      %scan3A_65 = arith.constant 0 : i32
      scf.yield %scan3A_65 : i32
    }
    %scan3A_21 = arith.constant 40 : i32
    %barrier3A_22 = arith.constant 0 : index
    tpu.barrier barrier_id(%barrier3A_22)
    %mul3A_23 = arith.constant 640 : i32
    %mul3A_24 = arith.muli %arg1, %mul3A_23 : i32
    %mul3A_25 = arith.constant 640 : i32
    %mul3A_26 = arith.muli %arg1, %mul3A_25 : i32
    "tpu.region"() ({
      %run_scoped3A = tpu.sem_alloc : memref<!tpu.dma_semaphore, #tpu.memory_space<semaphore_mem>>
      %dma_start3A_27 = tpu.memref_slice %arg6[%arg0, %mul3A_26] : memref<2x10240xf32, #tpu.memory_space<hbm>> -> memref<1x640xf32, #tpu.memory_space<hbm>>
      %dma_start3A_28 = tpu.memref_squeeze %dma_start3A_27 : memref<1x640xf32, #tpu.memory_space<hbm>> -> memref<640xf32, #tpu.memory_space<hbm>>
      %dma_start3A_29 = tpu.memref_slice %arg7[%mul3A_24] : memref<10240xf32, #tpu.memory_space<vmem_shared>> -> memref<640xf32, #tpu.memory_space<vmem_shared>>
      tpu.enqueue_dma source(%dma_start3A_29 : memref<640xf32, #tpu.memory_space<vmem_shared>>) target(%dma_start3A_28 : memref<640xf32, #tpu.memory_space<hbm>>) target_semaphore(%run_scoped3A : memref<!tpu.dma_semaphore, #tpu.memory_space<semaphore_mem>>)
      %dma_wait3A = tpu.memref_slice %arg6[%arg0, %mul3A_26] : memref<2x10240xf32, #tpu.memory_space<hbm>> -> memref<1x640xf32, #tpu.memory_space<hbm>>
      %dma_wait3A_30 = tpu.memref_squeeze %dma_wait3A : memref<1x640xf32, #tpu.memory_space<hbm>> -> memref<640xf32, #tpu.memory_space<hbm>>
      %dma_wait3A_31 = tpu.memref_slice %arg7[%mul3A_24] : memref<10240xf32, #tpu.memory_space<vmem_shared>> -> memref<640xf32, #tpu.memory_space<vmem_shared>>
      tpu.wait_dma2 semaphore(%run_scoped3A : memref<!tpu.dma_semaphore, #tpu.memory_space<semaphore_mem>>) src(%dma_wait3A_31 : memref<640xf32, #tpu.memory_space<vmem_shared>>) dst(%dma_wait3A_30 : memref<640xf32, #tpu.memory_space<hbm>>)
      tpu.yield
    }) : () -> ()
    return
  }
}

#map = affine_map<(d0, d1) -> (0, 0, 0)>
#map1 = affine_map<(d0, d1) -> (0, 0)>
module attributes {stable_mosaic.version = 14 : i64} {
  func.func @_deg_body(%arg0: i32, %arg1: i32, %arg2: memref<32x80x128xi32, #tpu.memory_space<hbm>>, %arg3: memref<32x80x128xf32, #tpu.memory_space<hbm>>, %arg4: memref<2x10240xf32, #tpu.memory_space<hbm>>, %arg5: memref<10240xf32, #tpu.memory_space<vmem_shared>>, %arg6: memref<80x128xi32, #tpu.memory_space<vmem>>, %arg7: memref<80x128xf32, #tpu.memory_space<vmem>>, %arg8: memref<640xf32, #tpu.memory_space<vmem>>) attributes {dimension_semantics = [#tpu.dimension_semantics<core_parallel>, #tpu.dimension_semantics<subcore_parallel>], iteration_bounds = array<i64: 2, 16>, scalar_prefetch = 0 : i64, scratch_operands = 4 : i64, tpu.core_type = #tpu.core_type<sc_vector_subcore>, window_params = [{transform_indices = #map}, {transform_indices = #map}, {transform_indices = #map1}]} {
    %mul3A = arith.constant 16 : i32
    %mul3A_0 = arith.muli %arg0, %mul3A : i32
    %add3A = arith.addi %mul3A_0, %arg1 : i32
    "tpu.region"() ({
      %run_scoped3A = tpu.sem_alloc : memref<!tpu.dma_semaphore, #tpu.memory_space<semaphore_mem>>
      %dma_start3A = arith.constant 0 : i32
      %dma_start3A_22 = arith.constant 0 : i32
      %dma_start3A_23 = tpu.memref_slice %arg2[%add3A, %dma_start3A, %dma_start3A_22] : memref<32x80x128xi32, #tpu.memory_space<hbm>> -> memref<1x80x128xi32, #tpu.memory_space<hbm>>
      %dma_start3A_24 = tpu.memref_squeeze %dma_start3A_23 : memref<1x80x128xi32, #tpu.memory_space<hbm>> -> memref<80x128xi32, #tpu.memory_space<hbm>>
      %dma_start3A_25 = arith.constant 0 : i32
      %dma_start3A_26 = arith.constant 0 : i32
      %dma_start3A_27 = tpu.memref_slice %arg2[%add3A, %dma_start3A_25, %dma_start3A_26] : memref<32x80x128xi32, #tpu.memory_space<hbm>> -> memref<1x80x128xi32, #tpu.memory_space<hbm>>
      %dma_start3A_28 = tpu.memref_squeeze %dma_start3A_27 : memref<1x80x128xi32, #tpu.memory_space<hbm>> -> memref<80x128xi32, #tpu.memory_space<hbm>>
      tpu.enqueue_dma source(%dma_start3A_28 : memref<80x128xi32, #tpu.memory_space<hbm>>) target(%arg6 : memref<80x128xi32, #tpu.memory_space<vmem>>) target_semaphore(%run_scoped3A : memref<!tpu.dma_semaphore, #tpu.memory_space<semaphore_mem>>)
      %dma_wait3A = arith.constant 0 : i32
      %dma_wait3A_29 = arith.constant 0 : i32
      %dma_wait3A_30 = tpu.memref_slice %arg2[%add3A, %dma_wait3A, %dma_wait3A_29] : memref<32x80x128xi32, #tpu.memory_space<hbm>> -> memref<1x80x128xi32, #tpu.memory_space<hbm>>
      %dma_wait3A_31 = tpu.memref_squeeze %dma_wait3A_30 : memref<1x80x128xi32, #tpu.memory_space<hbm>> -> memref<80x128xi32, #tpu.memory_space<hbm>>
      %dma_wait3A_32 = arith.constant 0 : i32
      %dma_wait3A_33 = arith.constant 0 : i32
      %dma_wait3A_34 = tpu.memref_slice %arg2[%add3A, %dma_wait3A_32, %dma_wait3A_33] : memref<32x80x128xi32, #tpu.memory_space<hbm>> -> memref<1x80x128xi32, #tpu.memory_space<hbm>>
      %dma_wait3A_35 = tpu.memref_squeeze %dma_wait3A_34 : memref<1x80x128xi32, #tpu.memory_space<hbm>> -> memref<80x128xi32, #tpu.memory_space<hbm>>
      tpu.wait_dma2 semaphore(%run_scoped3A : memref<!tpu.dma_semaphore, #tpu.memory_space<semaphore_mem>>) src(%dma_wait3A_35 : memref<80x128xi32, #tpu.memory_space<hbm>>) dst(%arg6 : memref<80x128xi32, #tpu.memory_space<vmem>>)
      tpu.yield
    }) : () -> ()
    "tpu.region"() ({
      %run_scoped3A = tpu.sem_alloc : memref<!tpu.dma_semaphore, #tpu.memory_space<semaphore_mem>>
      %dma_start3A = arith.constant 0 : i32
      %dma_start3A_22 = arith.constant 0 : i32
      %dma_start3A_23 = tpu.memref_slice %arg3[%add3A, %dma_start3A, %dma_start3A_22] : memref<32x80x128xf32, #tpu.memory_space<hbm>> -> memref<1x80x128xf32, #tpu.memory_space<hbm>>
      %dma_start3A_24 = tpu.memref_squeeze %dma_start3A_23 : memref<1x80x128xf32, #tpu.memory_space<hbm>> -> memref<80x128xf32, #tpu.memory_space<hbm>>
      %dma_start3A_25 = arith.constant 0 : i32
      %dma_start3A_26 = arith.constant 0 : i32
      %dma_start3A_27 = tpu.memref_slice %arg3[%add3A, %dma_start3A_25, %dma_start3A_26] : memref<32x80x128xf32, #tpu.memory_space<hbm>> -> memref<1x80x128xf32, #tpu.memory_space<hbm>>
      %dma_start3A_28 = tpu.memref_squeeze %dma_start3A_27 : memref<1x80x128xf32, #tpu.memory_space<hbm>> -> memref<80x128xf32, #tpu.memory_space<hbm>>
      tpu.enqueue_dma source(%dma_start3A_28 : memref<80x128xf32, #tpu.memory_space<hbm>>) target(%arg7 : memref<80x128xf32, #tpu.memory_space<vmem>>) target_semaphore(%run_scoped3A : memref<!tpu.dma_semaphore, #tpu.memory_space<semaphore_mem>>)
      %dma_wait3A = arith.constant 0 : i32
      %dma_wait3A_29 = arith.constant 0 : i32
      %dma_wait3A_30 = tpu.memref_slice %arg3[%add3A, %dma_wait3A, %dma_wait3A_29] : memref<32x80x128xf32, #tpu.memory_space<hbm>> -> memref<1x80x128xf32, #tpu.memory_space<hbm>>
      %dma_wait3A_31 = tpu.memref_squeeze %dma_wait3A_30 : memref<1x80x128xf32, #tpu.memory_space<hbm>> -> memref<80x128xf32, #tpu.memory_space<hbm>>
      %dma_wait3A_32 = arith.constant 0 : i32
      %dma_wait3A_33 = arith.constant 0 : i32
      %dma_wait3A_34 = tpu.memref_slice %arg3[%add3A, %dma_wait3A_32, %dma_wait3A_33] : memref<32x80x128xf32, #tpu.memory_space<hbm>> -> memref<1x80x128xf32, #tpu.memory_space<hbm>>
      %dma_wait3A_35 = tpu.memref_squeeze %dma_wait3A_34 : memref<1x80x128xf32, #tpu.memory_space<hbm>> -> memref<80x128xf32, #tpu.memory_space<hbm>>
      tpu.wait_dma2 semaphore(%run_scoped3A : memref<!tpu.dma_semaphore, #tpu.memory_space<semaphore_mem>>) src(%dma_wait3A_35 : memref<80x128xf32, #tpu.memory_space<hbm>>) dst(%arg7 : memref<80x128xf32, #tpu.memory_space<vmem>>)
      tpu.yield
    }) : () -> ()
    %broadcast_in_dim3A = arith.constant 0.000000e+00 : f32
    %broadcast_in_dim3A_1 = vector.broadcast %broadcast_in_dim3A : f32 to vector<16xf32>
    %scan3A = arith.constant 0 : i32
    %scan3A_2 = arith.constant 0 : i32
    %scan3A_3 = arith.constant 40 : i32
    %scan3A_4 = arith.addi %scan3A_2, %scan3A_3 : i32
    %scan3A_5 = arith.constant 1 : i32
    %scan3A_6 = scf.for %scan3A_22 = %scan3A_2 to %scan3A_4 step %scan3A_5 iter_args(%scan3A_23 = %scan3A) -> (i32)  : i32 {
      %mul3A_24 = arith.constant 16 : i32
      %mul3A_25 = arith.muli %scan3A_22, %mul3A_24 : i32
      %swap3A = arith.index_cast %mul3A_25 : i32 to index
      %swap3A_26 = tpu.vector_load %arg8[%swap3A] {strides = array<i32>} : memref<640xf32, #tpu.memory_space<vmem>>, vector<16xf32>,
      %swap3A_27 = vector.shape_cast %swap3A_26 : vector<16xf32> to vector<16xf32>
      %swap3A_28 = vector.shape_cast %broadcast_in_dim3A_1 : vector<16xf32> to vector<16xf32>
      tpu.vector_store %arg8[%swap3A], %swap3A_28 {strides = array<i32>} : memref<640xf32, #tpu.memory_space<vmem>>, vector<16xf32>,
      %scan3A_29 = arith.constant 0 : i32
      scf.yield %scan3A_29 : i32
    }
    %scan3A_7 = arith.constant 40 : i32
    %mul3A_8 = arith.constant 640 : i32
    %mul3A_9 = arith.muli %arg1, %mul3A_8 : i32
    "tpu.region"() ({
      %run_scoped3A = tpu.sem_alloc : memref<!tpu.dma_semaphore, #tpu.memory_space<semaphore_mem>>
      %dma_start3A = arith.constant 0 : i32
      %dma_start3A_22 = tpu.memref_slice %arg8[%dma_start3A] : memref<640xf32, #tpu.memory_space<vmem>> -> memref<640xf32, #tpu.memory_space<vmem>>
      %dma_start3A_23 = tpu.memref_slice %arg5[%mul3A_9] : memref<10240xf32, #tpu.memory_space<vmem_shared>> -> memref<640xf32, #tpu.memory_space<vmem_shared>>
      %dma_start3A_24 = tpu.memref_slice %arg5[%mul3A_9] : memref<10240xf32, #tpu.memory_space<vmem_shared>> -> memref<640xf32, #tpu.memory_space<vmem_shared>>
      %dma_start3A_25 = arith.constant 0 : i32
      %dma_start3A_26 = tpu.memref_slice %arg8[%dma_start3A_25] : memref<640xf32, #tpu.memory_space<vmem>> -> memref<640xf32, #tpu.memory_space<vmem>>
      tpu.enqueue_dma source(%dma_start3A_26 : memref<640xf32, #tpu.memory_space<vmem>>) target(%dma_start3A_24 : memref<640xf32, #tpu.memory_space<vmem_shared>>) target_semaphore(%run_scoped3A : memref<!tpu.dma_semaphore, #tpu.memory_space<semaphore_mem>>)
      %dma_wait3A = arith.constant 0 : i32
      %dma_wait3A_27 = tpu.memref_slice %arg8[%dma_wait3A] : memref<640xf32, #tpu.memory_space<vmem>> -> memref<640xf32, #tpu.memory_space<vmem>>
      %dma_wait3A_28 = tpu.memref_slice %arg5[%mul3A_9] : memref<10240xf32, #tpu.memory_space<vmem_shared>> -> memref<640xf32, #tpu.memory_space<vmem_shared>>
      %dma_wait3A_29 = tpu.memref_slice %arg5[%mul3A_9] : memref<10240xf32, #tpu.memory_space<vmem_shared>> -> memref<640xf32, #tpu.memory_space<vmem_shared>>
      %dma_wait3A_30 = arith.constant 0 : i32
      %dma_wait3A_31 = tpu.memref_slice %arg8[%dma_wait3A_30] : memref<640xf32, #tpu.memory_space<vmem>> -> memref<640xf32, #tpu.memory_space<vmem>>
      tpu.wait_dma2 semaphore(%run_scoped3A : memref<!tpu.dma_semaphore, #tpu.memory_space<semaphore_mem>>) src(%dma_wait3A_31 : memref<640xf32, #tpu.memory_space<vmem>>) dst(%dma_wait3A_29 : memref<640xf32, #tpu.memory_space<vmem_shared>>)
      tpu.yield
    }) : () -> ()
    %barrier3A = arith.constant 0 : index
    tpu.barrier barrier_id(%barrier3A)
    %scan3A_10 = arith.constant 0 : i32
    %scan3A_11 = arith.constant 0 : i32
    %scan3A_12 = arith.constant 80 : i32
    %scan3A_13 = arith.addi %scan3A_11, %scan3A_12 : i32
    %scan3A_14 = arith.constant 1 : i32
    %scan3A_15 = scf.for %scan3A_22 = %scan3A_11 to %scan3A_13 step %scan3A_14 iter_args(%scan3A_23 = %scan3A_10) -> (i32)  : i32 {
      "tpu.region"() ({
        %run_scoped3A = tpu.sem_alloc : memref<!tpu.dma_semaphore, #tpu.memory_space<semaphore_mem>>
        %dma_start3A = arith.constant 0 : i32
        %dma_start3A_25 = tpu.memref_slice %arg7[%scan3A_22, %dma_start3A] : memref<80x128xf32, #tpu.memory_space<vmem>> -> memref<1x128xf32, #tpu.memory_space<vmem>>
        %dma_start3A_26 = tpu.memref_squeeze %dma_start3A_25 : memref<1x128xf32, #tpu.memory_space<vmem>> -> memref<128xf32, #tpu.memory_space<vmem>>
        %dma_start3A_27 = arith.constant 0 : i32
        %dma_start3A_28 = tpu.memref_slice %arg6[%scan3A_22, %dma_start3A_27] : memref<80x128xi32, #tpu.memory_space<vmem>> -> memref<1x128xi32, #tpu.memory_space<vmem>>
        %dma_start3A_29 = tpu.memref_squeeze %dma_start3A_28 : memref<1x128xi32, #tpu.memory_space<vmem>> -> memref<128xi32, #tpu.memory_space<vmem>>
        %dma_start3A_30 = arith.constant 0 : i32
        %dma_start3A_31 = tpu.memref_slice %arg5[%dma_start3A_30] : memref<10240xf32, #tpu.memory_space<vmem_shared>> -> memref<10240xf32, #tpu.memory_space<vmem_shared>>
        tpu.enqueue_indirect_dma source(%dma_start3A_26 : memref<128xf32, #tpu.memory_space<vmem>>) target(%dma_start3A_31 : memref<10240xf32, #tpu.memory_space<vmem_shared>>) offsets(%dma_start3A_29 : memref<128xi32, #tpu.memory_space<vmem>>) semaphore(%run_scoped3A : memref<!tpu.dma_semaphore, #tpu.memory_space<semaphore_mem>>) {add = true}
        %dma_wait3A = arith.constant 0 : i32
        %dma_wait3A_32 = tpu.memref_slice %arg7[%scan3A_22, %dma_wait3A] : memref<80x128xf32, #tpu.memory_space<vmem>> -> memref<1x128xf32, #tpu.memory_space<vmem>>
        %dma_wait3A_33 = tpu.memref_squeeze %dma_wait3A_32 : memref<1x128xf32, #tpu.memory_space<vmem>> -> memref<128xf32, #tpu.memory_space<vmem>>
        %dma_wait3A_34 = arith.constant 0 : i32
        %dma_wait3A_35 = tpu.memref_slice %arg6[%scan3A_22, %dma_wait3A_34] : memref<80x128xi32, #tpu.memory_space<vmem>> -> memref<1x128xi32, #tpu.memory_space<vmem>>
        %dma_wait3A_36 = tpu.memref_squeeze %dma_wait3A_35 : memref<1x128xi32, #tpu.memory_space<vmem>> -> memref<128xi32, #tpu.memory_space<vmem>>
        %dma_wait3A_37 = arith.constant 0 : i32
        %dma_wait3A_38 = tpu.memref_slice %arg5[%dma_wait3A_37] : memref<10240xf32, #tpu.memory_space<vmem_shared>> -> memref<10240xf32, #tpu.memory_space<vmem_shared>>
        tpu.wait_indirect_dma semaphore(%run_scoped3A : memref<!tpu.dma_semaphore, #tpu.memory_space<semaphore_mem>>) src(%dma_wait3A_33 : memref<128xf32, #tpu.memory_space<vmem>>) dst(%dma_wait3A_38 : memref<10240xf32, #tpu.memory_space<vmem_shared>>)
        tpu.yield
      }) : () -> ()
      %scan3A_24 = arith.constant 0 : i32
      scf.yield %scan3A_24 : i32
    }
    %scan3A_16 = arith.constant 80 : i32
    %barrier3A_17 = arith.constant 0 : index
    tpu.barrier barrier_id(%barrier3A_17)
    %mul3A_18 = arith.constant 640 : i32
    %mul3A_19 = arith.muli %arg1, %mul3A_18 : i32
    %mul3A_20 = arith.constant 640 : i32
    %mul3A_21 = arith.muli %arg1, %mul3A_20 : i32
    "tpu.region"() ({
      %run_scoped3A = tpu.sem_alloc : memref<!tpu.dma_semaphore, #tpu.memory_space<semaphore_mem>>
      %dma_start3A = tpu.memref_slice %arg4[%arg0, %mul3A_21] : memref<2x10240xf32, #tpu.memory_space<hbm>> -> memref<1x640xf32, #tpu.memory_space<hbm>>
      %dma_start3A_22 = tpu.memref_squeeze %dma_start3A : memref<1x640xf32, #tpu.memory_space<hbm>> -> memref<640xf32, #tpu.memory_space<hbm>>
      %dma_start3A_23 = tpu.memref_slice %arg5[%mul3A_19] : memref<10240xf32, #tpu.memory_space<vmem_shared>> -> memref<640xf32, #tpu.memory_space<vmem_shared>>
      tpu.enqueue_dma source(%dma_start3A_23 : memref<640xf32, #tpu.memory_space<vmem_shared>>) target(%dma_start3A_22 : memref<640xf32, #tpu.memory_space<hbm>>) target_semaphore(%run_scoped3A : memref<!tpu.dma_semaphore, #tpu.memory_space<semaphore_mem>>)
      %dma_wait3A = tpu.memref_slice %arg4[%arg0, %mul3A_21] : memref<2x10240xf32, #tpu.memory_space<hbm>> -> memref<1x640xf32, #tpu.memory_space<hbm>>
      %dma_wait3A_24 = tpu.memref_squeeze %dma_wait3A : memref<1x640xf32, #tpu.memory_space<hbm>> -> memref<640xf32, #tpu.memory_space<hbm>>
      %dma_wait3A_25 = tpu.memref_slice %arg5[%mul3A_19] : memref<10240xf32, #tpu.memory_space<vmem_shared>> -> memref<640xf32, #tpu.memory_space<vmem_shared>>
      tpu.wait_dma2 semaphore(%run_scoped3A : memref<!tpu.dma_semaphore, #tpu.memory_space<semaphore_mem>>) src(%dma_wait3A_25 : memref<640xf32, #tpu.memory_space<vmem_shared>>) dst(%dma_wait3A_24 : memref<640xf32, #tpu.memory_space<hbm>>)
      tpu.yield
    }) : () -> ()
    return
  }
}

#map = affine_map<(d0, d1) -> (0, 0)>
#map1 = affine_map<(d0, d1) -> (0, 0, 0)>
module attributes {stable_mosaic.version = 14 : i64} {
  func.func @_agg_body(%arg0: i32, %arg1: i32, %arg2: memref<10000x128xf32, #tpu.memory_space<hbm>>, %arg3: memref<32x80x128xi32, #tpu.memory_space<hbm>>, %arg4: memref<32x80x128xi32, #tpu.memory_space<hbm>>, %arg5: memref<32x80x128xf32, #tpu.memory_space<hbm>>, %arg6: memref<2x10240x128xf32, #tpu.memory_space<hbm>>, %arg7: memref<10240x128xf32, #tpu.memory_space<vmem_shared>>, %arg8: memref<128x128xf32, #tpu.memory_space<vmem>>, %arg9: memref<128x128xf32, #tpu.memory_space<vmem>>, %arg10: memref<16x128xi32, #tpu.memory_space<vmem>>, %arg11: memref<16x128xf32, #tpu.memory_space<vmem>>, %arg12: memref<16x128xi32, #tpu.memory_space<vmem>>, %arg13: memref<!tpu.dma_semaphore, #tpu.memory_space<semaphore_mem>>, %arg14: memref<!tpu.dma_semaphore, #tpu.memory_space<semaphore_mem>>) attributes {dimension_semantics = [#tpu.dimension_semantics<core_parallel>, #tpu.dimension_semantics<subcore_parallel>], iteration_bounds = array<i64: 2, 16>, scalar_prefetch = 0 : i64, scratch_operands = 8 : i64, tpu.core_type = #tpu.core_type<sc_vector_subcore>, window_params = [{transform_indices = #map}, {transform_indices = #map1}, {transform_indices = #map1}, {transform_indices = #map1}, {transform_indices = #map1}]} {
    %mul3A = arith.constant 16 : i32
    %mul3A_0 = arith.muli %arg0, %mul3A : i32
    %add3A = arith.addi %mul3A_0, %arg1 : i32
    %broadcast_in_dim3A = arith.constant 0.000000e+00 : f32
    %broadcast_in_dim3A_1 = vector.broadcast %broadcast_in_dim3A : f32 to vector<16xf32>
    %scan3A = arith.constant 0 : i32
    %scan3A_2 = arith.constant 0 : i32
    %scan3A_3 = arith.constant 128 : i32
    %scan3A_4 = arith.addi %scan3A_2, %scan3A_3 : i32
    %scan3A_5 = arith.constant 1 : i32
    %scan3A_6 = scf.for %scan3A_48 = %scan3A_2 to %scan3A_4 step %scan3A_5 iter_args(%scan3A_49 = %scan3A) -> (i32)  : i32 {
      %swap3A = arith.index_cast %scan3A_48 : i32 to index
      %swap3A_50 = arith.constant 0 : index
      %swap3A_51 = tpu.vector_load %arg8[%swap3A, %swap3A_50] {strides = array<i32>} : memref<128x128xf32, #tpu.memory_space<vmem>>, vector<1x16xf32>,
      %swap3A_52 = vector.shape_cast %swap3A_51 : vector<1x16xf32> to vector<16xf32>
      %swap3A_53 = vector.shape_cast %broadcast_in_dim3A_1 : vector<16xf32> to vector<1x16xf32>
      tpu.vector_store %arg8[%swap3A, %swap3A_50], %swap3A_53 {strides = array<i32>} : memref<128x128xf32, #tpu.memory_space<vmem>>, vector<1x16xf32>,
      %swap3A_54 = arith.index_cast %scan3A_48 : i32 to index
      %swap3A_55 = arith.constant 16 : index
      %swap3A_56 = tpu.vector_load %arg8[%swap3A_54, %swap3A_55] {strides = array<i32>} : memref<128x128xf32, #tpu.memory_space<vmem>>, vector<1x16xf32>,
      %swap3A_57 = vector.shape_cast %swap3A_56 : vector<1x16xf32> to vector<16xf32>
      %swap3A_58 = vector.shape_cast %broadcast_in_dim3A_1 : vector<16xf32> to vector<1x16xf32>
      tpu.vector_store %arg8[%swap3A_54, %swap3A_55], %swap3A_58 {strides = array<i32>} : memref<128x128xf32, #tpu.memory_space<vmem>>, vector<1x16xf32>,
      %swap3A_59 = arith.index_cast %scan3A_48 : i32 to index
      %swap3A_60 = arith.constant 32 : index
      %swap3A_61 = tpu.vector_load %arg8[%swap3A_59, %swap3A_60] {strides = array<i32>} : memref<128x128xf32, #tpu.memory_space<vmem>>, vector<1x16xf32>,
      %swap3A_62 = vector.shape_cast %swap3A_61 : vector<1x16xf32> to vector<16xf32>
      %swap3A_63 = vector.shape_cast %broadcast_in_dim3A_1 : vector<16xf32> to vector<1x16xf32>
      tpu.vector_store %arg8[%swap3A_59, %swap3A_60], %swap3A_63 {strides = array<i32>} : memref<128x128xf32, #tpu.memory_space<vmem>>, vector<1x16xf32>,
      %swap3A_64 = arith.index_cast %scan3A_48 : i32 to index
      %swap3A_65 = arith.constant 48 : index
      %swap3A_66 = tpu.vector_load %arg8[%swap3A_64, %swap3A_65] {strides = array<i32>} : memref<128x128xf32, #tpu.memory_space<vmem>>, vector<1x16xf32>,
      %swap3A_67 = vector.shape_cast %swap3A_66 : vector<1x16xf32> to vector<16xf32>
      %swap3A_68 = vector.shape_cast %broadcast_in_dim3A_1 : vector<16xf32> to vector<1x16xf32>
      tpu.vector_store %arg8[%swap3A_64, %swap3A_65], %swap3A_68 {strides = array<i32>} : memref<128x128xf32, #tpu.memory_space<vmem>>, vector<1x16xf32>,
      %swap3A_69 = arith.index_cast %scan3A_48 : i32 to index
      %swap3A_70 = arith.constant 64 : index
      %swap3A_71 = tpu.vector_load %arg8[%swap3A_69, %swap3A_70] {strides = array<i32>} : memref<128x128xf32, #tpu.memory_space<vmem>>, vector<1x16xf32>,
      %swap3A_72 = vector.shape_cast %swap3A_71 : vector<1x16xf32> to vector<16xf32>
      %swap3A_73 = vector.shape_cast %broadcast_in_dim3A_1 : vector<16xf32> to vector<1x16xf32>
      tpu.vector_store %arg8[%swap3A_69, %swap3A_70], %swap3A_73 {strides = array<i32>} : memref<128x128xf32, #tpu.memory_space<vmem>>, vector<1x16xf32>,
      %swap3A_74 = arith.index_cast %scan3A_48 : i32 to index
      %swap3A_75 = arith.constant 80 : index
      %swap3A_76 = tpu.vector_load %arg8[%swap3A_74, %swap3A_75] {strides = array<i32>} : memref<128x128xf32, #tpu.memory_space<vmem>>, vector<1x16xf32>,
      %swap3A_77 = vector.shape_cast %swap3A_76 : vector<1x16xf32> to vector<16xf32>
      %swap3A_78 = vector.shape_cast %broadcast_in_dim3A_1 : vector<16xf32> to vector<1x16xf32>
      tpu.vector_store %arg8[%swap3A_74, %swap3A_75], %swap3A_78 {strides = array<i32>} : memref<128x128xf32, #tpu.memory_space<vmem>>, vector<1x16xf32>,
      %swap3A_79 = arith.index_cast %scan3A_48 : i32 to index
      %swap3A_80 = arith.constant 96 : index
      %swap3A_81 = tpu.vector_load %arg8[%swap3A_79, %swap3A_80] {strides = array<i32>} : memref<128x128xf32, #tpu.memory_space<vmem>>, vector<1x16xf32>,
      %swap3A_82 = vector.shape_cast %swap3A_81 : vector<1x16xf32> to vector<16xf32>
      %swap3A_83 = vector.shape_cast %broadcast_in_dim3A_1 : vector<16xf32> to vector<1x16xf32>
      tpu.vector_store %arg8[%swap3A_79, %swap3A_80], %swap3A_83 {strides = array<i32>} : memref<128x128xf32, #tpu.memory_space<vmem>>, vector<1x16xf32>,
      %swap3A_84 = arith.index_cast %scan3A_48 : i32 to index
      %swap3A_85 = arith.constant 112 : index
      %swap3A_86 = tpu.vector_load %arg8[%swap3A_84, %swap3A_85] {strides = array<i32>} : memref<128x128xf32, #tpu.memory_space<vmem>>, vector<1x16xf32>,
      %swap3A_87 = vector.shape_cast %swap3A_86 : vector<1x16xf32> to vector<16xf32>
      %swap3A_88 = vector.shape_cast %broadcast_in_dim3A_1 : vector<16xf32> to vector<1x16xf32>
      tpu.vector_store %arg8[%swap3A_84, %swap3A_85], %swap3A_88 {strides = array<i32>} : memref<128x128xf32, #tpu.memory_space<vmem>>, vector<1x16xf32>,
      %scan3A_89 = arith.constant 0 : i32
      scf.yield %scan3A_89 : i32
    }
    %scan3A_7 = arith.constant 128 : i32
    %mul3A_8 = arith.constant 640 : i32
    %mul3A_9 = arith.muli %arg1, %mul3A_8 : i32
    %add3A_10 = arith.constant 0 : i32
    %add3A_11 = arith.addi %mul3A_9, %add3A_10 : i32
    "tpu.region"() ({
      %run_scoped3A = tpu.sem_alloc : memref<!tpu.dma_semaphore, #tpu.memory_space<semaphore_mem>>
      %dma_start3A = arith.constant 0 : i32
      %dma_start3A_48 = tpu.memref_slice %arg7[%add3A_11, %dma_start3A] : memref<10240x128xf32, #tpu.memory_space<vmem_shared>> -> memref<128x128xf32, #tpu.memory_space<vmem_shared>>
      %dma_start3A_49 = arith.constant 0 : i32
      %dma_start3A_50 = tpu.memref_slice %arg7[%add3A_11, %dma_start3A_49] : memref<10240x128xf32, #tpu.memory_space<vmem_shared>> -> memref<128x128xf32, #tpu.memory_space<vmem_shared>>
      tpu.enqueue_dma source(%arg8 : memref<128x128xf32, #tpu.memory_space<vmem>>) target(%dma_start3A_50 : memref<128x128xf32, #tpu.memory_space<vmem_shared>>) target_semaphore(%run_scoped3A : memref<!tpu.dma_semaphore, #tpu.memory_space<semaphore_mem>>)
      %dma_wait3A = arith.constant 0 : i32
      %dma_wait3A_51 = tpu.memref_slice %arg7[%add3A_11, %dma_wait3A] : memref<10240x128xf32, #tpu.memory_space<vmem_shared>> -> memref<128x128xf32, #tpu.memory_space<vmem_shared>>
      %dma_wait3A_52 = arith.constant 0 : i32
      %dma_wait3A_53 = tpu.memref_slice %arg7[%add3A_11, %dma_wait3A_52] : memref<10240x128xf32, #tpu.memory_space<vmem_shared>> -> memref<128x128xf32, #tpu.memory_space<vmem_shared>>
      tpu.wait_dma2 semaphore(%run_scoped3A : memref<!tpu.dma_semaphore, #tpu.memory_space<semaphore_mem>>) src(%arg8 : memref<128x128xf32, #tpu.memory_space<vmem>>) dst(%dma_wait3A_53 : memref<128x128xf32, #tpu.memory_space<vmem_shared>>)
      tpu.yield
    }) : () -> ()
    %add3A_12 = arith.constant 128 : i32
    %add3A_13 = arith.addi %mul3A_9, %add3A_12 : i32
    "tpu.region"() ({
      %run_scoped3A = tpu.sem_alloc : memref<!tpu.dma_semaphore, #tpu.memory_space<semaphore_mem>>
      %dma_start3A = arith.constant 0 : i32
      %dma_start3A_48 = tpu.memref_slice %arg7[%add3A_13, %dma_start3A] : memref<10240x128xf32, #tpu.memory_space<vmem_shared>> -> memref<128x128xf32, #tpu.memory_space<vmem_shared>>
      %dma_start3A_49 = arith.constant 0 : i32
      %dma_start3A_50 = tpu.memref_slice %arg7[%add3A_13, %dma_start3A_49] : memref<10240x128xf32, #tpu.memory_space<vmem_shared>> -> memref<128x128xf32, #tpu.memory_space<vmem_shared>>
      tpu.enqueue_dma source(%arg8 : memref<128x128xf32, #tpu.memory_space<vmem>>) target(%dma_start3A_50 : memref<128x128xf32, #tpu.memory_space<vmem_shared>>) target_semaphore(%run_scoped3A : memref<!tpu.dma_semaphore, #tpu.memory_space<semaphore_mem>>)
      %dma_wait3A = arith.constant 0 : i32
      %dma_wait3A_51 = tpu.memref_slice %arg7[%add3A_13, %dma_wait3A] : memref<10240x128xf32, #tpu.memory_space<vmem_shared>> -> memref<128x128xf32, #tpu.memory_space<vmem_shared>>
      %dma_wait3A_52 = arith.constant 0 : i32
      %dma_wait3A_53 = tpu.memref_slice %arg7[%add3A_13, %dma_wait3A_52] : memref<10240x128xf32, #tpu.memory_space<vmem_shared>> -> memref<128x128xf32, #tpu.memory_space<vmem_shared>>
      tpu.wait_dma2 semaphore(%run_scoped3A : memref<!tpu.dma_semaphore, #tpu.memory_space<semaphore_mem>>) src(%arg8 : memref<128x128xf32, #tpu.memory_space<vmem>>) dst(%dma_wait3A_53 : memref<128x128xf32, #tpu.memory_space<vmem_shared>>)
      tpu.yield
    }) : () -> ()
    %add3A_14 = arith.constant 256 : i32
    %add3A_15 = arith.addi %mul3A_9, %add3A_14 : i32
    "tpu.region"() ({
      %run_scoped3A = tpu.sem_alloc : memref<!tpu.dma_semaphore, #tpu.memory_space<semaphore_mem>>
      %dma_start3A = arith.constant 0 : i32
      %dma_start3A_48 = tpu.memref_slice %arg7[%add3A_15, %dma_start3A] : memref<10240x128xf32, #tpu.memory_space<vmem_shared>> -> memref<128x128xf32, #tpu.memory_space<vmem_shared>>
      %dma_start3A_49 = arith.constant 0 : i32
      %dma_start3A_50 = tpu.memref_slice %arg7[%add3A_15, %dma_start3A_49] : memref<10240x128xf32, #tpu.memory_space<vmem_shared>> -> memref<128x128xf32, #tpu.memory_space<vmem_shared>>
      tpu.enqueue_dma source(%arg8 : memref<128x128xf32, #tpu.memory_space<vmem>>) target(%dma_start3A_50 : memref<128x128xf32, #tpu.memory_space<vmem_shared>>) target_semaphore(%run_scoped3A : memref<!tpu.dma_semaphore, #tpu.memory_space<semaphore_mem>>)
      %dma_wait3A = arith.constant 0 : i32
      %dma_wait3A_51 = tpu.memref_slice %arg7[%add3A_15, %dma_wait3A] : memref<10240x128xf32, #tpu.memory_space<vmem_shared>> -> memref<128x128xf32, #tpu.memory_space<vmem_shared>>
      %dma_wait3A_52 = arith.constant 0 : i32
      %dma_wait3A_53 = tpu.memref_slice %arg7[%add3A_15, %dma_wait3A_52] : memref<10240x128xf32, #tpu.memory_space<vmem_shared>> -> memref<128x128xf32, #tpu.memory_space<vmem_shared>>
      tpu.wait_dma2 semaphore(%run_scoped3A : memref<!tpu.dma_semaphore, #tpu.memory_space<semaphore_mem>>) src(%arg8 : memref<128x128xf32, #tpu.memory_space<vmem>>) dst(%dma_wait3A_53 : memref<128x128xf32, #tpu.memory_space<vmem_shared>>)
      tpu.yield
    }) : () -> ()
    %add3A_16 = arith.constant 384 : i32
    %add3A_17 = arith.addi %mul3A_9, %add3A_16 : i32
    "tpu.region"() ({
      %run_scoped3A = tpu.sem_alloc : memref<!tpu.dma_semaphore, #tpu.memory_space<semaphore_mem>>
      %dma_start3A = arith.constant 0 : i32
      %dma_start3A_48 = tpu.memref_slice %arg7[%add3A_17, %dma_start3A] : memref<10240x128xf32, #tpu.memory_space<vmem_shared>> -> memref<128x128xf32, #tpu.memory_space<vmem_shared>>
      %dma_start3A_49 = arith.constant 0 : i32
      %dma_start3A_50 = tpu.memref_slice %arg7[%add3A_17, %dma_start3A_49] : memref<10240x128xf32, #tpu.memory_space<vmem_shared>> -> memref<128x128xf32, #tpu.memory_space<vmem_shared>>
      tpu.enqueue_dma source(%arg8 : memref<128x128xf32, #tpu.memory_space<vmem>>) target(%dma_start3A_50 : memref<128x128xf32, #tpu.memory_space<vmem_shared>>) target_semaphore(%run_scoped3A : memref<!tpu.dma_semaphore, #tpu.memory_space<semaphore_mem>>)
      %dma_wait3A = arith.constant 0 : i32
      %dma_wait3A_51 = tpu.memref_slice %arg7[%add3A_17, %dma_wait3A] : memref<10240x128xf32, #tpu.memory_space<vmem_shared>> -> memref<128x128xf32, #tpu.memory_space<vmem_shared>>
      %dma_wait3A_52 = arith.constant 0 : i32
      %dma_wait3A_53 = tpu.memref_slice %arg7[%add3A_17, %dma_wait3A_52] : memref<10240x128xf32, #tpu.memory_space<vmem_shared>> -> memref<128x128xf32, #tpu.memory_space<vmem_shared>>
      tpu.wait_dma2 semaphore(%run_scoped3A : memref<!tpu.dma_semaphore, #tpu.memory_space<semaphore_mem>>) src(%arg8 : memref<128x128xf32, #tpu.memory_space<vmem>>) dst(%dma_wait3A_53 : memref<128x128xf32, #tpu.memory_space<vmem_shared>>)
      tpu.yield
    }) : () -> ()
    %add3A_18 = arith.constant 512 : i32
    %add3A_19 = arith.addi %mul3A_9, %add3A_18 : i32
    "tpu.region"() ({
      %run_scoped3A = tpu.sem_alloc : memref<!tpu.dma_semaphore, #tpu.memory_space<semaphore_mem>>
      %dma_start3A = arith.constant 0 : i32
      %dma_start3A_48 = tpu.memref_slice %arg7[%add3A_19, %dma_start3A] : memref<10240x128xf32, #tpu.memory_space<vmem_shared>> -> memref<128x128xf32, #tpu.memory_space<vmem_shared>>
      %dma_start3A_49 = arith.constant 0 : i32
      %dma_start3A_50 = tpu.memref_slice %arg7[%add3A_19, %dma_start3A_49] : memref<10240x128xf32, #tpu.memory_space<vmem_shared>> -> memref<128x128xf32, #tpu.memory_space<vmem_shared>>
      tpu.enqueue_dma source(%arg8 : memref<128x128xf32, #tpu.memory_space<vmem>>) target(%dma_start3A_50 : memref<128x128xf32, #tpu.memory_space<vmem_shared>>) target_semaphore(%run_scoped3A : memref<!tpu.dma_semaphore, #tpu.memory_space<semaphore_mem>>)
      %dma_wait3A = arith.constant 0 : i32
      %dma_wait3A_51 = tpu.memref_slice %arg7[%add3A_19, %dma_wait3A] : memref<10240x128xf32, #tpu.memory_space<vmem_shared>> -> memref<128x128xf32, #tpu.memory_space<vmem_shared>>
      %dma_wait3A_52 = arith.constant 0 : i32
      %dma_wait3A_53 = tpu.memref_slice %arg7[%add3A_19, %dma_wait3A_52] : memref<10240x128xf32, #tpu.memory_space<vmem_shared>> -> memref<128x128xf32, #tpu.memory_space<vmem_shared>>
      tpu.wait_dma2 semaphore(%run_scoped3A : memref<!tpu.dma_semaphore, #tpu.memory_space<semaphore_mem>>) src(%arg8 : memref<128x128xf32, #tpu.memory_space<vmem>>) dst(%dma_wait3A_53 : memref<128x128xf32, #tpu.memory_space<vmem_shared>>)
      tpu.yield
    }) : () -> ()
    %barrier3A = arith.constant 0 : index
    tpu.barrier barrier_id(%barrier3A)
    %scan3A_20 = arith.constant 0 : i32
    %scan3A_21 = arith.constant 0 : i32
    %scan3A_22 = arith.constant 5 : i32
    %scan3A_23 = arith.addi %scan3A_21, %scan3A_22 : i32
    %scan3A_24 = arith.constant 1 : i32
    %scan3A_25 = scf.for %scan3A_48 = %scan3A_21 to %scan3A_23 step %scan3A_24 iter_args(%scan3A_49 = %scan3A_20) -> (i32)  : i32 {
      %mul3A_50 = arith.constant 16 : i32
      %mul3A_51 = arith.muli %scan3A_48, %mul3A_50 : i32
      "tpu.region"() ({
        %run_scoped3A = tpu.sem_alloc : memref<!tpu.dma_semaphore, #tpu.memory_space<semaphore_mem>>
        %dma_start3A_66 = arith.constant 0 : i32
        %dma_start3A_67 = tpu.memref_slice %arg3[%add3A, %mul3A_51, %dma_start3A_66] : memref<32x80x128xi32, #tpu.memory_space<hbm>> -> memref<1x16x128xi32, #tpu.memory_space<hbm>>
        %dma_start3A_68 = tpu.memref_squeeze %dma_start3A_67 : memref<1x16x128xi32, #tpu.memory_space<hbm>> -> memref<16x128xi32, #tpu.memory_space<hbm>>
        %dma_start3A_69 = arith.constant 0 : i32
        %dma_start3A_70 = tpu.memref_slice %arg3[%add3A, %mul3A_51, %dma_start3A_69] : memref<32x80x128xi32, #tpu.memory_space<hbm>> -> memref<1x16x128xi32, #tpu.memory_space<hbm>>
        %dma_start3A_71 = tpu.memref_squeeze %dma_start3A_70 : memref<1x16x128xi32, #tpu.memory_space<hbm>> -> memref<16x128xi32, #tpu.memory_space<hbm>>
        tpu.enqueue_dma source(%dma_start3A_71 : memref<16x128xi32, #tpu.memory_space<hbm>>) target(%arg12 : memref<16x128xi32, #tpu.memory_space<vmem>>) target_semaphore(%run_scoped3A : memref<!tpu.dma_semaphore, #tpu.memory_space<semaphore_mem>>)
        %dma_wait3A = arith.constant 0 : i32
        %dma_wait3A_72 = tpu.memref_slice %arg3[%add3A, %mul3A_51, %dma_wait3A] : memref<32x80x128xi32, #tpu.memory_space<hbm>> -> memref<1x16x128xi32, #tpu.memory_space<hbm>>
        %dma_wait3A_73 = tpu.memref_squeeze %dma_wait3A_72 : memref<1x16x128xi32, #tpu.memory_space<hbm>> -> memref<16x128xi32, #tpu.memory_space<hbm>>
        %dma_wait3A_74 = arith.constant 0 : i32
        %dma_wait3A_75 = tpu.memref_slice %arg3[%add3A, %mul3A_51, %dma_wait3A_74] : memref<32x80x128xi32, #tpu.memory_space<hbm>> -> memref<1x16x128xi32, #tpu.memory_space<hbm>>
        %dma_wait3A_76 = tpu.memref_squeeze %dma_wait3A_75 : memref<1x16x128xi32, #tpu.memory_space<hbm>> -> memref<16x128xi32, #tpu.memory_space<hbm>>
        tpu.wait_dma2 semaphore(%run_scoped3A : memref<!tpu.dma_semaphore, #tpu.memory_space<semaphore_mem>>) src(%dma_wait3A_76 : memref<16x128xi32, #tpu.memory_space<hbm>>) dst(%arg12 : memref<16x128xi32, #tpu.memory_space<vmem>>)
        tpu.yield
      }) : () -> ()
      "tpu.region"() ({
        %run_scoped3A = tpu.sem_alloc : memref<!tpu.dma_semaphore, #tpu.memory_space<semaphore_mem>>
        %dma_start3A_66 = arith.constant 0 : i32
        %dma_start3A_67 = tpu.memref_slice %arg4[%add3A, %mul3A_51, %dma_start3A_66] : memref<32x80x128xi32, #tpu.memory_space<hbm>> -> memref<1x16x128xi32, #tpu.memory_space<hbm>>
        %dma_start3A_68 = tpu.memref_squeeze %dma_start3A_67 : memref<1x16x128xi32, #tpu.memory_space<hbm>> -> memref<16x128xi32, #tpu.memory_space<hbm>>
        %dma_start3A_69 = arith.constant 0 : i32
        %dma_start3A_70 = tpu.memref_slice %arg4[%add3A, %mul3A_51, %dma_start3A_69] : memref<32x80x128xi32, #tpu.memory_space<hbm>> -> memref<1x16x128xi32, #tpu.memory_space<hbm>>
        %dma_start3A_71 = tpu.memref_squeeze %dma_start3A_70 : memref<1x16x128xi32, #tpu.memory_space<hbm>> -> memref<16x128xi32, #tpu.memory_space<hbm>>
        tpu.enqueue_dma source(%dma_start3A_71 : memref<16x128xi32, #tpu.memory_space<hbm>>) target(%arg10 : memref<16x128xi32, #tpu.memory_space<vmem>>) target_semaphore(%run_scoped3A : memref<!tpu.dma_semaphore, #tpu.memory_space<semaphore_mem>>)
        %dma_wait3A = arith.constant 0 : i32
        %dma_wait3A_72 = tpu.memref_slice %arg4[%add3A, %mul3A_51, %dma_wait3A] : memref<32x80x128xi32, #tpu.memory_space<hbm>> -> memref<1x16x128xi32, #tpu.memory_space<hbm>>
        %dma_wait3A_73 = tpu.memref_squeeze %dma_wait3A_72 : memref<1x16x128xi32, #tpu.memory_space<hbm>> -> memref<16x128xi32, #tpu.memory_space<hbm>>
        %dma_wait3A_74 = arith.constant 0 : i32
        %dma_wait3A_75 = tpu.memref_slice %arg4[%add3A, %mul3A_51, %dma_wait3A_74] : memref<32x80x128xi32, #tpu.memory_space<hbm>> -> memref<1x16x128xi32, #tpu.memory_space<hbm>>
        %dma_wait3A_76 = tpu.memref_squeeze %dma_wait3A_75 : memref<1x16x128xi32, #tpu.memory_space<hbm>> -> memref<16x128xi32, #tpu.memory_space<hbm>>
        tpu.wait_dma2 semaphore(%run_scoped3A : memref<!tpu.dma_semaphore, #tpu.memory_space<semaphore_mem>>) src(%dma_wait3A_76 : memref<16x128xi32, #tpu.memory_space<hbm>>) dst(%arg10 : memref<16x128xi32, #tpu.memory_space<vmem>>)
        tpu.yield
      }) : () -> ()
      "tpu.region"() ({
        %run_scoped3A = tpu.sem_alloc : memref<!tpu.dma_semaphore, #tpu.memory_space<semaphore_mem>>
        %dma_start3A_66 = arith.constant 0 : i32
        %dma_start3A_67 = tpu.memref_slice %arg5[%add3A, %mul3A_51, %dma_start3A_66] : memref<32x80x128xf32, #tpu.memory_space<hbm>> -> memref<1x16x128xf32, #tpu.memory_space<hbm>>
        %dma_start3A_68 = tpu.memref_squeeze %dma_start3A_67 : memref<1x16x128xf32, #tpu.memory_space<hbm>> -> memref<16x128xf32, #tpu.memory_space<hbm>>
        %dma_start3A_69 = arith.constant 0 : i32
        %dma_start3A_70 = tpu.memref_slice %arg5[%add3A, %mul3A_51, %dma_start3A_69] : memref<32x80x128xf32, #tpu.memory_space<hbm>> -> memref<1x16x128xf32, #tpu.memory_space<hbm>>
        %dma_start3A_71 = tpu.memref_squeeze %dma_start3A_70 : memref<1x16x128xf32, #tpu.memory_space<hbm>> -> memref<16x128xf32, #tpu.memory_space<hbm>>
        tpu.enqueue_dma source(%dma_start3A_71 : memref<16x128xf32, #tpu.memory_space<hbm>>) target(%arg11 : memref<16x128xf32, #tpu.memory_space<vmem>>) target_semaphore(%run_scoped3A : memref<!tpu.dma_semaphore, #tpu.memory_space<semaphore_mem>>)
        %dma_wait3A = arith.constant 0 : i32
        %dma_wait3A_72 = tpu.memref_slice %arg5[%add3A, %mul3A_51, %dma_wait3A] : memref<32x80x128xf32, #tpu.memory_space<hbm>> -> memref<1x16x128xf32, #tpu.memory_space<hbm>>
        %dma_wait3A_73 = tpu.memref_squeeze %dma_wait3A_72 : memref<1x16x128xf32, #tpu.memory_space<hbm>> -> memref<16x128xf32, #tpu.memory_space<hbm>>
        %dma_wait3A_74 = arith.constant 0 : i32
        %dma_wait3A_75 = tpu.memref_slice %arg5[%add3A, %mul3A_51, %dma_wait3A_74] : memref<32x80x128xf32, #tpu.memory_space<hbm>> -> memref<1x16x128xf32, #tpu.memory_space<hbm>>
        %dma_wait3A_76 = tpu.memref_squeeze %dma_wait3A_75 : memref<1x16x128xf32, #tpu.memory_space<hbm>> -> memref<16x128xf32, #tpu.memory_space<hbm>>
        tpu.wait_dma2 semaphore(%run_scoped3A : memref<!tpu.dma_semaphore, #tpu.memory_space<semaphore_mem>>) src(%dma_wait3A_76 : memref<16x128xf32, #tpu.memory_space<hbm>>) dst(%arg11 : memref<16x128xf32, #tpu.memory_space<vmem>>)
        tpu.yield
      }) : () -> ()
      %dma_start3A = arith.constant 0 : i32
      %dma_start3A_52 = arith.constant 0 : i32
      %dma_start3A_53 = tpu.memref_slice %arg12[%dma_start3A, %dma_start3A_52] : memref<16x128xi32, #tpu.memory_space<vmem>> -> memref<1x128xi32, #tpu.memory_space<vmem>>
      %dma_start3A_54 = tpu.memref_squeeze %dma_start3A_53 : memref<1x128xi32, #tpu.memory_space<vmem>> -> memref<128xi32, #tpu.memory_space<vmem>>
      %dma_start3A_55 = arith.constant 0 : i32
      %dma_start3A_56 = arith.constant 0 : i32
      %dma_start3A_57 = tpu.memref_slice %arg2[%dma_start3A_55, %dma_start3A_56] : memref<10000x128xf32, #tpu.memory_space<hbm>> -> memref<10000x128xf32, #tpu.memory_space<hbm>>
      tpu.enqueue_indirect_dma source(%dma_start3A_57 : memref<10000x128xf32, #tpu.memory_space<hbm>>) target(%arg8 : memref<128x128xf32, #tpu.memory_space<vmem>>) offsets(%dma_start3A_54 : memref<128xi32, #tpu.memory_space<vmem>>) semaphore(%arg13 : memref<!tpu.dma_semaphore, #tpu.memory_space<semaphore_mem>>)
      %scan3A_58 = arith.constant 0 : i32
      %scan3A_59 = arith.constant 0 : i32
      %scan3A_60 = arith.constant 8 : i32
      %scan3A_61 = arith.addi %scan3A_59, %scan3A_60 : i32
      %scan3A_62 = arith.constant 1 : i32
      %scan3A_63 = scf.for %scan3A_66 = %scan3A_59 to %scan3A_61 step %scan3A_62 iter_args(%scan3A_67 = %scan3A_58) -> (i32)  : i32 {
        %mul3A_68 = arith.constant 2 : i32
        %mul3A_69 = arith.muli %mul3A_68, %scan3A_66 : i32
        %mul3A_70 = arith.constant 2 : i32
        %mul3A_71 = arith.muli %mul3A_70, %scan3A_66 : i32
        %add3A_72 = arith.constant 1 : i32
        %add3A_73 = arith.addi %mul3A_71, %add3A_72 : i32
        %dma_start3A_74 = arith.constant 0 : i32
        %dma_start3A_75 = tpu.memref_slice %arg12[%add3A_73, %dma_start3A_74] : memref<16x128xi32, #tpu.memory_space<vmem>> -> memref<1x128xi32, #tpu.memory_space<vmem>>
        %dma_start3A_76 = tpu.memref_squeeze %dma_start3A_75 : memref<1x128xi32, #tpu.memory_space<vmem>> -> memref<128xi32, #tpu.memory_space<vmem>>
        %dma_start3A_77 = arith.constant 0 : i32
        %dma_start3A_78 = arith.constant 0 : i32
        %dma_start3A_79 = tpu.memref_slice %arg2[%dma_start3A_77, %dma_start3A_78] : memref<10000x128xf32, #tpu.memory_space<hbm>> -> memref<10000x128xf32, #tpu.memory_space<hbm>>
        tpu.enqueue_indirect_dma source(%dma_start3A_79 : memref<10000x128xf32, #tpu.memory_space<hbm>>) target(%arg9 : memref<128x128xf32, #tpu.memory_space<vmem>>) offsets(%dma_start3A_76 : memref<128xi32, #tpu.memory_space<vmem>>) semaphore(%arg14 : memref<!tpu.dma_semaphore, #tpu.memory_space<semaphore_mem>>)
        %dma_wait3A = arith.constant 0 : i32
        %dma_wait3A_80 = tpu.memref_slice %arg12[%mul3A_69, %dma_wait3A] : memref<16x128xi32, #tpu.memory_space<vmem>> -> memref<1x128xi32, #tpu.memory_space<vmem>>
        %dma_wait3A_81 = tpu.memref_squeeze %dma_wait3A_80 : memref<1x128xi32, #tpu.memory_space<vmem>> -> memref<128xi32, #tpu.memory_space<vmem>>
        %dma_wait3A_82 = arith.constant 0 : i32
        %dma_wait3A_83 = arith.constant 0 : i32
        %dma_wait3A_84 = tpu.memref_slice %arg2[%dma_wait3A_82, %dma_wait3A_83] : memref<10000x128xf32, #tpu.memory_space<hbm>> -> memref<10000x128xf32, #tpu.memory_space<hbm>>
        tpu.wait_indirect_dma semaphore(%arg13 : memref<!tpu.dma_semaphore, #tpu.memory_space<semaphore_mem>>) src(%dma_wait3A_84 : memref<10000x128xf32, #tpu.memory_space<hbm>>) dst(%arg8 : memref<128x128xf32, #tpu.memory_space<vmem>>)
        %scan3A_85 = arith.constant 0 : i32
        %scan3A_86 = arith.constant 0 : i32
        %scan3A_87 = arith.constant 8 : i32
        %scan3A_88 = arith.addi %scan3A_86, %scan3A_87 : i32
        %scan3A_89 = arith.constant 1 : i32
        %scan3A_90 = scf.for %scan3A_108 = %scan3A_86 to %scan3A_88 step %scan3A_89 iter_args(%scan3A_109 = %scan3A_85) -> (i32)  : i32 {
          %mul3A_110 = arith.constant 16 : i32
          %mul3A_111 = arith.muli %scan3A_108, %mul3A_110 : i32
          %get3A = arith.index_cast %mul3A_69 : i32 to index
          %get3A_112 = arith.index_cast %mul3A_111 : i32 to index
          %get3A_113 = tpu.vector_load %arg11[%get3A, %get3A_112] {strides = array<i32>} : memref<16x128xf32, #tpu.memory_space<vmem>>, vector<1x16xf32>,
          %get3A_114 = vector.shape_cast %get3A_113 : vector<1x16xf32> to vector<16xf32>
          %slice3A = vector.extract_strided_slice %get3A_114 {offsets = [0], sizes = [1], strides = [1]} : vector<16xf32> to vector<1xf32>
          %squeeze3A = vector.extract %slice3A[0] : f32 from vector<1xf32>
          %broadcast_in_dim3A_115 = vector.broadcast %squeeze3A : f32 to vector<16xf32>
          %mul3A_116 = arith.constant 16 : i32
          %mul3A_117 = arith.muli %scan3A_108, %mul3A_116 : i32
          %add3A_118 = arith.constant 0 : i32
          %add3A_119 = arith.addi %mul3A_117, %add3A_118 : i32
          %get3A_120 = arith.index_cast %add3A_119 : i32 to index
          %get3A_121 = arith.constant 0 : index
          %get3A_122 = tpu.vector_load %arg8[%get3A_120, %get3A_121] {strides = array<i32>} : memref<128x128xf32, #tpu.memory_space<vmem>>, vector<1x16xf32>,
          %get3A_123 = vector.shape_cast %get3A_122 : vector<1x16xf32> to vector<16xf32>
          %mul3A_124 = arith.mulf %get3A_123, %broadcast_in_dim3A_115 : vector<16xf32>
          %swap3A = arith.index_cast %add3A_119 : i32 to index
          %swap3A_125 = arith.constant 0 : index
          %swap3A_126 = tpu.vector_load %arg8[%swap3A, %swap3A_125] {strides = array<i32>} : memref<128x128xf32, #tpu.memory_space<vmem>>, vector<1x16xf32>,
          %swap3A_127 = vector.shape_cast %swap3A_126 : vector<1x16xf32> to vector<16xf32>
          %swap3A_128 = vector.shape_cast %mul3A_124 : vector<16xf32> to vector<1x16xf32>
          tpu.vector_store %arg8[%swap3A, %swap3A_125], %swap3A_128 {strides = array<i32>} : memref<128x128xf32, #tpu.memory_space<vmem>>, vector<1x16xf32>,
          %get3A_129 = arith.index_cast %add3A_119 : i32 to index
          %get3A_130 = arith.constant 16 : index
          %get3A_131 = tpu.vector_load %arg8[%get3A_129, %get3A_130] {strides = array<i32>} : memref<128x128xf32, #tpu.memory_space<vmem>>, vector<1x16xf32>,
          %get3A_132 = vector.shape_cast %get3A_131 : vector<1x16xf32> to vector<16xf32>
          %mul3A_133 = arith.mulf %get3A_132, %broadcast_in_dim3A_115 : vector<16xf32>
          %swap3A_134 = arith.index_cast %add3A_119 : i32 to index
          %swap3A_135 = arith.constant 16 : index
          %swap3A_136 = tpu.vector_load %arg8[%swap3A_134, %swap3A_135] {strides = array<i32>} : memref<128x128xf32, #tpu.memory_space<vmem>>, vector<1x16xf32>,
          %swap3A_137 = vector.shape_cast %swap3A_136 : vector<1x16xf32> to vector<16xf32>
          %swap3A_138 = vector.shape_cast %mul3A_133 : vector<16xf32> to vector<1x16xf32>
          tpu.vector_store %arg8[%swap3A_134, %swap3A_135], %swap3A_138 {strides = array<i32>} : memref<128x128xf32, #tpu.memory_space<vmem>>, vector<1x16xf32>,
          %get3A_139 = arith.index_cast %add3A_119 : i32 to index
          %get3A_140 = arith.constant 32 : index
          %get3A_141 = tpu.vector_load %arg8[%get3A_139, %get3A_140] {strides = array<i32>} : memref<128x128xf32, #tpu.memory_space<vmem>>, vector<1x16xf32>,
          %get3A_142 = vector.shape_cast %get3A_141 : vector<1x16xf32> to vector<16xf32>
          %mul3A_143 = arith.mulf %get3A_142, %broadcast_in_dim3A_115 : vector<16xf32>
          %swap3A_144 = arith.index_cast %add3A_119 : i32 to index
          %swap3A_145 = arith.constant 32 : index
          %swap3A_146 = tpu.vector_load %arg8[%swap3A_144, %swap3A_145] {strides = array<i32>} : memref<128x128xf32, #tpu.memory_space<vmem>>, vector<1x16xf32>,
          %swap3A_147 = vector.shape_cast %swap3A_146 : vector<1x16xf32> to vector<16xf32>
          %swap3A_148 = vector.shape_cast %mul3A_143 : vector<16xf32> to vector<1x16xf32>
          tpu.vector_store %arg8[%swap3A_144, %swap3A_145], %swap3A_148 {strides = array<i32>} : memref<128x128xf32, #tpu.memory_space<vmem>>, vector<1x16xf32>,
          %get3A_149 = arith.index_cast %add3A_119 : i32 to index
          %get3A_150 = arith.constant 48 : index
          %get3A_151 = tpu.vector_load %arg8[%get3A_149, %get3A_150] {strides = array<i32>} : memref<128x128xf32, #tpu.memory_space<vmem>>, vector<1x16xf32>,
          %get3A_152 = vector.shape_cast %get3A_151 : vector<1x16xf32> to vector<16xf32>
          %mul3A_153 = arith.mulf %get3A_152, %broadcast_in_dim3A_115 : vector<16xf32>
          %swap3A_154 = arith.index_cast %add3A_119 : i32 to index
          %swap3A_155 = arith.constant 48 : index
          %swap3A_156 = tpu.vector_load %arg8[%swap3A_154, %swap3A_155] {strides = array<i32>} : memref<128x128xf32, #tpu.memory_space<vmem>>, vector<1x16xf32>,
          %swap3A_157 = vector.shape_cast %swap3A_156 : vector<1x16xf32> to vector<16xf32>
          %swap3A_158 = vector.shape_cast %mul3A_153 : vector<16xf32> to vector<1x16xf32>
          tpu.vector_store %arg8[%swap3A_154, %swap3A_155], %swap3A_158 {strides = array<i32>} : memref<128x128xf32, #tpu.memory_space<vmem>>, vector<1x16xf32>,
          %get3A_159 = arith.index_cast %add3A_119 : i32 to index
          %get3A_160 = arith.constant 64 : index
          %get3A_161 = tpu.vector_load %arg8[%get3A_159, %get3A_160] {strides = array<i32>} : memref<128x128xf32, #tpu.memory_space<vmem>>, vector<1x16xf32>,
          %get3A_162 = vector.shape_cast %get3A_161 : vector<1x16xf32> to vector<16xf32>
          %mul3A_163 = arith.mulf %get3A_162, %broadcast_in_dim3A_115 : vector<16xf32>
          %swap3A_164 = arith.index_cast %add3A_119 : i32 to index
          %swap3A_165 = arith.constant 64 : index
          %swap3A_166 = tpu.vector_load %arg8[%swap3A_164, %swap3A_165] {strides = array<i32>} : memref<128x128xf32, #tpu.memory_space<vmem>>, vector<1x16xf32>,
          %swap3A_167 = vector.shape_cast %swap3A_166 : vector<1x16xf32> to vector<16xf32>
          %swap3A_168 = vector.shape_cast %mul3A_163 : vector<16xf32> to vector<1x16xf32>
          tpu.vector_store %arg8[%swap3A_164, %swap3A_165], %swap3A_168 {strides = array<i32>} : memref<128x128xf32, #tpu.memory_space<vmem>>, vector<1x16xf32>,
          %get3A_169 = arith.index_cast %add3A_119 : i32 to index
          %get3A_170 = arith.constant 80 : index
          %get3A_171 = tpu.vector_load %arg8[%get3A_169, %get3A_170] {strides = array<i32>} : memref<128x128xf32, #tpu.memory_space<vmem>>, vector<1x16xf32>,
          %get3A_172 = vector.shape_cast %get3A_171 : vector<1x16xf32> to vector<16xf32>
          %mul3A_173 = arith.mulf %get3A_172, %broadcast_in_dim3A_115 : vector<16xf32>
          %swap3A_174 = arith.index_cast %add3A_119 : i32 to index
          %swap3A_175 = arith.constant 80 : index
          %swap3A_176 = tpu.vector_load %arg8[%swap3A_174, %swap3A_175] {strides = array<i32>} : memref<128x128xf32, #tpu.memory_space<vmem>>, vector<1x16xf32>,
          %swap3A_177 = vector.shape_cast %swap3A_176 : vector<1x16xf32> to vector<16xf32>
          %swap3A_178 = vector.shape_cast %mul3A_173 : vector<16xf32> to vector<1x16xf32>
          tpu.vector_store %arg8[%swap3A_174, %swap3A_175], %swap3A_178 {strides = array<i32>} : memref<128x128xf32, #tpu.memory_space<vmem>>, vector<1x16xf32>,
          %get3A_179 = arith.index_cast %add3A_119 : i32 to index
          %get3A_180 = arith.constant 96 : index
          %get3A_181 = tpu.vector_load %arg8[%get3A_179, %get3A_180] {strides = array<i32>} : memref<128x128xf32, #tpu.memory_space<vmem>>, vector<1x16xf32>,
          %get3A_182 = vector.shape_cast %get3A_181 : vector<1x16xf32> to vector<16xf32>
          %mul3A_183 = arith.mulf %get3A_182, %broadcast_in_dim3A_115 : vector<16xf32>
          %swap3A_184 = arith.index_cast %add3A_119 : i32 to index
          %swap3A_185 = arith.constant 96 : index
          %swap3A_186 = tpu.vector_load %arg8[%swap3A_184, %swap3A_185] {strides = array<i32>} : memref<128x128xf32, #tpu.memory_space<vmem>>, vector<1x16xf32>,
          %swap3A_187 = vector.shape_cast %swap3A_186 : vector<1x16xf32> to vector<16xf32>
          %swap3A_188 = vector.shape_cast %mul3A_183 : vector<16xf32> to vector<1x16xf32>
          tpu.vector_store %arg8[%swap3A_184, %swap3A_185], %swap3A_188 {strides = array<i32>} : memref<128x128xf32, #tpu.memory_space<vmem>>, vector<1x16xf32>,
          %get3A_189 = arith.index_cast %add3A_119 : i32 to index
          %get3A_190 = arith.constant 112 : index
          %get3A_191 = tpu.vector_load %arg8[%get3A_189, %get3A_190] {strides = array<i32>} : memref<128x128xf32, #tpu.memory_space<vmem>>, vector<1x16xf32>,
          %get3A_192 = vector.shape_cast %get3A_191 : vector<1x16xf32> to vector<16xf32>
          %mul3A_193 = arith.mulf %get3A_192, %broadcast_in_dim3A_115 : vector<16xf32>
          %swap3A_194 = arith.index_cast %add3A_119 : i32 to index
          %swap3A_195 = arith.constant 112 : index
          %swap3A_196 = tpu.vector_load %arg8[%swap3A_194, %swap3A_195] {strides = array<i32>} : memref<128x128xf32, #tpu.memory_space<vmem>>, vector<1x16xf32>,
          %swap3A_197 = vector.shape_cast %swap3A_196 : vector<1x16xf32> to vector<16xf32>
          %swap3A_198 = vector.shape_cast %mul3A_193 : vector<16xf32> to vector<1x16xf32>
          tpu.vector_store %arg8[%swap3A_194, %swap3A_195], %swap3A_198 {strides = array<i32>} : memref<128x128xf32, #tpu.memory_space<vmem>>, vector<1x16xf32>,
          %slice3A_199 = vector.extract_strided_slice %get3A_114 {offsets = [1], sizes = [1], strides = [1]} : vector<16xf32> to vector<1xf32>
          %squeeze3A_200 = vector.extract %slice3A_199[0] : f32 from vector<1xf32>
          %broadcast_in_dim3A_201 = vector.broadcast %squeeze3A_200 : f32 to vector<16xf32>
          %mul3A_202 = arith.constant 16 : i32
          %mul3A_203 = arith.muli %scan3A_108, %mul3A_202 : i32
          %add3A_204 = arith.constant 1 : i32
          %add3A_205 = arith.addi %mul3A_203, %add3A_204 : i32
          %get3A_206 = arith.index_cast %add3A_205 : i32 to index
          %get3A_207 = arith.constant 0 : index
          %get3A_208 = tpu.vector_load %arg8[%get3A_206, %get3A_207] {strides = array<i32>} : memref<128x128xf32, #tpu.memory_space<vmem>>, vector<1x16xf32>,
          %get3A_209 = vector.shape_cast %get3A_208 : vector<1x16xf32> to vector<16xf32>
          %mul3A_210 = arith.mulf %get3A_209, %broadcast_in_dim3A_201 : vector<16xf32>
          %swap3A_211 = arith.index_cast %add3A_205 : i32 to index
          %swap3A_212 = arith.constant 0 : index
          %swap3A_213 = tpu.vector_load %arg8[%swap3A_211, %swap3A_212] {strides = array<i32>} : memref<128x128xf32, #tpu.memory_space<vmem>>, vector<1x16xf32>,
          %swap3A_214 = vector.shape_cast %swap3A_213 : vector<1x16xf32> to vector<16xf32>
          %swap3A_215 = vector.shape_cast %mul3A_210 : vector<16xf32> to vector<1x16xf32>
          tpu.vector_store %arg8[%swap3A_211, %swap3A_212], %swap3A_215 {strides = array<i32>} : memref<128x128xf32, #tpu.memory_space<vmem>>, vector<1x16xf32>,
          %get3A_216 = arith.index_cast %add3A_205 : i32 to index
          %get3A_217 = arith.constant 16 : index
          %get3A_218 = tpu.vector_load %arg8[%get3A_216, %get3A_217] {strides = array<i32>} : memref<128x128xf32, #tpu.memory_space<vmem>>, vector<1x16xf32>,
          %get3A_219 = vector.shape_cast %get3A_218 : vector<1x16xf32> to vector<16xf32>
          %mul3A_220 = arith.mulf %get3A_219, %broadcast_in_dim3A_201 : vector<16xf32>
          %swap3A_221 = arith.index_cast %add3A_205 : i32 to index
          %swap3A_222 = arith.constant 16 : index
          %swap3A_223 = tpu.vector_load %arg8[%swap3A_221, %swap3A_222] {strides = array<i32>} : memref<128x128xf32, #tpu.memory_space<vmem>>, vector<1x16xf32>,
          %swap3A_224 = vector.shape_cast %swap3A_223 : vector<1x16xf32> to vector<16xf32>
          %swap3A_225 = vector.shape_cast %mul3A_220 : vector<16xf32> to vector<1x16xf32>
          tpu.vector_store %arg8[%swap3A_221, %swap3A_222], %swap3A_225 {strides = array<i32>} : memref<128x128xf32, #tpu.memory_space<vmem>>, vector<1x16xf32>,
          %get3A_226 = arith.index_cast %add3A_205 : i32 to index
          %get3A_227 = arith.constant 32 : index
          %get3A_228 = tpu.vector_load %arg8[%get3A_226, %get3A_227] {strides = array<i32>} : memref<128x128xf32, #tpu.memory_space<vmem>>, vector<1x16xf32>,
          %get3A_229 = vector.shape_cast %get3A_228 : vector<1x16xf32> to vector<16xf32>
          %mul3A_230 = arith.mulf %get3A_229, %broadcast_in_dim3A_201 : vector<16xf32>
          %swap3A_231 = arith.index_cast %add3A_205 : i32 to index
          %swap3A_232 = arith.constant 32 : index
          %swap3A_233 = tpu.vector_load %arg8[%swap3A_231, %swap3A_232] {strides = array<i32>} : memref<128x128xf32, #tpu.memory_space<vmem>>, vector<1x16xf32>,
          %swap3A_234 = vector.shape_cast %swap3A_233 : vector<1x16xf32> to vector<16xf32>
          %swap3A_235 = vector.shape_cast %mul3A_230 : vector<16xf32> to vector<1x16xf32>
          tpu.vector_store %arg8[%swap3A_231, %swap3A_232], %swap3A_235 {strides = array<i32>} : memref<128x128xf32, #tpu.memory_space<vmem>>, vector<1x16xf32>,
          %get3A_236 = arith.index_cast %add3A_205 : i32 to index
          %get3A_237 = arith.constant 48 : index
          %get3A_238 = tpu.vector_load %arg8[%get3A_236, %get3A_237] {strides = array<i32>} : memref<128x128xf32, #tpu.memory_space<vmem>>, vector<1x16xf32>,
          %get3A_239 = vector.shape_cast %get3A_238 : vector<1x16xf32> to vector<16xf32>
          %mul3A_240 = arith.mulf %get3A_239, %broadcast_in_dim3A_201 : vector<16xf32>
          %swap3A_241 = arith.index_cast %add3A_205 : i32 to index
          %swap3A_242 = arith.constant 48 : index
          %swap3A_243 = tpu.vector_load %arg8[%swap3A_241, %swap3A_242] {strides = array<i32>} : memref<128x128xf32, #tpu.memory_space<vmem>>, vector<1x16xf32>,
          %swap3A_244 = vector.shape_cast %swap3A_243 : vector<1x16xf32> to vector<16xf32>
          %swap3A_245 = vector.shape_cast %mul3A_240 : vector<16xf32> to vector<1x16xf32>
          tpu.vector_store %arg8[%swap3A_241, %swap3A_242], %swap3A_245 {strides = array<i32>} : memref<128x128xf32, #tpu.memory_space<vmem>>, vector<1x16xf32>,
          %get3A_246 = arith.index_cast %add3A_205 : i32 to index
          %get3A_247 = arith.constant 64 : index
          %get3A_248 = tpu.vector_load %arg8[%get3A_246, %get3A_247] {strides = array<i32>} : memref<128x128xf32, #tpu.memory_space<vmem>>, vector<1x16xf32>,
          %get3A_249 = vector.shape_cast %get3A_248 : vector<1x16xf32> to vector<16xf32>
          %mul3A_250 = arith.mulf %get3A_249, %broadcast_in_dim3A_201 : vector<16xf32>
          %swap3A_251 = arith.index_cast %add3A_205 : i32 to index
          %swap3A_252 = arith.constant 64 : index
          %swap3A_253 = tpu.vector_load %arg8[%swap3A_251, %swap3A_252] {strides = array<i32>} : memref<128x128xf32, #tpu.memory_space<vmem>>, vector<1x16xf32>,
          %swap3A_254 = vector.shape_cast %swap3A_253 : vector<1x16xf32> to vector<16xf32>
          %swap3A_255 = vector.shape_cast %mul3A_250 : vector<16xf32> to vector<1x16xf32>
          tpu.vector_store %arg8[%swap3A_251, %swap3A_252], %swap3A_255 {strides = array<i32>} : memref<128x128xf32, #tpu.memory_space<vmem>>, vector<1x16xf32>,
          %get3A_256 = arith.index_cast %add3A_205 : i32 to index
          %get3A_257 = arith.constant 80 : index
          %get3A_258 = tpu.vector_load %arg8[%get3A_256, %get3A_257] {strides = array<i32>} : memref<128x128xf32, #tpu.memory_space<vmem>>, vector<1x16xf32>,
          %get3A_259 = vector.shape_cast %get3A_258 : vector<1x16xf32> to vector<16xf32>
          %mul3A_260 = arith.mulf %get3A_259, %broadcast_in_dim3A_201 : vector<16xf32>
          %swap3A_261 = arith.index_cast %add3A_205 : i32 to index
          %swap3A_262 = arith.constant 80 : index
          %swap3A_263 = tpu.vector_load %arg8[%swap3A_261, %swap3A_262] {strides = array<i32>} : memref<128x128xf32, #tpu.memory_space<vmem>>, vector<1x16xf32>,
          %swap3A_264 = vector.shape_cast %swap3A_263 : vector<1x16xf32> to vector<16xf32>
          %swap3A_265 = vector.shape_cast %mul3A_260 : vector<16xf32> to vector<1x16xf32>
          tpu.vector_store %arg8[%swap3A_261, %swap3A_262], %swap3A_265 {strides = array<i32>} : memref<128x128xf32, #tpu.memory_space<vmem>>, vector<1x16xf32>,
          %get3A_266 = arith.index_cast %add3A_205 : i32 to index
          %get3A_267 = arith.constant 96 : index
          %get3A_268 = tpu.vector_load %arg8[%get3A_266, %get3A_267] {strides = array<i32>} : memref<128x128xf32, #tpu.memory_space<vmem>>, vector<1x16xf32>,
          %get3A_269 = vector.shape_cast %get3A_268 : vector<1x16xf32> to vector<16xf32>
          %mul3A_270 = arith.mulf %get3A_269, %broadcast_in_dim3A_201 : vector<16xf32>
          %swap3A_271 = arith.index_cast %add3A_205 : i32 to index
          %swap3A_272 = arith.constant 96 : index
          %swap3A_273 = tpu.vector_load %arg8[%swap3A_271, %swap3A_272] {strides = array<i32>} : memref<128x128xf32, #tpu.memory_space<vmem>>, vector<1x16xf32>,
          %swap3A_274 = vector.shape_cast %swap3A_273 : vector<1x16xf32> to vector<16xf32>
          %swap3A_275 = vector.shape_cast %mul3A_270 : vector<16xf32> to vector<1x16xf32>
          tpu.vector_store %arg8[%swap3A_271, %swap3A_272], %swap3A_275 {strides = array<i32>} : memref<128x128xf32, #tpu.memory_space<vmem>>, vector<1x16xf32>,
          %get3A_276 = arith.index_cast %add3A_205 : i32 to index
          %get3A_277 = arith.constant 112 : index
          %get3A_278 = tpu.vector_load %arg8[%get3A_276, %get3A_277] {strides = array<i32>} : memref<128x128xf32, #tpu.memory_space<vmem>>, vector<1x16xf32>,
          %get3A_279 = vector.shape_cast %get3A_278 : vector<1x16xf32> to vector<16xf32>
          %mul3A_280 = arith.mulf %get3A_279, %broadcast_in_dim3A_201 : vector<16xf32>
          %swap3A_281 = arith.index_cast %add3A_205 : i32 to index
          %swap3A_282 = arith.constant 112 : index
          %swap3A_283 = tpu.vector_load %arg8[%swap3A_281, %swap3A_282] {strides = array<i32>} : memref<128x128xf32, #tpu.memory_space<vmem>>, vector<1x16xf32>,
          %swap3A_284 = vector.shape_cast %swap3A_283 : vector<1x16xf32> to vector<16xf32>
          %swap3A_285 = vector.shape_cast %mul3A_280 : vector<16xf32> to vector<1x16xf32>
          tpu.vector_store %arg8[%swap3A_281, %swap3A_282], %swap3A_285 {strides = array<i32>} : memref<128x128xf32, #tpu.memory_space<vmem>>, vector<1x16xf32>,
          %slice3A_286 = vector.extract_strided_slice %get3A_114 {offsets = [2], sizes = [1], strides = [1]} : vector<16xf32> to vector<1xf32>
          %squeeze3A_287 = vector.extract %slice3A_286[0] : f32 from vector<1xf32>
          %broadcast_in_dim3A_288 = vector.broadcast %squeeze3A_287 : f32 to vector<16xf32>
          %mul3A_289 = arith.constant 16 : i32
          %mul3A_290 = arith.muli %scan3A_108, %mul3A_289 : i32
          %add3A_291 = arith.constant 2 : i32
          %add3A_292 = arith.addi %mul3A_290, %add3A_291 : i32
          %get3A_293 = arith.index_cast %add3A_292 : i32 to index
          %get3A_294 = arith.constant 0 : index
          %get3A_295 = tpu.vector_load %arg8[%get3A_293, %get3A_294] {strides = array<i32>} : memref<128x128xf32, #tpu.memory_space<vmem>>, vector<1x16xf32>,
          %get3A_296 = vector.shape_cast %get3A_295 : vector<1x16xf32> to vector<16xf32>
          %mul3A_297 = arith.mulf %get3A_296, %broadcast_in_dim3A_288 : vector<16xf32>
          %swap3A_298 = arith.index_cast %add3A_292 : i32 to index
          %swap3A_299 = arith.constant 0 : index
          %swap3A_300 = tpu.vector_load %arg8[%swap3A_298, %swap3A_299] {strides = array<i32>} : memref<128x128xf32, #tpu.memory_space<vmem>>, vector<1x16xf32>,
          %swap3A_301 = vector.shape_cast %swap3A_300 : vector<1x16xf32> to vector<16xf32>
          %swap3A_302 = vector.shape_cast %mul3A_297 : vector<16xf32> to vector<1x16xf32>
          tpu.vector_store %arg8[%swap3A_298, %swap3A_299], %swap3A_302 {strides = array<i32>} : memref<128x128xf32, #tpu.memory_space<vmem>>, vector<1x16xf32>,
          %get3A_303 = arith.index_cast %add3A_292 : i32 to index
          %get3A_304 = arith.constant 16 : index
          %get3A_305 = tpu.vector_load %arg8[%get3A_303, %get3A_304] {strides = array<i32>} : memref<128x128xf32, #tpu.memory_space<vmem>>, vector<1x16xf32>,
          %get3A_306 = vector.shape_cast %get3A_305 : vector<1x16xf32> to vector<16xf32>
          %mul3A_307 = arith.mulf %get3A_306, %broadcast_in_dim3A_288 : vector<16xf32>
          %swap3A_308 = arith.index_cast %add3A_292 : i32 to index
          %swap3A_309 = arith.constant 16 : index
          %swap3A_310 = tpu.vector_load %arg8[%swap3A_308, %swap3A_309] {strides = array<i32>} : memref<128x128xf32, #tpu.memory_space<vmem>>, vector<1x16xf32>,
          %swap3A_311 = vector.shape_cast %swap3A_310 : vector<1x16xf32> to vector<16xf32>
          %swap3A_312 = vector.shape_cast %mul3A_307 : vector<16xf32> to vector<1x16xf32>
          tpu.vector_store %arg8[%swap3A_308, %swap3A_309], %swap3A_312 {strides = array<i32>} : memref<128x128xf32, #tpu.memory_space<vmem>>, vector<1x16xf32>,
          %get3A_313 = arith.index_cast %add3A_292 : i32 to index
          %get3A_314 = arith.constant 32 : index
          %get3A_315 = tpu.vector_load %arg8[%get3A_313, %get3A_314] {strides = array<i32>} : memref<128x128xf32, #tpu.memory_space<vmem>>, vector<1x16xf32>,
          %get3A_316 = vector.shape_cast %get3A_315 : vector<1x16xf32> to vector<16xf32>
          %mul3A_317 = arith.mulf %get3A_316, %broadcast_in_dim3A_288 : vector<16xf32>
          %swap3A_318 = arith.index_cast %add3A_292 : i32 to index
          %swap3A_319 = arith.constant 32 : index
          %swap3A_320 = tpu.vector_load %arg8[%swap3A_318, %swap3A_319] {strides = array<i32>} : memref<128x128xf32, #tpu.memory_space<vmem>>, vector<1x16xf32>,
          %swap3A_321 = vector.shape_cast %swap3A_320 : vector<1x16xf32> to vector<16xf32>
          %swap3A_322 = vector.shape_cast %mul3A_317 : vector<16xf32> to vector<1x16xf32>
          tpu.vector_store %arg8[%swap3A_318, %swap3A_319], %swap3A_322 {strides = array<i32>} : memref<128x128xf32, #tpu.memory_space<vmem>>, vector<1x16xf32>,
          %get3A_323 = arith.index_cast %add3A_292 : i32 to index
          %get3A_324 = arith.constant 48 : index
          %get3A_325 = tpu.vector_load %arg8[%get3A_323, %get3A_324] {strides = array<i32>} : memref<128x128xf32, #tpu.memory_space<vmem>>, vector<1x16xf32>,
          %get3A_326 = vector.shape_cast %get3A_325 : vector<1x16xf32> to vector<16xf32>
          %mul3A_327 = arith.mulf %get3A_326, %broadcast_in_dim3A_288 : vector<16xf32>
          %swap3A_328 = arith.index_cast %add3A_292 : i32 to index
          %swap3A_329 = arith.constant 48 : index
          %swap3A_330 = tpu.vector_load %arg8[%swap3A_328, %swap3A_329] {strides = array<i32>} : memref<128x128xf32, #tpu.memory_space<vmem>>, vector<1x16xf32>,
          %swap3A_331 = vector.shape_cast %swap3A_330 : vector<1x16xf32> to vector<16xf32>
          %swap3A_332 = vector.shape_cast %mul3A_327 : vector<16xf32> to vector<1x16xf32>
          tpu.vector_store %arg8[%swap3A_328, %swap3A_329], %swap3A_332 {strides = array<i32>} : memref<128x128xf32, #tpu.memory_space<vmem>>, vector<1x16xf32>,
          %get3A_333 = arith.index_cast %add3A_292 : i32 to index
          %get3A_334 = arith.constant 64 : index
          %get3A_335 = tpu.vector_load %arg8[%get3A_333, %get3A_334] {strides = array<i32>} : memref<128x128xf32, #tpu.memory_space<vmem>>, vector<1x16xf32>,
          %get3A_336 = vector.shape_cast %get3A_335 : vector<1x16xf32> to vector<16xf32>
          %mul3A_337 = arith.mulf %get3A_336, %broadcast_in_dim3A_288 : vector<16xf32>
          %swap3A_338 = arith.index_cast %add3A_292 : i32 to index
          %swap3A_339 = arith.constant 64 : index
          %swap3A_340 = tpu.vector_load %arg8[%swap3A_338, %swap3A_339] {strides = array<i32>} : memref<128x128xf32, #tpu.memory_space<vmem>>, vector<1x16xf32>,
          %swap3A_341 = vector.shape_cast %swap3A_340 : vector<1x16xf32> to vector<16xf32>
          %swap3A_342 = vector.shape_cast %mul3A_337 : vector<16xf32> to vector<1x16xf32>
          tpu.vector_store %arg8[%swap3A_338, %swap3A_339], %swap3A_342 {strides = array<i32>} : memref<128x128xf32, #tpu.memory_space<vmem>>, vector<1x16xf32>,
          %get3A_343 = arith.index_cast %add3A_292 : i32 to index
          %get3A_344 = arith.constant 80 : index
          %get3A_345 = tpu.vector_load %arg8[%get3A_343, %get3A_344] {strides = array<i32>} : memref<128x128xf32, #tpu.memory_space<vmem>>, vector<1x16xf32>,
          %get3A_346 = vector.shape_cast %get3A_345 : vector<1x16xf32> to vector<16xf32>
          %mul3A_347 = arith.mulf %get3A_346, %broadcast_in_dim3A_288 : vector<16xf32>
          %swap3A_348 = arith.index_cast %add3A_292 : i32 to index
          %swap3A_349 = arith.constant 80 : index
          %swap3A_350 = tpu.vector_load %arg8[%swap3A_348, %swap3A_349] {strides = array<i32>} : memref<128x128xf32, #tpu.memory_space<vmem>>, vector<1x16xf32>,
          %swap3A_351 = vector.shape_cast %swap3A_350 : vector<1x16xf32> to vector<16xf32>
          %swap3A_352 = vector.shape_cast %mul3A_347 : vector<16xf32> to vector<1x16xf32>
          tpu.vector_store %arg8[%swap3A_348, %swap3A_349], %swap3A_352 {strides = array<i32>} : memref<128x128xf32, #tpu.memory_space<vmem>>, vector<1x16xf32>,
          %get3A_353 = arith.index_cast %add3A_292 : i32 to index
          %get3A_354 = arith.constant 96 : index
          %get3A_355 = tpu.vector_load %arg8[%get3A_353, %get3A_354] {strides = array<i32>} : memref<128x128xf32, #tpu.memory_space<vmem>>, vector<1x16xf32>,
          %get3A_356 = vector.shape_cast %get3A_355 : vector<1x16xf32> to vector<16xf32>
          %mul3A_357 = arith.mulf %get3A_356, %broadcast_in_dim3A_288 : vector<16xf32>
          %swap3A_358 = arith.index_cast %add3A_292 : i32 to index
          %swap3A_359 = arith.constant 96 : index
          %swap3A_360 = tpu.vector_load %arg8[%swap3A_358, %swap3A_359] {strides = array<i32>} : memref<128x128xf32, #tpu.memory_space<vmem>>, vector<1x16xf32>,
          %swap3A_361 = vector.shape_cast %swap3A_360 : vector<1x16xf32> to vector<16xf32>
          %swap3A_362 = vector.shape_cast %mul3A_357 : vector<16xf32> to vector<1x16xf32>
          tpu.vector_store %arg8[%swap3A_358, %swap3A_359], %swap3A_362 {strides = array<i32>} : memref<128x128xf32, #tpu.memory_space<vmem>>, vector<1x16xf32>,
          %get3A_363 = arith.index_cast %add3A_292 : i32 to index
          %get3A_364 = arith.constant 112 : index
          %get3A_365 = tpu.vector_load %arg8[%get3A_363, %get3A_364] {strides = array<i32>} : memref<128x128xf32, #tpu.memory_space<vmem>>, vector<1x16xf32>,
          %get3A_366 = vector.shape_cast %get3A_365 : vector<1x16xf32> to vector<16xf32>
          %mul3A_367 = arith.mulf %get3A_366, %broadcast_in_dim3A_288 : vector<16xf32>
          %swap3A_368 = arith.index_cast %add3A_292 : i32 to index
          %swap3A_369 = arith.constant 112 : index
          %swap3A_370 = tpu.vector_load %arg8[%swap3A_368, %swap3A_369] {strides = array<i32>} : memref<128x128xf32, #tpu.memory_space<vmem>>, vector<1x16xf32>,
          %swap3A_371 = vector.shape_cast %swap3A_370 : vector<1x16xf32> to vector<16xf32>
          %swap3A_372 = vector.shape_cast %mul3A_367 : vector<16xf32> to vector<1x16xf32>
          tpu.vector_store %arg8[%swap3A_368, %swap3A_369], %swap3A_372 {strides = array<i32>} : memref<128x128xf32, #tpu.memory_space<vmem>>, vector<1x16xf32>,
          %slice3A_373 = vector.extract_strided_slice %get3A_114 {offsets = [3], sizes = [1], strides = [1]} : vector<16xf32> to vector<1xf32>
          %squeeze3A_374 = vector.extract %slice3A_373[0] : f32 from vector<1xf32>
          %broadcast_in_dim3A_375 = vector.broadcast %squeeze3A_374 : f32 to vector<16xf32>
          %mul3A_376 = arith.constant 16 : i32
          %mul3A_377 = arith.muli %scan3A_108, %mul3A_376 : i32
          %add3A_378 = arith.constant 3 : i32
          %add3A_379 = arith.addi %mul3A_377, %add3A_378 : i32
          %get3A_380 = arith.index_cast %add3A_379 : i32 to index
          %get3A_381 = arith.constant 0 : index
          %get3A_382 = tpu.vector_load %arg8[%get3A_380, %get3A_381] {strides = array<i32>} : memref<128x128xf32, #tpu.memory_space<vmem>>, vector<1x16xf32>,
          %get3A_383 = vector.shape_cast %get3A_382 : vector<1x16xf32> to vector<16xf32>
          %mul3A_384 = arith.mulf %get3A_383, %broadcast_in_dim3A_375 : vector<16xf32>
          %swap3A_385 = arith.index_cast %add3A_379 : i32 to index
          %swap3A_386 = arith.constant 0 : index
          %swap3A_387 = tpu.vector_load %arg8[%swap3A_385, %swap3A_386] {strides = array<i32>} : memref<128x128xf32, #tpu.memory_space<vmem>>, vector<1x16xf32>,
          %swap3A_388 = vector.shape_cast %swap3A_387 : vector<1x16xf32> to vector<16xf32>
          %swap3A_389 = vector.shape_cast %mul3A_384 : vector<16xf32> to vector<1x16xf32>
          tpu.vector_store %arg8[%swap3A_385, %swap3A_386], %swap3A_389 {strides = array<i32>} : memref<128x128xf32, #tpu.memory_space<vmem>>, vector<1x16xf32>,
          %get3A_390 = arith.index_cast %add3A_379 : i32 to index
          %get3A_391 = arith.constant 16 : index
          %get3A_392 = tpu.vector_load %arg8[%get3A_390, %get3A_391] {strides = array<i32>} : memref<128x128xf32, #tpu.memory_space<vmem>>, vector<1x16xf32>,
          %get3A_393 = vector.shape_cast %get3A_392 : vector<1x16xf32> to vector<16xf32>
          %mul3A_394 = arith.mulf %get3A_393, %broadcast_in_dim3A_375 : vector<16xf32>
          %swap3A_395 = arith.index_cast %add3A_379 : i32 to index
          %swap3A_396 = arith.constant 16 : index
          %swap3A_397 = tpu.vector_load %arg8[%swap3A_395, %swap3A_396] {strides = array<i32>} : memref<128x128xf32, #tpu.memory_space<vmem>>, vector<1x16xf32>,
          %swap3A_398 = vector.shape_cast %swap3A_397 : vector<1x16xf32> to vector<16xf32>
          %swap3A_399 = vector.shape_cast %mul3A_394 : vector<16xf32> to vector<1x16xf32>
          tpu.vector_store %arg8[%swap3A_395, %swap3A_396], %swap3A_399 {strides = array<i32>} : memref<128x128xf32, #tpu.memory_space<vmem>>, vector<1x16xf32>,
          %get3A_400 = arith.index_cast %add3A_379 : i32 to index
          %get3A_401 = arith.constant 32 : index
          %get3A_402 = tpu.vector_load %arg8[%get3A_400, %get3A_401] {strides = array<i32>} : memref<128x128xf32, #tpu.memory_space<vmem>>, vector<1x16xf32>,
          %get3A_403 = vector.shape_cast %get3A_402 : vector<1x16xf32> to vector<16xf32>
          %mul3A_404 = arith.mulf %get3A_403, %broadcast_in_dim3A_375 : vector<16xf32>
          %swap3A_405 = arith.index_cast %add3A_379 : i32 to index
          %swap3A_406 = arith.constant 32 : index
          %swap3A_407 = tpu.vector_load %arg8[%swap3A_405, %swap3A_406] {strides = array<i32>} : memref<128x128xf32, #tpu.memory_space<vmem>>, vector<1x16xf32>,
          %swap3A_408 = vector.shape_cast %swap3A_407 : vector<1x16xf32> to vector<16xf32>
          %swap3A_409 = vector.shape_cast %mul3A_404 : vector<16xf32> to vector<1x16xf32>
          tpu.vector_store %arg8[%swap3A_405, %swap3A_406], %swap3A_409 {strides = array<i32>} : memref<128x128xf32, #tpu.memory_space<vmem>>, vector<1x16xf32>,
          %get3A_410 = arith.index_cast %add3A_379 : i32 to index
          %get3A_411 = arith.constant 48 : index
          %get3A_412 = tpu.vector_load %arg8[%get3A_410, %get3A_411] {strides = array<i32>} : memref<128x128xf32, #tpu.memory_space<vmem>>, vector<1x16xf32>,
          %get3A_413 = vector.shape_cast %get3A_412 : vector<1x16xf32> to vector<16xf32>
          %mul3A_414 = arith.mulf %get3A_413, %broadcast_in_dim3A_375 : vector<16xf32>
          %swap3A_415 = arith.index_cast %add3A_379 : i32 to index
          %swap3A_416 = arith.constant 48 : index
          %swap3A_417 = tpu.vector_load %arg8[%swap3A_415, %swap3A_416] {strides = array<i32>} : memref<128x128xf32, #tpu.memory_space<vmem>>, vector<1x16xf32>,
          %swap3A_418 = vector.shape_cast %swap3A_417 : vector<1x16xf32> to vector<16xf32>
          %swap3A_419 = vector.shape_cast %mul3A_414 : vector<16xf32> to vector<1x16xf32>
          tpu.vector_store %arg8[%swap3A_415, %swap3A_416], %swap3A_419 {strides = array<i32>} : memref<128x128xf32, #tpu.memory_space<vmem>>, vector<1x16xf32>,
          %get3A_420 = arith.index_cast %add3A_379 : i32 to index
          %get3A_421 = arith.constant 64 : index
          %get3A_422 = tpu.vector_load %arg8[%get3A_420, %get3A_421] {strides = array<i32>} : memref<128x128xf32, #tpu.memory_space<vmem>>, vector<1x16xf32>,
          %get3A_423 = vector.shape_cast %get3A_422 : vector<1x16xf32> to vector<16xf32>
          %mul3A_424 = arith.mulf %get3A_423, %broadcast_in_dim3A_375 : vector<16xf32>
          %swap3A_425 = arith.index_cast %add3A_379 : i32 to index
          %swap3A_426 = arith.constant 64 : index
          %swap3A_427 = tpu.vector_load %arg8[%swap3A_425, %swap3A_426] {strides = array<i32>} : memref<128x128xf32, #tpu.memory_space<vmem>>, vector<1x16xf32>,
          %swap3A_428 = vector.shape_cast %swap3A_427 : vector<1x16xf32> to vector<16xf32>
          %swap3A_429 = vector.shape_cast %mul3A_424 : vector<16xf32> to vector<1x16xf32>
          tpu.vector_store %arg8[%swap3A_425, %swap3A_426], %swap3A_429 {strides = array<i32>} : memref<128x128xf32, #tpu.memory_space<vmem>>, vector<1x16xf32>,
          %get3A_430 = arith.index_cast %add3A_379 : i32 to index
          %get3A_431 = arith.constant 80 : index
          %get3A_432 = tpu.vector_load %arg8[%get3A_430, %get3A_431] {strides = array<i32>} : memref<128x128xf32, #tpu.memory_space<vmem>>, vector<1x16xf32>,
          %get3A_433 = vector.shape_cast %get3A_432 : vector<1x16xf32> to vector<16xf32>
          %mul3A_434 = arith.mulf %get3A_433, %broadcast_in_dim3A_375 : vector<16xf32>
          %swap3A_435 = arith.index_cast %add3A_379 : i32 to index
          %swap3A_436 = arith.constant 80 : index
          %swap3A_437 = tpu.vector_load %arg8[%swap3A_435, %swap3A_436] {strides = array<i32>} : memref<128x128xf32, #tpu.memory_space<vmem>>, vector<1x16xf32>,
          %swap3A_438 = vector.shape_cast %swap3A_437 : vector<1x16xf32> to vector<16xf32>
          %swap3A_439 = vector.shape_cast %mul3A_434 : vector<16xf32> to vector<1x16xf32>
          tpu.vector_store %arg8[%swap3A_435, %swap3A_436], %swap3A_439 {strides = array<i32>} : memref<128x128xf32, #tpu.memory_space<vmem>>, vector<1x16xf32>,
          %get3A_440 = arith.index_cast %add3A_379 : i32 to index
          %get3A_441 = arith.constant 96 : index
          %get3A_442 = tpu.vector_load %arg8[%get3A_440, %get3A_441] {strides = array<i32>} : memref<128x128xf32, #tpu.memory_space<vmem>>, vector<1x16xf32>,
          %get3A_443 = vector.shape_cast %get3A_442 : vector<1x16xf32> to vector<16xf32>
          %mul3A_444 = arith.mulf %get3A_443, %broadcast_in_dim3A_375 : vector<16xf32>
          %swap3A_445 = arith.index_cast %add3A_379 : i32 to index
          %swap3A_446 = arith.constant 96 : index
          %swap3A_447 = tpu.vector_load %arg8[%swap3A_445, %swap3A_446] {strides = array<i32>} : memref<128x128xf32, #tpu.memory_space<vmem>>, vector<1x16xf32>,
          %swap3A_448 = vector.shape_cast %swap3A_447 : vector<1x16xf32> to vector<16xf32>
          %swap3A_449 = vector.shape_cast %mul3A_444 : vector<16xf32> to vector<1x16xf32>
          tpu.vector_store %arg8[%swap3A_445, %swap3A_446], %swap3A_449 {strides = array<i32>} : memref<128x128xf32, #tpu.memory_space<vmem>>, vector<1x16xf32>,
          %get3A_450 = arith.index_cast %add3A_379 : i32 to index
          %get3A_451 = arith.constant 112 : index
          %get3A_452 = tpu.vector_load %arg8[%get3A_450, %get3A_451] {strides = array<i32>} : memref<128x128xf32, #tpu.memory_space<vmem>>, vector<1x16xf32>,
          %get3A_453 = vector.shape_cast %get3A_452 : vector<1x16xf32> to vector<16xf32>
          %mul3A_454 = arith.mulf %get3A_453, %broadcast_in_dim3A_375 : vector<16xf32>
          %swap3A_455 = arith.index_cast %add3A_379 : i32 to index
          %swap3A_456 = arith.constant 112 : index
          %swap3A_457 = tpu.vector_load %arg8[%swap3A_455, %swap3A_456] {strides = array<i32>} : memref<128x128xf32, #tpu.memory_space<vmem>>, vector<1x16xf32>,
          %swap3A_458 = vector.shape_cast %swap3A_457 : vector<1x16xf32> to vector<16xf32>
          %swap3A_459 = vector.shape_cast %mul3A_454 : vector<16xf32> to vector<1x16xf32>
          tpu.vector_store %arg8[%swap3A_455, %swap3A_456], %swap3A_459 {strides = array<i32>} : memref<128x128xf32, #tpu.memory_space<vmem>>, vector<1x16xf32>,
          %slice3A_460 = vector.extract_strided_slice %get3A_114 {offsets = [4], sizes = [1], strides = [1]} : vector<16xf32> to vector<1xf32>
          %squeeze3A_461 = vector.extract %slice3A_460[0] : f32 from vector<1xf32>
          %broadcast_in_dim3A_462 = vector.broadcast %squeeze3A_461 : f32 to vector<16xf32>
          %mul3A_463 = arith.constant 16 : i32
          %mul3A_464 = arith.muli %scan3A_108, %mul3A_463 : i32
          %add3A_465 = arith.constant 4 : i32
          %add3A_466 = arith.addi %mul3A_464, %add3A_465 : i32
          %get3A_467 = arith.index_cast %add3A_466 : i32 to index
          %get3A_468 = arith.constant 0 : index
          %get3A_469 = tpu.vector_load %arg8[%get3A_467, %get3A_468] {strides = array<i32>} : memref<128x128xf32, #tpu.memory_space<vmem>>, vector<1x16xf32>,
          %get3A_470 = vector.shape_cast %get3A_469 : vector<1x16xf32> to vector<16xf32>
          %mul3A_471 = arith.mulf %get3A_470, %broadcast_in_dim3A_462 : vector<16xf32>
          %swap3A_472 = arith.index_cast %add3A_466 : i32 to index
          %swap3A_473 = arith.constant 0 : index
          %swap3A_474 = tpu.vector_load %arg8[%swap3A_472, %swap3A_473] {strides = array<i32>} : memref<128x128xf32, #tpu.memory_space<vmem>>, vector<1x16xf32>,
          %swap3A_475 = vector.shape_cast %swap3A_474 : vector<1x16xf32> to vector<16xf32>
          %swap3A_476 = vector.shape_cast %mul3A_471 : vector<16xf32> to vector<1x16xf32>
          tpu.vector_store %arg8[%swap3A_472, %swap3A_473], %swap3A_476 {strides = array<i32>} : memref<128x128xf32, #tpu.memory_space<vmem>>, vector<1x16xf32>,
          %get3A_477 = arith.index_cast %add3A_466 : i32 to index
          %get3A_478 = arith.constant 16 : index
          %get3A_479 = tpu.vector_load %arg8[%get3A_477, %get3A_478] {strides = array<i32>} : memref<128x128xf32, #tpu.memory_space<vmem>>, vector<1x16xf32>,
          %get3A_480 = vector.shape_cast %get3A_479 : vector<1x16xf32> to vector<16xf32>
          %mul3A_481 = arith.mulf %get3A_480, %broadcast_in_dim3A_462 : vector<16xf32>
          %swap3A_482 = arith.index_cast %add3A_466 : i32 to index
          %swap3A_483 = arith.constant 16 : index
          %swap3A_484 = tpu.vector_load %arg8[%swap3A_482, %swap3A_483] {strides = array<i32>} : memref<128x128xf32, #tpu.memory_space<vmem>>, vector<1x16xf32>,
          %swap3A_485 = vector.shape_cast %swap3A_484 : vector<1x16xf32> to vector<16xf32>
          %swap3A_486 = vector.shape_cast %mul3A_481 : vector<16xf32> to vector<1x16xf32>
          tpu.vector_store %arg8[%swap3A_482, %swap3A_483], %swap3A_486 {strides = array<i32>} : memref<128x128xf32, #tpu.memory_space<vmem>>, vector<1x16xf32>,
          %get3A_487 = arith.index_cast %add3A_466 : i32 to index
          %get3A_488 = arith.constant 32 : index
          %get3A_489 = tpu.vector_load %arg8[%get3A_487, %get3A_488] {strides = array<i32>} : memref<128x128xf32, #tpu.memory_space<vmem>>, vector<1x16xf32>,
          %get3A_490 = vector.shape_cast %get3A_489 : vector<1x16xf32> to vector<16xf32>
          %mul3A_491 = arith.mulf %get3A_490, %broadcast_in_dim3A_462 : vector<16xf32>
          %swap3A_492 = arith.index_cast %add3A_466 : i32 to index
          %swap3A_493 = arith.constant 32 : index
          %swap3A_494 = tpu.vector_load %arg8[%swap3A_492, %swap3A_493] {strides = array<i32>} : memref<128x128xf32, #tpu.memory_space<vmem>>, vector<1x16xf32>,
          %swap3A_495 = vector.shape_cast %swap3A_494 : vector<1x16xf32> to vector<16xf32>
          %swap3A_496 = vector.shape_cast %mul3A_491 : vector<16xf32> to vector<1x16xf32>
          tpu.vector_store %arg8[%swap3A_492, %swap3A_493], %swap3A_496 {strides = array<i32>} : memref<128x128xf32, #tpu.memory_space<vmem>>, vector<1x16xf32>,
          %get3A_497 = arith.index_cast %add3A_466 : i32 to index
          %get3A_498 = arith.constant 48 : index
          %get3A_499 = tpu.vector_load %arg8[%get3A_497, %get3A_498] {strides = array<i32>} : memref<128x128xf32, #tpu.memory_space<vmem>>, vector<1x16xf32>,
          %get3A_500 = vector.shape_cast %get3A_499 : vector<1x16xf32> to vector<16xf32>
          %mul3A_501 = arith.mulf %get3A_500, %broadcast_in_dim3A_462 : vector<16xf32>
          %swap3A_502 = arith.index_cast %add3A_466 : i32 to index
          %swap3A_503 = arith.constant 48 : index
          %swap3A_504 = tpu.vector_load %arg8[%swap3A_502, %swap3A_503] {strides = array<i32>} : memref<128x128xf32, #tpu.memory_space<vmem>>, vector<1x16xf32>,
          %swap3A_505 = vector.shape_cast %swap3A_504 : vector<1x16xf32> to vector<16xf32>
          %swap3A_506 = vector.shape_cast %mul3A_501 : vector<16xf32> to vector<1x16xf32>
          tpu.vector_store %arg8[%swap3A_502, %swap3A_503], %swap3A_506 {strides = array<i32>} : memref<128x128xf32, #tpu.memory_space<vmem>>, vector<1x16xf32>,
          %get3A_507 = arith.index_cast %add3A_466 : i32 to index
          %get3A_508 = arith.constant 64 : index
          %get3A_509 = tpu.vector_load %arg8[%get3A_507, %get3A_508] {strides = array<i32>} : memref<128x128xf32, #tpu.memory_space<vmem>>, vector<1x16xf32>,
          %get3A_510 = vector.shape_cast %get3A_509 : vector<1x16xf32> to vector<16xf32>
          %mul3A_511 = arith.mulf %get3A_510, %broadcast_in_dim3A_462 : vector<16xf32>
          %swap3A_512 = arith.index_cast %add3A_466 : i32 to index
          %swap3A_513 = arith.constant 64 : index
          %swap3A_514 = tpu.vector_load %arg8[%swap3A_512, %swap3A_513] {strides = array<i32>} : memref<128x128xf32, #tpu.memory_space<vmem>>, vector<1x16xf32>,
          %swap3A_515 = vector.shape_cast %swap3A_514 : vector<1x16xf32> to vector<16xf32>
          %swap3A_516 = vector.shape_cast %mul3A_511 : vector<16xf32> to vector<1x16xf32>
          tpu.vector_store %arg8[%swap3A_512, %swap3A_513], %swap3A_516 {strides = array<i32>} : memref<128x128xf32, #tpu.memory_space<vmem>>, vector<1x16xf32>,
          %get3A_517 = arith.index_cast %add3A_466 : i32 to index
          %get3A_518 = arith.constant 80 : index
          %get3A_519 = tpu.vector_load %arg8[%get3A_517, %get3A_518] {strides = array<i32>} : memref<128x128xf32, #tpu.memory_space<vmem>>, vector<1x16xf32>,
          %get3A_520 = vector.shape_cast %get3A_519 : vector<1x16xf32> to vector<16xf32>
          %mul3A_521 = arith.mulf %get3A_520, %broadcast_in_dim3A_462 : vector<16xf32>
          %swap3A_522 = arith.index_cast %add3A_466 : i32 to index
          %swap3A_523 = arith.constant 80 : index
          %swap3A_524 = tpu.vector_load %arg8[%swap3A_522, %swap3A_523] {strides = array<i32>} : memref<128x128xf32, #tpu.memory_space<vmem>>, vector<1x16xf32>,
          %swap3A_525 = vector.shape_cast %swap3A_524 : vector<1x16xf32> to vector<16xf32>
          %swap3A_526 = vector.shape_cast %mul3A_521 : vector<16xf32> to vector<1x16xf32>
          tpu.vector_store %arg8[%swap3A_522, %swap3A_523], %swap3A_526 {strides = array<i32>} : memref<128x128xf32, #tpu.memory_space<vmem>>, vector<1x16xf32>,
          %get3A_527 = arith.index_cast %add3A_466 : i32 to index
          %get3A_528 = arith.constant 96 : index
          %get3A_529 = tpu.vector_load %arg8[%get3A_527, %get3A_528] {strides = array<i32>} : memref<128x128xf32, #tpu.memory_space<vmem>>, vector<1x16xf32>,
          %get3A_530 = vector.shape_cast %get3A_529 : vector<1x16xf32> to vector<16xf32>
          %mul3A_531 = arith.mulf %get3A_530, %broadcast_in_dim3A_462 : vector<16xf32>
          %swap3A_532 = arith.index_cast %add3A_466 : i32 to index
          %swap3A_533 = arith.constant 96 : index
          %swap3A_534 = tpu.vector_load %arg8[%swap3A_532, %swap3A_533] {strides = array<i32>} : memref<128x128xf32, #tpu.memory_space<vmem>>, vector<1x16xf32>,
          %swap3A_535 = vector.shape_cast %swap3A_534 : vector<1x16xf32> to vector<16xf32>
          %swap3A_536 = vector.shape_cast %mul3A_531 : vector<16xf32> to vector<1x16xf32>
          tpu.vector_store %arg8[%swap3A_532, %swap3A_533], %swap3A_536 {strides = array<i32>} : memref<128x128xf32, #tpu.memory_space<vmem>>, vector<1x16xf32>,
          %get3A_537 = arith.index_cast %add3A_466 : i32 to index
          %get3A_538 = arith.constant 112 : index
          %get3A_539 = tpu.vector_load %arg8[%get3A_537, %get3A_538] {strides = array<i32>} : memref<128x128xf32, #tpu.memory_space<vmem>>, vector<1x16xf32>,
          %get3A_540 = vector.shape_cast %get3A_539 : vector<1x16xf32> to vector<16xf32>
          %mul3A_541 = arith.mulf %get3A_540, %broadcast_in_dim3A_462 : vector<16xf32>
          %swap3A_542 = arith.index_cast %add3A_466 : i32 to index
          %swap3A_543 = arith.constant 112 : index
          %swap3A_544 = tpu.vector_load %arg8[%swap3A_542, %swap3A_543] {strides = array<i32>} : memref<128x128xf32, #tpu.memory_space<vmem>>, vector<1x16xf32>,
          %swap3A_545 = vector.shape_cast %swap3A_544 : vector<1x16xf32> to vector<16xf32>
          %swap3A_546 = vector.shape_cast %mul3A_541 : vector<16xf32> to vector<1x16xf32>
          tpu.vector_store %arg8[%swap3A_542, %swap3A_543], %swap3A_546 {strides = array<i32>} : memref<128x128xf32, #tpu.memory_space<vmem>>, vector<1x16xf32>,
          %slice3A_547 = vector.extract_strided_slice %get3A_114 {offsets = [5], sizes = [1], strides = [1]} : vector<16xf32> to vector<1xf32>
          %squeeze3A_548 = vector.extract %slice3A_547[0] : f32 from vector<1xf32>
          %broadcast_in_dim3A_549 = vector.broadcast %squeeze3A_548 : f32 to vector<16xf32>
          %mul3A_550 = arith.constant 16 : i32
          %mul3A_551 = arith.muli %scan3A_108, %mul3A_550 : i32
          %add3A_552 = arith.constant 5 : i32
          %add3A_553 = arith.addi %mul3A_551, %add3A_552 : i32
          %get3A_554 = arith.index_cast %add3A_553 : i32 to index
          %get3A_555 = arith.constant 0 : index
          %get3A_556 = tpu.vector_load %arg8[%get3A_554, %get3A_555] {strides = array<i32>} : memref<128x128xf32, #tpu.memory_space<vmem>>, vector<1x16xf32>,
          %get3A_557 = vector.shape_cast %get3A_556 : vector<1x16xf32> to vector<16xf32>
          %mul3A_558 = arith.mulf %get3A_557, %broadcast_in_dim3A_549 : vector<16xf32>
          %swap3A_559 = arith.index_cast %add3A_553 : i32 to index
          %swap3A_560 = arith.constant 0 : index
          %swap3A_561 = tpu.vector_load %arg8[%swap3A_559, %swap3A_560] {strides = array<i32>} : memref<128x128xf32, #tpu.memory_space<vmem>>, vector<1x16xf32>,
          %swap3A_562 = vector.shape_cast %swap3A_561 : vector<1x16xf32> to vector<16xf32>
          %swap3A_563 = vector.shape_cast %mul3A_558 : vector<16xf32> to vector<1x16xf32>
          tpu.vector_store %arg8[%swap3A_559, %swap3A_560], %swap3A_563 {strides = array<i32>} : memref<128x128xf32, #tpu.memory_space<vmem>>, vector<1x16xf32>,
          %get3A_564 = arith.index_cast %add3A_553 : i32 to index
          %get3A_565 = arith.constant 16 : index
          %get3A_566 = tpu.vector_load %arg8[%get3A_564, %get3A_565] {strides = array<i32>} : memref<128x128xf32, #tpu.memory_space<vmem>>, vector<1x16xf32>,
          %get3A_567 = vector.shape_cast %get3A_566 : vector<1x16xf32> to vector<16xf32>
          %mul3A_568 = arith.mulf %get3A_567, %broadcast_in_dim3A_549 : vector<16xf32>
          %swap3A_569 = arith.index_cast %add3A_553 : i32 to index
          %swap3A_570 = arith.constant 16 : index
          %swap3A_571 = tpu.vector_load %arg8[%swap3A_569, %swap3A_570] {strides = array<i32>} : memref<128x128xf32, #tpu.memory_space<vmem>>, vector<1x16xf32>,
          %swap3A_572 = vector.shape_cast %swap3A_571 : vector<1x16xf32> to vector<16xf32>
          %swap3A_573 = vector.shape_cast %mul3A_568 : vector<16xf32> to vector<1x16xf32>
          tpu.vector_store %arg8[%swap3A_569, %swap3A_570], %swap3A_573 {strides = array<i32>} : memref<128x128xf32, #tpu.memory_space<vmem>>, vector<1x16xf32>,
          %get3A_574 = arith.index_cast %add3A_553 : i32 to index
          %get3A_575 = arith.constant 32 : index
          %get3A_576 = tpu.vector_load %arg8[%get3A_574, %get3A_575] {strides = array<i32>} : memref<128x128xf32, #tpu.memory_space<vmem>>, vector<1x16xf32>,
          %get3A_577 = vector.shape_cast %get3A_576 : vector<1x16xf32> to vector<16xf32>
          %mul3A_578 = arith.mulf %get3A_577, %broadcast_in_dim3A_549 : vector<16xf32>
          %swap3A_579 = arith.index_cast %add3A_553 : i32 to index
          %swap3A_580 = arith.constant 32 : index
          %swap3A_581 = tpu.vector_load %arg8[%swap3A_579, %swap3A_580] {strides = array<i32>} : memref<128x128xf32, #tpu.memory_space<vmem>>, vector<1x16xf32>,
          %swap3A_582 = vector.shape_cast %swap3A_581 : vector<1x16xf32> to vector<16xf32>
          %swap3A_583 = vector.shape_cast %mul3A_578 : vector<16xf32> to vector<1x16xf32>
          tpu.vector_store %arg8[%swap3A_579, %swap3A_580], %swap3A_583 {strides = array<i32>} : memref<128x128xf32, #tpu.memory_space<vmem>>, vector<1x16xf32>,
          %get3A_584 = arith.index_cast %add3A_553 : i32 to index
          %get3A_585 = arith.constant 48 : index
          %get3A_586 = tpu.vector_load %arg8[%get3A_584, %get3A_585] {strides = array<i32>} : memref<128x128xf32, #tpu.memory_space<vmem>>, vector<1x16xf32>,
          %get3A_587 = vector.shape_cast %get3A_586 : vector<1x16xf32> to vector<16xf32>
          %mul3A_588 = arith.mulf %get3A_587, %broadcast_in_dim3A_549 : vector<16xf32>
          %swap3A_589 = arith.index_cast %add3A_553 : i32 to index
          %swap3A_590 = arith.constant 48 : index
          %swap3A_591 = tpu.vector_load %arg8[%swap3A_589, %swap3A_590] {strides = array<i32>} : memref<128x128xf32, #tpu.memory_space<vmem>>, vector<1x16xf32>,
          %swap3A_592 = vector.shape_cast %swap3A_591 : vector<1x16xf32> to vector<16xf32>
          %swap3A_593 = vector.shape_cast %mul3A_588 : vector<16xf32> to vector<1x16xf32>
          tpu.vector_store %arg8[%swap3A_589, %swap3A_590], %swap3A_593 {strides = array<i32>} : memref<128x128xf32, #tpu.memory_space<vmem>>, vector<1x16xf32>,
          %get3A_594 = arith.index_cast %add3A_553 : i32 to index
          %get3A_595 = arith.constant 64 : index
          %get3A_596 = tpu.vector_load %arg8[%get3A_594, %get3A_595] {strides = array<i32>} : memref<128x128xf32, #tpu.memory_space<vmem>>, vector<1x16xf32>,
          %get3A_597 = vector.shape_cast %get3A_596 : vector<1x16xf32> to vector<16xf32>
          %mul3A_598 = arith.mulf %get3A_597, %broadcast_in_dim3A_549 : vector<16xf32>
          %swap3A_599 = arith.index_cast %add3A_553 : i32 to index
          %swap3A_600 = arith.constant 64 : index
          %swap3A_601 = tpu.vector_load %arg8[%swap3A_599, %swap3A_600] {strides = array<i32>} : memref<128x128xf32, #tpu.memory_space<vmem>>, vector<1x16xf32>,
          %swap3A_602 = vector.shape_cast %swap3A_601 : vector<1x16xf32> to vector<16xf32>
          %swap3A_603 = vector.shape_cast %mul3A_598 : vector<16xf32> to vector<1x16xf32>
          tpu.vector_store %arg8[%swap3A_599, %swap3A_600], %swap3A_603 {strides = array<i32>} : memref<128x128xf32, #tpu.memory_space<vmem>>, vector<1x16xf32>,
          %get3A_604 = arith.index_cast %add3A_553 : i32 to index
          %get3A_605 = arith.constant 80 : index
          %get3A_606 = tpu.vector_load %arg8[%get3A_604, %get3A_605] {strides = array<i32>} : memref<128x128xf32, #tpu.memory_space<vmem>>, vector<1x16xf32>,
          %get3A_607 = vector.shape_cast %get3A_606 : vector<1x16xf32> to vector<16xf32>
          %mul3A_608 = arith.mulf %get3A_607, %broadcast_in_dim3A_549 : vector<16xf32>
          %swap3A_609 = arith.index_cast %add3A_553 : i32 to index
          %swap3A_610 = arith.constant 80 : index
          %swap3A_611 = tpu.vector_load %arg8[%swap3A_609, %swap3A_610] {strides = array<i32>} : memref<128x128xf32, #tpu.memory_space<vmem>>, vector<1x16xf32>,
          %swap3A_612 = vector.shape_cast %swap3A_611 : vector<1x16xf32> to vector<16xf32>
          %swap3A_613 = vector.shape_cast %mul3A_608 : vector<16xf32> to vector<1x16xf32>
          tpu.vector_store %arg8[%swap3A_609, %swap3A_610], %swap3A_613 {strides = array<i32>} : memref<128x128xf32, #tpu.memory_space<vmem>>, vector<1x16xf32>,
          %get3A_614 = arith.index_cast %add3A_553 : i32 to index
          %get3A_615 = arith.constant 96 : index
          %get3A_616 = tpu.vector_load %arg8[%get3A_614, %get3A_615] {strides = array<i32>} : memref<128x128xf32, #tpu.memory_space<vmem>>, vector<1x16xf32>,
          %get3A_617 = vector.shape_cast %get3A_616 : vector<1x16xf32> to vector<16xf32>
          %mul3A_618 = arith.mulf %get3A_617, %broadcast_in_dim3A_549 : vector<16xf32>
          %swap3A_619 = arith.index_cast %add3A_553 : i32 to index
          %swap3A_620 = arith.constant 96 : index
          %swap3A_621 = tpu.vector_load %arg8[%swap3A_619, %swap3A_620] {strides = array<i32>} : memref<128x128xf32, #tpu.memory_space<vmem>>, vector<1x16xf32>,
          %swap3A_622 = vector.shape_cast %swap3A_621 : vector<1x16xf32> to vector<16xf32>
          %swap3A_623 = vector.shape_cast %mul3A_618 : vector<16xf32> to vector<1x16xf32>
          tpu.vector_store %arg8[%swap3A_619, %swap3A_620], %swap3A_623 {strides = array<i32>} : memref<128x128xf32, #tpu.memory_space<vmem>>, vector<1x16xf32>,
          %get3A_624 = arith.index_cast %add3A_553 : i32 to index
          %get3A_625 = arith.constant 112 : index
          %get3A_626 = tpu.vector_load %arg8[%get3A_624, %get3A_625] {strides = array<i32>} : memref<128x128xf32, #tpu.memory_space<vmem>>, vector<1x16xf32>,
          %get3A_627 = vector.shape_cast %get3A_626 : vector<1x16xf32> to vector<16xf32>
          %mul3A_628 = arith.mulf %get3A_627, %broadcast_in_dim3A_549 : vector<16xf32>
          %swap3A_629 = arith.index_cast %add3A_553 : i32 to index
          %swap3A_630 = arith.constant 112 : index
          %swap3A_631 = tpu.vector_load %arg8[%swap3A_629, %swap3A_630] {strides = array<i32>} : memref<128x128xf32, #tpu.memory_space<vmem>>, vector<1x16xf32>,
          %swap3A_632 = vector.shape_cast %swap3A_631 : vector<1x16xf32> to vector<16xf32>
          %swap3A_633 = vector.shape_cast %mul3A_628 : vector<16xf32> to vector<1x16xf32>
          tpu.vector_store %arg8[%swap3A_629, %swap3A_630], %swap3A_633 {strides = array<i32>} : memref<128x128xf32, #tpu.memory_space<vmem>>, vector<1x16xf32>,
          %slice3A_634 = vector.extract_strided_slice %get3A_114 {offsets = [6], sizes = [1], strides = [1]} : vector<16xf32> to vector<1xf32>
          %squeeze3A_635 = vector.extract %slice3A_634[0] : f32 from vector<1xf32>
          %broadcast_in_dim3A_636 = vector.broadcast %squeeze3A_635 : f32 to vector<16xf32>
          %mul3A_637 = arith.constant 16 : i32
          %mul3A_638 = arith.muli %scan3A_108, %mul3A_637 : i32
          %add3A_639 = arith.constant 6 : i32
          %add3A_640 = arith.addi %mul3A_638, %add3A_639 : i32
          %get3A_641 = arith.index_cast %add3A_640 : i32 to index
          %get3A_642 = arith.constant 0 : index
          %get3A_643 = tpu.vector_load %arg8[%get3A_641, %get3A_642] {strides = array<i32>} : memref<128x128xf32, #tpu.memory_space<vmem>>, vector<1x16xf32>,
          %get3A_644 = vector.shape_cast %get3A_643 : vector<1x16xf32> to vector<16xf32>
          %mul3A_645 = arith.mulf %get3A_644, %broadcast_in_dim3A_636 : vector<16xf32>
          %swap3A_646 = arith.index_cast %add3A_640 : i32 to index
          %swap3A_647 = arith.constant 0 : index
          %swap3A_648 = tpu.vector_load %arg8[%swap3A_646, %swap3A_647] {strides = array<i32>} : memref<128x128xf32, #tpu.memory_space<vmem>>, vector<1x16xf32>,
          %swap3A_649 = vector.shape_cast %swap3A_648 : vector<1x16xf32> to vector<16xf32>
          %swap3A_650 = vector.shape_cast %mul3A_645 : vector<16xf32> to vector<1x16xf32>
          tpu.vector_store %arg8[%swap3A_646, %swap3A_647], %swap3A_650 {strides = array<i32>} : memref<128x128xf32, #tpu.memory_space<vmem>>, vector<1x16xf32>,
          %get3A_651 = arith.index_cast %add3A_640 : i32 to index
          %get3A_652 = arith.constant 16 : index
          %get3A_653 = tpu.vector_load %arg8[%get3A_651, %get3A_652] {strides = array<i32>} : memref<128x128xf32, #tpu.memory_space<vmem>>, vector<1x16xf32>,
          %get3A_654 = vector.shape_cast %get3A_653 : vector<1x16xf32> to vector<16xf32>
          %mul3A_655 = arith.mulf %get3A_654, %broadcast_in_dim3A_636 : vector<16xf32>
          %swap3A_656 = arith.index_cast %add3A_640 : i32 to index
          %swap3A_657 = arith.constant 16 : index
          %swap3A_658 = tpu.vector_load %arg8[%swap3A_656, %swap3A_657] {strides = array<i32>} : memref<128x128xf32, #tpu.memory_space<vmem>>, vector<1x16xf32>,
          %swap3A_659 = vector.shape_cast %swap3A_658 : vector<1x16xf32> to vector<16xf32>
          %swap3A_660 = vector.shape_cast %mul3A_655 : vector<16xf32> to vector<1x16xf32>
          tpu.vector_store %arg8[%swap3A_656, %swap3A_657], %swap3A_660 {strides = array<i32>} : memref<128x128xf32, #tpu.memory_space<vmem>>, vector<1x16xf32>,
          %get3A_661 = arith.index_cast %add3A_640 : i32 to index
          %get3A_662 = arith.constant 32 : index
          %get3A_663 = tpu.vector_load %arg8[%get3A_661, %get3A_662] {strides = array<i32>} : memref<128x128xf32, #tpu.memory_space<vmem>>, vector<1x16xf32>,
          %get3A_664 = vector.shape_cast %get3A_663 : vector<1x16xf32> to vector<16xf32>
          %mul3A_665 = arith.mulf %get3A_664, %broadcast_in_dim3A_636 : vector<16xf32>
          %swap3A_666 = arith.index_cast %add3A_640 : i32 to index
          %swap3A_667 = arith.constant 32 : index
          %swap3A_668 = tpu.vector_load %arg8[%swap3A_666, %swap3A_667] {strides = array<i32>} : memref<128x128xf32, #tpu.memory_space<vmem>>, vector<1x16xf32>,
          %swap3A_669 = vector.shape_cast %swap3A_668 : vector<1x16xf32> to vector<16xf32>
          %swap3A_670 = vector.shape_cast %mul3A_665 : vector<16xf32> to vector<1x16xf32>
          tpu.vector_store %arg8[%swap3A_666, %swap3A_667], %swap3A_670 {strides = array<i32>} : memref<128x128xf32, #tpu.memory_space<vmem>>, vector<1x16xf32>,
          %get3A_671 = arith.index_cast %add3A_640 : i32 to index
          %get3A_672 = arith.constant 48 : index
          %get3A_673 = tpu.vector_load %arg8[%get3A_671, %get3A_672] {strides = array<i32>} : memref<128x128xf32, #tpu.memory_space<vmem>>, vector<1x16xf32>,
          %get3A_674 = vector.shape_cast %get3A_673 : vector<1x16xf32> to vector<16xf32>
          %mul3A_675 = arith.mulf %get3A_674, %broadcast_in_dim3A_636 : vector<16xf32>
          %swap3A_676 = arith.index_cast %add3A_640 : i32 to index
          %swap3A_677 = arith.constant 48 : index
          %swap3A_678 = tpu.vector_load %arg8[%swap3A_676, %swap3A_677] {strides = array<i32>} : memref<128x128xf32, #tpu.memory_space<vmem>>, vector<1x16xf32>,
          %swap3A_679 = vector.shape_cast %swap3A_678 : vector<1x16xf32> to vector<16xf32>
          %swap3A_680 = vector.shape_cast %mul3A_675 : vector<16xf32> to vector<1x16xf32>
          tpu.vector_store %arg8[%swap3A_676, %swap3A_677], %swap3A_680 {strides = array<i32>} : memref<128x128xf32, #tpu.memory_space<vmem>>, vector<1x16xf32>,
          %get3A_681 = arith.index_cast %add3A_640 : i32 to index
          %get3A_682 = arith.constant 64 : index
          %get3A_683 = tpu.vector_load %arg8[%get3A_681, %get3A_682] {strides = array<i32>} : memref<128x128xf32, #tpu.memory_space<vmem>>, vector<1x16xf32>,
          %get3A_684 = vector.shape_cast %get3A_683 : vector<1x16xf32> to vector<16xf32>
          %mul3A_685 = arith.mulf %get3A_684, %broadcast_in_dim3A_636 : vector<16xf32>
          %swap3A_686 = arith.index_cast %add3A_640 : i32 to index
          %swap3A_687 = arith.constant 64 : index
          %swap3A_688 = tpu.vector_load %arg8[%swap3A_686, %swap3A_687] {strides = array<i32>} : memref<128x128xf32, #tpu.memory_space<vmem>>, vector<1x16xf32>,
          %swap3A_689 = vector.shape_cast %swap3A_688 : vector<1x16xf32> to vector<16xf32>
          %swap3A_690 = vector.shape_cast %mul3A_685 : vector<16xf32> to vector<1x16xf32>
          tpu.vector_store %arg8[%swap3A_686, %swap3A_687], %swap3A_690 {strides = array<i32>} : memref<128x128xf32, #tpu.memory_space<vmem>>, vector<1x16xf32>,
          %get3A_691 = arith.index_cast %add3A_640 : i32 to index
          %get3A_692 = arith.constant 80 : index
          %get3A_693 = tpu.vector_load %arg8[%get3A_691, %get3A_692] {strides = array<i32>} : memref<128x128xf32, #tpu.memory_space<vmem>>, vector<1x16xf32>,
          %get3A_694 = vector.shape_cast %get3A_693 : vector<1x16xf32> to vector<16xf32>
          %mul3A_695 = arith.mulf %get3A_694, %broadcast_in_dim3A_636 : vector<16xf32>
          %swap3A_696 = arith.index_cast %add3A_640 : i32 to index
          %swap3A_697 = arith.constant 80 : index
          %swap3A_698 = tpu.vector_load %arg8[%swap3A_696, %swap3A_697] {strides = array<i32>} : memref<128x128xf32, #tpu.memory_space<vmem>>, vector<1x16xf32>,
          %swap3A_699 = vector.shape_cast %swap3A_698 : vector<1x16xf32> to vector<16xf32>
          %swap3A_700 = vector.shape_cast %mul3A_695 : vector<16xf32> to vector<1x16xf32>
          tpu.vector_store %arg8[%swap3A_696, %swap3A_697], %swap3A_700 {strides = array<i32>} : memref<128x128xf32, #tpu.memory_space<vmem>>, vector<1x16xf32>,
          %get3A_701 = arith.index_cast %add3A_640 : i32 to index
          %get3A_702 = arith.constant 96 : index
          %get3A_703 = tpu.vector_load %arg8[%get3A_701, %get3A_702] {strides = array<i32>} : memref<128x128xf32, #tpu.memory_space<vmem>>, vector<1x16xf32>,
          %get3A_704 = vector.shape_cast %get3A_703 : vector<1x16xf32> to vector<16xf32>
          %mul3A_705 = arith.mulf %get3A_704, %broadcast_in_dim3A_636 : vector<16xf32>
          %swap3A_706 = arith.index_cast %add3A_640 : i32 to index
          %swap3A_707 = arith.constant 96 : index
          %swap3A_708 = tpu.vector_load %arg8[%swap3A_706, %swap3A_707] {strides = array<i32>} : memref<128x128xf32, #tpu.memory_space<vmem>>, vector<1x16xf32>,
          %swap3A_709 = vector.shape_cast %swap3A_708 : vector<1x16xf32> to vector<16xf32>
          %swap3A_710 = vector.shape_cast %mul3A_705 : vector<16xf32> to vector<1x16xf32>
          tpu.vector_store %arg8[%swap3A_706, %swap3A_707], %swap3A_710 {strides = array<i32>} : memref<128x128xf32, #tpu.memory_space<vmem>>, vector<1x16xf32>,
          %get3A_711 = arith.index_cast %add3A_640 : i32 to index
          %get3A_712 = arith.constant 112 : index
          %get3A_713 = tpu.vector_load %arg8[%get3A_711, %get3A_712] {strides = array<i32>} : memref<128x128xf32, #tpu.memory_space<vmem>>, vector<1x16xf32>,
          %get3A_714 = vector.shape_cast %get3A_713 : vector<1x16xf32> to vector<16xf32>
          %mul3A_715 = arith.mulf %get3A_714, %broadcast_in_dim3A_636 : vector<16xf32>
          %swap3A_716 = arith.index_cast %add3A_640 : i32 to index
          %swap3A_717 = arith.constant 112 : index
          %swap3A_718 = tpu.vector_load %arg8[%swap3A_716, %swap3A_717] {strides = array<i32>} : memref<128x128xf32, #tpu.memory_space<vmem>>, vector<1x16xf32>,
          %swap3A_719 = vector.shape_cast %swap3A_718 : vector<1x16xf32> to vector<16xf32>
          %swap3A_720 = vector.shape_cast %mul3A_715 : vector<16xf32> to vector<1x16xf32>
          tpu.vector_store %arg8[%swap3A_716, %swap3A_717], %swap3A_720 {strides = array<i32>} : memref<128x128xf32, #tpu.memory_space<vmem>>, vector<1x16xf32>,
          %slice3A_721 = vector.extract_strided_slice %get3A_114 {offsets = [7], sizes = [1], strides = [1]} : vector<16xf32> to vector<1xf32>
          %squeeze3A_722 = vector.extract %slice3A_721[0] : f32 from vector<1xf32>
          %broadcast_in_dim3A_723 = vector.broadcast %squeeze3A_722 : f32 to vector<16xf32>
          %mul3A_724 = arith.constant 16 : i32
          %mul3A_725 = arith.muli %scan3A_108, %mul3A_724 : i32
          %add3A_726 = arith.constant 7 : i32
          %add3A_727 = arith.addi %mul3A_725, %add3A_726 : i32
          %get3A_728 = arith.index_cast %add3A_727 : i32 to index
          %get3A_729 = arith.constant 0 : index
          %get3A_730 = tpu.vector_load %arg8[%get3A_728, %get3A_729] {strides = array<i32>} : memref<128x128xf32, #tpu.memory_space<vmem>>, vector<1x16xf32>,
          %get3A_731 = vector.shape_cast %get3A_730 : vector<1x16xf32> to vector<16xf32>
          %mul3A_732 = arith.mulf %get3A_731, %broadcast_in_dim3A_723 : vector<16xf32>
          %swap3A_733 = arith.index_cast %add3A_727 : i32 to index
          %swap3A_734 = arith.constant 0 : index
          %swap3A_735 = tpu.vector_load %arg8[%swap3A_733, %swap3A_734] {strides = array<i32>} : memref<128x128xf32, #tpu.memory_space<vmem>>, vector<1x16xf32>,
          %swap3A_736 = vector.shape_cast %swap3A_735 : vector<1x16xf32> to vector<16xf32>
          %swap3A_737 = vector.shape_cast %mul3A_732 : vector<16xf32> to vector<1x16xf32>
          tpu.vector_store %arg8[%swap3A_733, %swap3A_734], %swap3A_737 {strides = array<i32>} : memref<128x128xf32, #tpu.memory_space<vmem>>, vector<1x16xf32>,
          %get3A_738 = arith.index_cast %add3A_727 : i32 to index
          %get3A_739 = arith.constant 16 : index
          %get3A_740 = tpu.vector_load %arg8[%get3A_738, %get3A_739] {strides = array<i32>} : memref<128x128xf32, #tpu.memory_space<vmem>>, vector<1x16xf32>,
          %get3A_741 = vector.shape_cast %get3A_740 : vector<1x16xf32> to vector<16xf32>
          %mul3A_742 = arith.mulf %get3A_741, %broadcast_in_dim3A_723 : vector<16xf32>
          %swap3A_743 = arith.index_cast %add3A_727 : i32 to index
          %swap3A_744 = arith.constant 16 : index
          %swap3A_745 = tpu.vector_load %arg8[%swap3A_743, %swap3A_744] {strides = array<i32>} : memref<128x128xf32, #tpu.memory_space<vmem>>, vector<1x16xf32>,
          %swap3A_746 = vector.shape_cast %swap3A_745 : vector<1x16xf32> to vector<16xf32>
          %swap3A_747 = vector.shape_cast %mul3A_742 : vector<16xf32> to vector<1x16xf32>
          tpu.vector_store %arg8[%swap3A_743, %swap3A_744], %swap3A_747 {strides = array<i32>} : memref<128x128xf32, #tpu.memory_space<vmem>>, vector<1x16xf32>,
          %get3A_748 = arith.index_cast %add3A_727 : i32 to index
          %get3A_749 = arith.constant 32 : index
          %get3A_750 = tpu.vector_load %arg8[%get3A_748, %get3A_749] {strides = array<i32>} : memref<128x128xf32, #tpu.memory_space<vmem>>, vector<1x16xf32>,
          %get3A_751 = vector.shape_cast %get3A_750 : vector<1x16xf32> to vector<16xf32>
          %mul3A_752 = arith.mulf %get3A_751, %broadcast_in_dim3A_723 : vector<16xf32>
          %swap3A_753 = arith.index_cast %add3A_727 : i32 to index
          %swap3A_754 = arith.constant 32 : index
          %swap3A_755 = tpu.vector_load %arg8[%swap3A_753, %swap3A_754] {strides = array<i32>} : memref<128x128xf32, #tpu.memory_space<vmem>>, vector<1x16xf32>,
          %swap3A_756 = vector.shape_cast %swap3A_755 : vector<1x16xf32> to vector<16xf32>
          %swap3A_757 = vector.shape_cast %mul3A_752 : vector<16xf32> to vector<1x16xf32>
          tpu.vector_store %arg8[%swap3A_753, %swap3A_754], %swap3A_757 {strides = array<i32>} : memref<128x128xf32, #tpu.memory_space<vmem>>, vector<1x16xf32>,
          %get3A_758 = arith.index_cast %add3A_727 : i32 to index
          %get3A_759 = arith.constant 48 : index
          %get3A_760 = tpu.vector_load %arg8[%get3A_758, %get3A_759] {strides = array<i32>} : memref<128x128xf32, #tpu.memory_space<vmem>>, vector<1x16xf32>,
          %get3A_761 = vector.shape_cast %get3A_760 : vector<1x16xf32> to vector<16xf32>
          %mul3A_762 = arith.mulf %get3A_761, %broadcast_in_dim3A_723 : vector<16xf32>
          %swap3A_763 = arith.index_cast %add3A_727 : i32 to index
          %swap3A_764 = arith.constant 48 : index
          %swap3A_765 = tpu.vector_load %arg8[%swap3A_763, %swap3A_764] {strides = array<i32>} : memref<128x128xf32, #tpu.memory_space<vmem>>, vector<1x16xf32>,
          %swap3A_766 = vector.shape_cast %swap3A_765 : vector<1x16xf32> to vector<16xf32>
          %swap3A_767 = vector.shape_cast %mul3A_762 : vector<16xf32> to vector<1x16xf32>
          tpu.vector_store %arg8[%swap3A_763, %swap3A_764], %swap3A_767 {strides = array<i32>} : memref<128x128xf32, #tpu.memory_space<vmem>>, vector<1x16xf32>,
          %get3A_768 = arith.index_cast %add3A_727 : i32 to index
          %get3A_769 = arith.constant 64 : index
          %get3A_770 = tpu.vector_load %arg8[%get3A_768, %get3A_769] {strides = array<i32>} : memref<128x128xf32, #tpu.memory_space<vmem>>, vector<1x16xf32>,
          %get3A_771 = vector.shape_cast %get3A_770 : vector<1x16xf32> to vector<16xf32>
          %mul3A_772 = arith.mulf %get3A_771, %broadcast_in_dim3A_723 : vector<16xf32>
          %swap3A_773 = arith.index_cast %add3A_727 : i32 to index
          %swap3A_774 = arith.constant 64 : index
          %swap3A_775 = tpu.vector_load %arg8[%swap3A_773, %swap3A_774] {strides = array<i32>} : memref<128x128xf32, #tpu.memory_space<vmem>>, vector<1x16xf32>,
          %swap3A_776 = vector.shape_cast %swap3A_775 : vector<1x16xf32> to vector<16xf32>
          %swap3A_777 = vector.shape_cast %mul3A_772 : vector<16xf32> to vector<1x16xf32>
          tpu.vector_store %arg8[%swap3A_773, %swap3A_774], %swap3A_777 {strides = array<i32>} : memref<128x128xf32, #tpu.memory_space<vmem>>, vector<1x16xf32>,
          %get3A_778 = arith.index_cast %add3A_727 : i32 to index
          %get3A_779 = arith.constant 80 : index
          %get3A_780 = tpu.vector_load %arg8[%get3A_778, %get3A_779] {strides = array<i32>} : memref<128x128xf32, #tpu.memory_space<vmem>>, vector<1x16xf32>,
          %get3A_781 = vector.shape_cast %get3A_780 : vector<1x16xf32> to vector<16xf32>
          %mul3A_782 = arith.mulf %get3A_781, %broadcast_in_dim3A_723 : vector<16xf32>
          %swap3A_783 = arith.index_cast %add3A_727 : i32 to index
          %swap3A_784 = arith.constant 80 : index
          %swap3A_785 = tpu.vector_load %arg8[%swap3A_783, %swap3A_784] {strides = array<i32>} : memref<128x128xf32, #tpu.memory_space<vmem>>, vector<1x16xf32>,
          %swap3A_786 = vector.shape_cast %swap3A_785 : vector<1x16xf32> to vector<16xf32>
          %swap3A_787 = vector.shape_cast %mul3A_782 : vector<16xf32> to vector<1x16xf32>
          tpu.vector_store %arg8[%swap3A_783, %swap3A_784], %swap3A_787 {strides = array<i32>} : memref<128x128xf32, #tpu.memory_space<vmem>>, vector<1x16xf32>,
          %get3A_788 = arith.index_cast %add3A_727 : i32 to index
          %get3A_789 = arith.constant 96 : index
          %get3A_790 = tpu.vector_load %arg8[%get3A_788, %get3A_789] {strides = array<i32>} : memref<128x128xf32, #tpu.memory_space<vmem>>, vector<1x16xf32>,
          %get3A_791 = vector.shape_cast %get3A_790 : vector<1x16xf32> to vector<16xf32>
          %mul3A_792 = arith.mulf %get3A_791, %broadcast_in_dim3A_723 : vector<16xf32>
          %swap3A_793 = arith.index_cast %add3A_727 : i32 to index
          %swap3A_794 = arith.constant 96 : index
          %swap3A_795 = tpu.vector_load %arg8[%swap3A_793, %swap3A_794] {strides = array<i32>} : memref<128x128xf32, #tpu.memory_space<vmem>>, vector<1x16xf32>,
          %swap3A_796 = vector.shape_cast %swap3A_795 : vector<1x16xf32> to vector<16xf32>
          %swap3A_797 = vector.shape_cast %mul3A_792 : vector<16xf32> to vector<1x16xf32>
          tpu.vector_store %arg8[%swap3A_793, %swap3A_794], %swap3A_797 {strides = array<i32>} : memref<128x128xf32, #tpu.memory_space<vmem>>, vector<1x16xf32>,
          %get3A_798 = arith.index_cast %add3A_727 : i32 to index
          %get3A_799 = arith.constant 112 : index
          %get3A_800 = tpu.vector_load %arg8[%get3A_798, %get3A_799] {strides = array<i32>} : memref<128x128xf32, #tpu.memory_space<vmem>>, vector<1x16xf32>,
          %get3A_801 = vector.shape_cast %get3A_800 : vector<1x16xf32> to vector<16xf32>
          %mul3A_802 = arith.mulf %get3A_801, %broadcast_in_dim3A_723 : vector<16xf32>
          %swap3A_803 = arith.index_cast %add3A_727 : i32 to index
          %swap3A_804 = arith.constant 112 : index
          %swap3A_805 = tpu.vector_load %arg8[%swap3A_803, %swap3A_804] {strides = array<i32>} : memref<128x128xf32, #tpu.memory_space<vmem>>, vector<1x16xf32>,
          %swap3A_806 = vector.shape_cast %swap3A_805 : vector<1x16xf32> to vector<16xf32>
          %swap3A_807 = vector.shape_cast %mul3A_802 : vector<16xf32> to vector<1x16xf32>
          tpu.vector_store %arg8[%swap3A_803, %swap3A_804], %swap3A_807 {strides = array<i32>} : memref<128x128xf32, #tpu.memory_space<vmem>>, vector<1x16xf32>,
          %slice3A_808 = vector.extract_strided_slice %get3A_114 {offsets = [8], sizes = [1], strides = [1]} : vector<16xf32> to vector<1xf32>
          %squeeze3A_809 = vector.extract %slice3A_808[0] : f32 from vector<1xf32>
          %broadcast_in_dim3A_810 = vector.broadcast %squeeze3A_809 : f32 to vector<16xf32>
          %mul3A_811 = arith.constant 16 : i32
          %mul3A_812 = arith.muli %scan3A_108, %mul3A_811 : i32
          %add3A_813 = arith.constant 8 : i32
          %add3A_814 = arith.addi %mul3A_812, %add3A_813 : i32
          %get3A_815 = arith.index_cast %add3A_814 : i32 to index
          %get3A_816 = arith.constant 0 : index
          %get3A_817 = tpu.vector_load %arg8[%get3A_815, %get3A_816] {strides = array<i32>} : memref<128x128xf32, #tpu.memory_space<vmem>>, vector<1x16xf32>,
          %get3A_818 = vector.shape_cast %get3A_817 : vector<1x16xf32> to vector<16xf32>
          %mul3A_819 = arith.mulf %get3A_818, %broadcast_in_dim3A_810 : vector<16xf32>
          %swap3A_820 = arith.index_cast %add3A_814 : i32 to index
          %swap3A_821 = arith.constant 0 : index
          %swap3A_822 = tpu.vector_load %arg8[%swap3A_820, %swap3A_821] {strides = array<i32>} : memref<128x128xf32, #tpu.memory_space<vmem>>, vector<1x16xf32>,
          %swap3A_823 = vector.shape_cast %swap3A_822 : vector<1x16xf32> to vector<16xf32>
          %swap3A_824 = vector.shape_cast %mul3A_819 : vector<16xf32> to vector<1x16xf32>
          tpu.vector_store %arg8[%swap3A_820, %swap3A_821], %swap3A_824 {strides = array<i32>} : memref<128x128xf32, #tpu.memory_space<vmem>>, vector<1x16xf32>,
          %get3A_825 = arith.index_cast %add3A_814 : i32 to index
          %get3A_826 = arith.constant 16 : index
          %get3A_827 = tpu.vector_load %arg8[%get3A_825, %get3A_826] {strides = array<i32>} : memref<128x128xf32, #tpu.memory_space<vmem>>, vector<1x16xf32>,
          %get3A_828 = vector.shape_cast %get3A_827 : vector<1x16xf32> to vector<16xf32>
          %mul3A_829 = arith.mulf %get3A_828, %broadcast_in_dim3A_810 : vector<16xf32>
          %swap3A_830 = arith.index_cast %add3A_814 : i32 to index
          %swap3A_831 = arith.constant 16 : index
          %swap3A_832 = tpu.vector_load %arg8[%swap3A_830, %swap3A_831] {strides = array<i32>} : memref<128x128xf32, #tpu.memory_space<vmem>>, vector<1x16xf32>,
          %swap3A_833 = vector.shape_cast %swap3A_832 : vector<1x16xf32> to vector<16xf32>
          %swap3A_834 = vector.shape_cast %mul3A_829 : vector<16xf32> to vector<1x16xf32>
          tpu.vector_store %arg8[%swap3A_830, %swap3A_831], %swap3A_834 {strides = array<i32>} : memref<128x128xf32, #tpu.memory_space<vmem>>, vector<1x16xf32>,
          %get3A_835 = arith.index_cast %add3A_814 : i32 to index
          %get3A_836 = arith.constant 32 : index
          %get3A_837 = tpu.vector_load %arg8[%get3A_835, %get3A_836] {strides = array<i32>} : memref<128x128xf32, #tpu.memory_space<vmem>>, vector<1x16xf32>,
          %get3A_838 = vector.shape_cast %get3A_837 : vector<1x16xf32> to vector<16xf32>
          %mul3A_839 = arith.mulf %get3A_838, %broadcast_in_dim3A_810 : vector<16xf32>
          %swap3A_840 = arith.index_cast %add3A_814 : i32 to index
          %swap3A_841 = arith.constant 32 : index
          %swap3A_842 = tpu.vector_load %arg8[%swap3A_840, %swap3A_841] {strides = array<i32>} : memref<128x128xf32, #tpu.memory_space<vmem>>, vector<1x16xf32>,
          %swap3A_843 = vector.shape_cast %swap3A_842 : vector<1x16xf32> to vector<16xf32>
          %swap3A_844 = vector.shape_cast %mul3A_839 : vector<16xf32> to vector<1x16xf32>
          tpu.vector_store %arg8[%swap3A_840, %swap3A_841], %swap3A_844 {strides = array<i32>} : memref<128x128xf32, #tpu.memory_space<vmem>>, vector<1x16xf32>,
          %get3A_845 = arith.index_cast %add3A_814 : i32 to index
          %get3A_846 = arith.constant 48 : index
          %get3A_847 = tpu.vector_load %arg8[%get3A_845, %get3A_846] {strides = array<i32>} : memref<128x128xf32, #tpu.memory_space<vmem>>, vector<1x16xf32>,
          %get3A_848 = vector.shape_cast %get3A_847 : vector<1x16xf32> to vector<16xf32>
          %mul3A_849 = arith.mulf %get3A_848, %broadcast_in_dim3A_810 : vector<16xf32>
          %swap3A_850 = arith.index_cast %add3A_814 : i32 to index
          %swap3A_851 = arith.constant 48 : index
          %swap3A_852 = tpu.vector_load %arg8[%swap3A_850, %swap3A_851] {strides = array<i32>} : memref<128x128xf32, #tpu.memory_space<vmem>>, vector<1x16xf32>,
          %swap3A_853 = vector.shape_cast %swap3A_852 : vector<1x16xf32> to vector<16xf32>
          %swap3A_854 = vector.shape_cast %mul3A_849 : vector<16xf32> to vector<1x16xf32>
          tpu.vector_store %arg8[%swap3A_850, %swap3A_851], %swap3A_854 {strides = array<i32>} : memref<128x128xf32, #tpu.memory_space<vmem>>, vector<1x16xf32>,
          %get3A_855 = arith.index_cast %add3A_814 : i32 to index
          %get3A_856 = arith.constant 64 : index
          %get3A_857 = tpu.vector_load %arg8[%get3A_855, %get3A_856] {strides = array<i32>} : memref<128x128xf32, #tpu.memory_space<vmem>>, vector<1x16xf32>,
          %get3A_858 = vector.shape_cast %get3A_857 : vector<1x16xf32> to vector<16xf32>
          %mul3A_859 = arith.mulf %get3A_858, %broadcast_in_dim3A_810 : vector<16xf32>
          %swap3A_860 = arith.index_cast %add3A_814 : i32 to index
          %swap3A_861 = arith.constant 64 : index
          %swap3A_862 = tpu.vector_load %arg8[%swap3A_860, %swap3A_861] {strides = array<i32>} : memref<128x128xf32, #tpu.memory_space<vmem>>, vector<1x16xf32>,
          %swap3A_863 = vector.shape_cast %swap3A_862 : vector<1x16xf32> to vector<16xf32>
          %swap3A_864 = vector.shape_cast %mul3A_859 : vector<16xf32> to vector<1x16xf32>
          tpu.vector_store %arg8[%swap3A_860, %swap3A_861], %swap3A_864 {strides = array<i32>} : memref<128x128xf32, #tpu.memory_space<vmem>>, vector<1x16xf32>,
          %get3A_865 = arith.index_cast %add3A_814 : i32 to index
          %get3A_866 = arith.constant 80 : index
          %get3A_867 = tpu.vector_load %arg8[%get3A_865, %get3A_866] {strides = array<i32>} : memref<128x128xf32, #tpu.memory_space<vmem>>, vector<1x16xf32>,
          %get3A_868 = vector.shape_cast %get3A_867 : vector<1x16xf32> to vector<16xf32>
          %mul3A_869 = arith.mulf %get3A_868, %broadcast_in_dim3A_810 : vector<16xf32>
          %swap3A_870 = arith.index_cast %add3A_814 : i32 to index
          %swap3A_871 = arith.constant 80 : index
          %swap3A_872 = tpu.vector_load %arg8[%swap3A_870, %swap3A_871] {strides = array<i32>} : memref<128x128xf32, #tpu.memory_space<vmem>>, vector<1x16xf32>,
          %swap3A_873 = vector.shape_cast %swap3A_872 : vector<1x16xf32> to vector<16xf32>
          %swap3A_874 = vector.shape_cast %mul3A_869 : vector<16xf32> to vector<1x16xf32>
          tpu.vector_store %arg8[%swap3A_870, %swap3A_871], %swap3A_874 {strides = array<i32>} : memref<128x128xf32, #tpu.memory_space<vmem>>, vector<1x16xf32>,
          %get3A_875 = arith.index_cast %add3A_814 : i32 to index
          %get3A_876 = arith.constant 96 : index
          %get3A_877 = tpu.vector_load %arg8[%get3A_875, %get3A_876] {strides = array<i32>} : memref<128x128xf32, #tpu.memory_space<vmem>>, vector<1x16xf32>,
          %get3A_878 = vector.shape_cast %get3A_877 : vector<1x16xf32> to vector<16xf32>
          %mul3A_879 = arith.mulf %get3A_878, %broadcast_in_dim3A_810 : vector<16xf32>
          %swap3A_880 = arith.index_cast %add3A_814 : i32 to index
          %swap3A_881 = arith.constant 96 : index
          %swap3A_882 = tpu.vector_load %arg8[%swap3A_880, %swap3A_881] {strides = array<i32>} : memref<128x128xf32, #tpu.memory_space<vmem>>, vector<1x16xf32>,
          %swap3A_883 = vector.shape_cast %swap3A_882 : vector<1x16xf32> to vector<16xf32>
          %swap3A_884 = vector.shape_cast %mul3A_879 : vector<16xf32> to vector<1x16xf32>
          tpu.vector_store %arg8[%swap3A_880, %swap3A_881], %swap3A_884 {strides = array<i32>} : memref<128x128xf32, #tpu.memory_space<vmem>>, vector<1x16xf32>,
          %get3A_885 = arith.index_cast %add3A_814 : i32 to index
          %get3A_886 = arith.constant 112 : index
          %get3A_887 = tpu.vector_load %arg8[%get3A_885, %get3A_886] {strides = array<i32>} : memref<128x128xf32, #tpu.memory_space<vmem>>, vector<1x16xf32>,
          %get3A_888 = vector.shape_cast %get3A_887 : vector<1x16xf32> to vector<16xf32>
          %mul3A_889 = arith.mulf %get3A_888, %broadcast_in_dim3A_810 : vector<16xf32>
          %swap3A_890 = arith.index_cast %add3A_814 : i32 to index
          %swap3A_891 = arith.constant 112 : index
          %swap3A_892 = tpu.vector_load %arg8[%swap3A_890, %swap3A_891] {strides = array<i32>} : memref<128x128xf32, #tpu.memory_space<vmem>>, vector<1x16xf32>,
          %swap3A_893 = vector.shape_cast %swap3A_892 : vector<1x16xf32> to vector<16xf32>
          %swap3A_894 = vector.shape_cast %mul3A_889 : vector<16xf32> to vector<1x16xf32>
          tpu.vector_store %arg8[%swap3A_890, %swap3A_891], %swap3A_894 {strides = array<i32>} : memref<128x128xf32, #tpu.memory_space<vmem>>, vector<1x16xf32>,
          %slice3A_895 = vector.extract_strided_slice %get3A_114 {offsets = [9], sizes = [1], strides = [1]} : vector<16xf32> to vector<1xf32>
          %squeeze3A_896 = vector.extract %slice3A_895[0] : f32 from vector<1xf32>
          %broadcast_in_dim3A_897 = vector.broadcast %squeeze3A_896 : f32 to vector<16xf32>
          %mul3A_898 = arith.constant 16 : i32
          %mul3A_899 = arith.muli %scan3A_108, %mul3A_898 : i32
          %add3A_900 = arith.constant 9 : i32
          %add3A_901 = arith.addi %mul3A_899, %add3A_900 : i32
          %get3A_902 = arith.index_cast %add3A_901 : i32 to index
          %get3A_903 = arith.constant 0 : index
          %get3A_904 = tpu.vector_load %arg8[%get3A_902, %get3A_903] {strides = array<i32>} : memref<128x128xf32, #tpu.memory_space<vmem>>, vector<1x16xf32>,
          %get3A_905 = vector.shape_cast %get3A_904 : vector<1x16xf32> to vector<16xf32>
          %mul3A_906 = arith.mulf %get3A_905, %broadcast_in_dim3A_897 : vector<16xf32>
          %swap3A_907 = arith.index_cast %add3A_901 : i32 to index
          %swap3A_908 = arith.constant 0 : index
          %swap3A_909 = tpu.vector_load %arg8[%swap3A_907, %swap3A_908] {strides = array<i32>} : memref<128x128xf32, #tpu.memory_space<vmem>>, vector<1x16xf32>,
          %swap3A_910 = vector.shape_cast %swap3A_909 : vector<1x16xf32> to vector<16xf32>
          %swap3A_911 = vector.shape_cast %mul3A_906 : vector<16xf32> to vector<1x16xf32>
          tpu.vector_store %arg8[%swap3A_907, %swap3A_908], %swap3A_911 {strides = array<i32>} : memref<128x128xf32, #tpu.memory_space<vmem>>, vector<1x16xf32>,
          %get3A_912 = arith.index_cast %add3A_901 : i32 to index
          %get3A_913 = arith.constant 16 : index
          %get3A_914 = tpu.vector_load %arg8[%get3A_912, %get3A_913] {strides = array<i32>} : memref<128x128xf32, #tpu.memory_space<vmem>>, vector<1x16xf32>,
          %get3A_915 = vector.shape_cast %get3A_914 : vector<1x16xf32> to vector<16xf32>
          %mul3A_916 = arith.mulf %get3A_915, %broadcast_in_dim3A_897 : vector<16xf32>
          %swap3A_917 = arith.index_cast %add3A_901 : i32 to index
          %swap3A_918 = arith.constant 16 : index
          %swap3A_919 = tpu.vector_load %arg8[%swap3A_917, %swap3A_918] {strides = array<i32>} : memref<128x128xf32, #tpu.memory_space<vmem>>, vector<1x16xf32>,
          %swap3A_920 = vector.shape_cast %swap3A_919 : vector<1x16xf32> to vector<16xf32>
          %swap3A_921 = vector.shape_cast %mul3A_916 : vector<16xf32> to vector<1x16xf32>
          tpu.vector_store %arg8[%swap3A_917, %swap3A_918], %swap3A_921 {strides = array<i32>} : memref<128x128xf32, #tpu.memory_space<vmem>>, vector<1x16xf32>,
          %get3A_922 = arith.index_cast %add3A_901 : i32 to index
          %get3A_923 = arith.constant 32 : index
          %get3A_924 = tpu.vector_load %arg8[%get3A_922, %get3A_923] {strides = array<i32>} : memref<128x128xf32, #tpu.memory_space<vmem>>, vector<1x16xf32>,
          %get3A_925 = vector.shape_cast %get3A_924 : vector<1x16xf32> to vector<16xf32>
          %mul3A_926 = arith.mulf %get3A_925, %broadcast_in_dim3A_897 : vector<16xf32>
          %swap3A_927 = arith.index_cast %add3A_901 : i32 to index
          %swap3A_928 = arith.constant 32 : index
          %swap3A_929 = tpu.vector_load %arg8[%swap3A_927, %swap3A_928] {strides = array<i32>} : memref<128x128xf32, #tpu.memory_space<vmem>>, vector<1x16xf32>,
          %swap3A_930 = vector.shape_cast %swap3A_929 : vector<1x16xf32> to vector<16xf32>
          %swap3A_931 = vector.shape_cast %mul3A_926 : vector<16xf32> to vector<1x16xf32>
          tpu.vector_store %arg8[%swap3A_927, %swap3A_928], %swap3A_931 {strides = array<i32>} : memref<128x128xf32, #tpu.memory_space<vmem>>, vector<1x16xf32>,
          %get3A_932 = arith.index_cast %add3A_901 : i32 to index
          %get3A_933 = arith.constant 48 : index
          %get3A_934 = tpu.vector_load %arg8[%get3A_932, %get3A_933] {strides = array<i32>} : memref<128x128xf32, #tpu.memory_space<vmem>>, vector<1x16xf32>,
          %get3A_935 = vector.shape_cast %get3A_934 : vector<1x16xf32> to vector<16xf32>
          %mul3A_936 = arith.mulf %get3A_935, %broadcast_in_dim3A_897 : vector<16xf32>
          %swap3A_937 = arith.index_cast %add3A_901 : i32 to index
          %swap3A_938 = arith.constant 48 : index
          %swap3A_939 = tpu.vector_load %arg8[%swap3A_937, %swap3A_938] {strides = array<i32>} : memref<128x128xf32, #tpu.memory_space<vmem>>, vector<1x16xf32>,
          %swap3A_940 = vector.shape_cast %swap3A_939 : vector<1x16xf32> to vector<16xf32>
          %swap3A_941 = vector.shape_cast %mul3A_936 : vector<16xf32> to vector<1x16xf32>
          tpu.vector_store %arg8[%swap3A_937, %swap3A_938], %swap3A_941 {strides = array<i32>} : memref<128x128xf32, #tpu.memory_space<vmem>>, vector<1x16xf32>,
          %get3A_942 = arith.index_cast %add3A_901 : i32 to index
          %get3A_943 = arith.constant 64 : index
          %get3A_944 = tpu.vector_load %arg8[%get3A_942, %get3A_943] {strides = array<i32>} : memref<128x128xf32, #tpu.memory_space<vmem>>, vector<1x16xf32>,
          %get3A_945 = vector.shape_cast %get3A_944 : vector<1x16xf32> to vector<16xf32>
          %mul3A_946 = arith.mulf %get3A_945, %broadcast_in_dim3A_897 : vector<16xf32>
          %swap3A_947 = arith.index_cast %add3A_901 : i32 to index
          %swap3A_948 = arith.constant 64 : index
          %swap3A_949 = tpu.vector_load %arg8[%swap3A_947, %swap3A_948] {strides = array<i32>} : memref<128x128xf32, #tpu.memory_space<vmem>>, vector<1x16xf32>,
          %swap3A_950 = vector.shape_cast %swap3A_949 : vector<1x16xf32> to vector<16xf32>
          %swap3A_951 = vector.shape_cast %mul3A_946 : vector<16xf32> to vector<1x16xf32>
          tpu.vector_store %arg8[%swap3A_947, %swap3A_948], %swap3A_951 {strides = array<i32>} : memref<128x128xf32, #tpu.memory_space<vmem>>, vector<1x16xf32>,
          %get3A_952 = arith.index_cast %add3A_901 : i32 to index
          %get3A_953 = arith.constant 80 : index
          %get3A_954 = tpu.vector_load %arg8[%get3A_952, %get3A_953] {strides = array<i32>} : memref<128x128xf32, #tpu.memory_space<vmem>>, vector<1x16xf32>,
          %get3A_955 = vector.shape_cast %get3A_954 : vector<1x16xf32> to vector<16xf32>
          %mul3A_956 = arith.mulf %get3A_955, %broadcast_in_dim3A_897 : vector<16xf32>
          %swap3A_957 = arith.index_cast %add3A_901 : i32 to index
          %swap3A_958 = arith.constant 80 : index
          %swap3A_959 = tpu.vector_load %arg8[%swap3A_957, %swap3A_958] {strides = array<i32>} : memref<128x128xf32, #tpu.memory_space<vmem>>, vector<1x16xf32>,
          %swap3A_960 = vector.shape_cast %swap3A_959 : vector<1x16xf32> to vector<16xf32>
          %swap3A_961 = vector.shape_cast %mul3A_956 : vector<16xf32> to vector<1x16xf32>
          tpu.vector_store %arg8[%swap3A_957, %swap3A_958], %swap3A_961 {strides = array<i32>} : memref<128x128xf32, #tpu.memory_space<vmem>>, vector<1x16xf32>,
          %get3A_962 = arith.index_cast %add3A_901 : i32 to index
          %get3A_963 = arith.constant 96 : index
          %get3A_964 = tpu.vector_load %arg8[%get3A_962, %get3A_963] {strides = array<i32>} : memref<128x128xf32, #tpu.memory_space<vmem>>, vector<1x16xf32>,
          %get3A_965 = vector.shape_cast %get3A_964 : vector<1x16xf32> to vector<16xf32>
          %mul3A_966 = arith.mulf %get3A_965, %broadcast_in_dim3A_897 : vector<16xf32>
          %swap3A_967 = arith.index_cast %add3A_901 : i32 to index
          %swap3A_968 = arith.constant 96 : index
          %swap3A_969 = tpu.vector_load %arg8[%swap3A_967, %swap3A_968] {strides = array<i32>} : memref<128x128xf32, #tpu.memory_space<vmem>>, vector<1x16xf32>,
          %swap3A_970 = vector.shape_cast %swap3A_969 : vector<1x16xf32> to vector<16xf32>
          %swap3A_971 = vector.shape_cast %mul3A_966 : vector<16xf32> to vector<1x16xf32>
          tpu.vector_store %arg8[%swap3A_967, %swap3A_968], %swap3A_971 {strides = array<i32>} : memref<128x128xf32, #tpu.memory_space<vmem>>, vector<1x16xf32>,
          %get3A_972 = arith.index_cast %add3A_901 : i32 to index
          %get3A_973 = arith.constant 112 : index
          %get3A_974 = tpu.vector_load %arg8[%get3A_972, %get3A_973] {strides = array<i32>} : memref<128x128xf32, #tpu.memory_space<vmem>>, vector<1x16xf32>,
          %get3A_975 = vector.shape_cast %get3A_974 : vector<1x16xf32> to vector<16xf32>
          %mul3A_976 = arith.mulf %get3A_975, %broadcast_in_dim3A_897 : vector<16xf32>
          %swap3A_977 = arith.index_cast %add3A_901 : i32 to index
          %swap3A_978 = arith.constant 112 : index
          %swap3A_979 = tpu.vector_load %arg8[%swap3A_977, %swap3A_978] {strides = array<i32>} : memref<128x128xf32, #tpu.memory_space<vmem>>, vector<1x16xf32>,
          %swap3A_980 = vector.shape_cast %swap3A_979 : vector<1x16xf32> to vector<16xf32>
          %swap3A_981 = vector.shape_cast %mul3A_976 : vector<16xf32> to vector<1x16xf32>
          tpu.vector_store %arg8[%swap3A_977, %swap3A_978], %swap3A_981 {strides = array<i32>} : memref<128x128xf32, #tpu.memory_space<vmem>>, vector<1x16xf32>,
          %slice3A_982 = vector.extract_strided_slice %get3A_114 {offsets = [10], sizes = [1], strides = [1]} : vector<16xf32> to vector<1xf32>
          %squeeze3A_983 = vector.extract %slice3A_982[0] : f32 from vector<1xf32>
          %broadcast_in_dim3A_984 = vector.broadcast %squeeze3A_983 : f32 to vector<16xf32>
          %mul3A_985 = arith.constant 16 : i32
          %mul3A_986 = arith.muli %scan3A_108, %mul3A_985 : i32
          %add3A_987 = arith.constant 10 : i32
          %add3A_988 = arith.addi %mul3A_986, %add3A_987 : i32
          %get3A_989 = arith.index_cast %add3A_988 : i32 to index
          %get3A_990 = arith.constant 0 : index
          %get3A_991 = tpu.vector_load %arg8[%get3A_989, %get3A_990] {strides = array<i32>} : memref<128x128xf32, #tpu.memory_space<vmem>>, vector<1x16xf32>,
          %get3A_992 = vector.shape_cast %get3A_991 : vector<1x16xf32> to vector<16xf32>
          %mul3A_993 = arith.mulf %get3A_992, %broadcast_in_dim3A_984 : vector<16xf32>
          %swap3A_994 = arith.index_cast %add3A_988 : i32 to index
          %swap3A_995 = arith.constant 0 : index
          %swap3A_996 = tpu.vector_load %arg8[%swap3A_994, %swap3A_995] {strides = array<i32>} : memref<128x128xf32, #tpu.memory_space<vmem>>, vector<1x16xf32>,
          %swap3A_997 = vector.shape_cast %swap3A_996 : vector<1x16xf32> to vector<16xf32>
          %swap3A_998 = vector.shape_cast %mul3A_993 : vector<16xf32> to vector<1x16xf32>
          tpu.vector_store %arg8[%swap3A_994, %swap3A_995], %swap3A_998 {strides = array<i32>} : memref<128x128xf32, #tpu.memory_space<vmem>>, vector<1x16xf32>,
          %get3A_999 = arith.index_cast %add3A_988 : i32 to index
          %get3A_1000 = arith.constant 16 : index
          %get3A_1001 = tpu.vector_load %arg8[%get3A_999, %get3A_1000] {strides = array<i32>} : memref<128x128xf32, #tpu.memory_space<vmem>>, vector<1x16xf32>,
          %get3A_1002 = vector.shape_cast %get3A_1001 : vector<1x16xf32> to vector<16xf32>
          %mul3A_1003 = arith.mulf %get3A_1002, %broadcast_in_dim3A_984 : vector<16xf32>
          %swap3A_1004 = arith.index_cast %add3A_988 : i32 to index
          %swap3A_1005 = arith.constant 16 : index
          %swap3A_1006 = tpu.vector_load %arg8[%swap3A_1004, %swap3A_1005] {strides = array<i32>} : memref<128x128xf32, #tpu.memory_space<vmem>>, vector<1x16xf32>,
          %swap3A_1007 = vector.shape_cast %swap3A_1006 : vector<1x16xf32> to vector<16xf32>
          %swap3A_1008 = vector.shape_cast %mul3A_1003 : vector<16xf32> to vector<1x16xf32>
          tpu.vector_store %arg8[%swap3A_1004, %swap3A_1005], %swap3A_1008 {strides = array<i32>} : memref<128x128xf32, #tpu.memory_space<vmem>>, vector<1x16xf32>,
          %get3A_1009 = arith.index_cast %add3A_988 : i32 to index
          %get3A_1010 = arith.constant 32 : index
          %get3A_1011 = tpu.vector_load %arg8[%get3A_1009, %get3A_1010] {strides = array<i32>} : memref<128x128xf32, #tpu.memory_space<vmem>>, vector<1x16xf32>,
          %get3A_1012 = vector.shape_cast %get3A_1011 : vector<1x16xf32> to vector<16xf32>
          %mul3A_1013 = arith.mulf %get3A_1012, %broadcast_in_dim3A_984 : vector<16xf32>
          %swap3A_1014 = arith.index_cast %add3A_988 : i32 to index
          %swap3A_1015 = arith.constant 32 : index
          %swap3A_1016 = tpu.vector_load %arg8[%swap3A_1014, %swap3A_1015] {strides = array<i32>} : memref<128x128xf32, #tpu.memory_space<vmem>>, vector<1x16xf32>,
          %swap3A_1017 = vector.shape_cast %swap3A_1016 : vector<1x16xf32> to vector<16xf32>
          %swap3A_1018 = vector.shape_cast %mul3A_1013 : vector<16xf32> to vector<1x16xf32>
          tpu.vector_store %arg8[%swap3A_1014, %swap3A_1015], %swap3A_1018 {strides = array<i32>} : memref<128x128xf32, #tpu.memory_space<vmem>>, vector<1x16xf32>,
          %get3A_1019 = arith.index_cast %add3A_988 : i32 to index
          %get3A_1020 = arith.constant 48 : index
          %get3A_1021 = tpu.vector_load %arg8[%get3A_1019, %get3A_1020] {strides = array<i32>} : memref<128x128xf32, #tpu.memory_space<vmem>>, vector<1x16xf32>,
          %get3A_1022 = vector.shape_cast %get3A_1021 : vector<1x16xf32> to vector<16xf32>
          %mul3A_1023 = arith.mulf %get3A_1022, %broadcast_in_dim3A_984 : vector<16xf32>
          %swap3A_1024 = arith.index_cast %add3A_988 : i32 to index
          %swap3A_1025 = arith.constant 48 : index
          %swap3A_1026 = tpu.vector_load %arg8[%swap3A_1024, %swap3A_1025] {strides = array<i32>} : memref<128x128xf32, #tpu.memory_space<vmem>>, vector<1x16xf32>,
          %swap3A_1027 = vector.shape_cast %swap3A_1026 : vector<1x16xf32> to vector<16xf32>
          %swap3A_1028 = vector.shape_cast %mul3A_1023 : vector<16xf32> to vector<1x16xf32>
          tpu.vector_store %arg8[%swap3A_1024, %swap3A_1025], %swap3A_1028 {strides = array<i32>} : memref<128x128xf32, #tpu.memory_space<vmem>>, vector<1x16xf32>,
          %get3A_1029 = arith.index_cast %add3A_988 : i32 to index
          %get3A_1030 = arith.constant 64 : index
          %get3A_1031 = tpu.vector_load %arg8[%get3A_1029, %get3A_1030] {strides = array<i32>} : memref<128x128xf32, #tpu.memory_space<vmem>>, vector<1x16xf32>,
          %get3A_1032 = vector.shape_cast %get3A_1031 : vector<1x16xf32> to vector<16xf32>
          %mul3A_1033 = arith.mulf %get3A_1032, %broadcast_in_dim3A_984 : vector<16xf32>
          %swap3A_1034 = arith.index_cast %add3A_988 : i32 to index
          %swap3A_1035 = arith.constant 64 : index
          %swap3A_1036 = tpu.vector_load %arg8[%swap3A_1034, %swap3A_1035] {strides = array<i32>} : memref<128x128xf32, #tpu.memory_space<vmem>>, vector<1x16xf32>,
          %swap3A_1037 = vector.shape_cast %swap3A_1036 : vector<1x16xf32> to vector<16xf32>
          %swap3A_1038 = vector.shape_cast %mul3A_1033 : vector<16xf32> to vector<1x16xf32>
          tpu.vector_store %arg8[%swap3A_1034, %swap3A_1035], %swap3A_1038 {strides = array<i32>} : memref<128x128xf32, #tpu.memory_space<vmem>>, vector<1x16xf32>,
          %get3A_1039 = arith.index_cast %add3A_988 : i32 to index
          %get3A_1040 = arith.constant 80 : index
          %get3A_1041 = tpu.vector_load %arg8[%get3A_1039, %get3A_1040] {strides = array<i32>} : memref<128x128xf32, #tpu.memory_space<vmem>>, vector<1x16xf32>,
          %get3A_1042 = vector.shape_cast %get3A_1041 : vector<1x16xf32> to vector<16xf32>
          %mul3A_1043 = arith.mulf %get3A_1042, %broadcast_in_dim3A_984 : vector<16xf32>
          %swap3A_1044 = arith.index_cast %add3A_988 : i32 to index
          %swap3A_1045 = arith.constant 80 : index
          %swap3A_1046 = tpu.vector_load %arg8[%swap3A_1044, %swap3A_1045] {strides = array<i32>} : memref<128x128xf32, #tpu.memory_space<vmem>>, vector<1x16xf32>,
          %swap3A_1047 = vector.shape_cast %swap3A_1046 : vector<1x16xf32> to vector<16xf32>
          %swap3A_1048 = vector.shape_cast %mul3A_1043 : vector<16xf32> to vector<1x16xf32>
          tpu.vector_store %arg8[%swap3A_1044, %swap3A_1045], %swap3A_1048 {strides = array<i32>} : memref<128x128xf32, #tpu.memory_space<vmem>>, vector<1x16xf32>,
          %get3A_1049 = arith.index_cast %add3A_988 : i32 to index
          %get3A_1050 = arith.constant 96 : index
          %get3A_1051 = tpu.vector_load %arg8[%get3A_1049, %get3A_1050] {strides = array<i32>} : memref<128x128xf32, #tpu.memory_space<vmem>>, vector<1x16xf32>,
          %get3A_1052 = vector.shape_cast %get3A_1051 : vector<1x16xf32> to vector<16xf32>
          %mul3A_1053 = arith.mulf %get3A_1052, %broadcast_in_dim3A_984 : vector<16xf32>
          %swap3A_1054 = arith.index_cast %add3A_988 : i32 to index
          %swap3A_1055 = arith.constant 96 : index
          %swap3A_1056 = tpu.vector_load %arg8[%swap3A_1054, %swap3A_1055] {strides = array<i32>} : memref<128x128xf32, #tpu.memory_space<vmem>>, vector<1x16xf32>,
          %swap3A_1057 = vector.shape_cast %swap3A_1056 : vector<1x16xf32> to vector<16xf32>
          %swap3A_1058 = vector.shape_cast %mul3A_1053 : vector<16xf32> to vector<1x16xf32>
          tpu.vector_store %arg8[%swap3A_1054, %swap3A_1055], %swap3A_1058 {strides = array<i32>} : memref<128x128xf32, #tpu.memory_space<vmem>>, vector<1x16xf32>,
          %get3A_1059 = arith.index_cast %add3A_988 : i32 to index
          %get3A_1060 = arith.constant 112 : index
          %get3A_1061 = tpu.vector_load %arg8[%get3A_1059, %get3A_1060] {strides = array<i32>} : memref<128x128xf32, #tpu.memory_space<vmem>>, vector<1x16xf32>,
          %get3A_1062 = vector.shape_cast %get3A_1061 : vector<1x16xf32> to vector<16xf32>
          %mul3A_1063 = arith.mulf %get3A_1062, %broadcast_in_dim3A_984 : vector<16xf32>
          %swap3A_1064 = arith.index_cast %add3A_988 : i32 to index
          %swap3A_1065 = arith.constant 112 : index
          %swap3A_1066 = tpu.vector_load %arg8[%swap3A_1064, %swap3A_1065] {strides = array<i32>} : memref<128x128xf32, #tpu.memory_space<vmem>>, vector<1x16xf32>,
          %swap3A_1067 = vector.shape_cast %swap3A_1066 : vector<1x16xf32> to vector<16xf32>
          %swap3A_1068 = vector.shape_cast %mul3A_1063 : vector<16xf32> to vector<1x16xf32>
          tpu.vector_store %arg8[%swap3A_1064, %swap3A_1065], %swap3A_1068 {strides = array<i32>} : memref<128x128xf32, #tpu.memory_space<vmem>>, vector<1x16xf32>,
          %slice3A_1069 = vector.extract_strided_slice %get3A_114 {offsets = [11], sizes = [1], strides = [1]} : vector<16xf32> to vector<1xf32>
          %squeeze3A_1070 = vector.extract %slice3A_1069[0] : f32 from vector<1xf32>
          %broadcast_in_dim3A_1071 = vector.broadcast %squeeze3A_1070 : f32 to vector<16xf32>
          %mul3A_1072 = arith.constant 16 : i32
          %mul3A_1073 = arith.muli %scan3A_108, %mul3A_1072 : i32
          %add3A_1074 = arith.constant 11 : i32
          %add3A_1075 = arith.addi %mul3A_1073, %add3A_1074 : i32
          %get3A_1076 = arith.index_cast %add3A_1075 : i32 to index
          %get3A_1077 = arith.constant 0 : index
          %get3A_1078 = tpu.vector_load %arg8[%get3A_1076, %get3A_1077] {strides = array<i32>} : memref<128x128xf32, #tpu.memory_space<vmem>>, vector<1x16xf32>,
          %get3A_1079 = vector.shape_cast %get3A_1078 : vector<1x16xf32> to vector<16xf32>
          %mul3A_1080 = arith.mulf %get3A_1079, %broadcast_in_dim3A_1071 : vector<16xf32>
          %swap3A_1081 = arith.index_cast %add3A_1075 : i32 to index
          %swap3A_1082 = arith.constant 0 : index
          %swap3A_1083 = tpu.vector_load %arg8[%swap3A_1081, %swap3A_1082] {strides = array<i32>} : memref<128x128xf32, #tpu.memory_space<vmem>>, vector<1x16xf32>,
          %swap3A_1084 = vector.shape_cast %swap3A_1083 : vector<1x16xf32> to vector<16xf32>
          %swap3A_1085 = vector.shape_cast %mul3A_1080 : vector<16xf32> to vector<1x16xf32>
          tpu.vector_store %arg8[%swap3A_1081, %swap3A_1082], %swap3A_1085 {strides = array<i32>} : memref<128x128xf32, #tpu.memory_space<vmem>>, vector<1x16xf32>,
          %get3A_1086 = arith.index_cast %add3A_1075 : i32 to index
          %get3A_1087 = arith.constant 16 : index
          %get3A_1088 = tpu.vector_load %arg8[%get3A_1086, %get3A_1087] {strides = array<i32>} : memref<128x128xf32, #tpu.memory_space<vmem>>, vector<1x16xf32>,
          %get3A_1089 = vector.shape_cast %get3A_1088 : vector<1x16xf32> to vector<16xf32>
          %mul3A_1090 = arith.mulf %get3A_1089, %broadcast_in_dim3A_1071 : vector<16xf32>
          %swap3A_1091 = arith.index_cast %add3A_1075 : i32 to index
          %swap3A_1092 = arith.constant 16 : index
          %swap3A_1093 = tpu.vector_load %arg8[%swap3A_1091, %swap3A_1092] {strides = array<i32>} : memref<128x128xf32, #tpu.memory_space<vmem>>, vector<1x16xf32>,
          %swap3A_1094 = vector.shape_cast %swap3A_1093 : vector<1x16xf32> to vector<16xf32>
          %swap3A_1095 = vector.shape_cast %mul3A_1090 : vector<16xf32> to vector<1x16xf32>
          tpu.vector_store %arg8[%swap3A_1091, %swap3A_1092], %swap3A_1095 {strides = array<i32>} : memref<128x128xf32, #tpu.memory_space<vmem>>, vector<1x16xf32>,
          %get3A_1096 = arith.index_cast %add3A_1075 : i32 to index
          %get3A_1097 = arith.constant 32 : index
          %get3A_1098 = tpu.vector_load %arg8[%get3A_1096, %get3A_1097] {strides = array<i32>} : memref<128x128xf32, #tpu.memory_space<vmem>>, vector<1x16xf32>,
          %get3A_1099 = vector.shape_cast %get3A_1098 : vector<1x16xf32> to vector<16xf32>
          %mul3A_1100 = arith.mulf %get3A_1099, %broadcast_in_dim3A_1071 : vector<16xf32>
          %swap3A_1101 = arith.index_cast %add3A_1075 : i32 to index
          %swap3A_1102 = arith.constant 32 : index
          %swap3A_1103 = tpu.vector_load %arg8[%swap3A_1101, %swap3A_1102] {strides = array<i32>} : memref<128x128xf32, #tpu.memory_space<vmem>>, vector<1x16xf32>,
          %swap3A_1104 = vector.shape_cast %swap3A_1103 : vector<1x16xf32> to vector<16xf32>
          %swap3A_1105 = vector.shape_cast %mul3A_1100 : vector<16xf32> to vector<1x16xf32>
          tpu.vector_store %arg8[%swap3A_1101, %swap3A_1102], %swap3A_1105 {strides = array<i32>} : memref<128x128xf32, #tpu.memory_space<vmem>>, vector<1x16xf32>,
          %get3A_1106 = arith.index_cast %add3A_1075 : i32 to index
          %get3A_1107 = arith.constant 48 : index
          %get3A_1108 = tpu.vector_load %arg8[%get3A_1106, %get3A_1107] {strides = array<i32>} : memref<128x128xf32, #tpu.memory_space<vmem>>, vector<1x16xf32>,
          %get3A_1109 = vector.shape_cast %get3A_1108 : vector<1x16xf32> to vector<16xf32>
          %mul3A_1110 = arith.mulf %get3A_1109, %broadcast_in_dim3A_1071 : vector<16xf32>
          %swap3A_1111 = arith.index_cast %add3A_1075 : i32 to index
          %swap3A_1112 = arith.constant 48 : index
          %swap3A_1113 = tpu.vector_load %arg8[%swap3A_1111, %swap3A_1112] {strides = array<i32>} : memref<128x128xf32, #tpu.memory_space<vmem>>, vector<1x16xf32>,
          %swap3A_1114 = vector.shape_cast %swap3A_1113 : vector<1x16xf32> to vector<16xf32>
          %swap3A_1115 = vector.shape_cast %mul3A_1110 : vector<16xf32> to vector<1x16xf32>
          tpu.vector_store %arg8[%swap3A_1111, %swap3A_1112], %swap3A_1115 {strides = array<i32>} : memref<128x128xf32, #tpu.memory_space<vmem>>, vector<1x16xf32>,
          %get3A_1116 = arith.index_cast %add3A_1075 : i32 to index
          %get3A_1117 = arith.constant 64 : index
          %get3A_1118 = tpu.vector_load %arg8[%get3A_1116, %get3A_1117] {strides = array<i32>} : memref<128x128xf32, #tpu.memory_space<vmem>>, vector<1x16xf32>,
          %get3A_1119 = vector.shape_cast %get3A_1118 : vector<1x16xf32> to vector<16xf32>
          %mul3A_1120 = arith.mulf %get3A_1119, %broadcast_in_dim3A_1071 : vector<16xf32>
          %swap3A_1121 = arith.index_cast %add3A_1075 : i32 to index
          %swap3A_1122 = arith.constant 64 : index
          %swap3A_1123 = tpu.vector_load %arg8[%swap3A_1121, %swap3A_1122] {strides = array<i32>} : memref<128x128xf32, #tpu.memory_space<vmem>>, vector<1x16xf32>,
          %swap3A_1124 = vector.shape_cast %swap3A_1123 : vector<1x16xf32> to vector<16xf32>
          %swap3A_1125 = vector.shape_cast %mul3A_1120 : vector<16xf32> to vector<1x16xf32>
          tpu.vector_store %arg8[%swap3A_1121, %swap3A_1122], %swap3A_1125 {strides = array<i32>} : memref<128x128xf32, #tpu.memory_space<vmem>>, vector<1x16xf32>,
          %get3A_1126 = arith.index_cast %add3A_1075 : i32 to index
          %get3A_1127 = arith.constant 80 : index
          %get3A_1128 = tpu.vector_load %arg8[%get3A_1126, %get3A_1127] {strides = array<i32>} : memref<128x128xf32, #tpu.memory_space<vmem>>, vector<1x16xf32>,
          %get3A_1129 = vector.shape_cast %get3A_1128 : vector<1x16xf32> to vector<16xf32>
          %mul3A_1130 = arith.mulf %get3A_1129, %broadcast_in_dim3A_1071 : vector<16xf32>
          %swap3A_1131 = arith.index_cast %add3A_1075 : i32 to index
          %swap3A_1132 = arith.constant 80 : index
          %swap3A_1133 = tpu.vector_load %arg8[%swap3A_1131, %swap3A_1132] {strides = array<i32>} : memref<128x128xf32, #tpu.memory_space<vmem>>, vector<1x16xf32>,
          %swap3A_1134 = vector.shape_cast %swap3A_1133 : vector<1x16xf32> to vector<16xf32>
          %swap3A_1135 = vector.shape_cast %mul3A_1130 : vector<16xf32> to vector<1x16xf32>
          tpu.vector_store %arg8[%swap3A_1131, %swap3A_1132], %swap3A_1135 {strides = array<i32>} : memref<128x128xf32, #tpu.memory_space<vmem>>, vector<1x16xf32>,
          %get3A_1136 = arith.index_cast %add3A_1075 : i32 to index
          %get3A_1137 = arith.constant 96 : index
          %get3A_1138 = tpu.vector_load %arg8[%get3A_1136, %get3A_1137] {strides = array<i32>} : memref<128x128xf32, #tpu.memory_space<vmem>>, vector<1x16xf32>,
          %get3A_1139 = vector.shape_cast %get3A_1138 : vector<1x16xf32> to vector<16xf32>
          %mul3A_1140 = arith.mulf %get3A_1139, %broadcast_in_dim3A_1071 : vector<16xf32>
          %swap3A_1141 = arith.index_cast %add3A_1075 : i32 to index
          %swap3A_1142 = arith.constant 96 : index
          %swap3A_1143 = tpu.vector_load %arg8[%swap3A_1141, %swap3A_1142] {strides = array<i32>} : memref<128x128xf32, #tpu.memory_space<vmem>>, vector<1x16xf32>,
          %swap3A_1144 = vector.shape_cast %swap3A_1143 : vector<1x16xf32> to vector<16xf32>
          %swap3A_1145 = vector.shape_cast %mul3A_1140 : vector<16xf32> to vector<1x16xf32>
          tpu.vector_store %arg8[%swap3A_1141, %swap3A_1142], %swap3A_1145 {strides = array<i32>} : memref<128x128xf32, #tpu.memory_space<vmem>>, vector<1x16xf32>,
          %get3A_1146 = arith.index_cast %add3A_1075 : i32 to index
          %get3A_1147 = arith.constant 112 : index
          %get3A_1148 = tpu.vector_load %arg8[%get3A_1146, %get3A_1147] {strides = array<i32>} : memref<128x128xf32, #tpu.memory_space<vmem>>, vector<1x16xf32>,
          %get3A_1149 = vector.shape_cast %get3A_1148 : vector<1x16xf32> to vector<16xf32>
          %mul3A_1150 = arith.mulf %get3A_1149, %broadcast_in_dim3A_1071 : vector<16xf32>
          %swap3A_1151 = arith.index_cast %add3A_1075 : i32 to index
          %swap3A_1152 = arith.constant 112 : index
          %swap3A_1153 = tpu.vector_load %arg8[%swap3A_1151, %swap3A_1152] {strides = array<i32>} : memref<128x128xf32, #tpu.memory_space<vmem>>, vector<1x16xf32>,
          %swap3A_1154 = vector.shape_cast %swap3A_1153 : vector<1x16xf32> to vector<16xf32>
          %swap3A_1155 = vector.shape_cast %mul3A_1150 : vector<16xf32> to vector<1x16xf32>
          tpu.vector_store %arg8[%swap3A_1151, %swap3A_1152], %swap3A_1155 {strides = array<i32>} : memref<128x128xf32, #tpu.memory_space<vmem>>, vector<1x16xf32>,
          %slice3A_1156 = vector.extract_strided_slice %get3A_114 {offsets = [12], sizes = [1], strides = [1]} : vector<16xf32> to vector<1xf32>
          %squeeze3A_1157 = vector.extract %slice3A_1156[0] : f32 from vector<1xf32>
          %broadcast_in_dim3A_1158 = vector.broadcast %squeeze3A_1157 : f32 to vector<16xf32>
          %mul3A_1159 = arith.constant 16 : i32
          %mul3A_1160 = arith.muli %scan3A_108, %mul3A_1159 : i32
          %add3A_1161 = arith.constant 12 : i32
          %add3A_1162 = arith.addi %mul3A_1160, %add3A_1161 : i32
          %get3A_1163 = arith.index_cast %add3A_1162 : i32 to index
          %get3A_1164 = arith.constant 0 : index
          %get3A_1165 = tpu.vector_load %arg8[%get3A_1163, %get3A_1164] {strides = array<i32>} : memref<128x128xf32, #tpu.memory_space<vmem>>, vector<1x16xf32>,
          %get3A_1166 = vector.shape_cast %get3A_1165 : vector<1x16xf32> to vector<16xf32>
          %mul3A_1167 = arith.mulf %get3A_1166, %broadcast_in_dim3A_1158 : vector<16xf32>
          %swap3A_1168 = arith.index_cast %add3A_1162 : i32 to index
          %swap3A_1169 = arith.constant 0 : index
          %swap3A_1170 = tpu.vector_load %arg8[%swap3A_1168, %swap3A_1169] {strides = array<i32>} : memref<128x128xf32, #tpu.memory_space<vmem>>, vector<1x16xf32>,
          %swap3A_1171 = vector.shape_cast %swap3A_1170 : vector<1x16xf32> to vector<16xf32>
          %swap3A_1172 = vector.shape_cast %mul3A_1167 : vector<16xf32> to vector<1x16xf32>
          tpu.vector_store %arg8[%swap3A_1168, %swap3A_1169], %swap3A_1172 {strides = array<i32>} : memref<128x128xf32, #tpu.memory_space<vmem>>, vector<1x16xf32>,
          %get3A_1173 = arith.index_cast %add3A_1162 : i32 to index
          %get3A_1174 = arith.constant 16 : index
          %get3A_1175 = tpu.vector_load %arg8[%get3A_1173, %get3A_1174] {strides = array<i32>} : memref<128x128xf32, #tpu.memory_space<vmem>>, vector<1x16xf32>,
          %get3A_1176 = vector.shape_cast %get3A_1175 : vector<1x16xf32> to vector<16xf32>
          %mul3A_1177 = arith.mulf %get3A_1176, %broadcast_in_dim3A_1158 : vector<16xf32>
          %swap3A_1178 = arith.index_cast %add3A_1162 : i32 to index
          %swap3A_1179 = arith.constant 16 : index
          %swap3A_1180 = tpu.vector_load %arg8[%swap3A_1178, %swap3A_1179] {strides = array<i32>} : memref<128x128xf32, #tpu.memory_space<vmem>>, vector<1x16xf32>,
          %swap3A_1181 = vector.shape_cast %swap3A_1180 : vector<1x16xf32> to vector<16xf32>
          %swap3A_1182 = vector.shape_cast %mul3A_1177 : vector<16xf32> to vector<1x16xf32>
          tpu.vector_store %arg8[%swap3A_1178, %swap3A_1179], %swap3A_1182 {strides = array<i32>} : memref<128x128xf32, #tpu.memory_space<vmem>>, vector<1x16xf32>,
          %get3A_1183 = arith.index_cast %add3A_1162 : i32 to index
          %get3A_1184 = arith.constant 32 : index
          %get3A_1185 = tpu.vector_load %arg8[%get3A_1183, %get3A_1184] {strides = array<i32>} : memref<128x128xf32, #tpu.memory_space<vmem>>, vector<1x16xf32>,
          %get3A_1186 = vector.shape_cast %get3A_1185 : vector<1x16xf32> to vector<16xf32>
          %mul3A_1187 = arith.mulf %get3A_1186, %broadcast_in_dim3A_1158 : vector<16xf32>
          %swap3A_1188 = arith.index_cast %add3A_1162 : i32 to index
          %swap3A_1189 = arith.constant 32 : index
          %swap3A_1190 = tpu.vector_load %arg8[%swap3A_1188, %swap3A_1189] {strides = array<i32>} : memref<128x128xf32, #tpu.memory_space<vmem>>, vector<1x16xf32>,
          %swap3A_1191 = vector.shape_cast %swap3A_1190 : vector<1x16xf32> to vector<16xf32>
          %swap3A_1192 = vector.shape_cast %mul3A_1187 : vector<16xf32> to vector<1x16xf32>
          tpu.vector_store %arg8[%swap3A_1188, %swap3A_1189], %swap3A_1192 {strides = array<i32>} : memref<128x128xf32, #tpu.memory_space<vmem>>, vector<1x16xf32>,
          %get3A_1193 = arith.index_cast %add3A_1162 : i32 to index
          %get3A_1194 = arith.constant 48 : index
          %get3A_1195 = tpu.vector_load %arg8[%get3A_1193, %get3A_1194] {strides = array<i32>} : memref<128x128xf32, #tpu.memory_space<vmem>>, vector<1x16xf32>,
          %get3A_1196 = vector.shape_cast %get3A_1195 : vector<1x16xf32> to vector<16xf32>
          %mul3A_1197 = arith.mulf %get3A_1196, %broadcast_in_dim3A_1158 : vector<16xf32>
          %swap3A_1198 = arith.index_cast %add3A_1162 : i32 to index
          %swap3A_1199 = arith.constant 48 : index
          %swap3A_1200 = tpu.vector_load %arg8[%swap3A_1198, %swap3A_1199] {strides = array<i32>} : memref<128x128xf32, #tpu.memory_space<vmem>>, vector<1x16xf32>,
          %swap3A_1201 = vector.shape_cast %swap3A_1200 : vector<1x16xf32> to vector<16xf32>
          %swap3A_1202 = vector.shape_cast %mul3A_1197 : vector<16xf32> to vector<1x16xf32>
          tpu.vector_store %arg8[%swap3A_1198, %swap3A_1199], %swap3A_1202 {strides = array<i32>} : memref<128x128xf32, #tpu.memory_space<vmem>>, vector<1x16xf32>,
          %get3A_1203 = arith.index_cast %add3A_1162 : i32 to index
          %get3A_1204 = arith.constant 64 : index
          %get3A_1205 = tpu.vector_load %arg8[%get3A_1203, %get3A_1204] {strides = array<i32>} : memref<128x128xf32, #tpu.memory_space<vmem>>, vector<1x16xf32>,
          %get3A_1206 = vector.shape_cast %get3A_1205 : vector<1x16xf32> to vector<16xf32>
          %mul3A_1207 = arith.mulf %get3A_1206, %broadcast_in_dim3A_1158 : vector<16xf32>
          %swap3A_1208 = arith.index_cast %add3A_1162 : i32 to index
          %swap3A_1209 = arith.constant 64 : index
          %swap3A_1210 = tpu.vector_load %arg8[%swap3A_1208, %swap3A_1209] {strides = array<i32>} : memref<128x128xf32, #tpu.memory_space<vmem>>, vector<1x16xf32>,
          %swap3A_1211 = vector.shape_cast %swap3A_1210 : vector<1x16xf32> to vector<16xf32>
          %swap3A_1212 = vector.shape_cast %mul3A_1207 : vector<16xf32> to vector<1x16xf32>
          tpu.vector_store %arg8[%swap3A_1208, %swap3A_1209], %swap3A_1212 {strides = array<i32>} : memref<128x128xf32, #tpu.memory_space<vmem>>, vector<1x16xf32>,
          %get3A_1213 = arith.index_cast %add3A_1162 : i32 to index
          %get3A_1214 = arith.constant 80 : index
          %get3A_1215 = tpu.vector_load %arg8[%get3A_1213, %get3A_1214] {strides = array<i32>} : memref<128x128xf32, #tpu.memory_space<vmem>>, vector<1x16xf32>,
          %get3A_1216 = vector.shape_cast %get3A_1215 : vector<1x16xf32> to vector<16xf32>
          %mul3A_1217 = arith.mulf %get3A_1216, %broadcast_in_dim3A_1158 : vector<16xf32>
          %swap3A_1218 = arith.index_cast %add3A_1162 : i32 to index
          %swap3A_1219 = arith.constant 80 : index
          %swap3A_1220 = tpu.vector_load %arg8[%swap3A_1218, %swap3A_1219] {strides = array<i32>} : memref<128x128xf32, #tpu.memory_space<vmem>>, vector<1x16xf32>,
          %swap3A_1221 = vector.shape_cast %swap3A_1220 : vector<1x16xf32> to vector<16xf32>
          %swap3A_1222 = vector.shape_cast %mul3A_1217 : vector<16xf32> to vector<1x16xf32>
          tpu.vector_store %arg8[%swap3A_1218, %swap3A_1219], %swap3A_1222 {strides = array<i32>} : memref<128x128xf32, #tpu.memory_space<vmem>>, vector<1x16xf32>,
          %get3A_1223 = arith.index_cast %add3A_1162 : i32 to index
          %get3A_1224 = arith.constant 96 : index
          %get3A_1225 = tpu.vector_load %arg8[%get3A_1223, %get3A_1224] {strides = array<i32>} : memref<128x128xf32, #tpu.memory_space<vmem>>, vector<1x16xf32>,
          %get3A_1226 = vector.shape_cast %get3A_1225 : vector<1x16xf32> to vector<16xf32>
          %mul3A_1227 = arith.mulf %get3A_1226, %broadcast_in_dim3A_1158 : vector<16xf32>
          %swap3A_1228 = arith.index_cast %add3A_1162 : i32 to index
          %swap3A_1229 = arith.constant 96 : index
          %swap3A_1230 = tpu.vector_load %arg8[%swap3A_1228, %swap3A_1229] {strides = array<i32>} : memref<128x128xf32, #tpu.memory_space<vmem>>, vector<1x16xf32>,
          %swap3A_1231 = vector.shape_cast %swap3A_1230 : vector<1x16xf32> to vector<16xf32>
          %swap3A_1232 = vector.shape_cast %mul3A_1227 : vector<16xf32> to vector<1x16xf32>
          tpu.vector_store %arg8[%swap3A_1228, %swap3A_1229], %swap3A_1232 {strides = array<i32>} : memref<128x128xf32, #tpu.memory_space<vmem>>, vector<1x16xf32>,
          %get3A_1233 = arith.index_cast %add3A_1162 : i32 to index
          %get3A_1234 = arith.constant 112 : index
          %get3A_1235 = tpu.vector_load %arg8[%get3A_1233, %get3A_1234] {strides = array<i32>} : memref<128x128xf32, #tpu.memory_space<vmem>>, vector<1x16xf32>,
          %get3A_1236 = vector.shape_cast %get3A_1235 : vector<1x16xf32> to vector<16xf32>
          %mul3A_1237 = arith.mulf %get3A_1236, %broadcast_in_dim3A_1158 : vector<16xf32>
          %swap3A_1238 = arith.index_cast %add3A_1162 : i32 to index
          %swap3A_1239 = arith.constant 112 : index
          %swap3A_1240 = tpu.vector_load %arg8[%swap3A_1238, %swap3A_1239] {strides = array<i32>} : memref<128x128xf32, #tpu.memory_space<vmem>>, vector<1x16xf32>,
          %swap3A_1241 = vector.shape_cast %swap3A_1240 : vector<1x16xf32> to vector<16xf32>
          %swap3A_1242 = vector.shape_cast %mul3A_1237 : vector<16xf32> to vector<1x16xf32>
          tpu.vector_store %arg8[%swap3A_1238, %swap3A_1239], %swap3A_1242 {strides = array<i32>} : memref<128x128xf32, #tpu.memory_space<vmem>>, vector<1x16xf32>,
          %slice3A_1243 = vector.extract_strided_slice %get3A_114 {offsets = [13], sizes = [1], strides = [1]} : vector<16xf32> to vector<1xf32>
          %squeeze3A_1244 = vector.extract %slice3A_1243[0] : f32 from vector<1xf32>
          %broadcast_in_dim3A_1245 = vector.broadcast %squeeze3A_1244 : f32 to vector<16xf32>
          %mul3A_1246 = arith.constant 16 : i32
          %mul3A_1247 = arith.muli %scan3A_108, %mul3A_1246 : i32
          %add3A_1248 = arith.constant 13 : i32
          %add3A_1249 = arith.addi %mul3A_1247, %add3A_1248 : i32
          %get3A_1250 = arith.index_cast %add3A_1249 : i32 to index
          %get3A_1251 = arith.constant 0 : index
          %get3A_1252 = tpu.vector_load %arg8[%get3A_1250, %get3A_1251] {strides = array<i32>} : memref<128x128xf32, #tpu.memory_space<vmem>>, vector<1x16xf32>,
          %get3A_1253 = vector.shape_cast %get3A_1252 : vector<1x16xf32> to vector<16xf32>
          %mul3A_1254 = arith.mulf %get3A_1253, %broadcast_in_dim3A_1245 : vector<16xf32>
          %swap3A_1255 = arith.index_cast %add3A_1249 : i32 to index
          %swap3A_1256 = arith.constant 0 : index
          %swap3A_1257 = tpu.vector_load %arg8[%swap3A_1255, %swap3A_1256] {strides = array<i32>} : memref<128x128xf32, #tpu.memory_space<vmem>>, vector<1x16xf32>,
          %swap3A_1258 = vector.shape_cast %swap3A_1257 : vector<1x16xf32> to vector<16xf32>
          %swap3A_1259 = vector.shape_cast %mul3A_1254 : vector<16xf32> to vector<1x16xf32>
          tpu.vector_store %arg8[%swap3A_1255, %swap3A_1256], %swap3A_1259 {strides = array<i32>} : memref<128x128xf32, #tpu.memory_space<vmem>>, vector<1x16xf32>,
          %get3A_1260 = arith.index_cast %add3A_1249 : i32 to index
          %get3A_1261 = arith.constant 16 : index
          %get3A_1262 = tpu.vector_load %arg8[%get3A_1260, %get3A_1261] {strides = array<i32>} : memref<128x128xf32, #tpu.memory_space<vmem>>, vector<1x16xf32>,
          %get3A_1263 = vector.shape_cast %get3A_1262 : vector<1x16xf32> to vector<16xf32>
          %mul3A_1264 = arith.mulf %get3A_1263, %broadcast_in_dim3A_1245 : vector<16xf32>
          %swap3A_1265 = arith.index_cast %add3A_1249 : i32 to index
          %swap3A_1266 = arith.constant 16 : index
          %swap3A_1267 = tpu.vector_load %arg8[%swap3A_1265, %swap3A_1266] {strides = array<i32>} : memref<128x128xf32, #tpu.memory_space<vmem>>, vector<1x16xf32>,
          %swap3A_1268 = vector.shape_cast %swap3A_1267 : vector<1x16xf32> to vector<16xf32>
          %swap3A_1269 = vector.shape_cast %mul3A_1264 : vector<16xf32> to vector<1x16xf32>
          tpu.vector_store %arg8[%swap3A_1265, %swap3A_1266], %swap3A_1269 {strides = array<i32>} : memref<128x128xf32, #tpu.memory_space<vmem>>, vector<1x16xf32>,
          %get3A_1270 = arith.index_cast %add3A_1249 : i32 to index
          %get3A_1271 = arith.constant 32 : index
          %get3A_1272 = tpu.vector_load %arg8[%get3A_1270, %get3A_1271] {strides = array<i32>} : memref<128x128xf32, #tpu.memory_space<vmem>>, vector<1x16xf32>,
          %get3A_1273 = vector.shape_cast %get3A_1272 : vector<1x16xf32> to vector<16xf32>
          %mul3A_1274 = arith.mulf %get3A_1273, %broadcast_in_dim3A_1245 : vector<16xf32>
          %swap3A_1275 = arith.index_cast %add3A_1249 : i32 to index
          %swap3A_1276 = arith.constant 32 : index
          %swap3A_1277 = tpu.vector_load %arg8[%swap3A_1275, %swap3A_1276] {strides = array<i32>} : memref<128x128xf32, #tpu.memory_space<vmem>>, vector<1x16xf32>,
          %swap3A_1278 = vector.shape_cast %swap3A_1277 : vector<1x16xf32> to vector<16xf32>
          %swap3A_1279 = vector.shape_cast %mul3A_1274 : vector<16xf32> to vector<1x16xf32>
          tpu.vector_store %arg8[%swap3A_1275, %swap3A_1276], %swap3A_1279 {strides = array<i32>} : memref<128x128xf32, #tpu.memory_space<vmem>>, vector<1x16xf32>,
          %get3A_1280 = arith.index_cast %add3A_1249 : i32 to index
          %get3A_1281 = arith.constant 48 : index
          %get3A_1282 = tpu.vector_load %arg8[%get3A_1280, %get3A_1281] {strides = array<i32>} : memref<128x128xf32, #tpu.memory_space<vmem>>, vector<1x16xf32>,
          %get3A_1283 = vector.shape_cast %get3A_1282 : vector<1x16xf32> to vector<16xf32>
          %mul3A_1284 = arith.mulf %get3A_1283, %broadcast_in_dim3A_1245 : vector<16xf32>
          %swap3A_1285 = arith.index_cast %add3A_1249 : i32 to index
          %swap3A_1286 = arith.constant 48 : index
          %swap3A_1287 = tpu.vector_load %arg8[%swap3A_1285, %swap3A_1286] {strides = array<i32>} : memref<128x128xf32, #tpu.memory_space<vmem>>, vector<1x16xf32>,
          %swap3A_1288 = vector.shape_cast %swap3A_1287 : vector<1x16xf32> to vector<16xf32>
          %swap3A_1289 = vector.shape_cast %mul3A_1284 : vector<16xf32> to vector<1x16xf32>
          tpu.vector_store %arg8[%swap3A_1285, %swap3A_1286], %swap3A_1289 {strides = array<i32>} : memref<128x128xf32, #tpu.memory_space<vmem>>, vector<1x16xf32>,
          %get3A_1290 = arith.index_cast %add3A_1249 : i32 to index
          %get3A_1291 = arith.constant 64 : index
          %get3A_1292 = tpu.vector_load %arg8[%get3A_1290, %get3A_1291] {strides = array<i32>} : memref<128x128xf32, #tpu.memory_space<vmem>>, vector<1x16xf32>,
          %get3A_1293 = vector.shape_cast %get3A_1292 : vector<1x16xf32> to vector<16xf32>
          %mul3A_1294 = arith.mulf %get3A_1293, %broadcast_in_dim3A_1245 : vector<16xf32>
          %swap3A_1295 = arith.index_cast %add3A_1249 : i32 to index
          %swap3A_1296 = arith.constant 64 : index
          %swap3A_1297 = tpu.vector_load %arg8[%swap3A_1295, %swap3A_1296] {strides = array<i32>} : memref<128x128xf32, #tpu.memory_space<vmem>>, vector<1x16xf32>,
          %swap3A_1298 = vector.shape_cast %swap3A_1297 : vector<1x16xf32> to vector<16xf32>
          %swap3A_1299 = vector.shape_cast %mul3A_1294 : vector<16xf32> to vector<1x16xf32>
          tpu.vector_store %arg8[%swap3A_1295, %swap3A_1296], %swap3A_1299 {strides = array<i32>} : memref<128x128xf32, #tpu.memory_space<vmem>>, vector<1x16xf32>,
          %get3A_1300 = arith.index_cast %add3A_1249 : i32 to index
          %get3A_1301 = arith.constant 80 : index
          %get3A_1302 = tpu.vector_load %arg8[%get3A_1300, %get3A_1301] {strides = array<i32>} : memref<128x128xf32, #tpu.memory_space<vmem>>, vector<1x16xf32>,
          %get3A_1303 = vector.shape_cast %get3A_1302 : vector<1x16xf32> to vector<16xf32>
          %mul3A_1304 = arith.mulf %get3A_1303, %broadcast_in_dim3A_1245 : vector<16xf32>
          %swap3A_1305 = arith.index_cast %add3A_1249 : i32 to index
          %swap3A_1306 = arith.constant 80 : index
          %swap3A_1307 = tpu.vector_load %arg8[%swap3A_1305, %swap3A_1306] {strides = array<i32>} : memref<128x128xf32, #tpu.memory_space<vmem>>, vector<1x16xf32>,
          %swap3A_1308 = vector.shape_cast %swap3A_1307 : vector<1x16xf32> to vector<16xf32>
          %swap3A_1309 = vector.shape_cast %mul3A_1304 : vector<16xf32> to vector<1x16xf32>
          tpu.vector_store %arg8[%swap3A_1305, %swap3A_1306], %swap3A_1309 {strides = array<i32>} : memref<128x128xf32, #tpu.memory_space<vmem>>, vector<1x16xf32>,
          %get3A_1310 = arith.index_cast %add3A_1249 : i32 to index
          %get3A_1311 = arith.constant 96 : index
          %get3A_1312 = tpu.vector_load %arg8[%get3A_1310, %get3A_1311] {strides = array<i32>} : memref<128x128xf32, #tpu.memory_space<vmem>>, vector<1x16xf32>,
          %get3A_1313 = vector.shape_cast %get3A_1312 : vector<1x16xf32> to vector<16xf32>
          %mul3A_1314 = arith.mulf %get3A_1313, %broadcast_in_dim3A_1245 : vector<16xf32>
          %swap3A_1315 = arith.index_cast %add3A_1249 : i32 to index
          %swap3A_1316 = arith.constant 96 : index
          %swap3A_1317 = tpu.vector_load %arg8[%swap3A_1315, %swap3A_1316] {strides = array<i32>} : memref<128x128xf32, #tpu.memory_space<vmem>>, vector<1x16xf32>,
          %swap3A_1318 = vector.shape_cast %swap3A_1317 : vector<1x16xf32> to vector<16xf32>
          %swap3A_1319 = vector.shape_cast %mul3A_1314 : vector<16xf32> to vector<1x16xf32>
          tpu.vector_store %arg8[%swap3A_1315, %swap3A_1316], %swap3A_1319 {strides = array<i32>} : memref<128x128xf32, #tpu.memory_space<vmem>>, vector<1x16xf32>,
          %get3A_1320 = arith.index_cast %add3A_1249 : i32 to index
          %get3A_1321 = arith.constant 112 : index
          %get3A_1322 = tpu.vector_load %arg8[%get3A_1320, %get3A_1321] {strides = array<i32>} : memref<128x128xf32, #tpu.memory_space<vmem>>, vector<1x16xf32>,
          %get3A_1323 = vector.shape_cast %get3A_1322 : vector<1x16xf32> to vector<16xf32>
          %mul3A_1324 = arith.mulf %get3A_1323, %broadcast_in_dim3A_1245 : vector<16xf32>
          %swap3A_1325 = arith.index_cast %add3A_1249 : i32 to index
          %swap3A_1326 = arith.constant 112 : index
          %swap3A_1327 = tpu.vector_load %arg8[%swap3A_1325, %swap3A_1326] {strides = array<i32>} : memref<128x128xf32, #tpu.memory_space<vmem>>, vector<1x16xf32>,
          %swap3A_1328 = vector.shape_cast %swap3A_1327 : vector<1x16xf32> to vector<16xf32>
          %swap3A_1329 = vector.shape_cast %mul3A_1324 : vector<16xf32> to vector<1x16xf32>
          tpu.vector_store %arg8[%swap3A_1325, %swap3A_1326], %swap3A_1329 {strides = array<i32>} : memref<128x128xf32, #tpu.memory_space<vmem>>, vector<1x16xf32>,
          %slice3A_1330 = vector.extract_strided_slice %get3A_114 {offsets = [14], sizes = [1], strides = [1]} : vector<16xf32> to vector<1xf32>
          %squeeze3A_1331 = vector.extract %slice3A_1330[0] : f32 from vector<1xf32>
          %broadcast_in_dim3A_1332 = vector.broadcast %squeeze3A_1331 : f32 to vector<16xf32>
          %mul3A_1333 = arith.constant 16 : i32
          %mul3A_1334 = arith.muli %scan3A_108, %mul3A_1333 : i32
          %add3A_1335 = arith.constant 14 : i32
          %add3A_1336 = arith.addi %mul3A_1334, %add3A_1335 : i32
          %get3A_1337 = arith.index_cast %add3A_1336 : i32 to index
          %get3A_1338 = arith.constant 0 : index
          %get3A_1339 = tpu.vector_load %arg8[%get3A_1337, %get3A_1338] {strides = array<i32>} : memref<128x128xf32, #tpu.memory_space<vmem>>, vector<1x16xf32>,
          %get3A_1340 = vector.shape_cast %get3A_1339 : vector<1x16xf32> to vector<16xf32>
          %mul3A_1341 = arith.mulf %get3A_1340, %broadcast_in_dim3A_1332 : vector<16xf32>
          %swap3A_1342 = arith.index_cast %add3A_1336 : i32 to index
          %swap3A_1343 = arith.constant 0 : index
          %swap3A_1344 = tpu.vector_load %arg8[%swap3A_1342, %swap3A_1343] {strides = array<i32>} : memref<128x128xf32, #tpu.memory_space<vmem>>, vector<1x16xf32>,
          %swap3A_1345 = vector.shape_cast %swap3A_1344 : vector<1x16xf32> to vector<16xf32>
          %swap3A_1346 = vector.shape_cast %mul3A_1341 : vector<16xf32> to vector<1x16xf32>
          tpu.vector_store %arg8[%swap3A_1342, %swap3A_1343], %swap3A_1346 {strides = array<i32>} : memref<128x128xf32, #tpu.memory_space<vmem>>, vector<1x16xf32>,
          %get3A_1347 = arith.index_cast %add3A_1336 : i32 to index
          %get3A_1348 = arith.constant 16 : index
          %get3A_1349 = tpu.vector_load %arg8[%get3A_1347, %get3A_1348] {strides = array<i32>} : memref<128x128xf32, #tpu.memory_space<vmem>>, vector<1x16xf32>,
          %get3A_1350 = vector.shape_cast %get3A_1349 : vector<1x16xf32> to vector<16xf32>
          %mul3A_1351 = arith.mulf %get3A_1350, %broadcast_in_dim3A_1332 : vector<16xf32>
          %swap3A_1352 = arith.index_cast %add3A_1336 : i32 to index
          %swap3A_1353 = arith.constant 16 : index
          %swap3A_1354 = tpu.vector_load %arg8[%swap3A_1352, %swap3A_1353] {strides = array<i32>} : memref<128x128xf32, #tpu.memory_space<vmem>>, vector<1x16xf32>,
          %swap3A_1355 = vector.shape_cast %swap3A_1354 : vector<1x16xf32> to vector<16xf32>
          %swap3A_1356 = vector.shape_cast %mul3A_1351 : vector<16xf32> to vector<1x16xf32>
          tpu.vector_store %arg8[%swap3A_1352, %swap3A_1353], %swap3A_1356 {strides = array<i32>} : memref<128x128xf32, #tpu.memory_space<vmem>>, vector<1x16xf32>,
          %get3A_1357 = arith.index_cast %add3A_1336 : i32 to index
          %get3A_1358 = arith.constant 32 : index
          %get3A_1359 = tpu.vector_load %arg8[%get3A_1357, %get3A_1358] {strides = array<i32>} : memref<128x128xf32, #tpu.memory_space<vmem>>, vector<1x16xf32>,
          %get3A_1360 = vector.shape_cast %get3A_1359 : vector<1x16xf32> to vector<16xf32>
          %mul3A_1361 = arith.mulf %get3A_1360, %broadcast_in_dim3A_1332 : vector<16xf32>
          %swap3A_1362 = arith.index_cast %add3A_1336 : i32 to index
          %swap3A_1363 = arith.constant 32 : index
          %swap3A_1364 = tpu.vector_load %arg8[%swap3A_1362, %swap3A_1363] {strides = array<i32>} : memref<128x128xf32, #tpu.memory_space<vmem>>, vector<1x16xf32>,
          %swap3A_1365 = vector.shape_cast %swap3A_1364 : vector<1x16xf32> to vector<16xf32>
          %swap3A_1366 = vector.shape_cast %mul3A_1361 : vector<16xf32> to vector<1x16xf32>
          tpu.vector_store %arg8[%swap3A_1362, %swap3A_1363], %swap3A_1366 {strides = array<i32>} : memref<128x128xf32, #tpu.memory_space<vmem>>, vector<1x16xf32>,
          %get3A_1367 = arith.index_cast %add3A_1336 : i32 to index
          %get3A_1368 = arith.constant 48 : index
          %get3A_1369 = tpu.vector_load %arg8[%get3A_1367, %get3A_1368] {strides = array<i32>} : memref<128x128xf32, #tpu.memory_space<vmem>>, vector<1x16xf32>,
          %get3A_1370 = vector.shape_cast %get3A_1369 : vector<1x16xf32> to vector<16xf32>
          %mul3A_1371 = arith.mulf %get3A_1370, %broadcast_in_dim3A_1332 : vector<16xf32>
          %swap3A_1372 = arith.index_cast %add3A_1336 : i32 to index
          %swap3A_1373 = arith.constant 48 : index
          %swap3A_1374 = tpu.vector_load %arg8[%swap3A_1372, %swap3A_1373] {strides = array<i32>} : memref<128x128xf32, #tpu.memory_space<vmem>>, vector<1x16xf32>,
          %swap3A_1375 = vector.shape_cast %swap3A_1374 : vector<1x16xf32> to vector<16xf32>
          %swap3A_1376 = vector.shape_cast %mul3A_1371 : vector<16xf32> to vector<1x16xf32>
          tpu.vector_store %arg8[%swap3A_1372, %swap3A_1373], %swap3A_1376 {strides = array<i32>} : memref<128x128xf32, #tpu.memory_space<vmem>>, vector<1x16xf32>,
          %get3A_1377 = arith.index_cast %add3A_1336 : i32 to index
          %get3A_1378 = arith.constant 64 : index
          %get3A_1379 = tpu.vector_load %arg8[%get3A_1377, %get3A_1378] {strides = array<i32>} : memref<128x128xf32, #tpu.memory_space<vmem>>, vector<1x16xf32>,
          %get3A_1380 = vector.shape_cast %get3A_1379 : vector<1x16xf32> to vector<16xf32>
          %mul3A_1381 = arith.mulf %get3A_1380, %broadcast_in_dim3A_1332 : vector<16xf32>
          %swap3A_1382 = arith.index_cast %add3A_1336 : i32 to index
          %swap3A_1383 = arith.constant 64 : index
          %swap3A_1384 = tpu.vector_load %arg8[%swap3A_1382, %swap3A_1383] {strides = array<i32>} : memref<128x128xf32, #tpu.memory_space<vmem>>, vector<1x16xf32>,
          %swap3A_1385 = vector.shape_cast %swap3A_1384 : vector<1x16xf32> to vector<16xf32>
          %swap3A_1386 = vector.shape_cast %mul3A_1381 : vector<16xf32> to vector<1x16xf32>
          tpu.vector_store %arg8[%swap3A_1382, %swap3A_1383], %swap3A_1386 {strides = array<i32>} : memref<128x128xf32, #tpu.memory_space<vmem>>, vector<1x16xf32>,
          %get3A_1387 = arith.index_cast %add3A_1336 : i32 to index
          %get3A_1388 = arith.constant 80 : index
          %get3A_1389 = tpu.vector_load %arg8[%get3A_1387, %get3A_1388] {strides = array<i32>} : memref<128x128xf32, #tpu.memory_space<vmem>>, vector<1x16xf32>,
          %get3A_1390 = vector.shape_cast %get3A_1389 : vector<1x16xf32> to vector<16xf32>
          %mul3A_1391 = arith.mulf %get3A_1390, %broadcast_in_dim3A_1332 : vector<16xf32>
          %swap3A_1392 = arith.index_cast %add3A_1336 : i32 to index
          %swap3A_1393 = arith.constant 80 : index
          %swap3A_1394 = tpu.vector_load %arg8[%swap3A_1392, %swap3A_1393] {strides = array<i32>} : memref<128x128xf32, #tpu.memory_space<vmem>>, vector<1x16xf32>,
          %swap3A_1395 = vector.shape_cast %swap3A_1394 : vector<1x16xf32> to vector<16xf32>
          %swap3A_1396 = vector.shape_cast %mul3A_1391 : vector<16xf32> to vector<1x16xf32>
          tpu.vector_store %arg8[%swap3A_1392, %swap3A_1393], %swap3A_1396 {strides = array<i32>} : memref<128x128xf32, #tpu.memory_space<vmem>>, vector<1x16xf32>,
          %get3A_1397 = arith.index_cast %add3A_1336 : i32 to index
          %get3A_1398 = arith.constant 96 : index
          %get3A_1399 = tpu.vector_load %arg8[%get3A_1397, %get3A_1398] {strides = array<i32>} : memref<128x128xf32, #tpu.memory_space<vmem>>, vector<1x16xf32>,
          %get3A_1400 = vector.shape_cast %get3A_1399 : vector<1x16xf32> to vector<16xf32>
          %mul3A_1401 = arith.mulf %get3A_1400, %broadcast_in_dim3A_1332 : vector<16xf32>
          %swap3A_1402 = arith.index_cast %add3A_1336 : i32 to index
          %swap3A_1403 = arith.constant 96 : index
          %swap3A_1404 = tpu.vector_load %arg8[%swap3A_1402, %swap3A_1403] {strides = array<i32>} : memref<128x128xf32, #tpu.memory_space<vmem>>, vector<1x16xf32>,
          %swap3A_1405 = vector.shape_cast %swap3A_1404 : vector<1x16xf32> to vector<16xf32>
          %swap3A_1406 = vector.shape_cast %mul3A_1401 : vector<16xf32> to vector<1x16xf32>
          tpu.vector_store %arg8[%swap3A_1402, %swap3A_1403], %swap3A_1406 {strides = array<i32>} : memref<128x128xf32, #tpu.memory_space<vmem>>, vector<1x16xf32>,
          %get3A_1407 = arith.index_cast %add3A_1336 : i32 to index
          %get3A_1408 = arith.constant 112 : index
          %get3A_1409 = tpu.vector_load %arg8[%get3A_1407, %get3A_1408] {strides = array<i32>} : memref<128x128xf32, #tpu.memory_space<vmem>>, vector<1x16xf32>,
          %get3A_1410 = vector.shape_cast %get3A_1409 : vector<1x16xf32> to vector<16xf32>
          %mul3A_1411 = arith.mulf %get3A_1410, %broadcast_in_dim3A_1332 : vector<16xf32>
          %swap3A_1412 = arith.index_cast %add3A_1336 : i32 to index
          %swap3A_1413 = arith.constant 112 : index
          %swap3A_1414 = tpu.vector_load %arg8[%swap3A_1412, %swap3A_1413] {strides = array<i32>} : memref<128x128xf32, #tpu.memory_space<vmem>>, vector<1x16xf32>,
          %swap3A_1415 = vector.shape_cast %swap3A_1414 : vector<1x16xf32> to vector<16xf32>
          %swap3A_1416 = vector.shape_cast %mul3A_1411 : vector<16xf32> to vector<1x16xf32>
          tpu.vector_store %arg8[%swap3A_1412, %swap3A_1413], %swap3A_1416 {strides = array<i32>} : memref<128x128xf32, #tpu.memory_space<vmem>>, vector<1x16xf32>,
          %slice3A_1417 = vector.extract_strided_slice %get3A_114 {offsets = [15], sizes = [1], strides = [1]} : vector<16xf32> to vector<1xf32>
          %squeeze3A_1418 = vector.extract %slice3A_1417[0] : f32 from vector<1xf32>
          %broadcast_in_dim3A_1419 = vector.broadcast %squeeze3A_1418 : f32 to vector<16xf32>
          %mul3A_1420 = arith.constant 16 : i32
          %mul3A_1421 = arith.muli %scan3A_108, %mul3A_1420 : i32
          %add3A_1422 = arith.constant 15 : i32
          %add3A_1423 = arith.addi %mul3A_1421, %add3A_1422 : i32
          %get3A_1424 = arith.index_cast %add3A_1423 : i32 to index
          %get3A_1425 = arith.constant 0 : index
          %get3A_1426 = tpu.vector_load %arg8[%get3A_1424, %get3A_1425] {strides = array<i32>} : memref<128x128xf32, #tpu.memory_space<vmem>>, vector<1x16xf32>,
          %get3A_1427 = vector.shape_cast %get3A_1426 : vector<1x16xf32> to vector<16xf32>
          %mul3A_1428 = arith.mulf %get3A_1427, %broadcast_in_dim3A_1419 : vector<16xf32>
          %swap3A_1429 = arith.index_cast %add3A_1423 : i32 to index
          %swap3A_1430 = arith.constant 0 : index
          %swap3A_1431 = tpu.vector_load %arg8[%swap3A_1429, %swap3A_1430] {strides = array<i32>} : memref<128x128xf32, #tpu.memory_space<vmem>>, vector<1x16xf32>,
          %swap3A_1432 = vector.shape_cast %swap3A_1431 : vector<1x16xf32> to vector<16xf32>
          %swap3A_1433 = vector.shape_cast %mul3A_1428 : vector<16xf32> to vector<1x16xf32>
          tpu.vector_store %arg8[%swap3A_1429, %swap3A_1430], %swap3A_1433 {strides = array<i32>} : memref<128x128xf32, #tpu.memory_space<vmem>>, vector<1x16xf32>,
          %get3A_1434 = arith.index_cast %add3A_1423 : i32 to index
          %get3A_1435 = arith.constant 16 : index
          %get3A_1436 = tpu.vector_load %arg8[%get3A_1434, %get3A_1435] {strides = array<i32>} : memref<128x128xf32, #tpu.memory_space<vmem>>, vector<1x16xf32>,
          %get3A_1437 = vector.shape_cast %get3A_1436 : vector<1x16xf32> to vector<16xf32>
          %mul3A_1438 = arith.mulf %get3A_1437, %broadcast_in_dim3A_1419 : vector<16xf32>
          %swap3A_1439 = arith.index_cast %add3A_1423 : i32 to index
          %swap3A_1440 = arith.constant 16 : index
          %swap3A_1441 = tpu.vector_load %arg8[%swap3A_1439, %swap3A_1440] {strides = array<i32>} : memref<128x128xf32, #tpu.memory_space<vmem>>, vector<1x16xf32>,
          %swap3A_1442 = vector.shape_cast %swap3A_1441 : vector<1x16xf32> to vector<16xf32>
          %swap3A_1443 = vector.shape_cast %mul3A_1438 : vector<16xf32> to vector<1x16xf32>
          tpu.vector_store %arg8[%swap3A_1439, %swap3A_1440], %swap3A_1443 {strides = array<i32>} : memref<128x128xf32, #tpu.memory_space<vmem>>, vector<1x16xf32>,
          %get3A_1444 = arith.index_cast %add3A_1423 : i32 to index
          %get3A_1445 = arith.constant 32 : index
          %get3A_1446 = tpu.vector_load %arg8[%get3A_1444, %get3A_1445] {strides = array<i32>} : memref<128x128xf32, #tpu.memory_space<vmem>>, vector<1x16xf32>,
          %get3A_1447 = vector.shape_cast %get3A_1446 : vector<1x16xf32> to vector<16xf32>
          %mul3A_1448 = arith.mulf %get3A_1447, %broadcast_in_dim3A_1419 : vector<16xf32>
          %swap3A_1449 = arith.index_cast %add3A_1423 : i32 to index
          %swap3A_1450 = arith.constant 32 : index
          %swap3A_1451 = tpu.vector_load %arg8[%swap3A_1449, %swap3A_1450] {strides = array<i32>} : memref<128x128xf32, #tpu.memory_space<vmem>>, vector<1x16xf32>,
          %swap3A_1452 = vector.shape_cast %swap3A_1451 : vector<1x16xf32> to vector<16xf32>
          %swap3A_1453 = vector.shape_cast %mul3A_1448 : vector<16xf32> to vector<1x16xf32>
          tpu.vector_store %arg8[%swap3A_1449, %swap3A_1450], %swap3A_1453 {strides = array<i32>} : memref<128x128xf32, #tpu.memory_space<vmem>>, vector<1x16xf32>,
          %get3A_1454 = arith.index_cast %add3A_1423 : i32 to index
          %get3A_1455 = arith.constant 48 : index
          %get3A_1456 = tpu.vector_load %arg8[%get3A_1454, %get3A_1455] {strides = array<i32>} : memref<128x128xf32, #tpu.memory_space<vmem>>, vector<1x16xf32>,
          %get3A_1457 = vector.shape_cast %get3A_1456 : vector<1x16xf32> to vector<16xf32>
          %mul3A_1458 = arith.mulf %get3A_1457, %broadcast_in_dim3A_1419 : vector<16xf32>
          %swap3A_1459 = arith.index_cast %add3A_1423 : i32 to index
          %swap3A_1460 = arith.constant 48 : index
          %swap3A_1461 = tpu.vector_load %arg8[%swap3A_1459, %swap3A_1460] {strides = array<i32>} : memref<128x128xf32, #tpu.memory_space<vmem>>, vector<1x16xf32>,
          %swap3A_1462 = vector.shape_cast %swap3A_1461 : vector<1x16xf32> to vector<16xf32>
          %swap3A_1463 = vector.shape_cast %mul3A_1458 : vector<16xf32> to vector<1x16xf32>
          tpu.vector_store %arg8[%swap3A_1459, %swap3A_1460], %swap3A_1463 {strides = array<i32>} : memref<128x128xf32, #tpu.memory_space<vmem>>, vector<1x16xf32>,
          %get3A_1464 = arith.index_cast %add3A_1423 : i32 to index
          %get3A_1465 = arith.constant 64 : index
          %get3A_1466 = tpu.vector_load %arg8[%get3A_1464, %get3A_1465] {strides = array<i32>} : memref<128x128xf32, #tpu.memory_space<vmem>>, vector<1x16xf32>,
          %get3A_1467 = vector.shape_cast %get3A_1466 : vector<1x16xf32> to vector<16xf32>
          %mul3A_1468 = arith.mulf %get3A_1467, %broadcast_in_dim3A_1419 : vector<16xf32>
          %swap3A_1469 = arith.index_cast %add3A_1423 : i32 to index
          %swap3A_1470 = arith.constant 64 : index
          %swap3A_1471 = tpu.vector_load %arg8[%swap3A_1469, %swap3A_1470] {strides = array<i32>} : memref<128x128xf32, #tpu.memory_space<vmem>>, vector<1x16xf32>,
          %swap3A_1472 = vector.shape_cast %swap3A_1471 : vector<1x16xf32> to vector<16xf32>
          %swap3A_1473 = vector.shape_cast %mul3A_1468 : vector<16xf32> to vector<1x16xf32>
          tpu.vector_store %arg8[%swap3A_1469, %swap3A_1470], %swap3A_1473 {strides = array<i32>} : memref<128x128xf32, #tpu.memory_space<vmem>>, vector<1x16xf32>,
          %get3A_1474 = arith.index_cast %add3A_1423 : i32 to index
          %get3A_1475 = arith.constant 80 : index
          %get3A_1476 = tpu.vector_load %arg8[%get3A_1474, %get3A_1475] {strides = array<i32>} : memref<128x128xf32, #tpu.memory_space<vmem>>, vector<1x16xf32>,
          %get3A_1477 = vector.shape_cast %get3A_1476 : vector<1x16xf32> to vector<16xf32>
          %mul3A_1478 = arith.mulf %get3A_1477, %broadcast_in_dim3A_1419 : vector<16xf32>
          %swap3A_1479 = arith.index_cast %add3A_1423 : i32 to index
          %swap3A_1480 = arith.constant 80 : index
          %swap3A_1481 = tpu.vector_load %arg8[%swap3A_1479, %swap3A_1480] {strides = array<i32>} : memref<128x128xf32, #tpu.memory_space<vmem>>, vector<1x16xf32>,
          %swap3A_1482 = vector.shape_cast %swap3A_1481 : vector<1x16xf32> to vector<16xf32>
          %swap3A_1483 = vector.shape_cast %mul3A_1478 : vector<16xf32> to vector<1x16xf32>
          tpu.vector_store %arg8[%swap3A_1479, %swap3A_1480], %swap3A_1483 {strides = array<i32>} : memref<128x128xf32, #tpu.memory_space<vmem>>, vector<1x16xf32>,
          %get3A_1484 = arith.index_cast %add3A_1423 : i32 to index
          %get3A_1485 = arith.constant 96 : index
          %get3A_1486 = tpu.vector_load %arg8[%get3A_1484, %get3A_1485] {strides = array<i32>} : memref<128x128xf32, #tpu.memory_space<vmem>>, vector<1x16xf32>,
          %get3A_1487 = vector.shape_cast %get3A_1486 : vector<1x16xf32> to vector<16xf32>
          %mul3A_1488 = arith.mulf %get3A_1487, %broadcast_in_dim3A_1419 : vector<16xf32>
          %swap3A_1489 = arith.index_cast %add3A_1423 : i32 to index
          %swap3A_1490 = arith.constant 96 : index
          %swap3A_1491 = tpu.vector_load %arg8[%swap3A_1489, %swap3A_1490] {strides = array<i32>} : memref<128x128xf32, #tpu.memory_space<vmem>>, vector<1x16xf32>,
          %swap3A_1492 = vector.shape_cast %swap3A_1491 : vector<1x16xf32> to vector<16xf32>
          %swap3A_1493 = vector.shape_cast %mul3A_1488 : vector<16xf32> to vector<1x16xf32>
          tpu.vector_store %arg8[%swap3A_1489, %swap3A_1490], %swap3A_1493 {strides = array<i32>} : memref<128x128xf32, #tpu.memory_space<vmem>>, vector<1x16xf32>,
          %get3A_1494 = arith.index_cast %add3A_1423 : i32 to index
          %get3A_1495 = arith.constant 112 : index
          %get3A_1496 = tpu.vector_load %arg8[%get3A_1494, %get3A_1495] {strides = array<i32>} : memref<128x128xf32, #tpu.memory_space<vmem>>, vector<1x16xf32>,
          %get3A_1497 = vector.shape_cast %get3A_1496 : vector<1x16xf32> to vector<16xf32>
          %mul3A_1498 = arith.mulf %get3A_1497, %broadcast_in_dim3A_1419 : vector<16xf32>
          %swap3A_1499 = arith.index_cast %add3A_1423 : i32 to index
          %swap3A_1500 = arith.constant 112 : index
          %swap3A_1501 = tpu.vector_load %arg8[%swap3A_1499, %swap3A_1500] {strides = array<i32>} : memref<128x128xf32, #tpu.memory_space<vmem>>, vector<1x16xf32>,
          %swap3A_1502 = vector.shape_cast %swap3A_1501 : vector<1x16xf32> to vector<16xf32>
          %swap3A_1503 = vector.shape_cast %mul3A_1498 : vector<16xf32> to vector<1x16xf32>
          tpu.vector_store %arg8[%swap3A_1499, %swap3A_1500], %swap3A_1503 {strides = array<i32>} : memref<128x128xf32, #tpu.memory_space<vmem>>, vector<1x16xf32>,
          %scan3A_1504 = arith.constant 0 : i32
          scf.yield %scan3A_1504 : i32
        }
        %scan3A_91 = arith.constant 8 : i32
        "tpu.region"() ({
          %run_scoped3A = tpu.sem_alloc : memref<!tpu.dma_semaphore, #tpu.memory_space<semaphore_mem>>
          %dma_start3A_108 = arith.constant 0 : i32
          %dma_start3A_109 = tpu.memref_slice %arg10[%mul3A_69, %dma_start3A_108] : memref<16x128xi32, #tpu.memory_space<vmem>> -> memref<1x128xi32, #tpu.memory_space<vmem>>
          %dma_start3A_110 = tpu.memref_squeeze %dma_start3A_109 : memref<1x128xi32, #tpu.memory_space<vmem>> -> memref<128xi32, #tpu.memory_space<vmem>>
          %dma_start3A_111 = arith.constant 0 : i32
          %dma_start3A_112 = arith.constant 0 : i32
          %dma_start3A_113 = tpu.memref_slice %arg7[%dma_start3A_111, %dma_start3A_112] : memref<10240x128xf32, #tpu.memory_space<vmem_shared>> -> memref<10240x128xf32, #tpu.memory_space<vmem_shared>>
          tpu.enqueue_indirect_dma source(%arg8 : memref<128x128xf32, #tpu.memory_space<vmem>>) target(%dma_start3A_113 : memref<10240x128xf32, #tpu.memory_space<vmem_shared>>) offsets(%dma_start3A_110 : memref<128xi32, #tpu.memory_space<vmem>>) semaphore(%run_scoped3A : memref<!tpu.dma_semaphore, #tpu.memory_space<semaphore_mem>>) {add = true}
          %dma_wait3A_114 = arith.constant 0 : i32
          %dma_wait3A_115 = tpu.memref_slice %arg10[%mul3A_69, %dma_wait3A_114] : memref<16x128xi32, #tpu.memory_space<vmem>> -> memref<1x128xi32, #tpu.memory_space<vmem>>
          %dma_wait3A_116 = tpu.memref_squeeze %dma_wait3A_115 : memref<1x128xi32, #tpu.memory_space<vmem>> -> memref<128xi32, #tpu.memory_space<vmem>>
          %dma_wait3A_117 = arith.constant 0 : i32
          %dma_wait3A_118 = arith.constant 0 : i32
          %dma_wait3A_119 = tpu.memref_slice %arg7[%dma_wait3A_117, %dma_wait3A_118] : memref<10240x128xf32, #tpu.memory_space<vmem_shared>> -> memref<10240x128xf32, #tpu.memory_space<vmem_shared>>
          tpu.wait_indirect_dma semaphore(%run_scoped3A : memref<!tpu.dma_semaphore, #tpu.memory_space<semaphore_mem>>) src(%arg8 : memref<128x128xf32, #tpu.memory_space<vmem>>) dst(%dma_wait3A_119 : memref<10240x128xf32, #tpu.memory_space<vmem_shared>>)
          tpu.yield
        }) : () -> ()
        %lt3A = arith.constant 7 : i32
        %lt3A_92 = arith.cmpi slt, %scan3A_66, %lt3A : i32
        %convert_element_type3A = arith.extui %lt3A_92 : i1 to i32
        %cond3A = arith.constant 0 : i32
        %cond3A_93 = arith.cmpi ne, %convert_element_type3A, %cond3A : i32
        scf.if %cond3A_93 {
          %add3A_108 = arith.constant 2 : i32
          %add3A_109 = arith.addi %mul3A_69, %add3A_108 : i32
          %dma_start3A_110 = arith.constant 0 : i32
          %dma_start3A_111 = tpu.memref_slice %arg12[%add3A_109, %dma_start3A_110] : memref<16x128xi32, #tpu.memory_space<vmem>> -> memref<1x128xi32, #tpu.memory_space<vmem>>
          %dma_start3A_112 = tpu.memref_squeeze %dma_start3A_111 : memref<1x128xi32, #tpu.memory_space<vmem>> -> memref<128xi32, #tpu.memory_space<vmem>>
          %dma_start3A_113 = arith.constant 0 : i32
          %dma_start3A_114 = arith.constant 0 : i32
          %dma_start3A_115 = tpu.memref_slice %arg2[%dma_start3A_113, %dma_start3A_114] : memref<10000x128xf32, #tpu.memory_space<hbm>> -> memref<10000x128xf32, #tpu.memory_space<hbm>>
          tpu.enqueue_indirect_dma source(%dma_start3A_115 : memref<10000x128xf32, #tpu.memory_space<hbm>>) target(%arg8 : memref<128x128xf32, #tpu.memory_space<vmem>>) offsets(%dma_start3A_112 : memref<128xi32, #tpu.memory_space<vmem>>) semaphore(%arg13 : memref<!tpu.dma_semaphore, #tpu.memory_space<semaphore_mem>>)
        } else {
        }
        %dma_wait3A_94 = arith.constant 0 : i32
        %dma_wait3A_95 = tpu.memref_slice %arg12[%add3A_73, %dma_wait3A_94] : memref<16x128xi32, #tpu.memory_space<vmem>> -> memref<1x128xi32, #tpu.memory_space<vmem>>
        %dma_wait3A_96 = tpu.memref_squeeze %dma_wait3A_95 : memref<1x128xi32, #tpu.memory_space<vmem>> -> memref<128xi32, #tpu.memory_space<vmem>>
        %dma_wait3A_97 = arith.constant 0 : i32
        %dma_wait3A_98 = arith.constant 0 : i32
        %dma_wait3A_99 = tpu.memref_slice %arg2[%dma_wait3A_97, %dma_wait3A_98] : memref<10000x128xf32, #tpu.memory_space<hbm>> -> memref<10000x128xf32, #tpu.memory_space<hbm>>
        tpu.wait_indirect_dma semaphore(%arg14 : memref<!tpu.dma_semaphore, #tpu.memory_space<semaphore_mem>>) src(%dma_wait3A_99 : memref<10000x128xf32, #tpu.memory_space<hbm>>) dst(%arg9 : memref<128x128xf32, #tpu.memory_space<vmem>>)
        %scan3A_100 = arith.constant 0 : i32
        %scan3A_101 = arith.constant 0 : i32
        %scan3A_102 = arith.constant 8 : i32
        %scan3A_103 = arith.addi %scan3A_101, %scan3A_102 : i32
        %scan3A_104 = arith.constant 1 : i32
        %scan3A_105 = scf.for %scan3A_108 = %scan3A_101 to %scan3A_103 step %scan3A_104 iter_args(%scan3A_109 = %scan3A_100) -> (i32)  : i32 {
          %mul3A_110 = arith.constant 16 : i32
          %mul3A_111 = arith.muli %scan3A_108, %mul3A_110 : i32
          %get3A = arith.index_cast %add3A_73 : i32 to index
          %get3A_112 = arith.index_cast %mul3A_111 : i32 to index
          %get3A_113 = tpu.vector_load %arg11[%get3A, %get3A_112] {strides = array<i32>} : memref<16x128xf32, #tpu.memory_space<vmem>>, vector<1x16xf32>,
          %get3A_114 = vector.shape_cast %get3A_113 : vector<1x16xf32> to vector<16xf32>
          %slice3A = vector.extract_strided_slice %get3A_114 {offsets = [0], sizes = [1], strides = [1]} : vector<16xf32> to vector<1xf32>
          %squeeze3A = vector.extract %slice3A[0] : f32 from vector<1xf32>
          %broadcast_in_dim3A_115 = vector.broadcast %squeeze3A : f32 to vector<16xf32>
          %mul3A_116 = arith.constant 16 : i32
          %mul3A_117 = arith.muli %scan3A_108, %mul3A_116 : i32
          %add3A_118 = arith.constant 0 : i32
          %add3A_119 = arith.addi %mul3A_117, %add3A_118 : i32
          %get3A_120 = arith.index_cast %add3A_119 : i32 to index
          %get3A_121 = arith.constant 0 : index
          %get3A_122 = tpu.vector_load %arg9[%get3A_120, %get3A_121] {strides = array<i32>} : memref<128x128xf32, #tpu.memory_space<vmem>>, vector<1x16xf32>,
          %get3A_123 = vector.shape_cast %get3A_122 : vector<1x16xf32> to vector<16xf32>
          %mul3A_124 = arith.mulf %get3A_123, %broadcast_in_dim3A_115 : vector<16xf32>
          %swap3A = arith.index_cast %add3A_119 : i32 to index
          %swap3A_125 = arith.constant 0 : index
          %swap3A_126 = tpu.vector_load %arg9[%swap3A, %swap3A_125] {strides = array<i32>} : memref<128x128xf32, #tpu.memory_space<vmem>>, vector<1x16xf32>,
          %swap3A_127 = vector.shape_cast %swap3A_126 : vector<1x16xf32> to vector<16xf32>
          %swap3A_128 = vector.shape_cast %mul3A_124 : vector<16xf32> to vector<1x16xf32>
          tpu.vector_store %arg9[%swap3A, %swap3A_125], %swap3A_128 {strides = array<i32>} : memref<128x128xf32, #tpu.memory_space<vmem>>, vector<1x16xf32>,
          %get3A_129 = arith.index_cast %add3A_119 : i32 to index
          %get3A_130 = arith.constant 16 : index
          %get3A_131 = tpu.vector_load %arg9[%get3A_129, %get3A_130] {strides = array<i32>} : memref<128x128xf32, #tpu.memory_space<vmem>>, vector<1x16xf32>,
          %get3A_132 = vector.shape_cast %get3A_131 : vector<1x16xf32> to vector<16xf32>
          %mul3A_133 = arith.mulf %get3A_132, %broadcast_in_dim3A_115 : vector<16xf32>
          %swap3A_134 = arith.index_cast %add3A_119 : i32 to index
          %swap3A_135 = arith.constant 16 : index
          %swap3A_136 = tpu.vector_load %arg9[%swap3A_134, %swap3A_135] {strides = array<i32>} : memref<128x128xf32, #tpu.memory_space<vmem>>, vector<1x16xf32>,
          %swap3A_137 = vector.shape_cast %swap3A_136 : vector<1x16xf32> to vector<16xf32>
          %swap3A_138 = vector.shape_cast %mul3A_133 : vector<16xf32> to vector<1x16xf32>
          tpu.vector_store %arg9[%swap3A_134, %swap3A_135], %swap3A_138 {strides = array<i32>} : memref<128x128xf32, #tpu.memory_space<vmem>>, vector<1x16xf32>,
          %get3A_139 = arith.index_cast %add3A_119 : i32 to index
          %get3A_140 = arith.constant 32 : index
          %get3A_141 = tpu.vector_load %arg9[%get3A_139, %get3A_140] {strides = array<i32>} : memref<128x128xf32, #tpu.memory_space<vmem>>, vector<1x16xf32>,
          %get3A_142 = vector.shape_cast %get3A_141 : vector<1x16xf32> to vector<16xf32>
          %mul3A_143 = arith.mulf %get3A_142, %broadcast_in_dim3A_115 : vector<16xf32>
          %swap3A_144 = arith.index_cast %add3A_119 : i32 to index
          %swap3A_145 = arith.constant 32 : index
          %swap3A_146 = tpu.vector_load %arg9[%swap3A_144, %swap3A_145] {strides = array<i32>} : memref<128x128xf32, #tpu.memory_space<vmem>>, vector<1x16xf32>,
          %swap3A_147 = vector.shape_cast %swap3A_146 : vector<1x16xf32> to vector<16xf32>
          %swap3A_148 = vector.shape_cast %mul3A_143 : vector<16xf32> to vector<1x16xf32>
          tpu.vector_store %arg9[%swap3A_144, %swap3A_145], %swap3A_148 {strides = array<i32>} : memref<128x128xf32, #tpu.memory_space<vmem>>, vector<1x16xf32>,
          %get3A_149 = arith.index_cast %add3A_119 : i32 to index
          %get3A_150 = arith.constant 48 : index
          %get3A_151 = tpu.vector_load %arg9[%get3A_149, %get3A_150] {strides = array<i32>} : memref<128x128xf32, #tpu.memory_space<vmem>>, vector<1x16xf32>,
          %get3A_152 = vector.shape_cast %get3A_151 : vector<1x16xf32> to vector<16xf32>
          %mul3A_153 = arith.mulf %get3A_152, %broadcast_in_dim3A_115 : vector<16xf32>
          %swap3A_154 = arith.index_cast %add3A_119 : i32 to index
          %swap3A_155 = arith.constant 48 : index
          %swap3A_156 = tpu.vector_load %arg9[%swap3A_154, %swap3A_155] {strides = array<i32>} : memref<128x128xf32, #tpu.memory_space<vmem>>, vector<1x16xf32>,
          %swap3A_157 = vector.shape_cast %swap3A_156 : vector<1x16xf32> to vector<16xf32>
          %swap3A_158 = vector.shape_cast %mul3A_153 : vector<16xf32> to vector<1x16xf32>
          tpu.vector_store %arg9[%swap3A_154, %swap3A_155], %swap3A_158 {strides = array<i32>} : memref<128x128xf32, #tpu.memory_space<vmem>>, vector<1x16xf32>,
          %get3A_159 = arith.index_cast %add3A_119 : i32 to index
          %get3A_160 = arith.constant 64 : index
          %get3A_161 = tpu.vector_load %arg9[%get3A_159, %get3A_160] {strides = array<i32>} : memref<128x128xf32, #tpu.memory_space<vmem>>, vector<1x16xf32>,
          %get3A_162 = vector.shape_cast %get3A_161 : vector<1x16xf32> to vector<16xf32>
          %mul3A_163 = arith.mulf %get3A_162, %broadcast_in_dim3A_115 : vector<16xf32>
          %swap3A_164 = arith.index_cast %add3A_119 : i32 to index
          %swap3A_165 = arith.constant 64 : index
          %swap3A_166 = tpu.vector_load %arg9[%swap3A_164, %swap3A_165] {strides = array<i32>} : memref<128x128xf32, #tpu.memory_space<vmem>>, vector<1x16xf32>,
          %swap3A_167 = vector.shape_cast %swap3A_166 : vector<1x16xf32> to vector<16xf32>
          %swap3A_168 = vector.shape_cast %mul3A_163 : vector<16xf32> to vector<1x16xf32>
          tpu.vector_store %arg9[%swap3A_164, %swap3A_165], %swap3A_168 {strides = array<i32>} : memref<128x128xf32, #tpu.memory_space<vmem>>, vector<1x16xf32>,
          %get3A_169 = arith.index_cast %add3A_119 : i32 to index
          %get3A_170 = arith.constant 80 : index
          %get3A_171 = tpu.vector_load %arg9[%get3A_169, %get3A_170] {strides = array<i32>} : memref<128x128xf32, #tpu.memory_space<vmem>>, vector<1x16xf32>,
          %get3A_172 = vector.shape_cast %get3A_171 : vector<1x16xf32> to vector<16xf32>
          %mul3A_173 = arith.mulf %get3A_172, %broadcast_in_dim3A_115 : vector<16xf32>
          %swap3A_174 = arith.index_cast %add3A_119 : i32 to index
          %swap3A_175 = arith.constant 80 : index
          %swap3A_176 = tpu.vector_load %arg9[%swap3A_174, %swap3A_175] {strides = array<i32>} : memref<128x128xf32, #tpu.memory_space<vmem>>, vector<1x16xf32>,
          %swap3A_177 = vector.shape_cast %swap3A_176 : vector<1x16xf32> to vector<16xf32>
          %swap3A_178 = vector.shape_cast %mul3A_173 : vector<16xf32> to vector<1x16xf32>
          tpu.vector_store %arg9[%swap3A_174, %swap3A_175], %swap3A_178 {strides = array<i32>} : memref<128x128xf32, #tpu.memory_space<vmem>>, vector<1x16xf32>,
          %get3A_179 = arith.index_cast %add3A_119 : i32 to index
          %get3A_180 = arith.constant 96 : index
          %get3A_181 = tpu.vector_load %arg9[%get3A_179, %get3A_180] {strides = array<i32>} : memref<128x128xf32, #tpu.memory_space<vmem>>, vector<1x16xf32>,
          %get3A_182 = vector.shape_cast %get3A_181 : vector<1x16xf32> to vector<16xf32>
          %mul3A_183 = arith.mulf %get3A_182, %broadcast_in_dim3A_115 : vector<16xf32>
          %swap3A_184 = arith.index_cast %add3A_119 : i32 to index
          %swap3A_185 = arith.constant 96 : index
          %swap3A_186 = tpu.vector_load %arg9[%swap3A_184, %swap3A_185] {strides = array<i32>} : memref<128x128xf32, #tpu.memory_space<vmem>>, vector<1x16xf32>,
          %swap3A_187 = vector.shape_cast %swap3A_186 : vector<1x16xf32> to vector<16xf32>
          %swap3A_188 = vector.shape_cast %mul3A_183 : vector<16xf32> to vector<1x16xf32>
          tpu.vector_store %arg9[%swap3A_184, %swap3A_185], %swap3A_188 {strides = array<i32>} : memref<128x128xf32, #tpu.memory_space<vmem>>, vector<1x16xf32>,
          %get3A_189 = arith.index_cast %add3A_119 : i32 to index
          %get3A_190 = arith.constant 112 : index
          %get3A_191 = tpu.vector_load %arg9[%get3A_189, %get3A_190] {strides = array<i32>} : memref<128x128xf32, #tpu.memory_space<vmem>>, vector<1x16xf32>,
          %get3A_192 = vector.shape_cast %get3A_191 : vector<1x16xf32> to vector<16xf32>
          %mul3A_193 = arith.mulf %get3A_192, %broadcast_in_dim3A_115 : vector<16xf32>
          %swap3A_194 = arith.index_cast %add3A_119 : i32 to index
          %swap3A_195 = arith.constant 112 : index
          %swap3A_196 = tpu.vector_load %arg9[%swap3A_194, %swap3A_195] {strides = array<i32>} : memref<128x128xf32, #tpu.memory_space<vmem>>, vector<1x16xf32>,
          %swap3A_197 = vector.shape_cast %swap3A_196 : vector<1x16xf32> to vector<16xf32>
          %swap3A_198 = vector.shape_cast %mul3A_193 : vector<16xf32> to vector<1x16xf32>
          tpu.vector_store %arg9[%swap3A_194, %swap3A_195], %swap3A_198 {strides = array<i32>} : memref<128x128xf32, #tpu.memory_space<vmem>>, vector<1x16xf32>,
          %slice3A_199 = vector.extract_strided_slice %get3A_114 {offsets = [1], sizes = [1], strides = [1]} : vector<16xf32> to vector<1xf32>
          %squeeze3A_200 = vector.extract %slice3A_199[0] : f32 from vector<1xf32>
          %broadcast_in_dim3A_201 = vector.broadcast %squeeze3A_200 : f32 to vector<16xf32>
          %mul3A_202 = arith.constant 16 : i32
          %mul3A_203 = arith.muli %scan3A_108, %mul3A_202 : i32
          %add3A_204 = arith.constant 1 : i32
          %add3A_205 = arith.addi %mul3A_203, %add3A_204 : i32
          %get3A_206 = arith.index_cast %add3A_205 : i32 to index
          %get3A_207 = arith.constant 0 : index
          %get3A_208 = tpu.vector_load %arg9[%get3A_206, %get3A_207] {strides = array<i32>} : memref<128x128xf32, #tpu.memory_space<vmem>>, vector<1x16xf32>,
          %get3A_209 = vector.shape_cast %get3A_208 : vector<1x16xf32> to vector<16xf32>
          %mul3A_210 = arith.mulf %get3A_209, %broadcast_in_dim3A_201 : vector<16xf32>
          %swap3A_211 = arith.index_cast %add3A_205 : i32 to index
          %swap3A_212 = arith.constant 0 : index
          %swap3A_213 = tpu.vector_load %arg9[%swap3A_211, %swap3A_212] {strides = array<i32>} : memref<128x128xf32, #tpu.memory_space<vmem>>, vector<1x16xf32>,
          %swap3A_214 = vector.shape_cast %swap3A_213 : vector<1x16xf32> to vector<16xf32>
          %swap3A_215 = vector.shape_cast %mul3A_210 : vector<16xf32> to vector<1x16xf32>
          tpu.vector_store %arg9[%swap3A_211, %swap3A_212], %swap3A_215 {strides = array<i32>} : memref<128x128xf32, #tpu.memory_space<vmem>>, vector<1x16xf32>,
          %get3A_216 = arith.index_cast %add3A_205 : i32 to index
          %get3A_217 = arith.constant 16 : index
          %get3A_218 = tpu.vector_load %arg9[%get3A_216, %get3A_217] {strides = array<i32>} : memref<128x128xf32, #tpu.memory_space<vmem>>, vector<1x16xf32>,
          %get3A_219 = vector.shape_cast %get3A_218 : vector<1x16xf32> to vector<16xf32>
          %mul3A_220 = arith.mulf %get3A_219, %broadcast_in_dim3A_201 : vector<16xf32>
          %swap3A_221 = arith.index_cast %add3A_205 : i32 to index
          %swap3A_222 = arith.constant 16 : index
          %swap3A_223 = tpu.vector_load %arg9[%swap3A_221, %swap3A_222] {strides = array<i32>} : memref<128x128xf32, #tpu.memory_space<vmem>>, vector<1x16xf32>,
          %swap3A_224 = vector.shape_cast %swap3A_223 : vector<1x16xf32> to vector<16xf32>
          %swap3A_225 = vector.shape_cast %mul3A_220 : vector<16xf32> to vector<1x16xf32>
          tpu.vector_store %arg9[%swap3A_221, %swap3A_222], %swap3A_225 {strides = array<i32>} : memref<128x128xf32, #tpu.memory_space<vmem>>, vector<1x16xf32>,
          %get3A_226 = arith.index_cast %add3A_205 : i32 to index
          %get3A_227 = arith.constant 32 : index
          %get3A_228 = tpu.vector_load %arg9[%get3A_226, %get3A_227] {strides = array<i32>} : memref<128x128xf32, #tpu.memory_space<vmem>>, vector<1x16xf32>,
          %get3A_229 = vector.shape_cast %get3A_228 : vector<1x16xf32> to vector<16xf32>
          %mul3A_230 = arith.mulf %get3A_229, %broadcast_in_dim3A_201 : vector<16xf32>
          %swap3A_231 = arith.index_cast %add3A_205 : i32 to index
          %swap3A_232 = arith.constant 32 : index
          %swap3A_233 = tpu.vector_load %arg9[%swap3A_231, %swap3A_232] {strides = array<i32>} : memref<128x128xf32, #tpu.memory_space<vmem>>, vector<1x16xf32>,
          %swap3A_234 = vector.shape_cast %swap3A_233 : vector<1x16xf32> to vector<16xf32>
          %swap3A_235 = vector.shape_cast %mul3A_230 : vector<16xf32> to vector<1x16xf32>
          tpu.vector_store %arg9[%swap3A_231, %swap3A_232], %swap3A_235 {strides = array<i32>} : memref<128x128xf32, #tpu.memory_space<vmem>>, vector<1x16xf32>,
          %get3A_236 = arith.index_cast %add3A_205 : i32 to index
          %get3A_237 = arith.constant 48 : index
          %get3A_238 = tpu.vector_load %arg9[%get3A_236, %get3A_237] {strides = array<i32>} : memref<128x128xf32, #tpu.memory_space<vmem>>, vector<1x16xf32>,
          %get3A_239 = vector.shape_cast %get3A_238 : vector<1x16xf32> to vector<16xf32>
          %mul3A_240 = arith.mulf %get3A_239, %broadcast_in_dim3A_201 : vector<16xf32>
          %swap3A_241 = arith.index_cast %add3A_205 : i32 to index
          %swap3A_242 = arith.constant 48 : index
          %swap3A_243 = tpu.vector_load %arg9[%swap3A_241, %swap3A_242] {strides = array<i32>} : memref<128x128xf32, #tpu.memory_space<vmem>>, vector<1x16xf32>,
          %swap3A_244 = vector.shape_cast %swap3A_243 : vector<1x16xf32> to vector<16xf32>
          %swap3A_245 = vector.shape_cast %mul3A_240 : vector<16xf32> to vector<1x16xf32>
          tpu.vector_store %arg9[%swap3A_241, %swap3A_242], %swap3A_245 {strides = array<i32>} : memref<128x128xf32, #tpu.memory_space<vmem>>, vector<1x16xf32>,
          %get3A_246 = arith.index_cast %add3A_205 : i32 to index
          %get3A_247 = arith.constant 64 : index
          %get3A_248 = tpu.vector_load %arg9[%get3A_246, %get3A_247] {strides = array<i32>} : memref<128x128xf32, #tpu.memory_space<vmem>>, vector<1x16xf32>,
          %get3A_249 = vector.shape_cast %get3A_248 : vector<1x16xf32> to vector<16xf32>
          %mul3A_250 = arith.mulf %get3A_249, %broadcast_in_dim3A_201 : vector<16xf32>
          %swap3A_251 = arith.index_cast %add3A_205 : i32 to index
          %swap3A_252 = arith.constant 64 : index
          %swap3A_253 = tpu.vector_load %arg9[%swap3A_251, %swap3A_252] {strides = array<i32>} : memref<128x128xf32, #tpu.memory_space<vmem>>, vector<1x16xf32>,
          %swap3A_254 = vector.shape_cast %swap3A_253 : vector<1x16xf32> to vector<16xf32>
          %swap3A_255 = vector.shape_cast %mul3A_250 : vector<16xf32> to vector<1x16xf32>
          tpu.vector_store %arg9[%swap3A_251, %swap3A_252], %swap3A_255 {strides = array<i32>} : memref<128x128xf32, #tpu.memory_space<vmem>>, vector<1x16xf32>,
          %get3A_256 = arith.index_cast %add3A_205 : i32 to index
          %get3A_257 = arith.constant 80 : index
          %get3A_258 = tpu.vector_load %arg9[%get3A_256, %get3A_257] {strides = array<i32>} : memref<128x128xf32, #tpu.memory_space<vmem>>, vector<1x16xf32>,
          %get3A_259 = vector.shape_cast %get3A_258 : vector<1x16xf32> to vector<16xf32>
          %mul3A_260 = arith.mulf %get3A_259, %broadcast_in_dim3A_201 : vector<16xf32>
          %swap3A_261 = arith.index_cast %add3A_205 : i32 to index
          %swap3A_262 = arith.constant 80 : index
          %swap3A_263 = tpu.vector_load %arg9[%swap3A_261, %swap3A_262] {strides = array<i32>} : memref<128x128xf32, #tpu.memory_space<vmem>>, vector<1x16xf32>,
          %swap3A_264 = vector.shape_cast %swap3A_263 : vector<1x16xf32> to vector<16xf32>
          %swap3A_265 = vector.shape_cast %mul3A_260 : vector<16xf32> to vector<1x16xf32>
          tpu.vector_store %arg9[%swap3A_261, %swap3A_262], %swap3A_265 {strides = array<i32>} : memref<128x128xf32, #tpu.memory_space<vmem>>, vector<1x16xf32>,
          %get3A_266 = arith.index_cast %add3A_205 : i32 to index
          %get3A_267 = arith.constant 96 : index
          %get3A_268 = tpu.vector_load %arg9[%get3A_266, %get3A_267] {strides = array<i32>} : memref<128x128xf32, #tpu.memory_space<vmem>>, vector<1x16xf32>,
          %get3A_269 = vector.shape_cast %get3A_268 : vector<1x16xf32> to vector<16xf32>
          %mul3A_270 = arith.mulf %get3A_269, %broadcast_in_dim3A_201 : vector<16xf32>
          %swap3A_271 = arith.index_cast %add3A_205 : i32 to index
          %swap3A_272 = arith.constant 96 : index
          %swap3A_273 = tpu.vector_load %arg9[%swap3A_271, %swap3A_272] {strides = array<i32>} : memref<128x128xf32, #tpu.memory_space<vmem>>, vector<1x16xf32>,
          %swap3A_274 = vector.shape_cast %swap3A_273 : vector<1x16xf32> to vector<16xf32>
          %swap3A_275 = vector.shape_cast %mul3A_270 : vector<16xf32> to vector<1x16xf32>
          tpu.vector_store %arg9[%swap3A_271, %swap3A_272], %swap3A_275 {strides = array<i32>} : memref<128x128xf32, #tpu.memory_space<vmem>>, vector<1x16xf32>,
          %get3A_276 = arith.index_cast %add3A_205 : i32 to index
          %get3A_277 = arith.constant 112 : index
          %get3A_278 = tpu.vector_load %arg9[%get3A_276, %get3A_277] {strides = array<i32>} : memref<128x128xf32, #tpu.memory_space<vmem>>, vector<1x16xf32>,
          %get3A_279 = vector.shape_cast %get3A_278 : vector<1x16xf32> to vector<16xf32>
          %mul3A_280 = arith.mulf %get3A_279, %broadcast_in_dim3A_201 : vector<16xf32>
          %swap3A_281 = arith.index_cast %add3A_205 : i32 to index
          %swap3A_282 = arith.constant 112 : index
          %swap3A_283 = tpu.vector_load %arg9[%swap3A_281, %swap3A_282] {strides = array<i32>} : memref<128x128xf32, #tpu.memory_space<vmem>>, vector<1x16xf32>,
          %swap3A_284 = vector.shape_cast %swap3A_283 : vector<1x16xf32> to vector<16xf32>
          %swap3A_285 = vector.shape_cast %mul3A_280 : vector<16xf32> to vector<1x16xf32>
          tpu.vector_store %arg9[%swap3A_281, %swap3A_282], %swap3A_285 {strides = array<i32>} : memref<128x128xf32, #tpu.memory_space<vmem>>, vector<1x16xf32>,
          %slice3A_286 = vector.extract_strided_slice %get3A_114 {offsets = [2], sizes = [1], strides = [1]} : vector<16xf32> to vector<1xf32>
          %squeeze3A_287 = vector.extract %slice3A_286[0] : f32 from vector<1xf32>
          %broadcast_in_dim3A_288 = vector.broadcast %squeeze3A_287 : f32 to vector<16xf32>
          %mul3A_289 = arith.constant 16 : i32
          %mul3A_290 = arith.muli %scan3A_108, %mul3A_289 : i32
          %add3A_291 = arith.constant 2 : i32
          %add3A_292 = arith.addi %mul3A_290, %add3A_291 : i32
          %get3A_293 = arith.index_cast %add3A_292 : i32 to index
          %get3A_294 = arith.constant 0 : index
          %get3A_295 = tpu.vector_load %arg9[%get3A_293, %get3A_294] {strides = array<i32>} : memref<128x128xf32, #tpu.memory_space<vmem>>, vector<1x16xf32>,
          %get3A_296 = vector.shape_cast %get3A_295 : vector<1x16xf32> to vector<16xf32>
          %mul3A_297 = arith.mulf %get3A_296, %broadcast_in_dim3A_288 : vector<16xf32>
          %swap3A_298 = arith.index_cast %add3A_292 : i32 to index
          %swap3A_299 = arith.constant 0 : index
          %swap3A_300 = tpu.vector_load %arg9[%swap3A_298, %swap3A_299] {strides = array<i32>} : memref<128x128xf32, #tpu.memory_space<vmem>>, vector<1x16xf32>,
          %swap3A_301 = vector.shape_cast %swap3A_300 : vector<1x16xf32> to vector<16xf32>
          %swap3A_302 = vector.shape_cast %mul3A_297 : vector<16xf32> to vector<1x16xf32>
          tpu.vector_store %arg9[%swap3A_298, %swap3A_299], %swap3A_302 {strides = array<i32>} : memref<128x128xf32, #tpu.memory_space<vmem>>, vector<1x16xf32>,
          %get3A_303 = arith.index_cast %add3A_292 : i32 to index
          %get3A_304 = arith.constant 16 : index
          %get3A_305 = tpu.vector_load %arg9[%get3A_303, %get3A_304] {strides = array<i32>} : memref<128x128xf32, #tpu.memory_space<vmem>>, vector<1x16xf32>,
          %get3A_306 = vector.shape_cast %get3A_305 : vector<1x16xf32> to vector<16xf32>
          %mul3A_307 = arith.mulf %get3A_306, %broadcast_in_dim3A_288 : vector<16xf32>
          %swap3A_308 = arith.index_cast %add3A_292 : i32 to index
          %swap3A_309 = arith.constant 16 : index
          %swap3A_310 = tpu.vector_load %arg9[%swap3A_308, %swap3A_309] {strides = array<i32>} : memref<128x128xf32, #tpu.memory_space<vmem>>, vector<1x16xf32>,
          %swap3A_311 = vector.shape_cast %swap3A_310 : vector<1x16xf32> to vector<16xf32>
          %swap3A_312 = vector.shape_cast %mul3A_307 : vector<16xf32> to vector<1x16xf32>
          tpu.vector_store %arg9[%swap3A_308, %swap3A_309], %swap3A_312 {strides = array<i32>} : memref<128x128xf32, #tpu.memory_space<vmem>>, vector<1x16xf32>,
          %get3A_313 = arith.index_cast %add3A_292 : i32 to index
          %get3A_314 = arith.constant 32 : index
          %get3A_315 = tpu.vector_load %arg9[%get3A_313, %get3A_314] {strides = array<i32>} : memref<128x128xf32, #tpu.memory_space<vmem>>, vector<1x16xf32>,
          %get3A_316 = vector.shape_cast %get3A_315 : vector<1x16xf32> to vector<16xf32>
          %mul3A_317 = arith.mulf %get3A_316, %broadcast_in_dim3A_288 : vector<16xf32>
          %swap3A_318 = arith.index_cast %add3A_292 : i32 to index
          %swap3A_319 = arith.constant 32 : index
          %swap3A_320 = tpu.vector_load %arg9[%swap3A_318, %swap3A_319] {strides = array<i32>} : memref<128x128xf32, #tpu.memory_space<vmem>>, vector<1x16xf32>,
          %swap3A_321 = vector.shape_cast %swap3A_320 : vector<1x16xf32> to vector<16xf32>
          %swap3A_322 = vector.shape_cast %mul3A_317 : vector<16xf32> to vector<1x16xf32>
          tpu.vector_store %arg9[%swap3A_318, %swap3A_319], %swap3A_322 {strides = array<i32>} : memref<128x128xf32, #tpu.memory_space<vmem>>, vector<1x16xf32>,
          %get3A_323 = arith.index_cast %add3A_292 : i32 to index
          %get3A_324 = arith.constant 48 : index
          %get3A_325 = tpu.vector_load %arg9[%get3A_323, %get3A_324] {strides = array<i32>} : memref<128x128xf32, #tpu.memory_space<vmem>>, vector<1x16xf32>,
          %get3A_326 = vector.shape_cast %get3A_325 : vector<1x16xf32> to vector<16xf32>
          %mul3A_327 = arith.mulf %get3A_326, %broadcast_in_dim3A_288 : vector<16xf32>
          %swap3A_328 = arith.index_cast %add3A_292 : i32 to index
          %swap3A_329 = arith.constant 48 : index
          %swap3A_330 = tpu.vector_load %arg9[%swap3A_328, %swap3A_329] {strides = array<i32>} : memref<128x128xf32, #tpu.memory_space<vmem>>, vector<1x16xf32>,
          %swap3A_331 = vector.shape_cast %swap3A_330 : vector<1x16xf32> to vector<16xf32>
          %swap3A_332 = vector.shape_cast %mul3A_327 : vector<16xf32> to vector<1x16xf32>
          tpu.vector_store %arg9[%swap3A_328, %swap3A_329], %swap3A_332 {strides = array<i32>} : memref<128x128xf32, #tpu.memory_space<vmem>>, vector<1x16xf32>,
          %get3A_333 = arith.index_cast %add3A_292 : i32 to index
          %get3A_334 = arith.constant 64 : index
          %get3A_335 = tpu.vector_load %arg9[%get3A_333, %get3A_334] {strides = array<i32>} : memref<128x128xf32, #tpu.memory_space<vmem>>, vector<1x16xf32>,
          %get3A_336 = vector.shape_cast %get3A_335 : vector<1x16xf32> to vector<16xf32>
          %mul3A_337 = arith.mulf %get3A_336, %broadcast_in_dim3A_288 : vector<16xf32>
          %swap3A_338 = arith.index_cast %add3A_292 : i32 to index
          %swap3A_339 = arith.constant 64 : index
          %swap3A_340 = tpu.vector_load %arg9[%swap3A_338, %swap3A_339] {strides = array<i32>} : memref<128x128xf32, #tpu.memory_space<vmem>>, vector<1x16xf32>,
          %swap3A_341 = vector.shape_cast %swap3A_340 : vector<1x16xf32> to vector<16xf32>
          %swap3A_342 = vector.shape_cast %mul3A_337 : vector<16xf32> to vector<1x16xf32>
          tpu.vector_store %arg9[%swap3A_338, %swap3A_339], %swap3A_342 {strides = array<i32>} : memref<128x128xf32, #tpu.memory_space<vmem>>, vector<1x16xf32>,
          %get3A_343 = arith.index_cast %add3A_292 : i32 to index
          %get3A_344 = arith.constant 80 : index
          %get3A_345 = tpu.vector_load %arg9[%get3A_343, %get3A_344] {strides = array<i32>} : memref<128x128xf32, #tpu.memory_space<vmem>>, vector<1x16xf32>,
          %get3A_346 = vector.shape_cast %get3A_345 : vector<1x16xf32> to vector<16xf32>
          %mul3A_347 = arith.mulf %get3A_346, %broadcast_in_dim3A_288 : vector<16xf32>
          %swap3A_348 = arith.index_cast %add3A_292 : i32 to index
          %swap3A_349 = arith.constant 80 : index
          %swap3A_350 = tpu.vector_load %arg9[%swap3A_348, %swap3A_349] {strides = array<i32>} : memref<128x128xf32, #tpu.memory_space<vmem>>, vector<1x16xf32>,
          %swap3A_351 = vector.shape_cast %swap3A_350 : vector<1x16xf32> to vector<16xf32>
          %swap3A_352 = vector.shape_cast %mul3A_347 : vector<16xf32> to vector<1x16xf32>
          tpu.vector_store %arg9[%swap3A_348, %swap3A_349], %swap3A_352 {strides = array<i32>} : memref<128x128xf32, #tpu.memory_space<vmem>>, vector<1x16xf32>,
          %get3A_353 = arith.index_cast %add3A_292 : i32 to index
          %get3A_354 = arith.constant 96 : index
          %get3A_355 = tpu.vector_load %arg9[%get3A_353, %get3A_354] {strides = array<i32>} : memref<128x128xf32, #tpu.memory_space<vmem>>, vector<1x16xf32>,
          %get3A_356 = vector.shape_cast %get3A_355 : vector<1x16xf32> to vector<16xf32>
          %mul3A_357 = arith.mulf %get3A_356, %broadcast_in_dim3A_288 : vector<16xf32>
          %swap3A_358 = arith.index_cast %add3A_292 : i32 to index
          %swap3A_359 = arith.constant 96 : index
          %swap3A_360 = tpu.vector_load %arg9[%swap3A_358, %swap3A_359] {strides = array<i32>} : memref<128x128xf32, #tpu.memory_space<vmem>>, vector<1x16xf32>,
          %swap3A_361 = vector.shape_cast %swap3A_360 : vector<1x16xf32> to vector<16xf32>
          %swap3A_362 = vector.shape_cast %mul3A_357 : vector<16xf32> to vector<1x16xf32>
          tpu.vector_store %arg9[%swap3A_358, %swap3A_359], %swap3A_362 {strides = array<i32>} : memref<128x128xf32, #tpu.memory_space<vmem>>, vector<1x16xf32>,
          %get3A_363 = arith.index_cast %add3A_292 : i32 to index
          %get3A_364 = arith.constant 112 : index
          %get3A_365 = tpu.vector_load %arg9[%get3A_363, %get3A_364] {strides = array<i32>} : memref<128x128xf32, #tpu.memory_space<vmem>>, vector<1x16xf32>,
          %get3A_366 = vector.shape_cast %get3A_365 : vector<1x16xf32> to vector<16xf32>
          %mul3A_367 = arith.mulf %get3A_366, %broadcast_in_dim3A_288 : vector<16xf32>
          %swap3A_368 = arith.index_cast %add3A_292 : i32 to index
          %swap3A_369 = arith.constant 112 : index
          %swap3A_370 = tpu.vector_load %arg9[%swap3A_368, %swap3A_369] {strides = array<i32>} : memref<128x128xf32, #tpu.memory_space<vmem>>, vector<1x16xf32>,
          %swap3A_371 = vector.shape_cast %swap3A_370 : vector<1x16xf32> to vector<16xf32>
          %swap3A_372 = vector.shape_cast %mul3A_367 : vector<16xf32> to vector<1x16xf32>
          tpu.vector_store %arg9[%swap3A_368, %swap3A_369], %swap3A_372 {strides = array<i32>} : memref<128x128xf32, #tpu.memory_space<vmem>>, vector<1x16xf32>,
          %slice3A_373 = vector.extract_strided_slice %get3A_114 {offsets = [3], sizes = [1], strides = [1]} : vector<16xf32> to vector<1xf32>
          %squeeze3A_374 = vector.extract %slice3A_373[0] : f32 from vector<1xf32>
          %broadcast_in_dim3A_375 = vector.broadcast %squeeze3A_374 : f32 to vector<16xf32>
          %mul3A_376 = arith.constant 16 : i32
          %mul3A_377 = arith.muli %scan3A_108, %mul3A_376 : i32
          %add3A_378 = arith.constant 3 : i32
          %add3A_379 = arith.addi %mul3A_377, %add3A_378 : i32
          %get3A_380 = arith.index_cast %add3A_379 : i32 to index
          %get3A_381 = arith.constant 0 : index
          %get3A_382 = tpu.vector_load %arg9[%get3A_380, %get3A_381] {strides = array<i32>} : memref<128x128xf32, #tpu.memory_space<vmem>>, vector<1x16xf32>,
          %get3A_383 = vector.shape_cast %get3A_382 : vector<1x16xf32> to vector<16xf32>
          %mul3A_384 = arith.mulf %get3A_383, %broadcast_in_dim3A_375 : vector<16xf32>
          %swap3A_385 = arith.index_cast %add3A_379 : i32 to index
          %swap3A_386 = arith.constant 0 : index
          %swap3A_387 = tpu.vector_load %arg9[%swap3A_385, %swap3A_386] {strides = array<i32>} : memref<128x128xf32, #tpu.memory_space<vmem>>, vector<1x16xf32>,
          %swap3A_388 = vector.shape_cast %swap3A_387 : vector<1x16xf32> to vector<16xf32>
          %swap3A_389 = vector.shape_cast %mul3A_384 : vector<16xf32> to vector<1x16xf32>
          tpu.vector_store %arg9[%swap3A_385, %swap3A_386], %swap3A_389 {strides = array<i32>} : memref<128x128xf32, #tpu.memory_space<vmem>>, vector<1x16xf32>,
          %get3A_390 = arith.index_cast %add3A_379 : i32 to index
          %get3A_391 = arith.constant 16 : index
          %get3A_392 = tpu.vector_load %arg9[%get3A_390, %get3A_391] {strides = array<i32>} : memref<128x128xf32, #tpu.memory_space<vmem>>, vector<1x16xf32>,
          %get3A_393 = vector.shape_cast %get3A_392 : vector<1x16xf32> to vector<16xf32>
          %mul3A_394 = arith.mulf %get3A_393, %broadcast_in_dim3A_375 : vector<16xf32>
          %swap3A_395 = arith.index_cast %add3A_379 : i32 to index
          %swap3A_396 = arith.constant 16 : index
          %swap3A_397 = tpu.vector_load %arg9[%swap3A_395, %swap3A_396] {strides = array<i32>} : memref<128x128xf32, #tpu.memory_space<vmem>>, vector<1x16xf32>,
          %swap3A_398 = vector.shape_cast %swap3A_397 : vector<1x16xf32> to vector<16xf32>
          %swap3A_399 = vector.shape_cast %mul3A_394 : vector<16xf32> to vector<1x16xf32>
          tpu.vector_store %arg9[%swap3A_395, %swap3A_396], %swap3A_399 {strides = array<i32>} : memref<128x128xf32, #tpu.memory_space<vmem>>, vector<1x16xf32>,
          %get3A_400 = arith.index_cast %add3A_379 : i32 to index
          %get3A_401 = arith.constant 32 : index
          %get3A_402 = tpu.vector_load %arg9[%get3A_400, %get3A_401] {strides = array<i32>} : memref<128x128xf32, #tpu.memory_space<vmem>>, vector<1x16xf32>,
          %get3A_403 = vector.shape_cast %get3A_402 : vector<1x16xf32> to vector<16xf32>
          %mul3A_404 = arith.mulf %get3A_403, %broadcast_in_dim3A_375 : vector<16xf32>
          %swap3A_405 = arith.index_cast %add3A_379 : i32 to index
          %swap3A_406 = arith.constant 32 : index
          %swap3A_407 = tpu.vector_load %arg9[%swap3A_405, %swap3A_406] {strides = array<i32>} : memref<128x128xf32, #tpu.memory_space<vmem>>, vector<1x16xf32>,
          %swap3A_408 = vector.shape_cast %swap3A_407 : vector<1x16xf32> to vector<16xf32>
          %swap3A_409 = vector.shape_cast %mul3A_404 : vector<16xf32> to vector<1x16xf32>
          tpu.vector_store %arg9[%swap3A_405, %swap3A_406], %swap3A_409 {strides = array<i32>} : memref<128x128xf32, #tpu.memory_space<vmem>>, vector<1x16xf32>,
          %get3A_410 = arith.index_cast %add3A_379 : i32 to index
          %get3A_411 = arith.constant 48 : index
          %get3A_412 = tpu.vector_load %arg9[%get3A_410, %get3A_411] {strides = array<i32>} : memref<128x128xf32, #tpu.memory_space<vmem>>, vector<1x16xf32>,
          %get3A_413 = vector.shape_cast %get3A_412 : vector<1x16xf32> to vector<16xf32>
          %mul3A_414 = arith.mulf %get3A_413, %broadcast_in_dim3A_375 : vector<16xf32>
          %swap3A_415 = arith.index_cast %add3A_379 : i32 to index
          %swap3A_416 = arith.constant 48 : index
          %swap3A_417 = tpu.vector_load %arg9[%swap3A_415, %swap3A_416] {strides = array<i32>} : memref<128x128xf32, #tpu.memory_space<vmem>>, vector<1x16xf32>,
          %swap3A_418 = vector.shape_cast %swap3A_417 : vector<1x16xf32> to vector<16xf32>
          %swap3A_419 = vector.shape_cast %mul3A_414 : vector<16xf32> to vector<1x16xf32>
          tpu.vector_store %arg9[%swap3A_415, %swap3A_416], %swap3A_419 {strides = array<i32>} : memref<128x128xf32, #tpu.memory_space<vmem>>, vector<1x16xf32>,
          %get3A_420 = arith.index_cast %add3A_379 : i32 to index
          %get3A_421 = arith.constant 64 : index
          %get3A_422 = tpu.vector_load %arg9[%get3A_420, %get3A_421] {strides = array<i32>} : memref<128x128xf32, #tpu.memory_space<vmem>>, vector<1x16xf32>,
          %get3A_423 = vector.shape_cast %get3A_422 : vector<1x16xf32> to vector<16xf32>
          %mul3A_424 = arith.mulf %get3A_423, %broadcast_in_dim3A_375 : vector<16xf32>
          %swap3A_425 = arith.index_cast %add3A_379 : i32 to index
          %swap3A_426 = arith.constant 64 : index
          %swap3A_427 = tpu.vector_load %arg9[%swap3A_425, %swap3A_426] {strides = array<i32>} : memref<128x128xf32, #tpu.memory_space<vmem>>, vector<1x16xf32>,
          %swap3A_428 = vector.shape_cast %swap3A_427 : vector<1x16xf32> to vector<16xf32>
          %swap3A_429 = vector.shape_cast %mul3A_424 : vector<16xf32> to vector<1x16xf32>
          tpu.vector_store %arg9[%swap3A_425, %swap3A_426], %swap3A_429 {strides = array<i32>} : memref<128x128xf32, #tpu.memory_space<vmem>>, vector<1x16xf32>,
          %get3A_430 = arith.index_cast %add3A_379 : i32 to index
          %get3A_431 = arith.constant 80 : index
          %get3A_432 = tpu.vector_load %arg9[%get3A_430, %get3A_431] {strides = array<i32>} : memref<128x128xf32, #tpu.memory_space<vmem>>, vector<1x16xf32>,
          %get3A_433 = vector.shape_cast %get3A_432 : vector<1x16xf32> to vector<16xf32>
          %mul3A_434 = arith.mulf %get3A_433, %broadcast_in_dim3A_375 : vector<16xf32>
          %swap3A_435 = arith.index_cast %add3A_379 : i32 to index
          %swap3A_436 = arith.constant 80 : index
          %swap3A_437 = tpu.vector_load %arg9[%swap3A_435, %swap3A_436] {strides = array<i32>} : memref<128x128xf32, #tpu.memory_space<vmem>>, vector<1x16xf32>,
          %swap3A_438 = vector.shape_cast %swap3A_437 : vector<1x16xf32> to vector<16xf32>
          %swap3A_439 = vector.shape_cast %mul3A_434 : vector<16xf32> to vector<1x16xf32>
          tpu.vector_store %arg9[%swap3A_435, %swap3A_436], %swap3A_439 {strides = array<i32>} : memref<128x128xf32, #tpu.memory_space<vmem>>, vector<1x16xf32>,
          %get3A_440 = arith.index_cast %add3A_379 : i32 to index
          %get3A_441 = arith.constant 96 : index
          %get3A_442 = tpu.vector_load %arg9[%get3A_440, %get3A_441] {strides = array<i32>} : memref<128x128xf32, #tpu.memory_space<vmem>>, vector<1x16xf32>,
          %get3A_443 = vector.shape_cast %get3A_442 : vector<1x16xf32> to vector<16xf32>
          %mul3A_444 = arith.mulf %get3A_443, %broadcast_in_dim3A_375 : vector<16xf32>
          %swap3A_445 = arith.index_cast %add3A_379 : i32 to index
          %swap3A_446 = arith.constant 96 : index
          %swap3A_447 = tpu.vector_load %arg9[%swap3A_445, %swap3A_446] {strides = array<i32>} : memref<128x128xf32, #tpu.memory_space<vmem>>, vector<1x16xf32>,
          %swap3A_448 = vector.shape_cast %swap3A_447 : vector<1x16xf32> to vector<16xf32>
          %swap3A_449 = vector.shape_cast %mul3A_444 : vector<16xf32> to vector<1x16xf32>
          tpu.vector_store %arg9[%swap3A_445, %swap3A_446], %swap3A_449 {strides = array<i32>} : memref<128x128xf32, #tpu.memory_space<vmem>>, vector<1x16xf32>,
          %get3A_450 = arith.index_cast %add3A_379 : i32 to index
          %get3A_451 = arith.constant 112 : index
          %get3A_452 = tpu.vector_load %arg9[%get3A_450, %get3A_451] {strides = array<i32>} : memref<128x128xf32, #tpu.memory_space<vmem>>, vector<1x16xf32>,
          %get3A_453 = vector.shape_cast %get3A_452 : vector<1x16xf32> to vector<16xf32>
          %mul3A_454 = arith.mulf %get3A_453, %broadcast_in_dim3A_375 : vector<16xf32>
          %swap3A_455 = arith.index_cast %add3A_379 : i32 to index
          %swap3A_456 = arith.constant 112 : index
          %swap3A_457 = tpu.vector_load %arg9[%swap3A_455, %swap3A_456] {strides = array<i32>} : memref<128x128xf32, #tpu.memory_space<vmem>>, vector<1x16xf32>,
          %swap3A_458 = vector.shape_cast %swap3A_457 : vector<1x16xf32> to vector<16xf32>
          %swap3A_459 = vector.shape_cast %mul3A_454 : vector<16xf32> to vector<1x16xf32>
          tpu.vector_store %arg9[%swap3A_455, %swap3A_456], %swap3A_459 {strides = array<i32>} : memref<128x128xf32, #tpu.memory_space<vmem>>, vector<1x16xf32>,
          %slice3A_460 = vector.extract_strided_slice %get3A_114 {offsets = [4], sizes = [1], strides = [1]} : vector<16xf32> to vector<1xf32>
          %squeeze3A_461 = vector.extract %slice3A_460[0] : f32 from vector<1xf32>
          %broadcast_in_dim3A_462 = vector.broadcast %squeeze3A_461 : f32 to vector<16xf32>
          %mul3A_463 = arith.constant 16 : i32
          %mul3A_464 = arith.muli %scan3A_108, %mul3A_463 : i32
          %add3A_465 = arith.constant 4 : i32
          %add3A_466 = arith.addi %mul3A_464, %add3A_465 : i32
          %get3A_467 = arith.index_cast %add3A_466 : i32 to index
          %get3A_468 = arith.constant 0 : index
          %get3A_469 = tpu.vector_load %arg9[%get3A_467, %get3A_468] {strides = array<i32>} : memref<128x128xf32, #tpu.memory_space<vmem>>, vector<1x16xf32>,
          %get3A_470 = vector.shape_cast %get3A_469 : vector<1x16xf32> to vector<16xf32>
          %mul3A_471 = arith.mulf %get3A_470, %broadcast_in_dim3A_462 : vector<16xf32>
          %swap3A_472 = arith.index_cast %add3A_466 : i32 to index
          %swap3A_473 = arith.constant 0 : index
          %swap3A_474 = tpu.vector_load %arg9[%swap3A_472, %swap3A_473] {strides = array<i32>} : memref<128x128xf32, #tpu.memory_space<vmem>>, vector<1x16xf32>,
          %swap3A_475 = vector.shape_cast %swap3A_474 : vector<1x16xf32> to vector<16xf32>
          %swap3A_476 = vector.shape_cast %mul3A_471 : vector<16xf32> to vector<1x16xf32>
          tpu.vector_store %arg9[%swap3A_472, %swap3A_473], %swap3A_476 {strides = array<i32>} : memref<128x128xf32, #tpu.memory_space<vmem>>, vector<1x16xf32>,
          %get3A_477 = arith.index_cast %add3A_466 : i32 to index
          %get3A_478 = arith.constant 16 : index
          %get3A_479 = tpu.vector_load %arg9[%get3A_477, %get3A_478] {strides = array<i32>} : memref<128x128xf32, #tpu.memory_space<vmem>>, vector<1x16xf32>,
          %get3A_480 = vector.shape_cast %get3A_479 : vector<1x16xf32> to vector<16xf32>
          %mul3A_481 = arith.mulf %get3A_480, %broadcast_in_dim3A_462 : vector<16xf32>
          %swap3A_482 = arith.index_cast %add3A_466 : i32 to index
          %swap3A_483 = arith.constant 16 : index
          %swap3A_484 = tpu.vector_load %arg9[%swap3A_482, %swap3A_483] {strides = array<i32>} : memref<128x128xf32, #tpu.memory_space<vmem>>, vector<1x16xf32>,
          %swap3A_485 = vector.shape_cast %swap3A_484 : vector<1x16xf32> to vector<16xf32>
          %swap3A_486 = vector.shape_cast %mul3A_481 : vector<16xf32> to vector<1x16xf32>
          tpu.vector_store %arg9[%swap3A_482, %swap3A_483], %swap3A_486 {strides = array<i32>} : memref<128x128xf32, #tpu.memory_space<vmem>>, vector<1x16xf32>,
          %get3A_487 = arith.index_cast %add3A_466 : i32 to index
          %get3A_488 = arith.constant 32 : index
          %get3A_489 = tpu.vector_load %arg9[%get3A_487, %get3A_488] {strides = array<i32>} : memref<128x128xf32, #tpu.memory_space<vmem>>, vector<1x16xf32>,
          %get3A_490 = vector.shape_cast %get3A_489 : vector<1x16xf32> to vector<16xf32>
          %mul3A_491 = arith.mulf %get3A_490, %broadcast_in_dim3A_462 : vector<16xf32>
          %swap3A_492 = arith.index_cast %add3A_466 : i32 to index
          %swap3A_493 = arith.constant 32 : index
          %swap3A_494 = tpu.vector_load %arg9[%swap3A_492, %swap3A_493] {strides = array<i32>} : memref<128x128xf32, #tpu.memory_space<vmem>>, vector<1x16xf32>,
          %swap3A_495 = vector.shape_cast %swap3A_494 : vector<1x16xf32> to vector<16xf32>
          %swap3A_496 = vector.shape_cast %mul3A_491 : vector<16xf32> to vector<1x16xf32>
          tpu.vector_store %arg9[%swap3A_492, %swap3A_493], %swap3A_496 {strides = array<i32>} : memref<128x128xf32, #tpu.memory_space<vmem>>, vector<1x16xf32>,
          %get3A_497 = arith.index_cast %add3A_466 : i32 to index
          %get3A_498 = arith.constant 48 : index
          %get3A_499 = tpu.vector_load %arg9[%get3A_497, %get3A_498] {strides = array<i32>} : memref<128x128xf32, #tpu.memory_space<vmem>>, vector<1x16xf32>,
          %get3A_500 = vector.shape_cast %get3A_499 : vector<1x16xf32> to vector<16xf32>
          %mul3A_501 = arith.mulf %get3A_500, %broadcast_in_dim3A_462 : vector<16xf32>
          %swap3A_502 = arith.index_cast %add3A_466 : i32 to index
          %swap3A_503 = arith.constant 48 : index
          %swap3A_504 = tpu.vector_load %arg9[%swap3A_502, %swap3A_503] {strides = array<i32>} : memref<128x128xf32, #tpu.memory_space<vmem>>, vector<1x16xf32>,
          %swap3A_505 = vector.shape_cast %swap3A_504 : vector<1x16xf32> to vector<16xf32>
          %swap3A_506 = vector.shape_cast %mul3A_501 : vector<16xf32> to vector<1x16xf32>
          tpu.vector_store %arg9[%swap3A_502, %swap3A_503], %swap3A_506 {strides = array<i32>} : memref<128x128xf32, #tpu.memory_space<vmem>>, vector<1x16xf32>,
          %get3A_507 = arith.index_cast %add3A_466 : i32 to index
          %get3A_508 = arith.constant 64 : index
          %get3A_509 = tpu.vector_load %arg9[%get3A_507, %get3A_508] {strides = array<i32>} : memref<128x128xf32, #tpu.memory_space<vmem>>, vector<1x16xf32>,
          %get3A_510 = vector.shape_cast %get3A_509 : vector<1x16xf32> to vector<16xf32>
          %mul3A_511 = arith.mulf %get3A_510, %broadcast_in_dim3A_462 : vector<16xf32>
          %swap3A_512 = arith.index_cast %add3A_466 : i32 to index
          %swap3A_513 = arith.constant 64 : index
          %swap3A_514 = tpu.vector_load %arg9[%swap3A_512, %swap3A_513] {strides = array<i32>} : memref<128x128xf32, #tpu.memory_space<vmem>>, vector<1x16xf32>,
          %swap3A_515 = vector.shape_cast %swap3A_514 : vector<1x16xf32> to vector<16xf32>
          %swap3A_516 = vector.shape_cast %mul3A_511 : vector<16xf32> to vector<1x16xf32>
          tpu.vector_store %arg9[%swap3A_512, %swap3A_513], %swap3A_516 {strides = array<i32>} : memref<128x128xf32, #tpu.memory_space<vmem>>, vector<1x16xf32>,
          %get3A_517 = arith.index_cast %add3A_466 : i32 to index
          %get3A_518 = arith.constant 80 : index
          %get3A_519 = tpu.vector_load %arg9[%get3A_517, %get3A_518] {strides = array<i32>} : memref<128x128xf32, #tpu.memory_space<vmem>>, vector<1x16xf32>,
          %get3A_520 = vector.shape_cast %get3A_519 : vector<1x16xf32> to vector<16xf32>
          %mul3A_521 = arith.mulf %get3A_520, %broadcast_in_dim3A_462 : vector<16xf32>
          %swap3A_522 = arith.index_cast %add3A_466 : i32 to index
          %swap3A_523 = arith.constant 80 : index
          %swap3A_524 = tpu.vector_load %arg9[%swap3A_522, %swap3A_523] {strides = array<i32>} : memref<128x128xf32, #tpu.memory_space<vmem>>, vector<1x16xf32>,
          %swap3A_525 = vector.shape_cast %swap3A_524 : vector<1x16xf32> to vector<16xf32>
          %swap3A_526 = vector.shape_cast %mul3A_521 : vector<16xf32> to vector<1x16xf32>
          tpu.vector_store %arg9[%swap3A_522, %swap3A_523], %swap3A_526 {strides = array<i32>} : memref<128x128xf32, #tpu.memory_space<vmem>>, vector<1x16xf32>,
          %get3A_527 = arith.index_cast %add3A_466 : i32 to index
          %get3A_528 = arith.constant 96 : index
          %get3A_529 = tpu.vector_load %arg9[%get3A_527, %get3A_528] {strides = array<i32>} : memref<128x128xf32, #tpu.memory_space<vmem>>, vector<1x16xf32>,
          %get3A_530 = vector.shape_cast %get3A_529 : vector<1x16xf32> to vector<16xf32>
          %mul3A_531 = arith.mulf %get3A_530, %broadcast_in_dim3A_462 : vector<16xf32>
          %swap3A_532 = arith.index_cast %add3A_466 : i32 to index
          %swap3A_533 = arith.constant 96 : index
          %swap3A_534 = tpu.vector_load %arg9[%swap3A_532, %swap3A_533] {strides = array<i32>} : memref<128x128xf32, #tpu.memory_space<vmem>>, vector<1x16xf32>,
          %swap3A_535 = vector.shape_cast %swap3A_534 : vector<1x16xf32> to vector<16xf32>
          %swap3A_536 = vector.shape_cast %mul3A_531 : vector<16xf32> to vector<1x16xf32>
          tpu.vector_store %arg9[%swap3A_532, %swap3A_533], %swap3A_536 {strides = array<i32>} : memref<128x128xf32, #tpu.memory_space<vmem>>, vector<1x16xf32>,
          %get3A_537 = arith.index_cast %add3A_466 : i32 to index
          %get3A_538 = arith.constant 112 : index
          %get3A_539 = tpu.vector_load %arg9[%get3A_537, %get3A_538] {strides = array<i32>} : memref<128x128xf32, #tpu.memory_space<vmem>>, vector<1x16xf32>,
          %get3A_540 = vector.shape_cast %get3A_539 : vector<1x16xf32> to vector<16xf32>
          %mul3A_541 = arith.mulf %get3A_540, %broadcast_in_dim3A_462 : vector<16xf32>
          %swap3A_542 = arith.index_cast %add3A_466 : i32 to index
          %swap3A_543 = arith.constant 112 : index
          %swap3A_544 = tpu.vector_load %arg9[%swap3A_542, %swap3A_543] {strides = array<i32>} : memref<128x128xf32, #tpu.memory_space<vmem>>, vector<1x16xf32>,
          %swap3A_545 = vector.shape_cast %swap3A_544 : vector<1x16xf32> to vector<16xf32>
          %swap3A_546 = vector.shape_cast %mul3A_541 : vector<16xf32> to vector<1x16xf32>
          tpu.vector_store %arg9[%swap3A_542, %swap3A_543], %swap3A_546 {strides = array<i32>} : memref<128x128xf32, #tpu.memory_space<vmem>>, vector<1x16xf32>,
          %slice3A_547 = vector.extract_strided_slice %get3A_114 {offsets = [5], sizes = [1], strides = [1]} : vector<16xf32> to vector<1xf32>
          %squeeze3A_548 = vector.extract %slice3A_547[0] : f32 from vector<1xf32>
          %broadcast_in_dim3A_549 = vector.broadcast %squeeze3A_548 : f32 to vector<16xf32>
          %mul3A_550 = arith.constant 16 : i32
          %mul3A_551 = arith.muli %scan3A_108, %mul3A_550 : i32
          %add3A_552 = arith.constant 5 : i32
          %add3A_553 = arith.addi %mul3A_551, %add3A_552 : i32
          %get3A_554 = arith.index_cast %add3A_553 : i32 to index
          %get3A_555 = arith.constant 0 : index
          %get3A_556 = tpu.vector_load %arg9[%get3A_554, %get3A_555] {strides = array<i32>} : memref<128x128xf32, #tpu.memory_space<vmem>>, vector<1x16xf32>,
          %get3A_557 = vector.shape_cast %get3A_556 : vector<1x16xf32> to vector<16xf32>
          %mul3A_558 = arith.mulf %get3A_557, %broadcast_in_dim3A_549 : vector<16xf32>
          %swap3A_559 = arith.index_cast %add3A_553 : i32 to index
          %swap3A_560 = arith.constant 0 : index
          %swap3A_561 = tpu.vector_load %arg9[%swap3A_559, %swap3A_560] {strides = array<i32>} : memref<128x128xf32, #tpu.memory_space<vmem>>, vector<1x16xf32>,
          %swap3A_562 = vector.shape_cast %swap3A_561 : vector<1x16xf32> to vector<16xf32>
          %swap3A_563 = vector.shape_cast %mul3A_558 : vector<16xf32> to vector<1x16xf32>
          tpu.vector_store %arg9[%swap3A_559, %swap3A_560], %swap3A_563 {strides = array<i32>} : memref<128x128xf32, #tpu.memory_space<vmem>>, vector<1x16xf32>,
          %get3A_564 = arith.index_cast %add3A_553 : i32 to index
          %get3A_565 = arith.constant 16 : index
          %get3A_566 = tpu.vector_load %arg9[%get3A_564, %get3A_565] {strides = array<i32>} : memref<128x128xf32, #tpu.memory_space<vmem>>, vector<1x16xf32>,
          %get3A_567 = vector.shape_cast %get3A_566 : vector<1x16xf32> to vector<16xf32>
          %mul3A_568 = arith.mulf %get3A_567, %broadcast_in_dim3A_549 : vector<16xf32>
          %swap3A_569 = arith.index_cast %add3A_553 : i32 to index
          %swap3A_570 = arith.constant 16 : index
          %swap3A_571 = tpu.vector_load %arg9[%swap3A_569, %swap3A_570] {strides = array<i32>} : memref<128x128xf32, #tpu.memory_space<vmem>>, vector<1x16xf32>,
          %swap3A_572 = vector.shape_cast %swap3A_571 : vector<1x16xf32> to vector<16xf32>
          %swap3A_573 = vector.shape_cast %mul3A_568 : vector<16xf32> to vector<1x16xf32>
          tpu.vector_store %arg9[%swap3A_569, %swap3A_570], %swap3A_573 {strides = array<i32>} : memref<128x128xf32, #tpu.memory_space<vmem>>, vector<1x16xf32>,
          %get3A_574 = arith.index_cast %add3A_553 : i32 to index
          %get3A_575 = arith.constant 32 : index
          %get3A_576 = tpu.vector_load %arg9[%get3A_574, %get3A_575] {strides = array<i32>} : memref<128x128xf32, #tpu.memory_space<vmem>>, vector<1x16xf32>,
          %get3A_577 = vector.shape_cast %get3A_576 : vector<1x16xf32> to vector<16xf32>
          %mul3A_578 = arith.mulf %get3A_577, %broadcast_in_dim3A_549 : vector<16xf32>
          %swap3A_579 = arith.index_cast %add3A_553 : i32 to index
          %swap3A_580 = arith.constant 32 : index
          %swap3A_581 = tpu.vector_load %arg9[%swap3A_579, %swap3A_580] {strides = array<i32>} : memref<128x128xf32, #tpu.memory_space<vmem>>, vector<1x16xf32>,
          %swap3A_582 = vector.shape_cast %swap3A_581 : vector<1x16xf32> to vector<16xf32>
          %swap3A_583 = vector.shape_cast %mul3A_578 : vector<16xf32> to vector<1x16xf32>
          tpu.vector_store %arg9[%swap3A_579, %swap3A_580], %swap3A_583 {strides = array<i32>} : memref<128x128xf32, #tpu.memory_space<vmem>>, vector<1x16xf32>,
          %get3A_584 = arith.index_cast %add3A_553 : i32 to index
          %get3A_585 = arith.constant 48 : index
          %get3A_586 = tpu.vector_load %arg9[%get3A_584, %get3A_585] {strides = array<i32>} : memref<128x128xf32, #tpu.memory_space<vmem>>, vector<1x16xf32>,
          %get3A_587 = vector.shape_cast %get3A_586 : vector<1x16xf32> to vector<16xf32>
          %mul3A_588 = arith.mulf %get3A_587, %broadcast_in_dim3A_549 : vector<16xf32>
          %swap3A_589 = arith.index_cast %add3A_553 : i32 to index
          %swap3A_590 = arith.constant 48 : index
          %swap3A_591 = tpu.vector_load %arg9[%swap3A_589, %swap3A_590] {strides = array<i32>} : memref<128x128xf32, #tpu.memory_space<vmem>>, vector<1x16xf32>,
          %swap3A_592 = vector.shape_cast %swap3A_591 : vector<1x16xf32> to vector<16xf32>
          %swap3A_593 = vector.shape_cast %mul3A_588 : vector<16xf32> to vector<1x16xf32>
          tpu.vector_store %arg9[%swap3A_589, %swap3A_590], %swap3A_593 {strides = array<i32>} : memref<128x128xf32, #tpu.memory_space<vmem>>, vector<1x16xf32>,
          %get3A_594 = arith.index_cast %add3A_553 : i32 to index
          %get3A_595 = arith.constant 64 : index
          %get3A_596 = tpu.vector_load %arg9[%get3A_594, %get3A_595] {strides = array<i32>} : memref<128x128xf32, #tpu.memory_space<vmem>>, vector<1x16xf32>,
          %get3A_597 = vector.shape_cast %get3A_596 : vector<1x16xf32> to vector<16xf32>
          %mul3A_598 = arith.mulf %get3A_597, %broadcast_in_dim3A_549 : vector<16xf32>
          %swap3A_599 = arith.index_cast %add3A_553 : i32 to index
          %swap3A_600 = arith.constant 64 : index
          %swap3A_601 = tpu.vector_load %arg9[%swap3A_599, %swap3A_600] {strides = array<i32>} : memref<128x128xf32, #tpu.memory_space<vmem>>, vector<1x16xf32>,
          %swap3A_602 = vector.shape_cast %swap3A_601 : vector<1x16xf32> to vector<16xf32>
          %swap3A_603 = vector.shape_cast %mul3A_598 : vector<16xf32> to vector<1x16xf32>
          tpu.vector_store %arg9[%swap3A_599, %swap3A_600], %swap3A_603 {strides = array<i32>} : memref<128x128xf32, #tpu.memory_space<vmem>>, vector<1x16xf32>,
          %get3A_604 = arith.index_cast %add3A_553 : i32 to index
          %get3A_605 = arith.constant 80 : index
          %get3A_606 = tpu.vector_load %arg9[%get3A_604, %get3A_605] {strides = array<i32>} : memref<128x128xf32, #tpu.memory_space<vmem>>, vector<1x16xf32>,
          %get3A_607 = vector.shape_cast %get3A_606 : vector<1x16xf32> to vector<16xf32>
          %mul3A_608 = arith.mulf %get3A_607, %broadcast_in_dim3A_549 : vector<16xf32>
          %swap3A_609 = arith.index_cast %add3A_553 : i32 to index
          %swap3A_610 = arith.constant 80 : index
          %swap3A_611 = tpu.vector_load %arg9[%swap3A_609, %swap3A_610] {strides = array<i32>} : memref<128x128xf32, #tpu.memory_space<vmem>>, vector<1x16xf32>,
          %swap3A_612 = vector.shape_cast %swap3A_611 : vector<1x16xf32> to vector<16xf32>
          %swap3A_613 = vector.shape_cast %mul3A_608 : vector<16xf32> to vector<1x16xf32>
          tpu.vector_store %arg9[%swap3A_609, %swap3A_610], %swap3A_613 {strides = array<i32>} : memref<128x128xf32, #tpu.memory_space<vmem>>, vector<1x16xf32>,
          %get3A_614 = arith.index_cast %add3A_553 : i32 to index
          %get3A_615 = arith.constant 96 : index
          %get3A_616 = tpu.vector_load %arg9[%get3A_614, %get3A_615] {strides = array<i32>} : memref<128x128xf32, #tpu.memory_space<vmem>>, vector<1x16xf32>,
          %get3A_617 = vector.shape_cast %get3A_616 : vector<1x16xf32> to vector<16xf32>
          %mul3A_618 = arith.mulf %get3A_617, %broadcast_in_dim3A_549 : vector<16xf32>
          %swap3A_619 = arith.index_cast %add3A_553 : i32 to index
          %swap3A_620 = arith.constant 96 : index
          %swap3A_621 = tpu.vector_load %arg9[%swap3A_619, %swap3A_620] {strides = array<i32>} : memref<128x128xf32, #tpu.memory_space<vmem>>, vector<1x16xf32>,
          %swap3A_622 = vector.shape_cast %swap3A_621 : vector<1x16xf32> to vector<16xf32>
          %swap3A_623 = vector.shape_cast %mul3A_618 : vector<16xf32> to vector<1x16xf32>
          tpu.vector_store %arg9[%swap3A_619, %swap3A_620], %swap3A_623 {strides = array<i32>} : memref<128x128xf32, #tpu.memory_space<vmem>>, vector<1x16xf32>,
          %get3A_624 = arith.index_cast %add3A_553 : i32 to index
          %get3A_625 = arith.constant 112 : index
          %get3A_626 = tpu.vector_load %arg9[%get3A_624, %get3A_625] {strides = array<i32>} : memref<128x128xf32, #tpu.memory_space<vmem>>, vector<1x16xf32>,
          %get3A_627 = vector.shape_cast %get3A_626 : vector<1x16xf32> to vector<16xf32>
          %mul3A_628 = arith.mulf %get3A_627, %broadcast_in_dim3A_549 : vector<16xf32>
          %swap3A_629 = arith.index_cast %add3A_553 : i32 to index
          %swap3A_630 = arith.constant 112 : index
          %swap3A_631 = tpu.vector_load %arg9[%swap3A_629, %swap3A_630] {strides = array<i32>} : memref<128x128xf32, #tpu.memory_space<vmem>>, vector<1x16xf32>,
          %swap3A_632 = vector.shape_cast %swap3A_631 : vector<1x16xf32> to vector<16xf32>
          %swap3A_633 = vector.shape_cast %mul3A_628 : vector<16xf32> to vector<1x16xf32>
          tpu.vector_store %arg9[%swap3A_629, %swap3A_630], %swap3A_633 {strides = array<i32>} : memref<128x128xf32, #tpu.memory_space<vmem>>, vector<1x16xf32>,
          %slice3A_634 = vector.extract_strided_slice %get3A_114 {offsets = [6], sizes = [1], strides = [1]} : vector<16xf32> to vector<1xf32>
          %squeeze3A_635 = vector.extract %slice3A_634[0] : f32 from vector<1xf32>
          %broadcast_in_dim3A_636 = vector.broadcast %squeeze3A_635 : f32 to vector<16xf32>
          %mul3A_637 = arith.constant 16 : i32
          %mul3A_638 = arith.muli %scan3A_108, %mul3A_637 : i32
          %add3A_639 = arith.constant 6 : i32
          %add3A_640 = arith.addi %mul3A_638, %add3A_639 : i32
          %get3A_641 = arith.index_cast %add3A_640 : i32 to index
          %get3A_642 = arith.constant 0 : index
          %get3A_643 = tpu.vector_load %arg9[%get3A_641, %get3A_642] {strides = array<i32>} : memref<128x128xf32, #tpu.memory_space<vmem>>, vector<1x16xf32>,
          %get3A_644 = vector.shape_cast %get3A_643 : vector<1x16xf32> to vector<16xf32>
          %mul3A_645 = arith.mulf %get3A_644, %broadcast_in_dim3A_636 : vector<16xf32>
          %swap3A_646 = arith.index_cast %add3A_640 : i32 to index
          %swap3A_647 = arith.constant 0 : index
          %swap3A_648 = tpu.vector_load %arg9[%swap3A_646, %swap3A_647] {strides = array<i32>} : memref<128x128xf32, #tpu.memory_space<vmem>>, vector<1x16xf32>,
          %swap3A_649 = vector.shape_cast %swap3A_648 : vector<1x16xf32> to vector<16xf32>
          %swap3A_650 = vector.shape_cast %mul3A_645 : vector<16xf32> to vector<1x16xf32>
          tpu.vector_store %arg9[%swap3A_646, %swap3A_647], %swap3A_650 {strides = array<i32>} : memref<128x128xf32, #tpu.memory_space<vmem>>, vector<1x16xf32>,
          %get3A_651 = arith.index_cast %add3A_640 : i32 to index
          %get3A_652 = arith.constant 16 : index
          %get3A_653 = tpu.vector_load %arg9[%get3A_651, %get3A_652] {strides = array<i32>} : memref<128x128xf32, #tpu.memory_space<vmem>>, vector<1x16xf32>,
          %get3A_654 = vector.shape_cast %get3A_653 : vector<1x16xf32> to vector<16xf32>
          %mul3A_655 = arith.mulf %get3A_654, %broadcast_in_dim3A_636 : vector<16xf32>
          %swap3A_656 = arith.index_cast %add3A_640 : i32 to index
          %swap3A_657 = arith.constant 16 : index
          %swap3A_658 = tpu.vector_load %arg9[%swap3A_656, %swap3A_657] {strides = array<i32>} : memref<128x128xf32, #tpu.memory_space<vmem>>, vector<1x16xf32>,
          %swap3A_659 = vector.shape_cast %swap3A_658 : vector<1x16xf32> to vector<16xf32>
          %swap3A_660 = vector.shape_cast %mul3A_655 : vector<16xf32> to vector<1x16xf32>
          tpu.vector_store %arg9[%swap3A_656, %swap3A_657], %swap3A_660 {strides = array<i32>} : memref<128x128xf32, #tpu.memory_space<vmem>>, vector<1x16xf32>,
          %get3A_661 = arith.index_cast %add3A_640 : i32 to index
          %get3A_662 = arith.constant 32 : index
          %get3A_663 = tpu.vector_load %arg9[%get3A_661, %get3A_662] {strides = array<i32>} : memref<128x128xf32, #tpu.memory_space<vmem>>, vector<1x16xf32>,
          %get3A_664 = vector.shape_cast %get3A_663 : vector<1x16xf32> to vector<16xf32>
          %mul3A_665 = arith.mulf %get3A_664, %broadcast_in_dim3A_636 : vector<16xf32>
          %swap3A_666 = arith.index_cast %add3A_640 : i32 to index
          %swap3A_667 = arith.constant 32 : index
          %swap3A_668 = tpu.vector_load %arg9[%swap3A_666, %swap3A_667] {strides = array<i32>} : memref<128x128xf32, #tpu.memory_space<vmem>>, vector<1x16xf32>,
          %swap3A_669 = vector.shape_cast %swap3A_668 : vector<1x16xf32> to vector<16xf32>
          %swap3A_670 = vector.shape_cast %mul3A_665 : vector<16xf32> to vector<1x16xf32>
          tpu.vector_store %arg9[%swap3A_666, %swap3A_667], %swap3A_670 {strides = array<i32>} : memref<128x128xf32, #tpu.memory_space<vmem>>, vector<1x16xf32>,
          %get3A_671 = arith.index_cast %add3A_640 : i32 to index
          %get3A_672 = arith.constant 48 : index
          %get3A_673 = tpu.vector_load %arg9[%get3A_671, %get3A_672] {strides = array<i32>} : memref<128x128xf32, #tpu.memory_space<vmem>>, vector<1x16xf32>,
          %get3A_674 = vector.shape_cast %get3A_673 : vector<1x16xf32> to vector<16xf32>
          %mul3A_675 = arith.mulf %get3A_674, %broadcast_in_dim3A_636 : vector<16xf32>
          %swap3A_676 = arith.index_cast %add3A_640 : i32 to index
          %swap3A_677 = arith.constant 48 : index
          %swap3A_678 = tpu.vector_load %arg9[%swap3A_676, %swap3A_677] {strides = array<i32>} : memref<128x128xf32, #tpu.memory_space<vmem>>, vector<1x16xf32>,
          %swap3A_679 = vector.shape_cast %swap3A_678 : vector<1x16xf32> to vector<16xf32>
          %swap3A_680 = vector.shape_cast %mul3A_675 : vector<16xf32> to vector<1x16xf32>
          tpu.vector_store %arg9[%swap3A_676, %swap3A_677], %swap3A_680 {strides = array<i32>} : memref<128x128xf32, #tpu.memory_space<vmem>>, vector<1x16xf32>,
          %get3A_681 = arith.index_cast %add3A_640 : i32 to index
          %get3A_682 = arith.constant 64 : index
          %get3A_683 = tpu.vector_load %arg9[%get3A_681, %get3A_682] {strides = array<i32>} : memref<128x128xf32, #tpu.memory_space<vmem>>, vector<1x16xf32>,
          %get3A_684 = vector.shape_cast %get3A_683 : vector<1x16xf32> to vector<16xf32>
          %mul3A_685 = arith.mulf %get3A_684, %broadcast_in_dim3A_636 : vector<16xf32>
          %swap3A_686 = arith.index_cast %add3A_640 : i32 to index
          %swap3A_687 = arith.constant 64 : index
          %swap3A_688 = tpu.vector_load %arg9[%swap3A_686, %swap3A_687] {strides = array<i32>} : memref<128x128xf32, #tpu.memory_space<vmem>>, vector<1x16xf32>,
          %swap3A_689 = vector.shape_cast %swap3A_688 : vector<1x16xf32> to vector<16xf32>
          %swap3A_690 = vector.shape_cast %mul3A_685 : vector<16xf32> to vector<1x16xf32>
          tpu.vector_store %arg9[%swap3A_686, %swap3A_687], %swap3A_690 {strides = array<i32>} : memref<128x128xf32, #tpu.memory_space<vmem>>, vector<1x16xf32>,
          %get3A_691 = arith.index_cast %add3A_640 : i32 to index
          %get3A_692 = arith.constant 80 : index
          %get3A_693 = tpu.vector_load %arg9[%get3A_691, %get3A_692] {strides = array<i32>} : memref<128x128xf32, #tpu.memory_space<vmem>>, vector<1x16xf32>,
          %get3A_694 = vector.shape_cast %get3A_693 : vector<1x16xf32> to vector<16xf32>
          %mul3A_695 = arith.mulf %get3A_694, %broadcast_in_dim3A_636 : vector<16xf32>
          %swap3A_696 = arith.index_cast %add3A_640 : i32 to index
          %swap3A_697 = arith.constant 80 : index
          %swap3A_698 = tpu.vector_load %arg9[%swap3A_696, %swap3A_697] {strides = array<i32>} : memref<128x128xf32, #tpu.memory_space<vmem>>, vector<1x16xf32>,
          %swap3A_699 = vector.shape_cast %swap3A_698 : vector<1x16xf32> to vector<16xf32>
          %swap3A_700 = vector.shape_cast %mul3A_695 : vector<16xf32> to vector<1x16xf32>
          tpu.vector_store %arg9[%swap3A_696, %swap3A_697], %swap3A_700 {strides = array<i32>} : memref<128x128xf32, #tpu.memory_space<vmem>>, vector<1x16xf32>,
          %get3A_701 = arith.index_cast %add3A_640 : i32 to index
          %get3A_702 = arith.constant 96 : index
          %get3A_703 = tpu.vector_load %arg9[%get3A_701, %get3A_702] {strides = array<i32>} : memref<128x128xf32, #tpu.memory_space<vmem>>, vector<1x16xf32>,
          %get3A_704 = vector.shape_cast %get3A_703 : vector<1x16xf32> to vector<16xf32>
          %mul3A_705 = arith.mulf %get3A_704, %broadcast_in_dim3A_636 : vector<16xf32>
          %swap3A_706 = arith.index_cast %add3A_640 : i32 to index
          %swap3A_707 = arith.constant 96 : index
          %swap3A_708 = tpu.vector_load %arg9[%swap3A_706, %swap3A_707] {strides = array<i32>} : memref<128x128xf32, #tpu.memory_space<vmem>>, vector<1x16xf32>,
          %swap3A_709 = vector.shape_cast %swap3A_708 : vector<1x16xf32> to vector<16xf32>
          %swap3A_710 = vector.shape_cast %mul3A_705 : vector<16xf32> to vector<1x16xf32>
          tpu.vector_store %arg9[%swap3A_706, %swap3A_707], %swap3A_710 {strides = array<i32>} : memref<128x128xf32, #tpu.memory_space<vmem>>, vector<1x16xf32>,
          %get3A_711 = arith.index_cast %add3A_640 : i32 to index
          %get3A_712 = arith.constant 112 : index
          %get3A_713 = tpu.vector_load %arg9[%get3A_711, %get3A_712] {strides = array<i32>} : memref<128x128xf32, #tpu.memory_space<vmem>>, vector<1x16xf32>,
          %get3A_714 = vector.shape_cast %get3A_713 : vector<1x16xf32> to vector<16xf32>
          %mul3A_715 = arith.mulf %get3A_714, %broadcast_in_dim3A_636 : vector<16xf32>
          %swap3A_716 = arith.index_cast %add3A_640 : i32 to index
          %swap3A_717 = arith.constant 112 : index
          %swap3A_718 = tpu.vector_load %arg9[%swap3A_716, %swap3A_717] {strides = array<i32>} : memref<128x128xf32, #tpu.memory_space<vmem>>, vector<1x16xf32>,
          %swap3A_719 = vector.shape_cast %swap3A_718 : vector<1x16xf32> to vector<16xf32>
          %swap3A_720 = vector.shape_cast %mul3A_715 : vector<16xf32> to vector<1x16xf32>
          tpu.vector_store %arg9[%swap3A_716, %swap3A_717], %swap3A_720 {strides = array<i32>} : memref<128x128xf32, #tpu.memory_space<vmem>>, vector<1x16xf32>,
          %slice3A_721 = vector.extract_strided_slice %get3A_114 {offsets = [7], sizes = [1], strides = [1]} : vector<16xf32> to vector<1xf32>
          %squeeze3A_722 = vector.extract %slice3A_721[0] : f32 from vector<1xf32>
          %broadcast_in_dim3A_723 = vector.broadcast %squeeze3A_722 : f32 to vector<16xf32>
          %mul3A_724 = arith.constant 16 : i32
          %mul3A_725 = arith.muli %scan3A_108, %mul3A_724 : i32
          %add3A_726 = arith.constant 7 : i32
          %add3A_727 = arith.addi %mul3A_725, %add3A_726 : i32
          %get3A_728 = arith.index_cast %add3A_727 : i32 to index
          %get3A_729 = arith.constant 0 : index
          %get3A_730 = tpu.vector_load %arg9[%get3A_728, %get3A_729] {strides = array<i32>} : memref<128x128xf32, #tpu.memory_space<vmem>>, vector<1x16xf32>,
          %get3A_731 = vector.shape_cast %get3A_730 : vector<1x16xf32> to vector<16xf32>
          %mul3A_732 = arith.mulf %get3A_731, %broadcast_in_dim3A_723 : vector<16xf32>
          %swap3A_733 = arith.index_cast %add3A_727 : i32 to index
          %swap3A_734 = arith.constant 0 : index
          %swap3A_735 = tpu.vector_load %arg9[%swap3A_733, %swap3A_734] {strides = array<i32>} : memref<128x128xf32, #tpu.memory_space<vmem>>, vector<1x16xf32>,
          %swap3A_736 = vector.shape_cast %swap3A_735 : vector<1x16xf32> to vector<16xf32>
          %swap3A_737 = vector.shape_cast %mul3A_732 : vector<16xf32> to vector<1x16xf32>
          tpu.vector_store %arg9[%swap3A_733, %swap3A_734], %swap3A_737 {strides = array<i32>} : memref<128x128xf32, #tpu.memory_space<vmem>>, vector<1x16xf32>,
          %get3A_738 = arith.index_cast %add3A_727 : i32 to index
          %get3A_739 = arith.constant 16 : index
          %get3A_740 = tpu.vector_load %arg9[%get3A_738, %get3A_739] {strides = array<i32>} : memref<128x128xf32, #tpu.memory_space<vmem>>, vector<1x16xf32>,
          %get3A_741 = vector.shape_cast %get3A_740 : vector<1x16xf32> to vector<16xf32>
          %mul3A_742 = arith.mulf %get3A_741, %broadcast_in_dim3A_723 : vector<16xf32>
          %swap3A_743 = arith.index_cast %add3A_727 : i32 to index
          %swap3A_744 = arith.constant 16 : index
          %swap3A_745 = tpu.vector_load %arg9[%swap3A_743, %swap3A_744] {strides = array<i32>} : memref<128x128xf32, #tpu.memory_space<vmem>>, vector<1x16xf32>,
          %swap3A_746 = vector.shape_cast %swap3A_745 : vector<1x16xf32> to vector<16xf32>
          %swap3A_747 = vector.shape_cast %mul3A_742 : vector<16xf32> to vector<1x16xf32>
          tpu.vector_store %arg9[%swap3A_743, %swap3A_744], %swap3A_747 {strides = array<i32>} : memref<128x128xf32, #tpu.memory_space<vmem>>, vector<1x16xf32>,
          %get3A_748 = arith.index_cast %add3A_727 : i32 to index
          %get3A_749 = arith.constant 32 : index
          %get3A_750 = tpu.vector_load %arg9[%get3A_748, %get3A_749] {strides = array<i32>} : memref<128x128xf32, #tpu.memory_space<vmem>>, vector<1x16xf32>,
          %get3A_751 = vector.shape_cast %get3A_750 : vector<1x16xf32> to vector<16xf32>
          %mul3A_752 = arith.mulf %get3A_751, %broadcast_in_dim3A_723 : vector<16xf32>
          %swap3A_753 = arith.index_cast %add3A_727 : i32 to index
          %swap3A_754 = arith.constant 32 : index
          %swap3A_755 = tpu.vector_load %arg9[%swap3A_753, %swap3A_754] {strides = array<i32>} : memref<128x128xf32, #tpu.memory_space<vmem>>, vector<1x16xf32>,
          %swap3A_756 = vector.shape_cast %swap3A_755 : vector<1x16xf32> to vector<16xf32>
          %swap3A_757 = vector.shape_cast %mul3A_752 : vector<16xf32> to vector<1x16xf32>
          tpu.vector_store %arg9[%swap3A_753, %swap3A_754], %swap3A_757 {strides = array<i32>} : memref<128x128xf32, #tpu.memory_space<vmem>>, vector<1x16xf32>,
          %get3A_758 = arith.index_cast %add3A_727 : i32 to index
          %get3A_759 = arith.constant 48 : index
          %get3A_760 = tpu.vector_load %arg9[%get3A_758, %get3A_759] {strides = array<i32>} : memref<128x128xf32, #tpu.memory_space<vmem>>, vector<1x16xf32>,
          %get3A_761 = vector.shape_cast %get3A_760 : vector<1x16xf32> to vector<16xf32>
          %mul3A_762 = arith.mulf %get3A_761, %broadcast_in_dim3A_723 : vector<16xf32>
          %swap3A_763 = arith.index_cast %add3A_727 : i32 to index
          %swap3A_764 = arith.constant 48 : index
          %swap3A_765 = tpu.vector_load %arg9[%swap3A_763, %swap3A_764] {strides = array<i32>} : memref<128x128xf32, #tpu.memory_space<vmem>>, vector<1x16xf32>,
          %swap3A_766 = vector.shape_cast %swap3A_765 : vector<1x16xf32> to vector<16xf32>
          %swap3A_767 = vector.shape_cast %mul3A_762 : vector<16xf32> to vector<1x16xf32>
          tpu.vector_store %arg9[%swap3A_763, %swap3A_764], %swap3A_767 {strides = array<i32>} : memref<128x128xf32, #tpu.memory_space<vmem>>, vector<1x16xf32>,
          %get3A_768 = arith.index_cast %add3A_727 : i32 to index
          %get3A_769 = arith.constant 64 : index
          %get3A_770 = tpu.vector_load %arg9[%get3A_768, %get3A_769] {strides = array<i32>} : memref<128x128xf32, #tpu.memory_space<vmem>>, vector<1x16xf32>,
          %get3A_771 = vector.shape_cast %get3A_770 : vector<1x16xf32> to vector<16xf32>
          %mul3A_772 = arith.mulf %get3A_771, %broadcast_in_dim3A_723 : vector<16xf32>
          %swap3A_773 = arith.index_cast %add3A_727 : i32 to index
          %swap3A_774 = arith.constant 64 : index
          %swap3A_775 = tpu.vector_load %arg9[%swap3A_773, %swap3A_774] {strides = array<i32>} : memref<128x128xf32, #tpu.memory_space<vmem>>, vector<1x16xf32>,
          %swap3A_776 = vector.shape_cast %swap3A_775 : vector<1x16xf32> to vector<16xf32>
          %swap3A_777 = vector.shape_cast %mul3A_772 : vector<16xf32> to vector<1x16xf32>
          tpu.vector_store %arg9[%swap3A_773, %swap3A_774], %swap3A_777 {strides = array<i32>} : memref<128x128xf32, #tpu.memory_space<vmem>>, vector<1x16xf32>,
          %get3A_778 = arith.index_cast %add3A_727 : i32 to index
          %get3A_779 = arith.constant 80 : index
          %get3A_780 = tpu.vector_load %arg9[%get3A_778, %get3A_779] {strides = array<i32>} : memref<128x128xf32, #tpu.memory_space<vmem>>, vector<1x16xf32>,
          %get3A_781 = vector.shape_cast %get3A_780 : vector<1x16xf32> to vector<16xf32>
          %mul3A_782 = arith.mulf %get3A_781, %broadcast_in_dim3A_723 : vector<16xf32>
          %swap3A_783 = arith.index_cast %add3A_727 : i32 to index
          %swap3A_784 = arith.constant 80 : index
          %swap3A_785 = tpu.vector_load %arg9[%swap3A_783, %swap3A_784] {strides = array<i32>} : memref<128x128xf32, #tpu.memory_space<vmem>>, vector<1x16xf32>,
          %swap3A_786 = vector.shape_cast %swap3A_785 : vector<1x16xf32> to vector<16xf32>
          %swap3A_787 = vector.shape_cast %mul3A_782 : vector<16xf32> to vector<1x16xf32>
          tpu.vector_store %arg9[%swap3A_783, %swap3A_784], %swap3A_787 {strides = array<i32>} : memref<128x128xf32, #tpu.memory_space<vmem>>, vector<1x16xf32>,
          %get3A_788 = arith.index_cast %add3A_727 : i32 to index
          %get3A_789 = arith.constant 96 : index
          %get3A_790 = tpu.vector_load %arg9[%get3A_788, %get3A_789] {strides = array<i32>} : memref<128x128xf32, #tpu.memory_space<vmem>>, vector<1x16xf32>,
          %get3A_791 = vector.shape_cast %get3A_790 : vector<1x16xf32> to vector<16xf32>
          %mul3A_792 = arith.mulf %get3A_791, %broadcast_in_dim3A_723 : vector<16xf32>
          %swap3A_793 = arith.index_cast %add3A_727 : i32 to index
          %swap3A_794 = arith.constant 96 : index
          %swap3A_795 = tpu.vector_load %arg9[%swap3A_793, %swap3A_794] {strides = array<i32>} : memref<128x128xf32, #tpu.memory_space<vmem>>, vector<1x16xf32>,
          %swap3A_796 = vector.shape_cast %swap3A_795 : vector<1x16xf32> to vector<16xf32>
          %swap3A_797 = vector.shape_cast %mul3A_792 : vector<16xf32> to vector<1x16xf32>
          tpu.vector_store %arg9[%swap3A_793, %swap3A_794], %swap3A_797 {strides = array<i32>} : memref<128x128xf32, #tpu.memory_space<vmem>>, vector<1x16xf32>,
          %get3A_798 = arith.index_cast %add3A_727 : i32 to index
          %get3A_799 = arith.constant 112 : index
          %get3A_800 = tpu.vector_load %arg9[%get3A_798, %get3A_799] {strides = array<i32>} : memref<128x128xf32, #tpu.memory_space<vmem>>, vector<1x16xf32>,
          %get3A_801 = vector.shape_cast %get3A_800 : vector<1x16xf32> to vector<16xf32>
          %mul3A_802 = arith.mulf %get3A_801, %broadcast_in_dim3A_723 : vector<16xf32>
          %swap3A_803 = arith.index_cast %add3A_727 : i32 to index
          %swap3A_804 = arith.constant 112 : index
          %swap3A_805 = tpu.vector_load %arg9[%swap3A_803, %swap3A_804] {strides = array<i32>} : memref<128x128xf32, #tpu.memory_space<vmem>>, vector<1x16xf32>,
          %swap3A_806 = vector.shape_cast %swap3A_805 : vector<1x16xf32> to vector<16xf32>
          %swap3A_807 = vector.shape_cast %mul3A_802 : vector<16xf32> to vector<1x16xf32>
          tpu.vector_store %arg9[%swap3A_803, %swap3A_804], %swap3A_807 {strides = array<i32>} : memref<128x128xf32, #tpu.memory_space<vmem>>, vector<1x16xf32>,
          %slice3A_808 = vector.extract_strided_slice %get3A_114 {offsets = [8], sizes = [1], strides = [1]} : vector<16xf32> to vector<1xf32>
          %squeeze3A_809 = vector.extract %slice3A_808[0] : f32 from vector<1xf32>
          %broadcast_in_dim3A_810 = vector.broadcast %squeeze3A_809 : f32 to vector<16xf32>
          %mul3A_811 = arith.constant 16 : i32
          %mul3A_812 = arith.muli %scan3A_108, %mul3A_811 : i32
          %add3A_813 = arith.constant 8 : i32
          %add3A_814 = arith.addi %mul3A_812, %add3A_813 : i32
          %get3A_815 = arith.index_cast %add3A_814 : i32 to index
          %get3A_816 = arith.constant 0 : index
          %get3A_817 = tpu.vector_load %arg9[%get3A_815, %get3A_816] {strides = array<i32>} : memref<128x128xf32, #tpu.memory_space<vmem>>, vector<1x16xf32>,
          %get3A_818 = vector.shape_cast %get3A_817 : vector<1x16xf32> to vector<16xf32>
          %mul3A_819 = arith.mulf %get3A_818, %broadcast_in_dim3A_810 : vector<16xf32>
          %swap3A_820 = arith.index_cast %add3A_814 : i32 to index
          %swap3A_821 = arith.constant 0 : index
          %swap3A_822 = tpu.vector_load %arg9[%swap3A_820, %swap3A_821] {strides = array<i32>} : memref<128x128xf32, #tpu.memory_space<vmem>>, vector<1x16xf32>,
          %swap3A_823 = vector.shape_cast %swap3A_822 : vector<1x16xf32> to vector<16xf32>
          %swap3A_824 = vector.shape_cast %mul3A_819 : vector<16xf32> to vector<1x16xf32>
          tpu.vector_store %arg9[%swap3A_820, %swap3A_821], %swap3A_824 {strides = array<i32>} : memref<128x128xf32, #tpu.memory_space<vmem>>, vector<1x16xf32>,
          %get3A_825 = arith.index_cast %add3A_814 : i32 to index
          %get3A_826 = arith.constant 16 : index
          %get3A_827 = tpu.vector_load %arg9[%get3A_825, %get3A_826] {strides = array<i32>} : memref<128x128xf32, #tpu.memory_space<vmem>>, vector<1x16xf32>,
          %get3A_828 = vector.shape_cast %get3A_827 : vector<1x16xf32> to vector<16xf32>
          %mul3A_829 = arith.mulf %get3A_828, %broadcast_in_dim3A_810 : vector<16xf32>
          %swap3A_830 = arith.index_cast %add3A_814 : i32 to index
          %swap3A_831 = arith.constant 16 : index
          %swap3A_832 = tpu.vector_load %arg9[%swap3A_830, %swap3A_831] {strides = array<i32>} : memref<128x128xf32, #tpu.memory_space<vmem>>, vector<1x16xf32>,
          %swap3A_833 = vector.shape_cast %swap3A_832 : vector<1x16xf32> to vector<16xf32>
          %swap3A_834 = vector.shape_cast %mul3A_829 : vector<16xf32> to vector<1x16xf32>
          tpu.vector_store %arg9[%swap3A_830, %swap3A_831], %swap3A_834 {strides = array<i32>} : memref<128x128xf32, #tpu.memory_space<vmem>>, vector<1x16xf32>,
          %get3A_835 = arith.index_cast %add3A_814 : i32 to index
          %get3A_836 = arith.constant 32 : index
          %get3A_837 = tpu.vector_load %arg9[%get3A_835, %get3A_836] {strides = array<i32>} : memref<128x128xf32, #tpu.memory_space<vmem>>, vector<1x16xf32>,
          %get3A_838 = vector.shape_cast %get3A_837 : vector<1x16xf32> to vector<16xf32>
          %mul3A_839 = arith.mulf %get3A_838, %broadcast_in_dim3A_810 : vector<16xf32>
          %swap3A_840 = arith.index_cast %add3A_814 : i32 to index
          %swap3A_841 = arith.constant 32 : index
          %swap3A_842 = tpu.vector_load %arg9[%swap3A_840, %swap3A_841] {strides = array<i32>} : memref<128x128xf32, #tpu.memory_space<vmem>>, vector<1x16xf32>,
          %swap3A_843 = vector.shape_cast %swap3A_842 : vector<1x16xf32> to vector<16xf32>
          %swap3A_844 = vector.shape_cast %mul3A_839 : vector<16xf32> to vector<1x16xf32>
          tpu.vector_store %arg9[%swap3A_840, %swap3A_841], %swap3A_844 {strides = array<i32>} : memref<128x128xf32, #tpu.memory_space<vmem>>, vector<1x16xf32>,
          %get3A_845 = arith.index_cast %add3A_814 : i32 to index
          %get3A_846 = arith.constant 48 : index
          %get3A_847 = tpu.vector_load %arg9[%get3A_845, %get3A_846] {strides = array<i32>} : memref<128x128xf32, #tpu.memory_space<vmem>>, vector<1x16xf32>,
          %get3A_848 = vector.shape_cast %get3A_847 : vector<1x16xf32> to vector<16xf32>
          %mul3A_849 = arith.mulf %get3A_848, %broadcast_in_dim3A_810 : vector<16xf32>
          %swap3A_850 = arith.index_cast %add3A_814 : i32 to index
          %swap3A_851 = arith.constant 48 : index
          %swap3A_852 = tpu.vector_load %arg9[%swap3A_850, %swap3A_851] {strides = array<i32>} : memref<128x128xf32, #tpu.memory_space<vmem>>, vector<1x16xf32>,
          %swap3A_853 = vector.shape_cast %swap3A_852 : vector<1x16xf32> to vector<16xf32>
          %swap3A_854 = vector.shape_cast %mul3A_849 : vector<16xf32> to vector<1x16xf32>
          tpu.vector_store %arg9[%swap3A_850, %swap3A_851], %swap3A_854 {strides = array<i32>} : memref<128x128xf32, #tpu.memory_space<vmem>>, vector<1x16xf32>,
          %get3A_855 = arith.index_cast %add3A_814 : i32 to index
          %get3A_856 = arith.constant 64 : index
          %get3A_857 = tpu.vector_load %arg9[%get3A_855, %get3A_856] {strides = array<i32>} : memref<128x128xf32, #tpu.memory_space<vmem>>, vector<1x16xf32>,
          %get3A_858 = vector.shape_cast %get3A_857 : vector<1x16xf32> to vector<16xf32>
          %mul3A_859 = arith.mulf %get3A_858, %broadcast_in_dim3A_810 : vector<16xf32>
          %swap3A_860 = arith.index_cast %add3A_814 : i32 to index
          %swap3A_861 = arith.constant 64 : index
          %swap3A_862 = tpu.vector_load %arg9[%swap3A_860, %swap3A_861] {strides = array<i32>} : memref<128x128xf32, #tpu.memory_space<vmem>>, vector<1x16xf32>,
          %swap3A_863 = vector.shape_cast %swap3A_862 : vector<1x16xf32> to vector<16xf32>
          %swap3A_864 = vector.shape_cast %mul3A_859 : vector<16xf32> to vector<1x16xf32>
          tpu.vector_store %arg9[%swap3A_860, %swap3A_861], %swap3A_864 {strides = array<i32>} : memref<128x128xf32, #tpu.memory_space<vmem>>, vector<1x16xf32>,
          %get3A_865 = arith.index_cast %add3A_814 : i32 to index
          %get3A_866 = arith.constant 80 : index
          %get3A_867 = tpu.vector_load %arg9[%get3A_865, %get3A_866] {strides = array<i32>} : memref<128x128xf32, #tpu.memory_space<vmem>>, vector<1x16xf32>,
          %get3A_868 = vector.shape_cast %get3A_867 : vector<1x16xf32> to vector<16xf32>
          %mul3A_869 = arith.mulf %get3A_868, %broadcast_in_dim3A_810 : vector<16xf32>
          %swap3A_870 = arith.index_cast %add3A_814 : i32 to index
          %swap3A_871 = arith.constant 80 : index
          %swap3A_872 = tpu.vector_load %arg9[%swap3A_870, %swap3A_871] {strides = array<i32>} : memref<128x128xf32, #tpu.memory_space<vmem>>, vector<1x16xf32>,
          %swap3A_873 = vector.shape_cast %swap3A_872 : vector<1x16xf32> to vector<16xf32>
          %swap3A_874 = vector.shape_cast %mul3A_869 : vector<16xf32> to vector<1x16xf32>
          tpu.vector_store %arg9[%swap3A_870, %swap3A_871], %swap3A_874 {strides = array<i32>} : memref<128x128xf32, #tpu.memory_space<vmem>>, vector<1x16xf32>,
          %get3A_875 = arith.index_cast %add3A_814 : i32 to index
          %get3A_876 = arith.constant 96 : index
          %get3A_877 = tpu.vector_load %arg9[%get3A_875, %get3A_876] {strides = array<i32>} : memref<128x128xf32, #tpu.memory_space<vmem>>, vector<1x16xf32>,
          %get3A_878 = vector.shape_cast %get3A_877 : vector<1x16xf32> to vector<16xf32>
          %mul3A_879 = arith.mulf %get3A_878, %broadcast_in_dim3A_810 : vector<16xf32>
          %swap3A_880 = arith.index_cast %add3A_814 : i32 to index
          %swap3A_881 = arith.constant 96 : index
          %swap3A_882 = tpu.vector_load %arg9[%swap3A_880, %swap3A_881] {strides = array<i32>} : memref<128x128xf32, #tpu.memory_space<vmem>>, vector<1x16xf32>,
          %swap3A_883 = vector.shape_cast %swap3A_882 : vector<1x16xf32> to vector<16xf32>
          %swap3A_884 = vector.shape_cast %mul3A_879 : vector<16xf32> to vector<1x16xf32>
          tpu.vector_store %arg9[%swap3A_880, %swap3A_881], %swap3A_884 {strides = array<i32>} : memref<128x128xf32, #tpu.memory_space<vmem>>, vector<1x16xf32>,
          %get3A_885 = arith.index_cast %add3A_814 : i32 to index
          %get3A_886 = arith.constant 112 : index
          %get3A_887 = tpu.vector_load %arg9[%get3A_885, %get3A_886] {strides = array<i32>} : memref<128x128xf32, #tpu.memory_space<vmem>>, vector<1x16xf32>,
          %get3A_888 = vector.shape_cast %get3A_887 : vector<1x16xf32> to vector<16xf32>
          %mul3A_889 = arith.mulf %get3A_888, %broadcast_in_dim3A_810 : vector<16xf32>
          %swap3A_890 = arith.index_cast %add3A_814 : i32 to index
          %swap3A_891 = arith.constant 112 : index
          %swap3A_892 = tpu.vector_load %arg9[%swap3A_890, %swap3A_891] {strides = array<i32>} : memref<128x128xf32, #tpu.memory_space<vmem>>, vector<1x16xf32>,
          %swap3A_893 = vector.shape_cast %swap3A_892 : vector<1x16xf32> to vector<16xf32>
          %swap3A_894 = vector.shape_cast %mul3A_889 : vector<16xf32> to vector<1x16xf32>
          tpu.vector_store %arg9[%swap3A_890, %swap3A_891], %swap3A_894 {strides = array<i32>} : memref<128x128xf32, #tpu.memory_space<vmem>>, vector<1x16xf32>,
          %slice3A_895 = vector.extract_strided_slice %get3A_114 {offsets = [9], sizes = [1], strides = [1]} : vector<16xf32> to vector<1xf32>
          %squeeze3A_896 = vector.extract %slice3A_895[0] : f32 from vector<1xf32>
          %broadcast_in_dim3A_897 = vector.broadcast %squeeze3A_896 : f32 to vector<16xf32>
          %mul3A_898 = arith.constant 16 : i32
          %mul3A_899 = arith.muli %scan3A_108, %mul3A_898 : i32
          %add3A_900 = arith.constant 9 : i32
          %add3A_901 = arith.addi %mul3A_899, %add3A_900 : i32
          %get3A_902 = arith.index_cast %add3A_901 : i32 to index
          %get3A_903 = arith.constant 0 : index
          %get3A_904 = tpu.vector_load %arg9[%get3A_902, %get3A_903] {strides = array<i32>} : memref<128x128xf32, #tpu.memory_space<vmem>>, vector<1x16xf32>,
          %get3A_905 = vector.shape_cast %get3A_904 : vector<1x16xf32> to vector<16xf32>
          %mul3A_906 = arith.mulf %get3A_905, %broadcast_in_dim3A_897 : vector<16xf32>
          %swap3A_907 = arith.index_cast %add3A_901 : i32 to index
          %swap3A_908 = arith.constant 0 : index
          %swap3A_909 = tpu.vector_load %arg9[%swap3A_907, %swap3A_908] {strides = array<i32>} : memref<128x128xf32, #tpu.memory_space<vmem>>, vector<1x16xf32>,
          %swap3A_910 = vector.shape_cast %swap3A_909 : vector<1x16xf32> to vector<16xf32>
          %swap3A_911 = vector.shape_cast %mul3A_906 : vector<16xf32> to vector<1x16xf32>
          tpu.vector_store %arg9[%swap3A_907, %swap3A_908], %swap3A_911 {strides = array<i32>} : memref<128x128xf32, #tpu.memory_space<vmem>>, vector<1x16xf32>,
          %get3A_912 = arith.index_cast %add3A_901 : i32 to index
          %get3A_913 = arith.constant 16 : index
          %get3A_914 = tpu.vector_load %arg9[%get3A_912, %get3A_913] {strides = array<i32>} : memref<128x128xf32, #tpu.memory_space<vmem>>, vector<1x16xf32>,
          %get3A_915 = vector.shape_cast %get3A_914 : vector<1x16xf32> to vector<16xf32>
          %mul3A_916 = arith.mulf %get3A_915, %broadcast_in_dim3A_897 : vector<16xf32>
          %swap3A_917 = arith.index_cast %add3A_901 : i32 to index
          %swap3A_918 = arith.constant 16 : index
          %swap3A_919 = tpu.vector_load %arg9[%swap3A_917, %swap3A_918] {strides = array<i32>} : memref<128x128xf32, #tpu.memory_space<vmem>>, vector<1x16xf32>,
          %swap3A_920 = vector.shape_cast %swap3A_919 : vector<1x16xf32> to vector<16xf32>
          %swap3A_921 = vector.shape_cast %mul3A_916 : vector<16xf32> to vector<1x16xf32>
          tpu.vector_store %arg9[%swap3A_917, %swap3A_918], %swap3A_921 {strides = array<i32>} : memref<128x128xf32, #tpu.memory_space<vmem>>, vector<1x16xf32>,
          %get3A_922 = arith.index_cast %add3A_901 : i32 to index
          %get3A_923 = arith.constant 32 : index
          %get3A_924 = tpu.vector_load %arg9[%get3A_922, %get3A_923] {strides = array<i32>} : memref<128x128xf32, #tpu.memory_space<vmem>>, vector<1x16xf32>,
          %get3A_925 = vector.shape_cast %get3A_924 : vector<1x16xf32> to vector<16xf32>
          %mul3A_926 = arith.mulf %get3A_925, %broadcast_in_dim3A_897 : vector<16xf32>
          %swap3A_927 = arith.index_cast %add3A_901 : i32 to index
          %swap3A_928 = arith.constant 32 : index
          %swap3A_929 = tpu.vector_load %arg9[%swap3A_927, %swap3A_928] {strides = array<i32>} : memref<128x128xf32, #tpu.memory_space<vmem>>, vector<1x16xf32>,
          %swap3A_930 = vector.shape_cast %swap3A_929 : vector<1x16xf32> to vector<16xf32>
          %swap3A_931 = vector.shape_cast %mul3A_926 : vector<16xf32> to vector<1x16xf32>
          tpu.vector_store %arg9[%swap3A_927, %swap3A_928], %swap3A_931 {strides = array<i32>} : memref<128x128xf32, #tpu.memory_space<vmem>>, vector<1x16xf32>,
          %get3A_932 = arith.index_cast %add3A_901 : i32 to index
          %get3A_933 = arith.constant 48 : index
          %get3A_934 = tpu.vector_load %arg9[%get3A_932, %get3A_933] {strides = array<i32>} : memref<128x128xf32, #tpu.memory_space<vmem>>, vector<1x16xf32>,
          %get3A_935 = vector.shape_cast %get3A_934 : vector<1x16xf32> to vector<16xf32>
          %mul3A_936 = arith.mulf %get3A_935, %broadcast_in_dim3A_897 : vector<16xf32>
          %swap3A_937 = arith.index_cast %add3A_901 : i32 to index
          %swap3A_938 = arith.constant 48 : index
          %swap3A_939 = tpu.vector_load %arg9[%swap3A_937, %swap3A_938] {strides = array<i32>} : memref<128x128xf32, #tpu.memory_space<vmem>>, vector<1x16xf32>,
          %swap3A_940 = vector.shape_cast %swap3A_939 : vector<1x16xf32> to vector<16xf32>
          %swap3A_941 = vector.shape_cast %mul3A_936 : vector<16xf32> to vector<1x16xf32>
          tpu.vector_store %arg9[%swap3A_937, %swap3A_938], %swap3A_941 {strides = array<i32>} : memref<128x128xf32, #tpu.memory_space<vmem>>, vector<1x16xf32>,
          %get3A_942 = arith.index_cast %add3A_901 : i32 to index
          %get3A_943 = arith.constant 64 : index
          %get3A_944 = tpu.vector_load %arg9[%get3A_942, %get3A_943] {strides = array<i32>} : memref<128x128xf32, #tpu.memory_space<vmem>>, vector<1x16xf32>,
          %get3A_945 = vector.shape_cast %get3A_944 : vector<1x16xf32> to vector<16xf32>
          %mul3A_946 = arith.mulf %get3A_945, %broadcast_in_dim3A_897 : vector<16xf32>
          %swap3A_947 = arith.index_cast %add3A_901 : i32 to index
          %swap3A_948 = arith.constant 64 : index
          %swap3A_949 = tpu.vector_load %arg9[%swap3A_947, %swap3A_948] {strides = array<i32>} : memref<128x128xf32, #tpu.memory_space<vmem>>, vector<1x16xf32>,
          %swap3A_950 = vector.shape_cast %swap3A_949 : vector<1x16xf32> to vector<16xf32>
          %swap3A_951 = vector.shape_cast %mul3A_946 : vector<16xf32> to vector<1x16xf32>
          tpu.vector_store %arg9[%swap3A_947, %swap3A_948], %swap3A_951 {strides = array<i32>} : memref<128x128xf32, #tpu.memory_space<vmem>>, vector<1x16xf32>,
          %get3A_952 = arith.index_cast %add3A_901 : i32 to index
          %get3A_953 = arith.constant 80 : index
          %get3A_954 = tpu.vector_load %arg9[%get3A_952, %get3A_953] {strides = array<i32>} : memref<128x128xf32, #tpu.memory_space<vmem>>, vector<1x16xf32>,
          %get3A_955 = vector.shape_cast %get3A_954 : vector<1x16xf32> to vector<16xf32>
          %mul3A_956 = arith.mulf %get3A_955, %broadcast_in_dim3A_897 : vector<16xf32>
          %swap3A_957 = arith.index_cast %add3A_901 : i32 to index
          %swap3A_958 = arith.constant 80 : index
          %swap3A_959 = tpu.vector_load %arg9[%swap3A_957, %swap3A_958] {strides = array<i32>} : memref<128x128xf32, #tpu.memory_space<vmem>>, vector<1x16xf32>,
          %swap3A_960 = vector.shape_cast %swap3A_959 : vector<1x16xf32> to vector<16xf32>
          %swap3A_961 = vector.shape_cast %mul3A_956 : vector<16xf32> to vector<1x16xf32>
          tpu.vector_store %arg9[%swap3A_957, %swap3A_958], %swap3A_961 {strides = array<i32>} : memref<128x128xf32, #tpu.memory_space<vmem>>, vector<1x16xf32>,
          %get3A_962 = arith.index_cast %add3A_901 : i32 to index
          %get3A_963 = arith.constant 96 : index
          %get3A_964 = tpu.vector_load %arg9[%get3A_962, %get3A_963] {strides = array<i32>} : memref<128x128xf32, #tpu.memory_space<vmem>>, vector<1x16xf32>,
          %get3A_965 = vector.shape_cast %get3A_964 : vector<1x16xf32> to vector<16xf32>
          %mul3A_966 = arith.mulf %get3A_965, %broadcast_in_dim3A_897 : vector<16xf32>
          %swap3A_967 = arith.index_cast %add3A_901 : i32 to index
          %swap3A_968 = arith.constant 96 : index
          %swap3A_969 = tpu.vector_load %arg9[%swap3A_967, %swap3A_968] {strides = array<i32>} : memref<128x128xf32, #tpu.memory_space<vmem>>, vector<1x16xf32>,
          %swap3A_970 = vector.shape_cast %swap3A_969 : vector<1x16xf32> to vector<16xf32>
          %swap3A_971 = vector.shape_cast %mul3A_966 : vector<16xf32> to vector<1x16xf32>
          tpu.vector_store %arg9[%swap3A_967, %swap3A_968], %swap3A_971 {strides = array<i32>} : memref<128x128xf32, #tpu.memory_space<vmem>>, vector<1x16xf32>,
          %get3A_972 = arith.index_cast %add3A_901 : i32 to index
          %get3A_973 = arith.constant 112 : index
          %get3A_974 = tpu.vector_load %arg9[%get3A_972, %get3A_973] {strides = array<i32>} : memref<128x128xf32, #tpu.memory_space<vmem>>, vector<1x16xf32>,
          %get3A_975 = vector.shape_cast %get3A_974 : vector<1x16xf32> to vector<16xf32>
          %mul3A_976 = arith.mulf %get3A_975, %broadcast_in_dim3A_897 : vector<16xf32>
          %swap3A_977 = arith.index_cast %add3A_901 : i32 to index
          %swap3A_978 = arith.constant 112 : index
          %swap3A_979 = tpu.vector_load %arg9[%swap3A_977, %swap3A_978] {strides = array<i32>} : memref<128x128xf32, #tpu.memory_space<vmem>>, vector<1x16xf32>,
          %swap3A_980 = vector.shape_cast %swap3A_979 : vector<1x16xf32> to vector<16xf32>
          %swap3A_981 = vector.shape_cast %mul3A_976 : vector<16xf32> to vector<1x16xf32>
          tpu.vector_store %arg9[%swap3A_977, %swap3A_978], %swap3A_981 {strides = array<i32>} : memref<128x128xf32, #tpu.memory_space<vmem>>, vector<1x16xf32>,
          %slice3A_982 = vector.extract_strided_slice %get3A_114 {offsets = [10], sizes = [1], strides = [1]} : vector<16xf32> to vector<1xf32>
          %squeeze3A_983 = vector.extract %slice3A_982[0] : f32 from vector<1xf32>
          %broadcast_in_dim3A_984 = vector.broadcast %squeeze3A_983 : f32 to vector<16xf32>
          %mul3A_985 = arith.constant 16 : i32
          %mul3A_986 = arith.muli %scan3A_108, %mul3A_985 : i32
          %add3A_987 = arith.constant 10 : i32
          %add3A_988 = arith.addi %mul3A_986, %add3A_987 : i32
          %get3A_989 = arith.index_cast %add3A_988 : i32 to index
          %get3A_990 = arith.constant 0 : index
          %get3A_991 = tpu.vector_load %arg9[%get3A_989, %get3A_990] {strides = array<i32>} : memref<128x128xf32, #tpu.memory_space<vmem>>, vector<1x16xf32>,
          %get3A_992 = vector.shape_cast %get3A_991 : vector<1x16xf32> to vector<16xf32>
          %mul3A_993 = arith.mulf %get3A_992, %broadcast_in_dim3A_984 : vector<16xf32>
          %swap3A_994 = arith.index_cast %add3A_988 : i32 to index
          %swap3A_995 = arith.constant 0 : index
          %swap3A_996 = tpu.vector_load %arg9[%swap3A_994, %swap3A_995] {strides = array<i32>} : memref<128x128xf32, #tpu.memory_space<vmem>>, vector<1x16xf32>,
          %swap3A_997 = vector.shape_cast %swap3A_996 : vector<1x16xf32> to vector<16xf32>
          %swap3A_998 = vector.shape_cast %mul3A_993 : vector<16xf32> to vector<1x16xf32>
          tpu.vector_store %arg9[%swap3A_994, %swap3A_995], %swap3A_998 {strides = array<i32>} : memref<128x128xf32, #tpu.memory_space<vmem>>, vector<1x16xf32>,
          %get3A_999 = arith.index_cast %add3A_988 : i32 to index
          %get3A_1000 = arith.constant 16 : index
          %get3A_1001 = tpu.vector_load %arg9[%get3A_999, %get3A_1000] {strides = array<i32>} : memref<128x128xf32, #tpu.memory_space<vmem>>, vector<1x16xf32>,
          %get3A_1002 = vector.shape_cast %get3A_1001 : vector<1x16xf32> to vector<16xf32>
          %mul3A_1003 = arith.mulf %get3A_1002, %broadcast_in_dim3A_984 : vector<16xf32>
          %swap3A_1004 = arith.index_cast %add3A_988 : i32 to index
          %swap3A_1005 = arith.constant 16 : index
          %swap3A_1006 = tpu.vector_load %arg9[%swap3A_1004, %swap3A_1005] {strides = array<i32>} : memref<128x128xf32, #tpu.memory_space<vmem>>, vector<1x16xf32>,
          %swap3A_1007 = vector.shape_cast %swap3A_1006 : vector<1x16xf32> to vector<16xf32>
          %swap3A_1008 = vector.shape_cast %mul3A_1003 : vector<16xf32> to vector<1x16xf32>
          tpu.vector_store %arg9[%swap3A_1004, %swap3A_1005], %swap3A_1008 {strides = array<i32>} : memref<128x128xf32, #tpu.memory_space<vmem>>, vector<1x16xf32>,
          %get3A_1009 = arith.index_cast %add3A_988 : i32 to index
          %get3A_1010 = arith.constant 32 : index
          %get3A_1011 = tpu.vector_load %arg9[%get3A_1009, %get3A_1010] {strides = array<i32>} : memref<128x128xf32, #tpu.memory_space<vmem>>, vector<1x16xf32>,
          %get3A_1012 = vector.shape_cast %get3A_1011 : vector<1x16xf32> to vector<16xf32>
          %mul3A_1013 = arith.mulf %get3A_1012, %broadcast_in_dim3A_984 : vector<16xf32>
          %swap3A_1014 = arith.index_cast %add3A_988 : i32 to index
          %swap3A_1015 = arith.constant 32 : index
          %swap3A_1016 = tpu.vector_load %arg9[%swap3A_1014, %swap3A_1015] {strides = array<i32>} : memref<128x128xf32, #tpu.memory_space<vmem>>, vector<1x16xf32>,
          %swap3A_1017 = vector.shape_cast %swap3A_1016 : vector<1x16xf32> to vector<16xf32>
          %swap3A_1018 = vector.shape_cast %mul3A_1013 : vector<16xf32> to vector<1x16xf32>
          tpu.vector_store %arg9[%swap3A_1014, %swap3A_1015], %swap3A_1018 {strides = array<i32>} : memref<128x128xf32, #tpu.memory_space<vmem>>, vector<1x16xf32>,
          %get3A_1019 = arith.index_cast %add3A_988 : i32 to index
          %get3A_1020 = arith.constant 48 : index
          %get3A_1021 = tpu.vector_load %arg9[%get3A_1019, %get3A_1020] {strides = array<i32>} : memref<128x128xf32, #tpu.memory_space<vmem>>, vector<1x16xf32>,
          %get3A_1022 = vector.shape_cast %get3A_1021 : vector<1x16xf32> to vector<16xf32>
          %mul3A_1023 = arith.mulf %get3A_1022, %broadcast_in_dim3A_984 : vector<16xf32>
          %swap3A_1024 = arith.index_cast %add3A_988 : i32 to index
          %swap3A_1025 = arith.constant 48 : index
          %swap3A_1026 = tpu.vector_load %arg9[%swap3A_1024, %swap3A_1025] {strides = array<i32>} : memref<128x128xf32, #tpu.memory_space<vmem>>, vector<1x16xf32>,
          %swap3A_1027 = vector.shape_cast %swap3A_1026 : vector<1x16xf32> to vector<16xf32>
          %swap3A_1028 = vector.shape_cast %mul3A_1023 : vector<16xf32> to vector<1x16xf32>
          tpu.vector_store %arg9[%swap3A_1024, %swap3A_1025], %swap3A_1028 {strides = array<i32>} : memref<128x128xf32, #tpu.memory_space<vmem>>, vector<1x16xf32>,
          %get3A_1029 = arith.index_cast %add3A_988 : i32 to index
          %get3A_1030 = arith.constant 64 : index
          %get3A_1031 = tpu.vector_load %arg9[%get3A_1029, %get3A_1030] {strides = array<i32>} : memref<128x128xf32, #tpu.memory_space<vmem>>, vector<1x16xf32>,
          %get3A_1032 = vector.shape_cast %get3A_1031 : vector<1x16xf32> to vector<16xf32>
          %mul3A_1033 = arith.mulf %get3A_1032, %broadcast_in_dim3A_984 : vector<16xf32>
          %swap3A_1034 = arith.index_cast %add3A_988 : i32 to index
          %swap3A_1035 = arith.constant 64 : index
          %swap3A_1036 = tpu.vector_load %arg9[%swap3A_1034, %swap3A_1035] {strides = array<i32>} : memref<128x128xf32, #tpu.memory_space<vmem>>, vector<1x16xf32>,
          %swap3A_1037 = vector.shape_cast %swap3A_1036 : vector<1x16xf32> to vector<16xf32>
          %swap3A_1038 = vector.shape_cast %mul3A_1033 : vector<16xf32> to vector<1x16xf32>
          tpu.vector_store %arg9[%swap3A_1034, %swap3A_1035], %swap3A_1038 {strides = array<i32>} : memref<128x128xf32, #tpu.memory_space<vmem>>, vector<1x16xf32>,
          %get3A_1039 = arith.index_cast %add3A_988 : i32 to index
          %get3A_1040 = arith.constant 80 : index
          %get3A_1041 = tpu.vector_load %arg9[%get3A_1039, %get3A_1040] {strides = array<i32>} : memref<128x128xf32, #tpu.memory_space<vmem>>, vector<1x16xf32>,
          %get3A_1042 = vector.shape_cast %get3A_1041 : vector<1x16xf32> to vector<16xf32>
          %mul3A_1043 = arith.mulf %get3A_1042, %broadcast_in_dim3A_984 : vector<16xf32>
          %swap3A_1044 = arith.index_cast %add3A_988 : i32 to index
          %swap3A_1045 = arith.constant 80 : index
          %swap3A_1046 = tpu.vector_load %arg9[%swap3A_1044, %swap3A_1045] {strides = array<i32>} : memref<128x128xf32, #tpu.memory_space<vmem>>, vector<1x16xf32>,
          %swap3A_1047 = vector.shape_cast %swap3A_1046 : vector<1x16xf32> to vector<16xf32>
          %swap3A_1048 = vector.shape_cast %mul3A_1043 : vector<16xf32> to vector<1x16xf32>
          tpu.vector_store %arg9[%swap3A_1044, %swap3A_1045], %swap3A_1048 {strides = array<i32>} : memref<128x128xf32, #tpu.memory_space<vmem>>, vector<1x16xf32>,
          %get3A_1049 = arith.index_cast %add3A_988 : i32 to index
          %get3A_1050 = arith.constant 96 : index
          %get3A_1051 = tpu.vector_load %arg9[%get3A_1049, %get3A_1050] {strides = array<i32>} : memref<128x128xf32, #tpu.memory_space<vmem>>, vector<1x16xf32>,
          %get3A_1052 = vector.shape_cast %get3A_1051 : vector<1x16xf32> to vector<16xf32>
          %mul3A_1053 = arith.mulf %get3A_1052, %broadcast_in_dim3A_984 : vector<16xf32>
          %swap3A_1054 = arith.index_cast %add3A_988 : i32 to index
          %swap3A_1055 = arith.constant 96 : index
          %swap3A_1056 = tpu.vector_load %arg9[%swap3A_1054, %swap3A_1055] {strides = array<i32>} : memref<128x128xf32, #tpu.memory_space<vmem>>, vector<1x16xf32>,
          %swap3A_1057 = vector.shape_cast %swap3A_1056 : vector<1x16xf32> to vector<16xf32>
          %swap3A_1058 = vector.shape_cast %mul3A_1053 : vector<16xf32> to vector<1x16xf32>
          tpu.vector_store %arg9[%swap3A_1054, %swap3A_1055], %swap3A_1058 {strides = array<i32>} : memref<128x128xf32, #tpu.memory_space<vmem>>, vector<1x16xf32>,
          %get3A_1059 = arith.index_cast %add3A_988 : i32 to index
          %get3A_1060 = arith.constant 112 : index
          %get3A_1061 = tpu.vector_load %arg9[%get3A_1059, %get3A_1060] {strides = array<i32>} : memref<128x128xf32, #tpu.memory_space<vmem>>, vector<1x16xf32>,
          %get3A_1062 = vector.shape_cast %get3A_1061 : vector<1x16xf32> to vector<16xf32>
          %mul3A_1063 = arith.mulf %get3A_1062, %broadcast_in_dim3A_984 : vector<16xf32>
          %swap3A_1064 = arith.index_cast %add3A_988 : i32 to index
          %swap3A_1065 = arith.constant 112 : index
          %swap3A_1066 = tpu.vector_load %arg9[%swap3A_1064, %swap3A_1065] {strides = array<i32>} : memref<128x128xf32, #tpu.memory_space<vmem>>, vector<1x16xf32>,
          %swap3A_1067 = vector.shape_cast %swap3A_1066 : vector<1x16xf32> to vector<16xf32>
          %swap3A_1068 = vector.shape_cast %mul3A_1063 : vector<16xf32> to vector<1x16xf32>
          tpu.vector_store %arg9[%swap3A_1064, %swap3A_1065], %swap3A_1068 {strides = array<i32>} : memref<128x128xf32, #tpu.memory_space<vmem>>, vector<1x16xf32>,
          %slice3A_1069 = vector.extract_strided_slice %get3A_114 {offsets = [11], sizes = [1], strides = [1]} : vector<16xf32> to vector<1xf32>
          %squeeze3A_1070 = vector.extract %slice3A_1069[0] : f32 from vector<1xf32>
          %broadcast_in_dim3A_1071 = vector.broadcast %squeeze3A_1070 : f32 to vector<16xf32>
          %mul3A_1072 = arith.constant 16 : i32
          %mul3A_1073 = arith.muli %scan3A_108, %mul3A_1072 : i32
          %add3A_1074 = arith.constant 11 : i32
          %add3A_1075 = arith.addi %mul3A_1073, %add3A_1074 : i32
          %get3A_1076 = arith.index_cast %add3A_1075 : i32 to index
          %get3A_1077 = arith.constant 0 : index
          %get3A_1078 = tpu.vector_load %arg9[%get3A_1076, %get3A_1077] {strides = array<i32>} : memref<128x128xf32, #tpu.memory_space<vmem>>, vector<1x16xf32>,
          %get3A_1079 = vector.shape_cast %get3A_1078 : vector<1x16xf32> to vector<16xf32>
          %mul3A_1080 = arith.mulf %get3A_1079, %broadcast_in_dim3A_1071 : vector<16xf32>
          %swap3A_1081 = arith.index_cast %add3A_1075 : i32 to index
          %swap3A_1082 = arith.constant 0 : index
          %swap3A_1083 = tpu.vector_load %arg9[%swap3A_1081, %swap3A_1082] {strides = array<i32>} : memref<128x128xf32, #tpu.memory_space<vmem>>, vector<1x16xf32>,
          %swap3A_1084 = vector.shape_cast %swap3A_1083 : vector<1x16xf32> to vector<16xf32>
          %swap3A_1085 = vector.shape_cast %mul3A_1080 : vector<16xf32> to vector<1x16xf32>
          tpu.vector_store %arg9[%swap3A_1081, %swap3A_1082], %swap3A_1085 {strides = array<i32>} : memref<128x128xf32, #tpu.memory_space<vmem>>, vector<1x16xf32>,
          %get3A_1086 = arith.index_cast %add3A_1075 : i32 to index
          %get3A_1087 = arith.constant 16 : index
          %get3A_1088 = tpu.vector_load %arg9[%get3A_1086, %get3A_1087] {strides = array<i32>} : memref<128x128xf32, #tpu.memory_space<vmem>>, vector<1x16xf32>,
          %get3A_1089 = vector.shape_cast %get3A_1088 : vector<1x16xf32> to vector<16xf32>
          %mul3A_1090 = arith.mulf %get3A_1089, %broadcast_in_dim3A_1071 : vector<16xf32>
          %swap3A_1091 = arith.index_cast %add3A_1075 : i32 to index
          %swap3A_1092 = arith.constant 16 : index
          %swap3A_1093 = tpu.vector_load %arg9[%swap3A_1091, %swap3A_1092] {strides = array<i32>} : memref<128x128xf32, #tpu.memory_space<vmem>>, vector<1x16xf32>,
          %swap3A_1094 = vector.shape_cast %swap3A_1093 : vector<1x16xf32> to vector<16xf32>
          %swap3A_1095 = vector.shape_cast %mul3A_1090 : vector<16xf32> to vector<1x16xf32>
          tpu.vector_store %arg9[%swap3A_1091, %swap3A_1092], %swap3A_1095 {strides = array<i32>} : memref<128x128xf32, #tpu.memory_space<vmem>>, vector<1x16xf32>,
          %get3A_1096 = arith.index_cast %add3A_1075 : i32 to index
          %get3A_1097 = arith.constant 32 : index
          %get3A_1098 = tpu.vector_load %arg9[%get3A_1096, %get3A_1097] {strides = array<i32>} : memref<128x128xf32, #tpu.memory_space<vmem>>, vector<1x16xf32>,
          %get3A_1099 = vector.shape_cast %get3A_1098 : vector<1x16xf32> to vector<16xf32>
          %mul3A_1100 = arith.mulf %get3A_1099, %broadcast_in_dim3A_1071 : vector<16xf32>
          %swap3A_1101 = arith.index_cast %add3A_1075 : i32 to index
          %swap3A_1102 = arith.constant 32 : index
          %swap3A_1103 = tpu.vector_load %arg9[%swap3A_1101, %swap3A_1102] {strides = array<i32>} : memref<128x128xf32, #tpu.memory_space<vmem>>, vector<1x16xf32>,
          %swap3A_1104 = vector.shape_cast %swap3A_1103 : vector<1x16xf32> to vector<16xf32>
          %swap3A_1105 = vector.shape_cast %mul3A_1100 : vector<16xf32> to vector<1x16xf32>
          tpu.vector_store %arg9[%swap3A_1101, %swap3A_1102], %swap3A_1105 {strides = array<i32>} : memref<128x128xf32, #tpu.memory_space<vmem>>, vector<1x16xf32>,
          %get3A_1106 = arith.index_cast %add3A_1075 : i32 to index
          %get3A_1107 = arith.constant 48 : index
          %get3A_1108 = tpu.vector_load %arg9[%get3A_1106, %get3A_1107] {strides = array<i32>} : memref<128x128xf32, #tpu.memory_space<vmem>>, vector<1x16xf32>,
          %get3A_1109 = vector.shape_cast %get3A_1108 : vector<1x16xf32> to vector<16xf32>
          %mul3A_1110 = arith.mulf %get3A_1109, %broadcast_in_dim3A_1071 : vector<16xf32>
          %swap3A_1111 = arith.index_cast %add3A_1075 : i32 to index
          %swap3A_1112 = arith.constant 48 : index
          %swap3A_1113 = tpu.vector_load %arg9[%swap3A_1111, %swap3A_1112] {strides = array<i32>} : memref<128x128xf32, #tpu.memory_space<vmem>>, vector<1x16xf32>,
          %swap3A_1114 = vector.shape_cast %swap3A_1113 : vector<1x16xf32> to vector<16xf32>
          %swap3A_1115 = vector.shape_cast %mul3A_1110 : vector<16xf32> to vector<1x16xf32>
          tpu.vector_store %arg9[%swap3A_1111, %swap3A_1112], %swap3A_1115 {strides = array<i32>} : memref<128x128xf32, #tpu.memory_space<vmem>>, vector<1x16xf32>,
          %get3A_1116 = arith.index_cast %add3A_1075 : i32 to index
          %get3A_1117 = arith.constant 64 : index
          %get3A_1118 = tpu.vector_load %arg9[%get3A_1116, %get3A_1117] {strides = array<i32>} : memref<128x128xf32, #tpu.memory_space<vmem>>, vector<1x16xf32>,
          %get3A_1119 = vector.shape_cast %get3A_1118 : vector<1x16xf32> to vector<16xf32>
          %mul3A_1120 = arith.mulf %get3A_1119, %broadcast_in_dim3A_1071 : vector<16xf32>
          %swap3A_1121 = arith.index_cast %add3A_1075 : i32 to index
          %swap3A_1122 = arith.constant 64 : index
          %swap3A_1123 = tpu.vector_load %arg9[%swap3A_1121, %swap3A_1122] {strides = array<i32>} : memref<128x128xf32, #tpu.memory_space<vmem>>, vector<1x16xf32>,
          %swap3A_1124 = vector.shape_cast %swap3A_1123 : vector<1x16xf32> to vector<16xf32>
          %swap3A_1125 = vector.shape_cast %mul3A_1120 : vector<16xf32> to vector<1x16xf32>
          tpu.vector_store %arg9[%swap3A_1121, %swap3A_1122], %swap3A_1125 {strides = array<i32>} : memref<128x128xf32, #tpu.memory_space<vmem>>, vector<1x16xf32>,
          %get3A_1126 = arith.index_cast %add3A_1075 : i32 to index
          %get3A_1127 = arith.constant 80 : index
          %get3A_1128 = tpu.vector_load %arg9[%get3A_1126, %get3A_1127] {strides = array<i32>} : memref<128x128xf32, #tpu.memory_space<vmem>>, vector<1x16xf32>,
          %get3A_1129 = vector.shape_cast %get3A_1128 : vector<1x16xf32> to vector<16xf32>
          %mul3A_1130 = arith.mulf %get3A_1129, %broadcast_in_dim3A_1071 : vector<16xf32>
          %swap3A_1131 = arith.index_cast %add3A_1075 : i32 to index
          %swap3A_1132 = arith.constant 80 : index
          %swap3A_1133 = tpu.vector_load %arg9[%swap3A_1131, %swap3A_1132] {strides = array<i32>} : memref<128x128xf32, #tpu.memory_space<vmem>>, vector<1x16xf32>,
          %swap3A_1134 = vector.shape_cast %swap3A_1133 : vector<1x16xf32> to vector<16xf32>
          %swap3A_1135 = vector.shape_cast %mul3A_1130 : vector<16xf32> to vector<1x16xf32>
          tpu.vector_store %arg9[%swap3A_1131, %swap3A_1132], %swap3A_1135 {strides = array<i32>} : memref<128x128xf32, #tpu.memory_space<vmem>>, vector<1x16xf32>,
          %get3A_1136 = arith.index_cast %add3A_1075 : i32 to index
          %get3A_1137 = arith.constant 96 : index
          %get3A_1138 = tpu.vector_load %arg9[%get3A_1136, %get3A_1137] {strides = array<i32>} : memref<128x128xf32, #tpu.memory_space<vmem>>, vector<1x16xf32>,
          %get3A_1139 = vector.shape_cast %get3A_1138 : vector<1x16xf32> to vector<16xf32>
          %mul3A_1140 = arith.mulf %get3A_1139, %broadcast_in_dim3A_1071 : vector<16xf32>
          %swap3A_1141 = arith.index_cast %add3A_1075 : i32 to index
          %swap3A_1142 = arith.constant 96 : index
          %swap3A_1143 = tpu.vector_load %arg9[%swap3A_1141, %swap3A_1142] {strides = array<i32>} : memref<128x128xf32, #tpu.memory_space<vmem>>, vector<1x16xf32>,
          %swap3A_1144 = vector.shape_cast %swap3A_1143 : vector<1x16xf32> to vector<16xf32>
          %swap3A_1145 = vector.shape_cast %mul3A_1140 : vector<16xf32> to vector<1x16xf32>
          tpu.vector_store %arg9[%swap3A_1141, %swap3A_1142], %swap3A_1145 {strides = array<i32>} : memref<128x128xf32, #tpu.memory_space<vmem>>, vector<1x16xf32>,
          %get3A_1146 = arith.index_cast %add3A_1075 : i32 to index
          %get3A_1147 = arith.constant 112 : index
          %get3A_1148 = tpu.vector_load %arg9[%get3A_1146, %get3A_1147] {strides = array<i32>} : memref<128x128xf32, #tpu.memory_space<vmem>>, vector<1x16xf32>,
          %get3A_1149 = vector.shape_cast %get3A_1148 : vector<1x16xf32> to vector<16xf32>
          %mul3A_1150 = arith.mulf %get3A_1149, %broadcast_in_dim3A_1071 : vector<16xf32>
          %swap3A_1151 = arith.index_cast %add3A_1075 : i32 to index
          %swap3A_1152 = arith.constant 112 : index
          %swap3A_1153 = tpu.vector_load %arg9[%swap3A_1151, %swap3A_1152] {strides = array<i32>} : memref<128x128xf32, #tpu.memory_space<vmem>>, vector<1x16xf32>,
          %swap3A_1154 = vector.shape_cast %swap3A_1153 : vector<1x16xf32> to vector<16xf32>
          %swap3A_1155 = vector.shape_cast %mul3A_1150 : vector<16xf32> to vector<1x16xf32>
          tpu.vector_store %arg9[%swap3A_1151, %swap3A_1152], %swap3A_1155 {strides = array<i32>} : memref<128x128xf32, #tpu.memory_space<vmem>>, vector<1x16xf32>,
          %slice3A_1156 = vector.extract_strided_slice %get3A_114 {offsets = [12], sizes = [1], strides = [1]} : vector<16xf32> to vector<1xf32>
          %squeeze3A_1157 = vector.extract %slice3A_1156[0] : f32 from vector<1xf32>
          %broadcast_in_dim3A_1158 = vector.broadcast %squeeze3A_1157 : f32 to vector<16xf32>
          %mul3A_1159 = arith.constant 16 : i32
          %mul3A_1160 = arith.muli %scan3A_108, %mul3A_1159 : i32
          %add3A_1161 = arith.constant 12 : i32
          %add3A_1162 = arith.addi %mul3A_1160, %add3A_1161 : i32
          %get3A_1163 = arith.index_cast %add3A_1162 : i32 to index
          %get3A_1164 = arith.constant 0 : index
          %get3A_1165 = tpu.vector_load %arg9[%get3A_1163, %get3A_1164] {strides = array<i32>} : memref<128x128xf32, #tpu.memory_space<vmem>>, vector<1x16xf32>,
          %get3A_1166 = vector.shape_cast %get3A_1165 : vector<1x16xf32> to vector<16xf32>
          %mul3A_1167 = arith.mulf %get3A_1166, %broadcast_in_dim3A_1158 : vector<16xf32>
          %swap3A_1168 = arith.index_cast %add3A_1162 : i32 to index
          %swap3A_1169 = arith.constant 0 : index
          %swap3A_1170 = tpu.vector_load %arg9[%swap3A_1168, %swap3A_1169] {strides = array<i32>} : memref<128x128xf32, #tpu.memory_space<vmem>>, vector<1x16xf32>,
          %swap3A_1171 = vector.shape_cast %swap3A_1170 : vector<1x16xf32> to vector<16xf32>
          %swap3A_1172 = vector.shape_cast %mul3A_1167 : vector<16xf32> to vector<1x16xf32>
          tpu.vector_store %arg9[%swap3A_1168, %swap3A_1169], %swap3A_1172 {strides = array<i32>} : memref<128x128xf32, #tpu.memory_space<vmem>>, vector<1x16xf32>,
          %get3A_1173 = arith.index_cast %add3A_1162 : i32 to index
          %get3A_1174 = arith.constant 16 : index
          %get3A_1175 = tpu.vector_load %arg9[%get3A_1173, %get3A_1174] {strides = array<i32>} : memref<128x128xf32, #tpu.memory_space<vmem>>, vector<1x16xf32>,
          %get3A_1176 = vector.shape_cast %get3A_1175 : vector<1x16xf32> to vector<16xf32>
          %mul3A_1177 = arith.mulf %get3A_1176, %broadcast_in_dim3A_1158 : vector<16xf32>
          %swap3A_1178 = arith.index_cast %add3A_1162 : i32 to index
          %swap3A_1179 = arith.constant 16 : index
          %swap3A_1180 = tpu.vector_load %arg9[%swap3A_1178, %swap3A_1179] {strides = array<i32>} : memref<128x128xf32, #tpu.memory_space<vmem>>, vector<1x16xf32>,
          %swap3A_1181 = vector.shape_cast %swap3A_1180 : vector<1x16xf32> to vector<16xf32>
          %swap3A_1182 = vector.shape_cast %mul3A_1177 : vector<16xf32> to vector<1x16xf32>
          tpu.vector_store %arg9[%swap3A_1178, %swap3A_1179], %swap3A_1182 {strides = array<i32>} : memref<128x128xf32, #tpu.memory_space<vmem>>, vector<1x16xf32>,
          %get3A_1183 = arith.index_cast %add3A_1162 : i32 to index
          %get3A_1184 = arith.constant 32 : index
          %get3A_1185 = tpu.vector_load %arg9[%get3A_1183, %get3A_1184] {strides = array<i32>} : memref<128x128xf32, #tpu.memory_space<vmem>>, vector<1x16xf32>,
          %get3A_1186 = vector.shape_cast %get3A_1185 : vector<1x16xf32> to vector<16xf32>
          %mul3A_1187 = arith.mulf %get3A_1186, %broadcast_in_dim3A_1158 : vector<16xf32>
          %swap3A_1188 = arith.index_cast %add3A_1162 : i32 to index
          %swap3A_1189 = arith.constant 32 : index
          %swap3A_1190 = tpu.vector_load %arg9[%swap3A_1188, %swap3A_1189] {strides = array<i32>} : memref<128x128xf32, #tpu.memory_space<vmem>>, vector<1x16xf32>,
          %swap3A_1191 = vector.shape_cast %swap3A_1190 : vector<1x16xf32> to vector<16xf32>
          %swap3A_1192 = vector.shape_cast %mul3A_1187 : vector<16xf32> to vector<1x16xf32>
          tpu.vector_store %arg9[%swap3A_1188, %swap3A_1189], %swap3A_1192 {strides = array<i32>} : memref<128x128xf32, #tpu.memory_space<vmem>>, vector<1x16xf32>,
          %get3A_1193 = arith.index_cast %add3A_1162 : i32 to index
          %get3A_1194 = arith.constant 48 : index
          %get3A_1195 = tpu.vector_load %arg9[%get3A_1193, %get3A_1194] {strides = array<i32>} : memref<128x128xf32, #tpu.memory_space<vmem>>, vector<1x16xf32>,
          %get3A_1196 = vector.shape_cast %get3A_1195 : vector<1x16xf32> to vector<16xf32>
          %mul3A_1197 = arith.mulf %get3A_1196, %broadcast_in_dim3A_1158 : vector<16xf32>
          %swap3A_1198 = arith.index_cast %add3A_1162 : i32 to index
          %swap3A_1199 = arith.constant 48 : index
          %swap3A_1200 = tpu.vector_load %arg9[%swap3A_1198, %swap3A_1199] {strides = array<i32>} : memref<128x128xf32, #tpu.memory_space<vmem>>, vector<1x16xf32>,
          %swap3A_1201 = vector.shape_cast %swap3A_1200 : vector<1x16xf32> to vector<16xf32>
          %swap3A_1202 = vector.shape_cast %mul3A_1197 : vector<16xf32> to vector<1x16xf32>
          tpu.vector_store %arg9[%swap3A_1198, %swap3A_1199], %swap3A_1202 {strides = array<i32>} : memref<128x128xf32, #tpu.memory_space<vmem>>, vector<1x16xf32>,
          %get3A_1203 = arith.index_cast %add3A_1162 : i32 to index
          %get3A_1204 = arith.constant 64 : index
          %get3A_1205 = tpu.vector_load %arg9[%get3A_1203, %get3A_1204] {strides = array<i32>} : memref<128x128xf32, #tpu.memory_space<vmem>>, vector<1x16xf32>,
          %get3A_1206 = vector.shape_cast %get3A_1205 : vector<1x16xf32> to vector<16xf32>
          %mul3A_1207 = arith.mulf %get3A_1206, %broadcast_in_dim3A_1158 : vector<16xf32>
          %swap3A_1208 = arith.index_cast %add3A_1162 : i32 to index
          %swap3A_1209 = arith.constant 64 : index
          %swap3A_1210 = tpu.vector_load %arg9[%swap3A_1208, %swap3A_1209] {strides = array<i32>} : memref<128x128xf32, #tpu.memory_space<vmem>>, vector<1x16xf32>,
          %swap3A_1211 = vector.shape_cast %swap3A_1210 : vector<1x16xf32> to vector<16xf32>
          %swap3A_1212 = vector.shape_cast %mul3A_1207 : vector<16xf32> to vector<1x16xf32>
          tpu.vector_store %arg9[%swap3A_1208, %swap3A_1209], %swap3A_1212 {strides = array<i32>} : memref<128x128xf32, #tpu.memory_space<vmem>>, vector<1x16xf32>,
          %get3A_1213 = arith.index_cast %add3A_1162 : i32 to index
          %get3A_1214 = arith.constant 80 : index
          %get3A_1215 = tpu.vector_load %arg9[%get3A_1213, %get3A_1214] {strides = array<i32>} : memref<128x128xf32, #tpu.memory_space<vmem>>, vector<1x16xf32>,
          %get3A_1216 = vector.shape_cast %get3A_1215 : vector<1x16xf32> to vector<16xf32>
          %mul3A_1217 = arith.mulf %get3A_1216, %broadcast_in_dim3A_1158 : vector<16xf32>
          %swap3A_1218 = arith.index_cast %add3A_1162 : i32 to index
          %swap3A_1219 = arith.constant 80 : index
          %swap3A_1220 = tpu.vector_load %arg9[%swap3A_1218, %swap3A_1219] {strides = array<i32>} : memref<128x128xf32, #tpu.memory_space<vmem>>, vector<1x16xf32>,
          %swap3A_1221 = vector.shape_cast %swap3A_1220 : vector<1x16xf32> to vector<16xf32>
          %swap3A_1222 = vector.shape_cast %mul3A_1217 : vector<16xf32> to vector<1x16xf32>
          tpu.vector_store %arg9[%swap3A_1218, %swap3A_1219], %swap3A_1222 {strides = array<i32>} : memref<128x128xf32, #tpu.memory_space<vmem>>, vector<1x16xf32>,
          %get3A_1223 = arith.index_cast %add3A_1162 : i32 to index
          %get3A_1224 = arith.constant 96 : index
          %get3A_1225 = tpu.vector_load %arg9[%get3A_1223, %get3A_1224] {strides = array<i32>} : memref<128x128xf32, #tpu.memory_space<vmem>>, vector<1x16xf32>,
          %get3A_1226 = vector.shape_cast %get3A_1225 : vector<1x16xf32> to vector<16xf32>
          %mul3A_1227 = arith.mulf %get3A_1226, %broadcast_in_dim3A_1158 : vector<16xf32>
          %swap3A_1228 = arith.index_cast %add3A_1162 : i32 to index
          %swap3A_1229 = arith.constant 96 : index
          %swap3A_1230 = tpu.vector_load %arg9[%swap3A_1228, %swap3A_1229] {strides = array<i32>} : memref<128x128xf32, #tpu.memory_space<vmem>>, vector<1x16xf32>,
          %swap3A_1231 = vector.shape_cast %swap3A_1230 : vector<1x16xf32> to vector<16xf32>
          %swap3A_1232 = vector.shape_cast %mul3A_1227 : vector<16xf32> to vector<1x16xf32>
          tpu.vector_store %arg9[%swap3A_1228, %swap3A_1229], %swap3A_1232 {strides = array<i32>} : memref<128x128xf32, #tpu.memory_space<vmem>>, vector<1x16xf32>,
          %get3A_1233 = arith.index_cast %add3A_1162 : i32 to index
          %get3A_1234 = arith.constant 112 : index
          %get3A_1235 = tpu.vector_load %arg9[%get3A_1233, %get3A_1234] {strides = array<i32>} : memref<128x128xf32, #tpu.memory_space<vmem>>, vector<1x16xf32>,
          %get3A_1236 = vector.shape_cast %get3A_1235 : vector<1x16xf32> to vector<16xf32>
          %mul3A_1237 = arith.mulf %get3A_1236, %broadcast_in_dim3A_1158 : vector<16xf32>
          %swap3A_1238 = arith.index_cast %add3A_1162 : i32 to index
          %swap3A_1239 = arith.constant 112 : index
          %swap3A_1240 = tpu.vector_load %arg9[%swap3A_1238, %swap3A_1239] {strides = array<i32>} : memref<128x128xf32, #tpu.memory_space<vmem>>, vector<1x16xf32>,
          %swap3A_1241 = vector.shape_cast %swap3A_1240 : vector<1x16xf32> to vector<16xf32>
          %swap3A_1242 = vector.shape_cast %mul3A_1237 : vector<16xf32> to vector<1x16xf32>
          tpu.vector_store %arg9[%swap3A_1238, %swap3A_1239], %swap3A_1242 {strides = array<i32>} : memref<128x128xf32, #tpu.memory_space<vmem>>, vector<1x16xf32>,
          %slice3A_1243 = vector.extract_strided_slice %get3A_114 {offsets = [13], sizes = [1], strides = [1]} : vector<16xf32> to vector<1xf32>
          %squeeze3A_1244 = vector.extract %slice3A_1243[0] : f32 from vector<1xf32>
          %broadcast_in_dim3A_1245 = vector.broadcast %squeeze3A_1244 : f32 to vector<16xf32>
          %mul3A_1246 = arith.constant 16 : i32
          %mul3A_1247 = arith.muli %scan3A_108, %mul3A_1246 : i32
          %add3A_1248 = arith.constant 13 : i32
          %add3A_1249 = arith.addi %mul3A_1247, %add3A_1248 : i32
          %get3A_1250 = arith.index_cast %add3A_1249 : i32 to index
          %get3A_1251 = arith.constant 0 : index
          %get3A_1252 = tpu.vector_load %arg9[%get3A_1250, %get3A_1251] {strides = array<i32>} : memref<128x128xf32, #tpu.memory_space<vmem>>, vector<1x16xf32>,
          %get3A_1253 = vector.shape_cast %get3A_1252 : vector<1x16xf32> to vector<16xf32>
          %mul3A_1254 = arith.mulf %get3A_1253, %broadcast_in_dim3A_1245 : vector<16xf32>
          %swap3A_1255 = arith.index_cast %add3A_1249 : i32 to index
          %swap3A_1256 = arith.constant 0 : index
          %swap3A_1257 = tpu.vector_load %arg9[%swap3A_1255, %swap3A_1256] {strides = array<i32>} : memref<128x128xf32, #tpu.memory_space<vmem>>, vector<1x16xf32>,
          %swap3A_1258 = vector.shape_cast %swap3A_1257 : vector<1x16xf32> to vector<16xf32>
          %swap3A_1259 = vector.shape_cast %mul3A_1254 : vector<16xf32> to vector<1x16xf32>
          tpu.vector_store %arg9[%swap3A_1255, %swap3A_1256], %swap3A_1259 {strides = array<i32>} : memref<128x128xf32, #tpu.memory_space<vmem>>, vector<1x16xf32>,
          %get3A_1260 = arith.index_cast %add3A_1249 : i32 to index
          %get3A_1261 = arith.constant 16 : index
          %get3A_1262 = tpu.vector_load %arg9[%get3A_1260, %get3A_1261] {strides = array<i32>} : memref<128x128xf32, #tpu.memory_space<vmem>>, vector<1x16xf32>,
          %get3A_1263 = vector.shape_cast %get3A_1262 : vector<1x16xf32> to vector<16xf32>
          %mul3A_1264 = arith.mulf %get3A_1263, %broadcast_in_dim3A_1245 : vector<16xf32>
          %swap3A_1265 = arith.index_cast %add3A_1249 : i32 to index
          %swap3A_1266 = arith.constant 16 : index
          %swap3A_1267 = tpu.vector_load %arg9[%swap3A_1265, %swap3A_1266] {strides = array<i32>} : memref<128x128xf32, #tpu.memory_space<vmem>>, vector<1x16xf32>,
          %swap3A_1268 = vector.shape_cast %swap3A_1267 : vector<1x16xf32> to vector<16xf32>
          %swap3A_1269 = vector.shape_cast %mul3A_1264 : vector<16xf32> to vector<1x16xf32>
          tpu.vector_store %arg9[%swap3A_1265, %swap3A_1266], %swap3A_1269 {strides = array<i32>} : memref<128x128xf32, #tpu.memory_space<vmem>>, vector<1x16xf32>,
          %get3A_1270 = arith.index_cast %add3A_1249 : i32 to index
          %get3A_1271 = arith.constant 32 : index
          %get3A_1272 = tpu.vector_load %arg9[%get3A_1270, %get3A_1271] {strides = array<i32>} : memref<128x128xf32, #tpu.memory_space<vmem>>, vector<1x16xf32>,
          %get3A_1273 = vector.shape_cast %get3A_1272 : vector<1x16xf32> to vector<16xf32>
          %mul3A_1274 = arith.mulf %get3A_1273, %broadcast_in_dim3A_1245 : vector<16xf32>
          %swap3A_1275 = arith.index_cast %add3A_1249 : i32 to index
          %swap3A_1276 = arith.constant 32 : index
          %swap3A_1277 = tpu.vector_load %arg9[%swap3A_1275, %swap3A_1276] {strides = array<i32>} : memref<128x128xf32, #tpu.memory_space<vmem>>, vector<1x16xf32>,
          %swap3A_1278 = vector.shape_cast %swap3A_1277 : vector<1x16xf32> to vector<16xf32>
          %swap3A_1279 = vector.shape_cast %mul3A_1274 : vector<16xf32> to vector<1x16xf32>
          tpu.vector_store %arg9[%swap3A_1275, %swap3A_1276], %swap3A_1279 {strides = array<i32>} : memref<128x128xf32, #tpu.memory_space<vmem>>, vector<1x16xf32>,
          %get3A_1280 = arith.index_cast %add3A_1249 : i32 to index
          %get3A_1281 = arith.constant 48 : index
          %get3A_1282 = tpu.vector_load %arg9[%get3A_1280, %get3A_1281] {strides = array<i32>} : memref<128x128xf32, #tpu.memory_space<vmem>>, vector<1x16xf32>,
          %get3A_1283 = vector.shape_cast %get3A_1282 : vector<1x16xf32> to vector<16xf32>
          %mul3A_1284 = arith.mulf %get3A_1283, %broadcast_in_dim3A_1245 : vector<16xf32>
          %swap3A_1285 = arith.index_cast %add3A_1249 : i32 to index
          %swap3A_1286 = arith.constant 48 : index
          %swap3A_1287 = tpu.vector_load %arg9[%swap3A_1285, %swap3A_1286] {strides = array<i32>} : memref<128x128xf32, #tpu.memory_space<vmem>>, vector<1x16xf32>,
          %swap3A_1288 = vector.shape_cast %swap3A_1287 : vector<1x16xf32> to vector<16xf32>
          %swap3A_1289 = vector.shape_cast %mul3A_1284 : vector<16xf32> to vector<1x16xf32>
          tpu.vector_store %arg9[%swap3A_1285, %swap3A_1286], %swap3A_1289 {strides = array<i32>} : memref<128x128xf32, #tpu.memory_space<vmem>>, vector<1x16xf32>,
          %get3A_1290 = arith.index_cast %add3A_1249 : i32 to index
          %get3A_1291 = arith.constant 64 : index
          %get3A_1292 = tpu.vector_load %arg9[%get3A_1290, %get3A_1291] {strides = array<i32>} : memref<128x128xf32, #tpu.memory_space<vmem>>, vector<1x16xf32>,
          %get3A_1293 = vector.shape_cast %get3A_1292 : vector<1x16xf32> to vector<16xf32>
          %mul3A_1294 = arith.mulf %get3A_1293, %broadcast_in_dim3A_1245 : vector<16xf32>
          %swap3A_1295 = arith.index_cast %add3A_1249 : i32 to index
          %swap3A_1296 = arith.constant 64 : index
          %swap3A_1297 = tpu.vector_load %arg9[%swap3A_1295, %swap3A_1296] {strides = array<i32>} : memref<128x128xf32, #tpu.memory_space<vmem>>, vector<1x16xf32>,
          %swap3A_1298 = vector.shape_cast %swap3A_1297 : vector<1x16xf32> to vector<16xf32>
          %swap3A_1299 = vector.shape_cast %mul3A_1294 : vector<16xf32> to vector<1x16xf32>
          tpu.vector_store %arg9[%swap3A_1295, %swap3A_1296], %swap3A_1299 {strides = array<i32>} : memref<128x128xf32, #tpu.memory_space<vmem>>, vector<1x16xf32>,
          %get3A_1300 = arith.index_cast %add3A_1249 : i32 to index
          %get3A_1301 = arith.constant 80 : index
          %get3A_1302 = tpu.vector_load %arg9[%get3A_1300, %get3A_1301] {strides = array<i32>} : memref<128x128xf32, #tpu.memory_space<vmem>>, vector<1x16xf32>,
          %get3A_1303 = vector.shape_cast %get3A_1302 : vector<1x16xf32> to vector<16xf32>
          %mul3A_1304 = arith.mulf %get3A_1303, %broadcast_in_dim3A_1245 : vector<16xf32>
          %swap3A_1305 = arith.index_cast %add3A_1249 : i32 to index
          %swap3A_1306 = arith.constant 80 : index
          %swap3A_1307 = tpu.vector_load %arg9[%swap3A_1305, %swap3A_1306] {strides = array<i32>} : memref<128x128xf32, #tpu.memory_space<vmem>>, vector<1x16xf32>,
          %swap3A_1308 = vector.shape_cast %swap3A_1307 : vector<1x16xf32> to vector<16xf32>
          %swap3A_1309 = vector.shape_cast %mul3A_1304 : vector<16xf32> to vector<1x16xf32>
          tpu.vector_store %arg9[%swap3A_1305, %swap3A_1306], %swap3A_1309 {strides = array<i32>} : memref<128x128xf32, #tpu.memory_space<vmem>>, vector<1x16xf32>,
          %get3A_1310 = arith.index_cast %add3A_1249 : i32 to index
          %get3A_1311 = arith.constant 96 : index
          %get3A_1312 = tpu.vector_load %arg9[%get3A_1310, %get3A_1311] {strides = array<i32>} : memref<128x128xf32, #tpu.memory_space<vmem>>, vector<1x16xf32>,
          %get3A_1313 = vector.shape_cast %get3A_1312 : vector<1x16xf32> to vector<16xf32>
          %mul3A_1314 = arith.mulf %get3A_1313, %broadcast_in_dim3A_1245 : vector<16xf32>
          %swap3A_1315 = arith.index_cast %add3A_1249 : i32 to index
          %swap3A_1316 = arith.constant 96 : index
          %swap3A_1317 = tpu.vector_load %arg9[%swap3A_1315, %swap3A_1316] {strides = array<i32>} : memref<128x128xf32, #tpu.memory_space<vmem>>, vector<1x16xf32>,
          %swap3A_1318 = vector.shape_cast %swap3A_1317 : vector<1x16xf32> to vector<16xf32>
          %swap3A_1319 = vector.shape_cast %mul3A_1314 : vector<16xf32> to vector<1x16xf32>
          tpu.vector_store %arg9[%swap3A_1315, %swap3A_1316], %swap3A_1319 {strides = array<i32>} : memref<128x128xf32, #tpu.memory_space<vmem>>, vector<1x16xf32>,
          %get3A_1320 = arith.index_cast %add3A_1249 : i32 to index
          %get3A_1321 = arith.constant 112 : index
          %get3A_1322 = tpu.vector_load %arg9[%get3A_1320, %get3A_1321] {strides = array<i32>} : memref<128x128xf32, #tpu.memory_space<vmem>>, vector<1x16xf32>,
          %get3A_1323 = vector.shape_cast %get3A_1322 : vector<1x16xf32> to vector<16xf32>
          %mul3A_1324 = arith.mulf %get3A_1323, %broadcast_in_dim3A_1245 : vector<16xf32>
          %swap3A_1325 = arith.index_cast %add3A_1249 : i32 to index
          %swap3A_1326 = arith.constant 112 : index
          %swap3A_1327 = tpu.vector_load %arg9[%swap3A_1325, %swap3A_1326] {strides = array<i32>} : memref<128x128xf32, #tpu.memory_space<vmem>>, vector<1x16xf32>,
          %swap3A_1328 = vector.shape_cast %swap3A_1327 : vector<1x16xf32> to vector<16xf32>
          %swap3A_1329 = vector.shape_cast %mul3A_1324 : vector<16xf32> to vector<1x16xf32>
          tpu.vector_store %arg9[%swap3A_1325, %swap3A_1326], %swap3A_1329 {strides = array<i32>} : memref<128x128xf32, #tpu.memory_space<vmem>>, vector<1x16xf32>,
          %slice3A_1330 = vector.extract_strided_slice %get3A_114 {offsets = [14], sizes = [1], strides = [1]} : vector<16xf32> to vector<1xf32>
          %squeeze3A_1331 = vector.extract %slice3A_1330[0] : f32 from vector<1xf32>
          %broadcast_in_dim3A_1332 = vector.broadcast %squeeze3A_1331 : f32 to vector<16xf32>
          %mul3A_1333 = arith.constant 16 : i32
          %mul3A_1334 = arith.muli %scan3A_108, %mul3A_1333 : i32
          %add3A_1335 = arith.constant 14 : i32
          %add3A_1336 = arith.addi %mul3A_1334, %add3A_1335 : i32
          %get3A_1337 = arith.index_cast %add3A_1336 : i32 to index
          %get3A_1338 = arith.constant 0 : index
          %get3A_1339 = tpu.vector_load %arg9[%get3A_1337, %get3A_1338] {strides = array<i32>} : memref<128x128xf32, #tpu.memory_space<vmem>>, vector<1x16xf32>,
          %get3A_1340 = vector.shape_cast %get3A_1339 : vector<1x16xf32> to vector<16xf32>
          %mul3A_1341 = arith.mulf %get3A_1340, %broadcast_in_dim3A_1332 : vector<16xf32>
          %swap3A_1342 = arith.index_cast %add3A_1336 : i32 to index
          %swap3A_1343 = arith.constant 0 : index
          %swap3A_1344 = tpu.vector_load %arg9[%swap3A_1342, %swap3A_1343] {strides = array<i32>} : memref<128x128xf32, #tpu.memory_space<vmem>>, vector<1x16xf32>,
          %swap3A_1345 = vector.shape_cast %swap3A_1344 : vector<1x16xf32> to vector<16xf32>
          %swap3A_1346 = vector.shape_cast %mul3A_1341 : vector<16xf32> to vector<1x16xf32>
          tpu.vector_store %arg9[%swap3A_1342, %swap3A_1343], %swap3A_1346 {strides = array<i32>} : memref<128x128xf32, #tpu.memory_space<vmem>>, vector<1x16xf32>,
          %get3A_1347 = arith.index_cast %add3A_1336 : i32 to index
          %get3A_1348 = arith.constant 16 : index
          %get3A_1349 = tpu.vector_load %arg9[%get3A_1347, %get3A_1348] {strides = array<i32>} : memref<128x128xf32, #tpu.memory_space<vmem>>, vector<1x16xf32>,
          %get3A_1350 = vector.shape_cast %get3A_1349 : vector<1x16xf32> to vector<16xf32>
          %mul3A_1351 = arith.mulf %get3A_1350, %broadcast_in_dim3A_1332 : vector<16xf32>
          %swap3A_1352 = arith.index_cast %add3A_1336 : i32 to index
          %swap3A_1353 = arith.constant 16 : index
          %swap3A_1354 = tpu.vector_load %arg9[%swap3A_1352, %swap3A_1353] {strides = array<i32>} : memref<128x128xf32, #tpu.memory_space<vmem>>, vector<1x16xf32>,
          %swap3A_1355 = vector.shape_cast %swap3A_1354 : vector<1x16xf32> to vector<16xf32>
          %swap3A_1356 = vector.shape_cast %mul3A_1351 : vector<16xf32> to vector<1x16xf32>
          tpu.vector_store %arg9[%swap3A_1352, %swap3A_1353], %swap3A_1356 {strides = array<i32>} : memref<128x128xf32, #tpu.memory_space<vmem>>, vector<1x16xf32>,
          %get3A_1357 = arith.index_cast %add3A_1336 : i32 to index
          %get3A_1358 = arith.constant 32 : index
          %get3A_1359 = tpu.vector_load %arg9[%get3A_1357, %get3A_1358] {strides = array<i32>} : memref<128x128xf32, #tpu.memory_space<vmem>>, vector<1x16xf32>,
          %get3A_1360 = vector.shape_cast %get3A_1359 : vector<1x16xf32> to vector<16xf32>
          %mul3A_1361 = arith.mulf %get3A_1360, %broadcast_in_dim3A_1332 : vector<16xf32>
          %swap3A_1362 = arith.index_cast %add3A_1336 : i32 to index
          %swap3A_1363 = arith.constant 32 : index
          %swap3A_1364 = tpu.vector_load %arg9[%swap3A_1362, %swap3A_1363] {strides = array<i32>} : memref<128x128xf32, #tpu.memory_space<vmem>>, vector<1x16xf32>,
          %swap3A_1365 = vector.shape_cast %swap3A_1364 : vector<1x16xf32> to vector<16xf32>
          %swap3A_1366 = vector.shape_cast %mul3A_1361 : vector<16xf32> to vector<1x16xf32>
          tpu.vector_store %arg9[%swap3A_1362, %swap3A_1363], %swap3A_1366 {strides = array<i32>} : memref<128x128xf32, #tpu.memory_space<vmem>>, vector<1x16xf32>,
          %get3A_1367 = arith.index_cast %add3A_1336 : i32 to index
          %get3A_1368 = arith.constant 48 : index
          %get3A_1369 = tpu.vector_load %arg9[%get3A_1367, %get3A_1368] {strides = array<i32>} : memref<128x128xf32, #tpu.memory_space<vmem>>, vector<1x16xf32>,
          %get3A_1370 = vector.shape_cast %get3A_1369 : vector<1x16xf32> to vector<16xf32>
          %mul3A_1371 = arith.mulf %get3A_1370, %broadcast_in_dim3A_1332 : vector<16xf32>
          %swap3A_1372 = arith.index_cast %add3A_1336 : i32 to index
          %swap3A_1373 = arith.constant 48 : index
          %swap3A_1374 = tpu.vector_load %arg9[%swap3A_1372, %swap3A_1373] {strides = array<i32>} : memref<128x128xf32, #tpu.memory_space<vmem>>, vector<1x16xf32>,
          %swap3A_1375 = vector.shape_cast %swap3A_1374 : vector<1x16xf32> to vector<16xf32>
          %swap3A_1376 = vector.shape_cast %mul3A_1371 : vector<16xf32> to vector<1x16xf32>
          tpu.vector_store %arg9[%swap3A_1372, %swap3A_1373], %swap3A_1376 {strides = array<i32>} : memref<128x128xf32, #tpu.memory_space<vmem>>, vector<1x16xf32>,
          %get3A_1377 = arith.index_cast %add3A_1336 : i32 to index
          %get3A_1378 = arith.constant 64 : index
          %get3A_1379 = tpu.vector_load %arg9[%get3A_1377, %get3A_1378] {strides = array<i32>} : memref<128x128xf32, #tpu.memory_space<vmem>>, vector<1x16xf32>,
          %get3A_1380 = vector.shape_cast %get3A_1379 : vector<1x16xf32> to vector<16xf32>
          %mul3A_1381 = arith.mulf %get3A_1380, %broadcast_in_dim3A_1332 : vector<16xf32>
          %swap3A_1382 = arith.index_cast %add3A_1336 : i32 to index
          %swap3A_1383 = arith.constant 64 : index
          %swap3A_1384 = tpu.vector_load %arg9[%swap3A_1382, %swap3A_1383] {strides = array<i32>} : memref<128x128xf32, #tpu.memory_space<vmem>>, vector<1x16xf32>,
          %swap3A_1385 = vector.shape_cast %swap3A_1384 : vector<1x16xf32> to vector<16xf32>
          %swap3A_1386 = vector.shape_cast %mul3A_1381 : vector<16xf32> to vector<1x16xf32>
          tpu.vector_store %arg9[%swap3A_1382, %swap3A_1383], %swap3A_1386 {strides = array<i32>} : memref<128x128xf32, #tpu.memory_space<vmem>>, vector<1x16xf32>,
          %get3A_1387 = arith.index_cast %add3A_1336 : i32 to index
          %get3A_1388 = arith.constant 80 : index
          %get3A_1389 = tpu.vector_load %arg9[%get3A_1387, %get3A_1388] {strides = array<i32>} : memref<128x128xf32, #tpu.memory_space<vmem>>, vector<1x16xf32>,
          %get3A_1390 = vector.shape_cast %get3A_1389 : vector<1x16xf32> to vector<16xf32>
          %mul3A_1391 = arith.mulf %get3A_1390, %broadcast_in_dim3A_1332 : vector<16xf32>
          %swap3A_1392 = arith.index_cast %add3A_1336 : i32 to index
          %swap3A_1393 = arith.constant 80 : index
          %swap3A_1394 = tpu.vector_load %arg9[%swap3A_1392, %swap3A_1393] {strides = array<i32>} : memref<128x128xf32, #tpu.memory_space<vmem>>, vector<1x16xf32>,
          %swap3A_1395 = vector.shape_cast %swap3A_1394 : vector<1x16xf32> to vector<16xf32>
          %swap3A_1396 = vector.shape_cast %mul3A_1391 : vector<16xf32> to vector<1x16xf32>
          tpu.vector_store %arg9[%swap3A_1392, %swap3A_1393], %swap3A_1396 {strides = array<i32>} : memref<128x128xf32, #tpu.memory_space<vmem>>, vector<1x16xf32>,
          %get3A_1397 = arith.index_cast %add3A_1336 : i32 to index
          %get3A_1398 = arith.constant 96 : index
          %get3A_1399 = tpu.vector_load %arg9[%get3A_1397, %get3A_1398] {strides = array<i32>} : memref<128x128xf32, #tpu.memory_space<vmem>>, vector<1x16xf32>,
          %get3A_1400 = vector.shape_cast %get3A_1399 : vector<1x16xf32> to vector<16xf32>
          %mul3A_1401 = arith.mulf %get3A_1400, %broadcast_in_dim3A_1332 : vector<16xf32>
          %swap3A_1402 = arith.index_cast %add3A_1336 : i32 to index
          %swap3A_1403 = arith.constant 96 : index
          %swap3A_1404 = tpu.vector_load %arg9[%swap3A_1402, %swap3A_1403] {strides = array<i32>} : memref<128x128xf32, #tpu.memory_space<vmem>>, vector<1x16xf32>,
          %swap3A_1405 = vector.shape_cast %swap3A_1404 : vector<1x16xf32> to vector<16xf32>
          %swap3A_1406 = vector.shape_cast %mul3A_1401 : vector<16xf32> to vector<1x16xf32>
          tpu.vector_store %arg9[%swap3A_1402, %swap3A_1403], %swap3A_1406 {strides = array<i32>} : memref<128x128xf32, #tpu.memory_space<vmem>>, vector<1x16xf32>,
          %get3A_1407 = arith.index_cast %add3A_1336 : i32 to index
          %get3A_1408 = arith.constant 112 : index
          %get3A_1409 = tpu.vector_load %arg9[%get3A_1407, %get3A_1408] {strides = array<i32>} : memref<128x128xf32, #tpu.memory_space<vmem>>, vector<1x16xf32>,
          %get3A_1410 = vector.shape_cast %get3A_1409 : vector<1x16xf32> to vector<16xf32>
          %mul3A_1411 = arith.mulf %get3A_1410, %broadcast_in_dim3A_1332 : vector<16xf32>
          %swap3A_1412 = arith.index_cast %add3A_1336 : i32 to index
          %swap3A_1413 = arith.constant 112 : index
          %swap3A_1414 = tpu.vector_load %arg9[%swap3A_1412, %swap3A_1413] {strides = array<i32>} : memref<128x128xf32, #tpu.memory_space<vmem>>, vector<1x16xf32>,
          %swap3A_1415 = vector.shape_cast %swap3A_1414 : vector<1x16xf32> to vector<16xf32>
          %swap3A_1416 = vector.shape_cast %mul3A_1411 : vector<16xf32> to vector<1x16xf32>
          tpu.vector_store %arg9[%swap3A_1412, %swap3A_1413], %swap3A_1416 {strides = array<i32>} : memref<128x128xf32, #tpu.memory_space<vmem>>, vector<1x16xf32>,
          %slice3A_1417 = vector.extract_strided_slice %get3A_114 {offsets = [15], sizes = [1], strides = [1]} : vector<16xf32> to vector<1xf32>
          %squeeze3A_1418 = vector.extract %slice3A_1417[0] : f32 from vector<1xf32>
          %broadcast_in_dim3A_1419 = vector.broadcast %squeeze3A_1418 : f32 to vector<16xf32>
          %mul3A_1420 = arith.constant 16 : i32
          %mul3A_1421 = arith.muli %scan3A_108, %mul3A_1420 : i32
          %add3A_1422 = arith.constant 15 : i32
          %add3A_1423 = arith.addi %mul3A_1421, %add3A_1422 : i32
          %get3A_1424 = arith.index_cast %add3A_1423 : i32 to index
          %get3A_1425 = arith.constant 0 : index
          %get3A_1426 = tpu.vector_load %arg9[%get3A_1424, %get3A_1425] {strides = array<i32>} : memref<128x128xf32, #tpu.memory_space<vmem>>, vector<1x16xf32>,
          %get3A_1427 = vector.shape_cast %get3A_1426 : vector<1x16xf32> to vector<16xf32>
          %mul3A_1428 = arith.mulf %get3A_1427, %broadcast_in_dim3A_1419 : vector<16xf32>
          %swap3A_1429 = arith.index_cast %add3A_1423 : i32 to index
          %swap3A_1430 = arith.constant 0 : index
          %swap3A_1431 = tpu.vector_load %arg9[%swap3A_1429, %swap3A_1430] {strides = array<i32>} : memref<128x128xf32, #tpu.memory_space<vmem>>, vector<1x16xf32>,
          %swap3A_1432 = vector.shape_cast %swap3A_1431 : vector<1x16xf32> to vector<16xf32>
          %swap3A_1433 = vector.shape_cast %mul3A_1428 : vector<16xf32> to vector<1x16xf32>
          tpu.vector_store %arg9[%swap3A_1429, %swap3A_1430], %swap3A_1433 {strides = array<i32>} : memref<128x128xf32, #tpu.memory_space<vmem>>, vector<1x16xf32>,
          %get3A_1434 = arith.index_cast %add3A_1423 : i32 to index
          %get3A_1435 = arith.constant 16 : index
          %get3A_1436 = tpu.vector_load %arg9[%get3A_1434, %get3A_1435] {strides = array<i32>} : memref<128x128xf32, #tpu.memory_space<vmem>>, vector<1x16xf32>,
          %get3A_1437 = vector.shape_cast %get3A_1436 : vector<1x16xf32> to vector<16xf32>
          %mul3A_1438 = arith.mulf %get3A_1437, %broadcast_in_dim3A_1419 : vector<16xf32>
          %swap3A_1439 = arith.index_cast %add3A_1423 : i32 to index
          %swap3A_1440 = arith.constant 16 : index
          %swap3A_1441 = tpu.vector_load %arg9[%swap3A_1439, %swap3A_1440] {strides = array<i32>} : memref<128x128xf32, #tpu.memory_space<vmem>>, vector<1x16xf32>,
          %swap3A_1442 = vector.shape_cast %swap3A_1441 : vector<1x16xf32> to vector<16xf32>
          %swap3A_1443 = vector.shape_cast %mul3A_1438 : vector<16xf32> to vector<1x16xf32>
          tpu.vector_store %arg9[%swap3A_1439, %swap3A_1440], %swap3A_1443 {strides = array<i32>} : memref<128x128xf32, #tpu.memory_space<vmem>>, vector<1x16xf32>,
          %get3A_1444 = arith.index_cast %add3A_1423 : i32 to index
          %get3A_1445 = arith.constant 32 : index
          %get3A_1446 = tpu.vector_load %arg9[%get3A_1444, %get3A_1445] {strides = array<i32>} : memref<128x128xf32, #tpu.memory_space<vmem>>, vector<1x16xf32>,
          %get3A_1447 = vector.shape_cast %get3A_1446 : vector<1x16xf32> to vector<16xf32>
          %mul3A_1448 = arith.mulf %get3A_1447, %broadcast_in_dim3A_1419 : vector<16xf32>
          %swap3A_1449 = arith.index_cast %add3A_1423 : i32 to index
          %swap3A_1450 = arith.constant 32 : index
          %swap3A_1451 = tpu.vector_load %arg9[%swap3A_1449, %swap3A_1450] {strides = array<i32>} : memref<128x128xf32, #tpu.memory_space<vmem>>, vector<1x16xf32>,
          %swap3A_1452 = vector.shape_cast %swap3A_1451 : vector<1x16xf32> to vector<16xf32>
          %swap3A_1453 = vector.shape_cast %mul3A_1448 : vector<16xf32> to vector<1x16xf32>
          tpu.vector_store %arg9[%swap3A_1449, %swap3A_1450], %swap3A_1453 {strides = array<i32>} : memref<128x128xf32, #tpu.memory_space<vmem>>, vector<1x16xf32>,
          %get3A_1454 = arith.index_cast %add3A_1423 : i32 to index
          %get3A_1455 = arith.constant 48 : index
          %get3A_1456 = tpu.vector_load %arg9[%get3A_1454, %get3A_1455] {strides = array<i32>} : memref<128x128xf32, #tpu.memory_space<vmem>>, vector<1x16xf32>,
          %get3A_1457 = vector.shape_cast %get3A_1456 : vector<1x16xf32> to vector<16xf32>
          %mul3A_1458 = arith.mulf %get3A_1457, %broadcast_in_dim3A_1419 : vector<16xf32>
          %swap3A_1459 = arith.index_cast %add3A_1423 : i32 to index
          %swap3A_1460 = arith.constant 48 : index
          %swap3A_1461 = tpu.vector_load %arg9[%swap3A_1459, %swap3A_1460] {strides = array<i32>} : memref<128x128xf32, #tpu.memory_space<vmem>>, vector<1x16xf32>,
          %swap3A_1462 = vector.shape_cast %swap3A_1461 : vector<1x16xf32> to vector<16xf32>
          %swap3A_1463 = vector.shape_cast %mul3A_1458 : vector<16xf32> to vector<1x16xf32>
          tpu.vector_store %arg9[%swap3A_1459, %swap3A_1460], %swap3A_1463 {strides = array<i32>} : memref<128x128xf32, #tpu.memory_space<vmem>>, vector<1x16xf32>,
          %get3A_1464 = arith.index_cast %add3A_1423 : i32 to index
          %get3A_1465 = arith.constant 64 : index
          %get3A_1466 = tpu.vector_load %arg9[%get3A_1464, %get3A_1465] {strides = array<i32>} : memref<128x128xf32, #tpu.memory_space<vmem>>, vector<1x16xf32>,
          %get3A_1467 = vector.shape_cast %get3A_1466 : vector<1x16xf32> to vector<16xf32>
          %mul3A_1468 = arith.mulf %get3A_1467, %broadcast_in_dim3A_1419 : vector<16xf32>
          %swap3A_1469 = arith.index_cast %add3A_1423 : i32 to index
          %swap3A_1470 = arith.constant 64 : index
          %swap3A_1471 = tpu.vector_load %arg9[%swap3A_1469, %swap3A_1470] {strides = array<i32>} : memref<128x128xf32, #tpu.memory_space<vmem>>, vector<1x16xf32>,
          %swap3A_1472 = vector.shape_cast %swap3A_1471 : vector<1x16xf32> to vector<16xf32>
          %swap3A_1473 = vector.shape_cast %mul3A_1468 : vector<16xf32> to vector<1x16xf32>
          tpu.vector_store %arg9[%swap3A_1469, %swap3A_1470], %swap3A_1473 {strides = array<i32>} : memref<128x128xf32, #tpu.memory_space<vmem>>, vector<1x16xf32>,
          %get3A_1474 = arith.index_cast %add3A_1423 : i32 to index
          %get3A_1475 = arith.constant 80 : index
          %get3A_1476 = tpu.vector_load %arg9[%get3A_1474, %get3A_1475] {strides = array<i32>} : memref<128x128xf32, #tpu.memory_space<vmem>>, vector<1x16xf32>,
          %get3A_1477 = vector.shape_cast %get3A_1476 : vector<1x16xf32> to vector<16xf32>
          %mul3A_1478 = arith.mulf %get3A_1477, %broadcast_in_dim3A_1419 : vector<16xf32>
          %swap3A_1479 = arith.index_cast %add3A_1423 : i32 to index
          %swap3A_1480 = arith.constant 80 : index
          %swap3A_1481 = tpu.vector_load %arg9[%swap3A_1479, %swap3A_1480] {strides = array<i32>} : memref<128x128xf32, #tpu.memory_space<vmem>>, vector<1x16xf32>,
          %swap3A_1482 = vector.shape_cast %swap3A_1481 : vector<1x16xf32> to vector<16xf32>
          %swap3A_1483 = vector.shape_cast %mul3A_1478 : vector<16xf32> to vector<1x16xf32>
          tpu.vector_store %arg9[%swap3A_1479, %swap3A_1480], %swap3A_1483 {strides = array<i32>} : memref<128x128xf32, #tpu.memory_space<vmem>>, vector<1x16xf32>,
          %get3A_1484 = arith.index_cast %add3A_1423 : i32 to index
          %get3A_1485 = arith.constant 96 : index
          %get3A_1486 = tpu.vector_load %arg9[%get3A_1484, %get3A_1485] {strides = array<i32>} : memref<128x128xf32, #tpu.memory_space<vmem>>, vector<1x16xf32>,
          %get3A_1487 = vector.shape_cast %get3A_1486 : vector<1x16xf32> to vector<16xf32>
          %mul3A_1488 = arith.mulf %get3A_1487, %broadcast_in_dim3A_1419 : vector<16xf32>
          %swap3A_1489 = arith.index_cast %add3A_1423 : i32 to index
          %swap3A_1490 = arith.constant 96 : index
          %swap3A_1491 = tpu.vector_load %arg9[%swap3A_1489, %swap3A_1490] {strides = array<i32>} : memref<128x128xf32, #tpu.memory_space<vmem>>, vector<1x16xf32>,
          %swap3A_1492 = vector.shape_cast %swap3A_1491 : vector<1x16xf32> to vector<16xf32>
          %swap3A_1493 = vector.shape_cast %mul3A_1488 : vector<16xf32> to vector<1x16xf32>
          tpu.vector_store %arg9[%swap3A_1489, %swap3A_1490], %swap3A_1493 {strides = array<i32>} : memref<128x128xf32, #tpu.memory_space<vmem>>, vector<1x16xf32>,
          %get3A_1494 = arith.index_cast %add3A_1423 : i32 to index
          %get3A_1495 = arith.constant 112 : index
          %get3A_1496 = tpu.vector_load %arg9[%get3A_1494, %get3A_1495] {strides = array<i32>} : memref<128x128xf32, #tpu.memory_space<vmem>>, vector<1x16xf32>,
          %get3A_1497 = vector.shape_cast %get3A_1496 : vector<1x16xf32> to vector<16xf32>
          %mul3A_1498 = arith.mulf %get3A_1497, %broadcast_in_dim3A_1419 : vector<16xf32>
          %swap3A_1499 = arith.index_cast %add3A_1423 : i32 to index
          %swap3A_1500 = arith.constant 112 : index
          %swap3A_1501 = tpu.vector_load %arg9[%swap3A_1499, %swap3A_1500] {strides = array<i32>} : memref<128x128xf32, #tpu.memory_space<vmem>>, vector<1x16xf32>,
          %swap3A_1502 = vector.shape_cast %swap3A_1501 : vector<1x16xf32> to vector<16xf32>
          %swap3A_1503 = vector.shape_cast %mul3A_1498 : vector<16xf32> to vector<1x16xf32>
          tpu.vector_store %arg9[%swap3A_1499, %swap3A_1500], %swap3A_1503 {strides = array<i32>} : memref<128x128xf32, #tpu.memory_space<vmem>>, vector<1x16xf32>,
          %scan3A_1504 = arith.constant 0 : i32
          scf.yield %scan3A_1504 : i32
        }
        %scan3A_106 = arith.constant 8 : i32
        "tpu.region"() ({
          %run_scoped3A = tpu.sem_alloc : memref<!tpu.dma_semaphore, #tpu.memory_space<semaphore_mem>>
          %dma_start3A_108 = arith.constant 0 : i32
          %dma_start3A_109 = tpu.memref_slice %arg10[%add3A_73, %dma_start3A_108] : memref<16x128xi32, #tpu.memory_space<vmem>> -> memref<1x128xi32, #tpu.memory_space<vmem>>
          %dma_start3A_110 = tpu.memref_squeeze %dma_start3A_109 : memref<1x128xi32, #tpu.memory_space<vmem>> -> memref<128xi32, #tpu.memory_space<vmem>>
          %dma_start3A_111 = arith.constant 0 : i32
          %dma_start3A_112 = arith.constant 0 : i32
          %dma_start3A_113 = tpu.memref_slice %arg7[%dma_start3A_111, %dma_start3A_112] : memref<10240x128xf32, #tpu.memory_space<vmem_shared>> -> memref<10240x128xf32, #tpu.memory_space<vmem_shared>>
          tpu.enqueue_indirect_dma source(%arg9 : memref<128x128xf32, #tpu.memory_space<vmem>>) target(%dma_start3A_113 : memref<10240x128xf32, #tpu.memory_space<vmem_shared>>) offsets(%dma_start3A_110 : memref<128xi32, #tpu.memory_space<vmem>>) semaphore(%run_scoped3A : memref<!tpu.dma_semaphore, #tpu.memory_space<semaphore_mem>>) {add = true}
          %dma_wait3A_114 = arith.constant 0 : i32
          %dma_wait3A_115 = tpu.memref_slice %arg10[%add3A_73, %dma_wait3A_114] : memref<16x128xi32, #tpu.memory_space<vmem>> -> memref<1x128xi32, #tpu.memory_space<vmem>>
          %dma_wait3A_116 = tpu.memref_squeeze %dma_wait3A_115 : memref<1x128xi32, #tpu.memory_space<vmem>> -> memref<128xi32, #tpu.memory_space<vmem>>
          %dma_wait3A_117 = arith.constant 0 : i32
          %dma_wait3A_118 = arith.constant 0 : i32
          %dma_wait3A_119 = tpu.memref_slice %arg7[%dma_wait3A_117, %dma_wait3A_118] : memref<10240x128xf32, #tpu.memory_space<vmem_shared>> -> memref<10240x128xf32, #tpu.memory_space<vmem_shared>>
          tpu.wait_indirect_dma semaphore(%run_scoped3A : memref<!tpu.dma_semaphore, #tpu.memory_space<semaphore_mem>>) src(%arg9 : memref<128x128xf32, #tpu.memory_space<vmem>>) dst(%dma_wait3A_119 : memref<10240x128xf32, #tpu.memory_space<vmem_shared>>)
          tpu.yield
        }) : () -> ()
        %scan3A_107 = arith.constant 0 : i32
        scf.yield %scan3A_107 : i32
      }
      %scan3A_64 = arith.constant 8 : i32
      %scan3A_65 = arith.constant 0 : i32
      scf.yield %scan3A_65 : i32
    }
    %scan3A_26 = arith.constant 5 : i32
    %barrier3A_27 = arith.constant 0 : index
    tpu.barrier barrier_id(%barrier3A_27)
    %add3A_28 = arith.constant 0 : i32
    %add3A_29 = arith.addi %mul3A_9, %add3A_28 : i32
    %add3A_30 = arith.constant 0 : i32
    %add3A_31 = arith.addi %mul3A_9, %add3A_30 : i32
    "tpu.region"() ({
      %run_scoped3A = tpu.sem_alloc : memref<!tpu.dma_semaphore, #tpu.memory_space<semaphore_mem>>
      %dma_start3A = arith.constant 0 : i32
      %dma_start3A_48 = tpu.memref_slice %arg6[%arg0, %add3A_31, %dma_start3A] : memref<2x10240x128xf32, #tpu.memory_space<hbm>> -> memref<1x128x128xf32, #tpu.memory_space<hbm>>
      %dma_start3A_49 = tpu.memref_squeeze %dma_start3A_48 : memref<1x128x128xf32, #tpu.memory_space<hbm>> -> memref<128x128xf32, #tpu.memory_space<hbm>>
      %dma_start3A_50 = arith.constant 0 : i32
      %dma_start3A_51 = tpu.memref_slice %arg7[%add3A_29, %dma_start3A_50] : memref<10240x128xf32, #tpu.memory_space<vmem_shared>> -> memref<128x128xf32, #tpu.memory_space<vmem_shared>>
      tpu.enqueue_dma source(%dma_start3A_51 : memref<128x128xf32, #tpu.memory_space<vmem_shared>>) target(%dma_start3A_49 : memref<128x128xf32, #tpu.memory_space<hbm>>) target_semaphore(%run_scoped3A : memref<!tpu.dma_semaphore, #tpu.memory_space<semaphore_mem>>)
      %dma_wait3A = arith.constant 0 : i32
      %dma_wait3A_52 = tpu.memref_slice %arg6[%arg0, %add3A_31, %dma_wait3A] : memref<2x10240x128xf32, #tpu.memory_space<hbm>> -> memref<1x128x128xf32, #tpu.memory_space<hbm>>
      %dma_wait3A_53 = tpu.memref_squeeze %dma_wait3A_52 : memref<1x128x128xf32, #tpu.memory_space<hbm>> -> memref<128x128xf32, #tpu.memory_space<hbm>>
      %dma_wait3A_54 = arith.constant 0 : i32
      %dma_wait3A_55 = tpu.memref_slice %arg7[%add3A_29, %dma_wait3A_54] : memref<10240x128xf32, #tpu.memory_space<vmem_shared>> -> memref<128x128xf32, #tpu.memory_space<vmem_shared>>
      tpu.wait_dma2 semaphore(%run_scoped3A : memref<!tpu.dma_semaphore, #tpu.memory_space<semaphore_mem>>) src(%dma_wait3A_55 : memref<128x128xf32, #tpu.memory_space<vmem_shared>>) dst(%dma_wait3A_53 : memref<128x128xf32, #tpu.memory_space<hbm>>)
      tpu.yield
    }) : () -> ()
    %add3A_32 = arith.constant 128 : i32
    %add3A_33 = arith.addi %mul3A_9, %add3A_32 : i32
    %add3A_34 = arith.constant 128 : i32
    %add3A_35 = arith.addi %mul3A_9, %add3A_34 : i32
    "tpu.region"() ({
      %run_scoped3A = tpu.sem_alloc : memref<!tpu.dma_semaphore, #tpu.memory_space<semaphore_mem>>
      %dma_start3A = arith.constant 0 : i32
      %dma_start3A_48 = tpu.memref_slice %arg6[%arg0, %add3A_35, %dma_start3A] : memref<2x10240x128xf32, #tpu.memory_space<hbm>> -> memref<1x128x128xf32, #tpu.memory_space<hbm>>
      %dma_start3A_49 = tpu.memref_squeeze %dma_start3A_48 : memref<1x128x128xf32, #tpu.memory_space<hbm>> -> memref<128x128xf32, #tpu.memory_space<hbm>>
      %dma_start3A_50 = arith.constant 0 : i32
      %dma_start3A_51 = tpu.memref_slice %arg7[%add3A_33, %dma_start3A_50] : memref<10240x128xf32, #tpu.memory_space<vmem_shared>> -> memref<128x128xf32, #tpu.memory_space<vmem_shared>>
      tpu.enqueue_dma source(%dma_start3A_51 : memref<128x128xf32, #tpu.memory_space<vmem_shared>>) target(%dma_start3A_49 : memref<128x128xf32, #tpu.memory_space<hbm>>) target_semaphore(%run_scoped3A : memref<!tpu.dma_semaphore, #tpu.memory_space<semaphore_mem>>)
      %dma_wait3A = arith.constant 0 : i32
      %dma_wait3A_52 = tpu.memref_slice %arg6[%arg0, %add3A_35, %dma_wait3A] : memref<2x10240x128xf32, #tpu.memory_space<hbm>> -> memref<1x128x128xf32, #tpu.memory_space<hbm>>
      %dma_wait3A_53 = tpu.memref_squeeze %dma_wait3A_52 : memref<1x128x128xf32, #tpu.memory_space<hbm>> -> memref<128x128xf32, #tpu.memory_space<hbm>>
      %dma_wait3A_54 = arith.constant 0 : i32
      %dma_wait3A_55 = tpu.memref_slice %arg7[%add3A_33, %dma_wait3A_54] : memref<10240x128xf32, #tpu.memory_space<vmem_shared>> -> memref<128x128xf32, #tpu.memory_space<vmem_shared>>
      tpu.wait_dma2 semaphore(%run_scoped3A : memref<!tpu.dma_semaphore, #tpu.memory_space<semaphore_mem>>) src(%dma_wait3A_55 : memref<128x128xf32, #tpu.memory_space<vmem_shared>>) dst(%dma_wait3A_53 : memref<128x128xf32, #tpu.memory_space<hbm>>)
      tpu.yield
    }) : () -> ()
    %add3A_36 = arith.constant 256 : i32
    %add3A_37 = arith.addi %mul3A_9, %add3A_36 : i32
    %add3A_38 = arith.constant 256 : i32
    %add3A_39 = arith.addi %mul3A_9, %add3A_38 : i32
    "tpu.region"() ({
      %run_scoped3A = tpu.sem_alloc : memref<!tpu.dma_semaphore, #tpu.memory_space<semaphore_mem>>
      %dma_start3A = arith.constant 0 : i32
      %dma_start3A_48 = tpu.memref_slice %arg6[%arg0, %add3A_39, %dma_start3A] : memref<2x10240x128xf32, #tpu.memory_space<hbm>> -> memref<1x128x128xf32, #tpu.memory_space<hbm>>
      %dma_start3A_49 = tpu.memref_squeeze %dma_start3A_48 : memref<1x128x128xf32, #tpu.memory_space<hbm>> -> memref<128x128xf32, #tpu.memory_space<hbm>>
      %dma_start3A_50 = arith.constant 0 : i32
      %dma_start3A_51 = tpu.memref_slice %arg7[%add3A_37, %dma_start3A_50] : memref<10240x128xf32, #tpu.memory_space<vmem_shared>> -> memref<128x128xf32, #tpu.memory_space<vmem_shared>>
      tpu.enqueue_dma source(%dma_start3A_51 : memref<128x128xf32, #tpu.memory_space<vmem_shared>>) target(%dma_start3A_49 : memref<128x128xf32, #tpu.memory_space<hbm>>) target_semaphore(%run_scoped3A : memref<!tpu.dma_semaphore, #tpu.memory_space<semaphore_mem>>)
      %dma_wait3A = arith.constant 0 : i32
      %dma_wait3A_52 = tpu.memref_slice %arg6[%arg0, %add3A_39, %dma_wait3A] : memref<2x10240x128xf32, #tpu.memory_space<hbm>> -> memref<1x128x128xf32, #tpu.memory_space<hbm>>
      %dma_wait3A_53 = tpu.memref_squeeze %dma_wait3A_52 : memref<1x128x128xf32, #tpu.memory_space<hbm>> -> memref<128x128xf32, #tpu.memory_space<hbm>>
      %dma_wait3A_54 = arith.constant 0 : i32
      %dma_wait3A_55 = tpu.memref_slice %arg7[%add3A_37, %dma_wait3A_54] : memref<10240x128xf32, #tpu.memory_space<vmem_shared>> -> memref<128x128xf32, #tpu.memory_space<vmem_shared>>
      tpu.wait_dma2 semaphore(%run_scoped3A : memref<!tpu.dma_semaphore, #tpu.memory_space<semaphore_mem>>) src(%dma_wait3A_55 : memref<128x128xf32, #tpu.memory_space<vmem_shared>>) dst(%dma_wait3A_53 : memref<128x128xf32, #tpu.memory_space<hbm>>)
      tpu.yield
    }) : () -> ()
    %add3A_40 = arith.constant 384 : i32
    %add3A_41 = arith.addi %mul3A_9, %add3A_40 : i32
    %add3A_42 = arith.constant 384 : i32
    %add3A_43 = arith.addi %mul3A_9, %add3A_42 : i32
    "tpu.region"() ({
      %run_scoped3A = tpu.sem_alloc : memref<!tpu.dma_semaphore, #tpu.memory_space<semaphore_mem>>
      %dma_start3A = arith.constant 0 : i32
      %dma_start3A_48 = tpu.memref_slice %arg6[%arg0, %add3A_43, %dma_start3A] : memref<2x10240x128xf32, #tpu.memory_space<hbm>> -> memref<1x128x128xf32, #tpu.memory_space<hbm>>
      %dma_start3A_49 = tpu.memref_squeeze %dma_start3A_48 : memref<1x128x128xf32, #tpu.memory_space<hbm>> -> memref<128x128xf32, #tpu.memory_space<hbm>>
      %dma_start3A_50 = arith.constant 0 : i32
      %dma_start3A_51 = tpu.memref_slice %arg7[%add3A_41, %dma_start3A_50] : memref<10240x128xf32, #tpu.memory_space<vmem_shared>> -> memref<128x128xf32, #tpu.memory_space<vmem_shared>>
      tpu.enqueue_dma source(%dma_start3A_51 : memref<128x128xf32, #tpu.memory_space<vmem_shared>>) target(%dma_start3A_49 : memref<128x128xf32, #tpu.memory_space<hbm>>) target_semaphore(%run_scoped3A : memref<!tpu.dma_semaphore, #tpu.memory_space<semaphore_mem>>)
      %dma_wait3A = arith.constant 0 : i32
      %dma_wait3A_52 = tpu.memref_slice %arg6[%arg0, %add3A_43, %dma_wait3A] : memref<2x10240x128xf32, #tpu.memory_space<hbm>> -> memref<1x128x128xf32, #tpu.memory_space<hbm>>
      %dma_wait3A_53 = tpu.memref_squeeze %dma_wait3A_52 : memref<1x128x128xf32, #tpu.memory_space<hbm>> -> memref<128x128xf32, #tpu.memory_space<hbm>>
      %dma_wait3A_54 = arith.constant 0 : i32
      %dma_wait3A_55 = tpu.memref_slice %arg7[%add3A_41, %dma_wait3A_54] : memref<10240x128xf32, #tpu.memory_space<vmem_shared>> -> memref<128x128xf32, #tpu.memory_space<vmem_shared>>
      tpu.wait_dma2 semaphore(%run_scoped3A : memref<!tpu.dma_semaphore, #tpu.memory_space<semaphore_mem>>) src(%dma_wait3A_55 : memref<128x128xf32, #tpu.memory_space<vmem_shared>>) dst(%dma_wait3A_53 : memref<128x128xf32, #tpu.memory_space<hbm>>)
      tpu.yield
    }) : () -> ()
    %add3A_44 = arith.constant 512 : i32
    %add3A_45 = arith.addi %mul3A_9, %add3A_44 : i32
    %add3A_46 = arith.constant 512 : i32
    %add3A_47 = arith.addi %mul3A_9, %add3A_46 : i32
    "tpu.region"() ({
      %run_scoped3A = tpu.sem_alloc : memref<!tpu.dma_semaphore, #tpu.memory_space<semaphore_mem>>
      %dma_start3A = arith.constant 0 : i32
      %dma_start3A_48 = tpu.memref_slice %arg6[%arg0, %add3A_47, %dma_start3A] : memref<2x10240x128xf32, #tpu.memory_space<hbm>> -> memref<1x128x128xf32, #tpu.memory_space<hbm>>
      %dma_start3A_49 = tpu.memref_squeeze %dma_start3A_48 : memref<1x128x128xf32, #tpu.memory_space<hbm>> -> memref<128x128xf32, #tpu.memory_space<hbm>>
      %dma_start3A_50 = arith.constant 0 : i32
      %dma_start3A_51 = tpu.memref_slice %arg7[%add3A_45, %dma_start3A_50] : memref<10240x128xf32, #tpu.memory_space<vmem_shared>> -> memref<128x128xf32, #tpu.memory_space<vmem_shared>>
      tpu.enqueue_dma source(%dma_start3A_51 : memref<128x128xf32, #tpu.memory_space<vmem_shared>>) target(%dma_start3A_49 : memref<128x128xf32, #tpu.memory_space<hbm>>) target_semaphore(%run_scoped3A : memref<!tpu.dma_semaphore, #tpu.memory_space<semaphore_mem>>)
      %dma_wait3A = arith.constant 0 : i32
      %dma_wait3A_52 = tpu.memref_slice %arg6[%arg0, %add3A_47, %dma_wait3A] : memref<2x10240x128xf32, #tpu.memory_space<hbm>> -> memref<1x128x128xf32, #tpu.memory_space<hbm>>
      %dma_wait3A_53 = tpu.memref_squeeze %dma_wait3A_52 : memref<1x128x128xf32, #tpu.memory_space<hbm>> -> memref<128x128xf32, #tpu.memory_space<hbm>>
      %dma_wait3A_54 = arith.constant 0 : i32
      %dma_wait3A_55 = tpu.memref_slice %arg7[%add3A_45, %dma_wait3A_54] : memref<10240x128xf32, #tpu.memory_space<vmem_shared>> -> memref<128x128xf32, #tpu.memory_space<vmem_shared>>
      tpu.wait_dma2 semaphore(%run_scoped3A : memref<!tpu.dma_semaphore, #tpu.memory_space<semaphore_mem>>) src(%dma_wait3A_55 : memref<128x128xf32, #tpu.memory_space<vmem_shared>>) dst(%dma_wait3A_53 : memref<128x128xf32, #tpu.memory_space<hbm>>)
      tpu.yield
    }) : () -> ()
    return
  }
}

module attributes {stable_mosaic.version = 14 : i64} {
  func.func @_mm_body(%arg0: i32, %arg1: memref<2000x128xf32, #tpu.memory_space<vmem>>, %arg2: memref<128x128xf32, #tpu.memory_space<vmem>>, %arg3: memref<2000x128xf32, #tpu.memory_space<vmem>>) attributes {dimension_semantics = [#tpu.dimension_semantics<arbitrary>], iteration_bounds = array<i64: 5>, scalar_prefetch = 0 : i64, scratch_operands = 0 : i64, tpu.core_type = #tpu.core_type<tc>, window_params = [{transform_indices = @transform_0, window_bounds = array<i64: 2000, 128>}, {pipeline_mode = #tpu.pipeline_mode<synchronous>, transform_indices = @transform_1, window_bounds = array<i64: 128, 128>}, {transform_indices = @transform_2, window_bounds = array<i64: 2000, 128>}]} {
    %get3A = arith.constant 0 : index
    %get3A_0 = arith.constant 0 : index
    %get3A_1 = vector.load %arg1[%get3A, %get3A_0] : memref<2000x128xf32, #tpu.memory_space<vmem>>, vector<2000x128xf32>
    %get3A_2 = arith.constant 0 : index
    %get3A_3 = arith.constant 0 : index
    %get3A_4 = vector.load %arg2[%get3A_2, %get3A_3] : memref<128x128xf32, #tpu.memory_space<vmem>>, vector<128x128xf32>
    %dot_general3A = arith.constant dense<0.000000e+00> : vector<2000x128xf32>
    %dot_general3A_5 = tpu.matmul %get3A_1, %get3A_4, %dot_general3A {dimension_numbers = #tpu.dot_dimension_numbers<[1], [0], [0], [1], [0, 0, 1, 1], [], []>, transpose_lhs_hint = false} : vector<2000x128xf32>, vector<128x128xf32>, vector<2000x128xf32> -> vector<2000x128xf32>
    %swap3A = arith.constant 0 : index
    %swap3A_6 = arith.constant 0 : index
    %swap3A_7 = vector.load %arg3[%swap3A, %swap3A_6] : memref<2000x128xf32, #tpu.memory_space<vmem>>, vector<2000x128xf32>
    tpu.vector_store %arg3[%swap3A, %swap3A_6], %dot_general3A_5 {strides = array<i32>} : memref<2000x128xf32, #tpu.memory_space<vmem>>, vector<2000x128xf32>,
    return
  }
  func.func @transform_0(%arg0: i32) -> (i32, i32) {
    %c0_i32 = arith.constant 0 : i32
    %c0_i32_0 = arith.constant 0 : i32
    return %arg0, %c0_i32 : i32, i32
  }
  func.func @transform_1(%arg0: i32) -> (i32, i32) {
    %c0_i32 = arith.constant 0 : i32
    %c0_i32_0 = arith.constant 0 : i32
    %c0_i32_1 = arith.constant 0 : i32
    return %c0_i32, %c0_i32_0 : i32, i32
  }
  func.func @transform_2(%arg0: i32) -> (i32, i32) {
    %c0_i32 = arith.constant 0 : i32
    %c0_i32_0 = arith.constant 0 : i32
    return %arg0, %c0_i32 : i32, i32
  }
}

module attributes {stable_mosaic.version = 14 : i64} {
  func.func @_scale_body(%arg0: i32, %arg1: memref<2x2000x1xf32, #tpu.memory_space<vmem>>, %arg2: memref<2000x128xf32, #tpu.memory_space<vmem>>, %arg3: memref<2000x1xf32, #tpu.memory_space<vmem>>, %arg4: memref<2000x128xf32, #tpu.memory_space<vmem>>) attributes {dimension_semantics = [#tpu.dimension_semantics<arbitrary>], iteration_bounds = array<i64: 5>, scalar_prefetch = 0 : i64, scratch_operands = 0 : i64, tpu.core_type = #tpu.core_type<tc>, window_params = [{transform_indices = @transform_0, window_bounds = array<i64: 2, 2000, 1>}, {transform_indices = @transform_1, window_bounds = array<i64: 2000, 128>}, {transform_indices = @transform_2, window_bounds = array<i64: 2000, 1>}, {transform_indices = @transform_3, window_bounds = array<i64: 2000, 128>}]} {
    %get3A = arith.constant 0 : index
    %get3A_0 = arith.constant 0 : index
    %get3A_1 = arith.constant 0 : index
    %get3A_2 = vector.load %arg1[%get3A, %get3A_0, %get3A_1] : memref<2x2000x1xf32, #tpu.memory_space<vmem>>, vector<1x2000x1xf32>
    %get3A_3 = vector.shape_cast %get3A_2 : vector<1x2000x1xf32> to vector<2000x1xf32>
    %get3A_4 = arith.constant 1 : index
    %get3A_5 = arith.constant 0 : index
    %get3A_6 = arith.constant 0 : index
    %get3A_7 = vector.load %arg1[%get3A_4, %get3A_5, %get3A_6] : memref<2x2000x1xf32, #tpu.memory_space<vmem>>, vector<1x2000x1xf32>
    %get3A_8 = vector.shape_cast %get3A_7 : vector<1x2000x1xf32> to vector<2000x1xf32>
    %add3A = arith.addf %get3A_3, %get3A_8 : vector<2000x1xf32>
    %add3A_9 = arith.constant 1.000000e+00 : f32
    %add3A_10 = vector.broadcast %add3A_9 : f32 to vector<2000x1xf32>
    %add3A_11 = arith.addf %add3A, %add3A_10 : vector<2000x1xf32>
    %rsqrt3A = math.rsqrt %add3A_11 : vector<2000x1xf32>
    %swap3A = arith.constant 0 : index
    %swap3A_12 = arith.constant 0 : index
    %swap3A_13 = vector.load %arg3[%swap3A, %swap3A_12] : memref<2000x1xf32, #tpu.memory_space<vmem>>, vector<2000x1xf32>
    tpu.vector_store %arg3[%swap3A, %swap3A_12], %rsqrt3A {strides = array<i32>} : memref<2000x1xf32, #tpu.memory_space<vmem>>, vector<2000x1xf32>,
    %get3A_14 = arith.constant 0 : index
    %get3A_15 = arith.constant 0 : index
    %get3A_16 = vector.load %arg2[%get3A_14, %get3A_15] : memref<2000x128xf32, #tpu.memory_space<vmem>>, vector<2000x128xf32>
    %mul3A = vector.broadcast %rsqrt3A : vector<2000x1xf32> to vector<2000x128xf32>
    %mul3A_17 = arith.mulf %get3A_16, %mul3A : vector<2000x128xf32>
    %swap3A_18 = arith.constant 0 : index
    %swap3A_19 = arith.constant 0 : index
    %swap3A_20 = vector.load %arg4[%swap3A_18, %swap3A_19] : memref<2000x128xf32, #tpu.memory_space<vmem>>, vector<2000x128xf32>
    tpu.vector_store %arg4[%swap3A_18, %swap3A_19], %mul3A_17 {strides = array<i32>} : memref<2000x128xf32, #tpu.memory_space<vmem>>, vector<2000x128xf32>,
    return
  }
  func.func @transform_0(%arg0: i32) -> (i32, i32, i32) {
    %c0_i32 = arith.constant 0 : i32
    %c0_i32_0 = arith.constant 0 : i32
    %c0_i32_1 = arith.constant 0 : i32
    return %c0_i32, %arg0, %c0_i32_0 : i32, i32, i32
  }
  func.func @transform_1(%arg0: i32) -> (i32, i32) {
    %c0_i32 = arith.constant 0 : i32
    %c0_i32_0 = arith.constant 0 : i32
    return %arg0, %c0_i32 : i32, i32
  }
  func.func @transform_2(%arg0: i32) -> (i32, i32) {
    %c0_i32 = arith.constant 0 : i32
    %c0_i32_0 = arith.constant 0 : i32
    return %arg0, %c0_i32 : i32, i32
  }
  func.func @transform_3(%arg0: i32) -> (i32, i32) {
    %c0_i32 = arith.constant 0 : i32
    %c0_i32_0 = arith.constant 0 : i32
    return %arg0, %c0_i32 : i32, i32
  }
}

module attributes {stable_mosaic.version = 14 : i64} {
  func.func @_layer2_body(%arg0: i32, %arg1: memref<2x2000x128xf32, #tpu.memory_space<vmem>>, %arg2: memref<2000x128xf32, #tpu.memory_space<vmem>>, %arg3: memref<2000x1xf32, #tpu.memory_space<vmem>>, %arg4: memref<1x128xf32, #tpu.memory_space<vmem>>, %arg5: memref<128x1xf32, #tpu.memory_space<vmem>>, %arg6: memref<2000x1xf32, #tpu.memory_space<vmem>>) attributes {dimension_semantics = [#tpu.dimension_semantics<arbitrary>], iteration_bounds = array<i64: 5>, scalar_prefetch = 0 : i64, scratch_operands = 0 : i64, tpu.core_type = #tpu.core_type<tc>, window_params = [{transform_indices = @transform_0, window_bounds = array<i64: 2, 2000, 128>}, {transform_indices = @transform_1, window_bounds = array<i64: 2000, 128>}, {transform_indices = @transform_2, window_bounds = array<i64: 2000, 1>}, {pipeline_mode = #tpu.pipeline_mode<synchronous>, transform_indices = @transform_3, window_bounds = array<i64: 1, 128>}, {pipeline_mode = #tpu.pipeline_mode<synchronous>, transform_indices = @transform_4, window_bounds = array<i64: 128, 1>}, {transform_indices = @transform_5, window_bounds = array<i64: 2000, 1>}]} {
    %get3A = arith.constant 0 : index
    %get3A_0 = arith.constant 0 : index
    %get3A_1 = vector.load %arg3[%get3A, %get3A_0] : memref<2000x1xf32, #tpu.memory_space<vmem>>, vector<2000x1xf32>
    %get3A_2 = arith.constant 0 : index
    %get3A_3 = arith.constant 0 : index
    %get3A_4 = arith.constant 0 : index
    %get3A_5 = vector.load %arg1[%get3A_2, %get3A_3, %get3A_4] : memref<2x2000x128xf32, #tpu.memory_space<vmem>>, vector<1x2000x128xf32>
    %get3A_6 = vector.shape_cast %get3A_5 : vector<1x2000x128xf32> to vector<2000x128xf32>
    %get3A_7 = arith.constant 1 : index
    %get3A_8 = arith.constant 0 : index
    %get3A_9 = arith.constant 0 : index
    %get3A_10 = vector.load %arg1[%get3A_7, %get3A_8, %get3A_9] : memref<2x2000x128xf32, #tpu.memory_space<vmem>>, vector<1x2000x128xf32>
    %get3A_11 = vector.shape_cast %get3A_10 : vector<1x2000x128xf32> to vector<2000x128xf32>
    %add3A = arith.addf %get3A_6, %get3A_11 : vector<2000x128xf32>
    %get3A_12 = arith.constant 0 : index
    %get3A_13 = arith.constant 0 : index
    %get3A_14 = vector.load %arg2[%get3A_12, %get3A_13] : memref<2000x128xf32, #tpu.memory_space<vmem>>, vector<2000x128xf32>
    %add3A_15 = arith.addf %add3A, %get3A_14 : vector<2000x128xf32>
    %mul3A = vector.broadcast %get3A_1 : vector<2000x1xf32> to vector<2000x128xf32>
    %mul3A_16 = arith.mulf %add3A_15, %mul3A : vector<2000x128xf32>
    %get3A_17 = arith.constant 0 : index
    %get3A_18 = arith.constant 0 : index
    %get3A_19 = vector.load %arg4[%get3A_17, %get3A_18] : memref<1x128xf32, #tpu.memory_space<vmem>>, vector<1x128xf32>
    %add3A_20 = vector.broadcast %get3A_19 : vector<1x128xf32> to vector<2000x128xf32>
    %add3A_21 = arith.addf %mul3A_16, %add3A_20 : vector<2000x128xf32>
    %max3A = arith.constant 0.000000e+00 : f32
    %max3A_22 = vector.broadcast %max3A : f32 to vector<2000x128xf32>
    %max3A_23 = arith.maximumf %add3A_21, %max3A_22 : vector<2000x128xf32>
    %get3A_24 = arith.constant 0 : index
    %get3A_25 = arith.constant 0 : index
    %get3A_26 = vector.load %arg5[%get3A_24, %get3A_25] : memref<128x1xf32, #tpu.memory_space<vmem>>, vector<128x1xf32>
    %dot_general3A = arith.constant dense<0.000000e+00> : vector<2000x1xf32>
    %dot_general3A_27 = tpu.matmul %max3A_23, %get3A_26, %dot_general3A {dimension_numbers = #tpu.dot_dimension_numbers<[1], [0], [0], [1], [0, 0, 1, 1], [], []>, transpose_lhs_hint = false} : vector<2000x128xf32>, vector<128x1xf32>, vector<2000x1xf32> -> vector<2000x1xf32>
    %mul3A_28 = arith.mulf %dot_general3A_27, %get3A_1 : vector<2000x1xf32>
    %swap3A = arith.constant 0 : index
    %swap3A_29 = arith.constant 0 : index
    %swap3A_30 = vector.load %arg6[%swap3A, %swap3A_29] : memref<2000x1xf32, #tpu.memory_space<vmem>>, vector<2000x1xf32>
    tpu.vector_store %arg6[%swap3A, %swap3A_29], %mul3A_28 {strides = array<i32>} : memref<2000x1xf32, #tpu.memory_space<vmem>>, vector<2000x1xf32>,
    return
  }
  func.func @transform_0(%arg0: i32) -> (i32, i32, i32) {
    %c0_i32 = arith.constant 0 : i32
    %c0_i32_0 = arith.constant 0 : i32
    %c0_i32_1 = arith.constant 0 : i32
    return %c0_i32, %arg0, %c0_i32_0 : i32, i32, i32
  }
  func.func @transform_1(%arg0: i32) -> (i32, i32) {
    %c0_i32 = arith.constant 0 : i32
    %c0_i32_0 = arith.constant 0 : i32
    return %arg0, %c0_i32 : i32, i32
  }
  func.func @transform_2(%arg0: i32) -> (i32, i32) {
    %c0_i32 = arith.constant 0 : i32
    %c0_i32_0 = arith.constant 0 : i32
    return %arg0, %c0_i32 : i32, i32
  }
  func.func @transform_3(%arg0: i32) -> (i32, i32) {
    %c0_i32 = arith.constant 0 : i32
    %c0_i32_0 = arith.constant 0 : i32
    %c0_i32_1 = arith.constant 0 : i32
    return %c0_i32, %c0_i32_0 : i32, i32
  }
  func.func @transform_4(%arg0: i32) -> (i32, i32) {
    %c0_i32 = arith.constant 0 : i32
    %c0_i32_0 = arith.constant 0 : i32
    %c0_i32_1 = arith.constant 0 : i32
    return %c0_i32, %c0_i32_0 : i32, i32
  }
  func.func @transform_5(%arg0: i32) -> (i32, i32) {
    %c0_i32 = arith.constant 0 : i32
    %c0_i32_0 = arith.constant 0 : i32
    return %arg0, %c0_i32 : i32, i32
  }
}

module attributes {stable_mosaic.version = 14 : i64} {
  func.func @_final_body(%arg0: i32, %arg1: memref<2x2000x1xf32, #tpu.memory_space<vmem>>, %arg2: memref<2000x1xf32, #tpu.memory_space<vmem>>, %arg3: memref<2000x1xf32, #tpu.memory_space<vmem>>, %arg4: memref<1x1xf32, #tpu.memory_space<vmem>>, %arg5: memref<2000x1xf32, #tpu.memory_space<vmem>>) attributes {dimension_semantics = [#tpu.dimension_semantics<arbitrary>], iteration_bounds = array<i64: 5>, scalar_prefetch = 0 : i64, scratch_operands = 0 : i64, tpu.core_type = #tpu.core_type<tc>, window_params = [{transform_indices = @transform_0, window_bounds = array<i64: 2, 2000, 1>}, {transform_indices = @transform_1, window_bounds = array<i64: 2000, 1>}, {transform_indices = @transform_2, window_bounds = array<i64: 2000, 1>}, {pipeline_mode = #tpu.pipeline_mode<synchronous>, transform_indices = @transform_3, window_bounds = array<i64: 1, 1>}, {transform_indices = @transform_4, window_bounds = array<i64: 2000, 1>}]} {
    %get3A = arith.constant 0 : index
    %get3A_0 = arith.constant 0 : index
    %get3A_1 = arith.constant 0 : index
    %get3A_2 = vector.load %arg1[%get3A, %get3A_0, %get3A_1] : memref<2x2000x1xf32, #tpu.memory_space<vmem>>, vector<1x2000x1xf32>
    %get3A_3 = vector.shape_cast %get3A_2 : vector<1x2000x1xf32> to vector<2000x1xf32>
    %get3A_4 = arith.constant 1 : index
    %get3A_5 = arith.constant 0 : index
    %get3A_6 = arith.constant 0 : index
    %get3A_7 = vector.load %arg1[%get3A_4, %get3A_5, %get3A_6] : memref<2x2000x1xf32, #tpu.memory_space<vmem>>, vector<1x2000x1xf32>
    %get3A_8 = vector.shape_cast %get3A_7 : vector<1x2000x1xf32> to vector<2000x1xf32>
    %add3A = arith.addf %get3A_3, %get3A_8 : vector<2000x1xf32>
    %get3A_9 = arith.constant 0 : index
    %get3A_10 = arith.constant 0 : index
    %get3A_11 = vector.load %arg2[%get3A_9, %get3A_10] : memref<2000x1xf32, #tpu.memory_space<vmem>>, vector<2000x1xf32>
    %add3A_12 = arith.addf %add3A, %get3A_11 : vector<2000x1xf32>
    %get3A_13 = arith.constant 0 : index
    %get3A_14 = arith.constant 0 : index
    %get3A_15 = vector.load %arg3[%get3A_13, %get3A_14] : memref<2000x1xf32, #tpu.memory_space<vmem>>, vector<2000x1xf32>
    %mul3A = arith.mulf %add3A_12, %get3A_15 : vector<2000x1xf32>
    %get3A_16 = arith.constant 0 : index
    %get3A_17 = arith.constant 0 : index
    %get3A_18 = vector.load %arg4[%get3A_16, %get3A_17] : memref<1x1xf32, #tpu.memory_space<vmem>>, vector<1x1xf32>
    %add3A_19 = vector.broadcast %get3A_18 : vector<1x1xf32> to vector<2000x1xf32>
    %add3A_20 = arith.addf %mul3A, %add3A_19 : vector<2000x1xf32>
    %swap3A = arith.constant 0 : index
    %swap3A_21 = arith.constant 0 : index
    %swap3A_22 = vector.load %arg5[%swap3A, %swap3A_21] : memref<2000x1xf32, #tpu.memory_space<vmem>>, vector<2000x1xf32>
    tpu.vector_store %arg5[%swap3A, %swap3A_21], %add3A_20 {strides = array<i32>} : memref<2000x1xf32, #tpu.memory_space<vmem>>, vector<2000x1xf32>,
    return
  }
  func.func @transform_0(%arg0: i32) -> (i32, i32, i32) {
    %c0_i32 = arith.constant 0 : i32
    %c0_i32_0 = arith.constant 0 : i32
    %c0_i32_1 = arith.constant 0 : i32
    return %c0_i32, %arg0, %c0_i32_0 : i32, i32, i32
  }
  func.func @transform_1(%arg0: i32) -> (i32, i32) {
    %c0_i32 = arith.constant 0 : i32
    %c0_i32_0 = arith.constant 0 : i32
    return %arg0, %c0_i32 : i32, i32
  }
  func.func @transform_2(%arg0: i32) -> (i32, i32) {
    %c0_i32 = arith.constant 0 : i32
    %c0_i32_0 = arith.constant 0 : i32
    return %arg0, %c0_i32 : i32, i32
  }
  func.func @transform_3(%arg0: i32) -> (i32, i32) {
    %c0_i32 = arith.constant 0 : i32
    %c0_i32_0 = arith.constant 0 : i32
    %c0_i32_1 = arith.constant 0 : i32
    return %c0_i32, %c0_i32_0 : i32, i32
  }
  func.func @transform_4(%arg0: i32) -> (i32, i32) {
    %c0_i32 = arith.constant 0 : i32
    %c0_i32_0 = arith.constant 0 : i32
    return %arg0, %c0_i32 : i32, i32
  }
}

</mosaic_0001>

<sc_bundles>
// kernel: kernel.12.cloned.1.call-start
scs
__scs_entry_jumppad:
0x0: {  	(pc) =	sbr.rel $0x88, $3  }
0x1: {  	(tag) =	ssettag $0x0;
	lr =	simm.s32 $0x1  }
0x2: {  	[smem:$0x3F9A] =	sst lr;
	_ =	strace $0xD0000000  }
0x3: {  	_ = 	snop  }
0x4: {  	_ = 	snop  }
0x5: {  	_ = 	snop  }
0x6: {  	_ = 	snop  }
0x7: {  	_ = 	snop  }
__scs_overlays_trampoline_lowered:
0x8: {  	[smem:$0x3FA9] =	sst s0  }
0x9: {  	[smem:$0x3FAA] =	sst s1  }
0xa: {  	[smem:$0x3FAB] =	sst s2  }
0xb: {  	[smem:$0x3FAC] =	sst s3  }
0xc: {  	[smem:$0x3FAD] =	sst s4  }
0xd: {  	[smem:$0x3FAE] =	sst s5  }
0xe: {  	[smem:$0x3FAF] =	sst s6  }
0xf: {  	[smem:$0x3FB0] =	sst s7  }
0x10: {  	[smem:$0x3FB1] =	sst s8  }
0x11: {  	[smem:$0x3FB2] =	sst s9;
	s0 =	simm.s32 @!p0 $0x0  }
0x12: {  	s1 =	sld [smem:$0x3F98];
	s0 =	simm.s32 @p0 $0x1  }
0x13: {  	[smem:$0x3FB3] =	sst s0;
	s0 =	simm.s32 @!p1 $0x0  }
0x14: {  	s2 =	sld [smem:$0x3F97];
	s0 =	simm.s32 @p1 $0x1  }
0x15: {  	[smem:$0x3FB4] =	sst s0;
	s0 =	simm.s32 @!p2 $0x0  }
0x16: {  	s3 =	sld [smem:$0x3FDB];
	s0 =	simm.s32 @p2 $0x1  }
0x17: {  	s4 =	simm.s32 $0x1BF5;
	[smem:$0x3FB6] =	sst s0  }
0x18: {  	s0 =	sld [smem:$0x3F99];
	_ =	swait.ge [sflag:s4], $0x0  }
0x19: {  	s7 =	sld [smem:$0x3F9A]  }
0x1a: {  	s8 =	sadd.s32 $0xFFFFE003, lr  }
0x1b: {  	s9 =	sadd.s32 $0xFFFFFEF7, lr;
	s5 =	simm.s32 $0xFFFFFFFF;
	p2 =	slt.u32 s8, $0xFFFFF086  }
0x1c: {  	p1 =	slt.u32 s9, $0xF7A;
	s5 =	simm.s32 @!p2 $0x0  }
0x1d: {  	s5 =	simm.s32 @p1 $0x1;
	p0 =	seq.s32 s7, s2  }
0x1e: {  	s7 =	smul.u32 @!p0 $0xF7A, s2;
	p2 =	seq.s32 @!p0 s5, $0x0  }
0x1f: {  	s9 =	smul.u32 $0xF7A, s1;
	s8 =	simm.s32 @!p0 $0x1BF5;
	p2 =	por !p2, p0  }
0x20: {  	[sflag:s8] =	ssyncset.s32 @!p0 $0xFFFFF086;
	s6 =	sadd.s32 @!p0 s3, s7;
	s7 =	simm.s32 @!p0 $0x108  }
0x21: {  	s3 =	sadd.s32 s3, s9;
	s6 =	sadd.s32 @!p0 $0x88, s6;
	s7 =	simm.s32 @p2 $0x1082  }
0x22: {  	[simem:s7], [sflag:s8] =	dma.local @!p0 [hbm:s6], $0xF7A  }
0x23: {  	s9 =	sor.u32 $0xD0000000, s2;
	s6 =	simm.s32 $0x108;
	_ =	swait.ge @!p0 [sflag:s8], $0x0  }
0x24: {  	s3 =	sadd.s32 $0x88, s3;
	s6 =	simm.s32 @!p1 $0x1082;
	[sflag:s4] =	ssyncset.s32 $0xFFFFF086  }
0x25: {  	[simem:s6], [sflag:s4] =	dma.local [hbm:s3], $0xF7A  }
0x26: {  	[smem:$0x3F9A] =	sst s1;
	(tag) =	ssettag s2;
	_ =	strace s9  }
0x27: {  	s1 =	sld [smem:$0x3FAA]  }
0x28: {  	s2 =	sld [smem:$0x3FAB]  }
0x29: {  	s4 =	sld [smem:$0x3FAD]  }
0x2a: {  	p0 =	seq.s32 s5, $0x0;
	s5 =	sld [smem:$0x3FAE]  }
0x2b: {  	s6 =	sld [smem:$0x3FAF]  }
0x2c: {  	s7 =	sld [smem:$0x3FB0]  }
0x2d: {  	s3 =	simm.s32 $0x108;
	s8 =	sld [smem:$0x3FB1]  }
0x2e: {  	s3 =	simm.s32 @!p0 $0x1082;
	s9 =	sld [smem:$0x3FB2]  }
0x2f: {  	lr =	sadd.s32 s0, s3;
	s0 =	sld [smem:$0x3FA9]  }
0x30: {  	s3 =	sld [smem:$0x3FAC]  }
0x31: {  	[smem:$0x3FB5] =	sst s10  }
0x32: {  	s10 =	sld [smem:$0x3FB3];
	_ =	sdelay $0x3  }
0x33: {  	p0 =	seq.s32 s10, $0x1;
	s10 =	sld [smem:$0x3FB5];
	_ =	sdelay $0x3  }
0x34: {  	[smem:$0x3FB5] =	sst s10  }
0x35: {  	s10 =	sld [smem:$0x3FB4];
	_ =	sdelay $0x3  }
0x36: {  	p1 =	seq.s32 s10, $0x1;
	s10 =	sld [smem:$0x3FB5];
	_ =	sdelay $0x3  }
0x37: {  	[smem:$0x3FB5] =	sst s10  }
0x38: {  	s10 =	sld [smem:$0x3FB6]  }
0x39: {  	_ = 	snop;
	(pc) =	sbr.ind lr, $3  }
0x3a: {  	_ = 	snop  }
0x3b: {  	_ = 	snop  }
0x3c: {  	p2 =	seq.s32 s10, $0x1;
	s10 =	sld [smem:$0x3FB5]  }
0x3d: {  	_ =	shalt  }
0x3e: {  	_ =	shalt  }
0x3f: {  	_ =	shalt  }
0x40: {  	_ =	shalt  }
0x41: {  	_ =	shalt  }
0x42: {  	_ =	shalt  }
0x43: {  	_ =	shalt  }
0x44: {  	_ =	shalt  }
0x45: {  	_ =	shalt  }
0x46: {  	_ =	shalt  }
0x47: {  	_ =	shalt  }
0x48: {  	_ =	shalt  }
0x49: {  	_ =	shalt  }
0x4a: {  	_ =	shalt  }
0x4b: {  	_ =	shalt  }
0x4c: {  	_ =	shalt  }
0x4d: {  	_ =	shalt  }
0x4e: {  	_ =	shalt  }
0x4f: {  	_ =	shalt  }
0x50: {  	_ =	shalt  }
0x51: {  	_ =	shalt  }
0x52: {  	_ =	shalt  }
0x53: {  	_ =	shalt  }
0x54: {  	_ =	shalt  }
0x55: {  	_ =	shalt  }
0x56: {  	_ =	shalt  }
0x57: {  	_ =	shalt  }
0x58: {  	_ =	shalt  }
0x59: {  	_ =	shalt  }
0x5a: {  	_ =	shalt  }
0x5b: {  	_ =	shalt  }
0x5c: {  	_ =	shalt  }
0x5d: {  	_ =	shalt  }
0x5e: {  	_ =	shalt  }
0x5f: {  	_ =	shalt  }
0x60: {  	_ =	shalt  }
0x61: {  	_ =	shalt  }
0x62: {  	_ =	shalt  }
0x63: {  	_ =	shalt  }
0x64: {  	_ =	shalt  }
0x65: {  	_ =	shalt  }
0x66: {  	_ =	shalt  }
0x67: {  	_ =	shalt  }
0x68: {  	_ =	shalt  }
0x69: {  	_ =	shalt  }
0x6a: {  	_ =	shalt  }
0x6b: {  	_ =	shalt  }
0x6c: {  	_ =	shalt  }
0x6d: {  	_ =	shalt  }
0x6e: {  	_ =	shalt  }
0x6f: {  	_ =	shalt  }
0x70: {  	_ =	shalt  }
0x71: {  	_ =	shalt  }
0x72: {  	_ =	shalt  }
0x73: {  	_ =	shalt  }
0x74: {  	_ =	shalt  }
0x75: {  	_ =	shalt  }
0x76: {  	_ =	shalt  }
0x77: {  	_ =	shalt  }
0x78: {  	_ =	shalt  }
0x79: {  	_ =	shalt  }
0x7a: {  	_ =	shalt  }
0x7b: {  	_ =	shalt  }
0x7c: {  	_ =	shalt  }
0x7d: {  	_ =	shalt  }
0x7e: {  	_ =	shalt  }
0x7f: {  	_ =	shalt  }
0x80: {  	_ =	shalt  }
0x81: {  	_ =	shalt  }
0x82: {  	_ =	shalt  }
0x83: {  	_ =	shalt  }
0x84: {  	_ =	shalt  }
0x85: {  	_ =	shalt  }
0x86: {  	_ =	shalt  }
0x87: {  	_ =	shalt  }
.Lfunc_end0:
.L_simem_size_0:
called_computation.1_lowered:
.L_overlay_start_0:
0x88: {  	s2 =	sld [smem:$0x3FD9]  }
0x89: {  	s3 =	sld [smem:$0x3FFE];
	_ =	sdelay $0x1  }
0x8a: {  	s1 =	srdreg.scid  }
0x8b: {  	s0 =	sand.u32 $0x1, s1  }
0x8c: {  	s16 =	sshll.u32 s0, $0xA;
	s2 =	sadd.s32 s3, s2  }
0x8d: {  	s2 =	sadd.s32 s2, s16  }
0x8e: {  	[smem:$0x3FC1] =	sst s2  }
0x8f: {  	_ = 	snop  }
0x90: {  	(tm) =	ssettm $0x1  }
0x91: {  	s17 =	sld [smem:$0x3FFB];
	_ =	sdelay $0x3  }
0x92: {  	_ =	strace s17  }
0x93: {  	s2 =	sld [smem:$0x3FFC];
	_ =	sdelay $0x3  }
0x94: {  	_ =	strace s2  }
0x95: {  	s2 =	sld [smem:$0x3FFD];
	_ =	sdelay $0x3  }
0x96: {  	_ =	strace s2  }
0x97: {  	_ =	strace $0x8FFFFFFF  }
0x98: {  	s18 =	sld [smem:$0x3FDB];
	_ =	sdelay $0x1  }
0x99: {  	s19 =	simm.s32 $_scs_section_size  }
0x9a: {  	s4 =	simm.s32 $_size__tile_overlayer_lowered;
	s5 =	simm.s32 $_tile_overlayer_lowered  }
0x9b: {  	s22 =	simm.s32 $0x1BFF;
	s21 =	sshll.u32 s5, $0x1;
	s2 =	sadd.s32 s19, s18  }
0x9c: {  	s6 =	simm.s32 $0x0;
	s20 =	sshll.u32 s4, $0x1;
	s4 =	sadd.s32 s21, s2  }
0x9d: {  	[timem:s6], [sflag:s22] =	dma.local [hbm:s4], s20  }
0x9e: {  	_ =	swait.ge [sflag:s22], s20  }
0x9f: {  	s3 =	ssub.s32 $0x0, s20;
	[sflag:s22] =	ssyncset.done $0x0  }
0xa0: {  	[sflag:s22] =	ssyncadd.s32 s3;
	_ =	sdelay $0x1  }
0xa1: {  	s23 =	simm.s32 $0x1B8B  }
0xa2: {  	_ =	swait.ge [sflag:s23], $0x1  }
0xa3: {  	[sflag:s23] =	ssyncset.done $0x0  }
0xa4: {  	s25 =	simm.s32 $0x1B8E;
	s24 =	sld [smem:$0x3FFE];
	[sflag:s23] =	ssyncadd.s32 $0xFFFFFFFF  }
0xa5: {  	s26 =	simm.s32 $execute0_lowered;
	[smem:$0x3FD2] =	sst s25  }
0xa6: {  	s4 =	sshll.u32 s26, $0x1;
	_ =	strace $0x80000049;
	[dreg:$0x1] =	wrdreg $0xFFFFFFFF  }
0xa7: {  	s28 =	simm.s32 $_size_execute0_lowered;
	s2 =	sadd.s32 s2, s4;
	[dreg:$0x0] =	wrdreg $0x0  }
0xa8: {  	s4 =	sshll.u32 s28, $0x1;
	[dreg:$0x2] =	wrdreg s2  }
0xa9: {  	[dreg:$0x3] =	wrdreg s4  }
0xaa: {  	[dreg:$0x4] =	wrdreg $0xC0  }
0xab: {  	_ =	task [dreg:s6], $0x5FFFF  }
0xac: {  	[dreg:$0x1] =	wrdreg $0xFFFFFFFF  }
0xad: {  	[dreg:$0x0] =	wrdreg $0x60  }
0xae: {  	[dreg:$0x2] =	wrdreg s24  }
0xaf: {  	[dreg:$0x3] =	wrdreg $0x0  }
0xb0: {  	[dreg:$0x4] =	wrdreg $0x9  }
0xb1: {  	_ =	task.clear_ibuf [dreg:s6], $0x5FFFF;
	_ =	strace $0x90000049  }
0xb2: {  	s29 =	simm.s32 $0x9;
	_ =	strace $0x8000004B  }
0xb3: {  	_ =	swait.ge [sflag:s29], $0x1  }
0xb4: {  	[sflag:s29] =	ssyncadd.s32 $0xFFFFFFFF  }
0xb5: {  	_ =	strace $0x9000004B  }
0xb6: {  	_ =	sfence  }
0xb7: {  	s30 =	sld [smem:$0x0];
	_ =	sdelay $0x2  }
0xb8: {  	s31 =	sshll.u32 s1, $0xD;
	s1 =	sshrl.u32 s1, $0x2  }
0xb9: {  	s3 =	sand.u32 $0x4000, s31;
	s1 =	sadd.s32 s1, s30  }
0xba: {  	s0 =	sor.u32 s3, s0;
	s1 =	sshll.u32 s1, $0x11  }
0xbb: {  	s0 =	sor.u32 s1, s0  }
0xbc: {  	s0 =	sadd.s32 $0x8F2B, s0  }
0xbd: {  	[sflag:s0] =	ssyncadd.remote.s32 $0x1  }
0xbe: {  	_ =	sfence.sel $0xFFFF  }
0xbf: {  	[dreg:$0x0] =	wrdreg $0xFFFFFFFF;
	(pc) =	sbr.abs _section_cstart, $3  }
0xc0: {  	[dreg:$0x1] =	wrdreg $0xFFFFFFFF  }
0xc1: {  	_ =	task.clear_ibuf [dreg:s6], $0x2FFFF;
	_ =	strace $0x9FFFFFFF  }
0xc2: {  	(tm) =	ssettm $0x7FFFFFFF  }
0xc3: {  	_ =	shalt  }
tec
execute0_lowered:
.L_overlay_start_1:
0x0: {  	(tag) =	ssettag $0x1  }
0x1: {  	s0 =	rddreg [dreg:$0x0]  }
0x2: {  	s1 =	rddreg [dreg:$0x1]  }
0x3: {  	s2 =	simm.s32 $0x0;
	s3 =	srdreg.scid;
	s11 =	stileid.u32  }
0x4: {  	s21 =	simm.s32 $0x3;
	s22 =	simm.s32 $0x1D000;
	s28 =	simm.s32 $0x1  }
0x5: {  	s29 =	simm.s32 $0x2;
	s30 =	simm.s32 $0x0;
	[smem:$0x7FF] =	sst s2  }
0x6: {  	s4 =	sadd.s32 $0x1F200, s0;
	s3 =	sand.u32 $0x1, s3;
	s9 =	smul.u32 $0x50000, s11  }
0x7: {  	s5 =	sadd.s32 $0x15200, s0;
	s6 =	sadd.s32 $0x800, s0;
	s13 =	smul.u32 $0x14000, s11  }
0x8: {  	s7 =	sadd.s32 $0xA800, s0;
	s0 =	sadd.s32 $0x46400, s0;
	_ =	strace $0x8000004A  }
0x9: {  	s8 =	ssub.s32 $0x2, s3;
	s23 =	sshll.u32 s3, $0x4;
	s3 =	smul.u32 $0x140000, s3  }
0xa: {  	s10 =	sshrl.u32 s8, $0x1;
	s9 =	sshrl.u32 s9, $0x2;
	s15 =	sadd.s32 $0x4000, s13  }
0xb: {  	s16 =	sor.u32 s11, s23;
	s17 =	sadd.s32 $0x8000, s13;
	s18 =	sadd.s32 $0xC000, s13  }
0xc: {  	s19 =	sadd.s32 $0x10000, s13;
	s23 =	simm.s32 $0x1C000;
	s14 =	ssub.s32 s8, s10  }
0xd: {  	s8 =	sadd.s32 s9, s1;
	s9 =	sadd.s32 s15, s1;
	s10 =	sadd.s32 s17, s1  }
0xe: {  	s11 =	sadd.s32 s18, s1;
	s12 =	sadd.s32 s19, s1;
	s20 =	sadd.s32 s13, s3  }
0xf: {  	s15 =	sadd.s32 s3, s15;
	s13 =	smul.u32 $0x2800, s16;
	s25 =	sadd.s32 s3, s17  }
0x10: {  	s26 =	sadd.s32 s3, s18;
	s3 =	sadd.s32 s3, s19;
	s24 =	sshrl.u32 s20, $0x3  }
0x11: {  	s15 =	sshrl.u32 s15, $0x3;
	s31 =	sshrl.u32 s26, $0x3;
	s3 =	sshrl.u32 s3, $0x3  }
0x12: {  	s19 =	smax.u32 s14, $0x1;
	s20 =	simm.s32 $0x14000;
	s15 =	sadd.s32 s0, s15  }
0x13: {  	s16 =	sadd.s32 s0, s24;
	[dreg:$0x4] =	wrdreg s15;
	s15 =	sshrl.u32 s25, $0x3  }
0x14: {  	s26 =	simm.s32 $0x18000;
	[dreg:$0x3] =	wrdreg s16;
	s15 =	sadd.s32 s0, s15  }
0x15: {  	s18 =	sadd.s32 s0, s3;
	[dreg:$0x5] =	wrdreg s15;
	s15 =	sadd.s32 s0, s31  }
0x16: {  	v0 =	vimm.f32 $0.0e+00;
	s24 =	simm.s32 $0x1C800;
	s25 =	simm.s32 $0x80;
	[dreg:$0x6] =	wrdreg s15  }
.LBB2_1:
0x17: {  	s0 =	simm.s32 $0x0;
	s3 =	simm.s32 $0x200  }
.LBB2_2:
0x18: {  	p0 =	sne.s32 s3, $0xFE00;
	[tilespmem:s0+$0x14070] =	vst v0  }
0x19: {  	[tilespmem:s0+$0x14000] =	vst v0  }
0x1a: {  	[tilespmem:s0+$0x14010] =	vst v0  }
.Ltmp0:
0x1b: {  	[tilespmem:s0+$0x14020] =	vst v0;
	(pc) =	sbr.rel @p0 .LBB2_2-.Ltmp0, $4  }
0x1c: {  	[tilespmem:s0+$0x14030] =	vst v0  }
0x1d: {  	[tilespmem:s0+$0x14040] =	vst v0  }
0x1e: {  	[tilespmem:s0+$0x14050] =	vst v0  }
0x1f: {  	[tilespmem:s0+$0x14060] =	vst v0;
	s0 =	sshra.s32 s3, $0x2;
	s3 =	sadd.s32 $0x200, s3  }
0x20: {  	[tilespmem:s0+$0x14070] =	vst v0  }
0x21: {  	[tilespmem:s0+$0x14000] =	vst v0  }
0x22: {  	[tilespmem:s0+$0x14010] =	vst v0  }
0x23: {  	[tilespmem:s0+$0x14020] =	vst v0  }
0x24: {  	[tilespmem:s0+$0x14030] =	vst v0  }
0x25: {  	[tilespmem:s0+$0x14040] =	vst v0  }
0x26: {  	[tilespmem:s0+$0x14050] =	vst v0  }
0x27: {  	[tilespmem:s0+$0x14060] =	vst v0  }
0x28: {  	[spmem:s8] =	stream.linear.scatter [tilespmem:s20], [sflag:$0x3], $0x4000, $0x38;
	[tilespmem:$0x1D800] =	vst v63  }
0x29: {  	_ =	swait.ge [sflag:s21], $0x4000  }
0x2a: {  	[sflag:s21] =	ssyncset.done $0x0  }
0x2b: {  	[sflag:s21] =	ssyncadd.s32 $0xFFFFC000  }
0x2c: {  	[spmem:s9] =	stream.linear.scatter [tilespmem:s20], [sflag:$0x3], $0x4000, $0x38;
	[tilespmem:$0x1D800] =	vst v63  }
0x2d: {  	_ =	swait.ge [sflag:s21], $0x4000  }
0x2e: {  	[sflag:s21] =	ssyncset.done $0x0  }
0x2f: {  	[sflag:s21] =	ssyncadd.s32 $0xFFFFC000  }
0x30: {  	[spmem:s10] =	stream.linear.scatter [tilespmem:s20], [sflag:$0x3], $0x4000, $0x38;
	[tilespmem:$0x1D800] =	vst v63  }
0x31: {  	_ =	swait.ge [sflag:s21], $0x4000  }
0x32: {  	[sflag:s21] =	ssyncset.done $0x0  }
0x33: {  	[sflag:s21] =	ssyncadd.s32 $0xFFFFC000  }
0x34: {  	[spmem:s11] =	stream.linear.scatter [tilespmem:s20], [sflag:$0x3], $0x4000, $0x38;
	[tilespmem:$0x1D800] =	vst v63  }
0x35: {  	_ =	swait.ge [sflag:s21], $0x4000  }
0x36: {  	[sflag:s21] =	ssyncset.done $0x0  }
0x37: {  	[sflag:s21] =	ssyncadd.s32 $0xFFFFC000  }
0x38: {  	[spmem:s12] =	stream.linear.scatter [tilespmem:s20], [sflag:$0x3], $0x4000, $0x38;
	[tilespmem:$0x1D800] =	vst v63  }
0x39: {  	_ =	swait.ge [sflag:s21], $0x4000  }
0x3a: {  	[sflag:s21] =	ssyncset.done $0x0  }
0x3b: {  	[sflag:s21] =	ssyncadd.s32 $0xFFFFC000  }
0x3c: {  	s31 =	simm.s32 $0x0;
	[bflag:$0x0] =	sbarrier.arrive $0xFFFF  }
.LBB2_4:
0x3d: {  	s0 =	sshll.u32 s31, $0xB  }
0x3e: {  	s0 =	sadd.s32 s13, s0  }
0x3f: {  	s0 =	sshrl.u32 s0, $0x3  }
0x40: {  	s3 =	sadd.s32 s5, s0  }
0x41: {  	[tilespmem:s22], [sflag:$0x3] =	stream.linear.gather [hbm4b:s3+s30], $0x800, $0x38;
	[tilespmem:$0x1D800] =	vst v63  }
0x42: {  	_ =	swait.ge [sflag:s21], $0x800  }
0x43: {  	[sflag:s21] =	ssyncset.done $0x0  }
0x44: {  	s17 =	sadd.s32 s6, s0;
	[sflag:s21] =	ssyncadd.s32 $0xFFFFF800  }
0x45: {  	[tilespmem:s23], [sflag:$0x3] =	stream.linear.gather [hbm4b:s17+s30], $0x800, $0x38;
	[tilespmem:$0x1D800] =	vst v63  }
0x46: {  	_ =	swait.ge [sflag:s21], $0x800  }
0x47: {  	[sflag:s21] =	ssyncset.done $0x0  }
0x48: {  	s0 =	sadd.s32 s7, s0;
	[sflag:s21] =	ssyncadd.s32 $0xFFFFF800  }
0x49: {  	[tilespmem:s24], [sflag:$0x3] =	stream.linear.gather [hbm4b:s0+s30], $0x800, $0x38;
	[tilespmem:$0x1D800] =	vst v63  }
0x4a: {  	_ =	swait.ge [sflag:s21], $0x800  }
0x4b: {  	[sflag:s21] =	ssyncset.done $0x0  }
0x4c: {  	s0 =	simm.s32 $0x0;
	[sflag:s21] =	ssyncadd.s32 $0xFFFFF800  }
0x4d: {  	[tilespmem:s20], [sflag:$0x1] =	stream.indirect.gather [hbm4b:s4+s25], $0x80, s22, s25, $0xb8;
	[tilespmem:$0x1D800] =	vst v63  }
.LBB2_5:
0x4e: {  	s3 =	sshll.u32 s0, $0x8  }
0x4f: {  	s14 =	sadd.s32 $0x1D080, s3  }
0x50: {  	[tilespmem:s26], [sflag:$0x2] =	stream.indirect.gather [hbm4b:s4+s25], $0x80, s14, s25, $0xb8;
	[tilespmem:$0x1D800] =	vst v63  }
0x51: {  	s14 =	sshll.u32 s0, $0xA  }
0x52: {  	s15 =	sshrl.u32 s14, $0x2  }
0x53: {  	s17 =	sadd.s32 $0x1C800, s15  }
0x54: {  	_ =	swait.ge [sflag:s28], $0x4000;
	v1 =	vmov s17  }
0x55: {  	[sflag:s28] =	ssyncset.done $0x0  }
0x56: {  	s16 =	simm.s32 $0x0;
	s3 =	sor.u32 $0x80, s3;
	[sflag:s28] =	ssyncadd.s32 $0xFFFFC000  }
.LBB2_6:
0x57: {  	s17 =	sshll.u32 s16, $0x4  }
0x58: {  	s17 =	sand.u32 $0x3FFFFFF0, s17  }
0x59: {  	v2 =	vld.idx.msk [tilespmem:v1+s17+$0x0 ss:$0x1], $0xffff;
	s17 =	sshll.u32 s16, $0xB  }
0x5a: {  	s17 =	sand.u32 $0x3FFFF800, s17  }
0x5b: {  	v3 =	vld [tilespmem:s17+$0x14000]  }
0x5c: {  	v4 =	vld [tilespmem:s17+$0x14010]  }
0x5d: {  	v5 =	vld [tilespmem:s17+$0x14020]  }
0x5e: {  	v7 =	vld [tilespmem:s17+$0x14030];
	v6 =	vbroadcast v2, $0x0  }
0x5f: {  	v8 =	vld [tilespmem:s17+$0x14040]  }
0x60: {  	v9 =	vld [tilespmem:s17+$0x14050];
	v3 =	vmul.f32 v6, v3  }
0x61: {  	v10 =	vld [tilespmem:s17+$0x14060];
	v4 =	vmul.f32 v4, v6  }
0x62: {  	v24 =	vld [tilespmem:s17+$0x14070];
	[tilespmem:s17+$0x14000] =	vst v3;
	v3 =	vmul.f32 v5, v6  }
0x63: {  	v26 =	vld [tilespmem:s17+$0x14080];
	v25 =	vmul.f32 v7, v6;
	[tilespmem:s17+$0x14010] =	vst v4  }
0x64: {  	v27 =	vld [tilespmem:s17+$0x14090];
	[tilespmem:s17+$0x14020] =	vst v3;
	v3 =	vmul.f32 v8, v6  }
0x65: {  	v29 =	vld [tilespmem:s17+$0x140A0];
	v28 =	vmul.f32 v9, v6;
	[tilespmem:s17+$0x14030] =	vst v25  }
0x66: {  	v11 =	vld [tilespmem:s17+$0x140B0];
	v30 =	vbroadcast v2, $0x1;
	[tilespmem:s17+$0x14040] =	vst v3;
	v3 =	vmul.f32 v10, v6  }
0x67: {  	v32 =	vld [tilespmem:s17+$0x140C0];
	v31 =	vmul.f32 v24, v6;
	[tilespmem:s17+$0x14050] =	vst v28  }
0x68: {  	v33 =	vld [tilespmem:s17+$0x140D0];
	[tilespmem:s17+$0x14060] =	vst v3;
	v3 =	vmul.f32 v26, v30  }
0x69: {  	v35 =	vld [tilespmem:s17+$0x140E0];
	v34 =	vmul.f32 v27, v30;
	[tilespmem:s17+$0x14070] =	vst v31  }
0x6a: {  	v36 =	vld [tilespmem:s17+$0x140F0];
	[tilespmem:s17+$0x14080] =	vst v3;
	v3 =	vmul.f32 v29, v30  }
0x6b: {  	v38 =	vld [tilespmem:s17+$0x14100];
	v37 =	vmul.f32 v11, v30;
	[tilespmem:s17+$0x14090] =	vst v34  }
0x6c: {  	v39 =	vld [tilespmem:s17+$0x14110];
	[tilespmem:s17+$0x140A0] =	vst v3;
	v3 =	vmul.f32 v32, v30  }
0x6d: {  	v41 =	vld [tilespmem:s17+$0x14120];
	v40 =	vmul.f32 v33, v30;
	[tilespmem:s17+$0x140B0] =	vst v37  }
0x6e: {  	v43 =	vld [tilespmem:s17+$0x14130];
	v42 =	vbroadcast v2, $0x2;
	[tilespmem:s17+$0x140C0] =	vst v3;
	v3 =	vmul.f32 v35, v30  }
0x6f: {  	v45 =	vld [tilespmem:s17+$0x14140];
	v44 =	vmul.f32 v36, v30;
	[tilespmem:s17+$0x140D0] =	vst v40  }
0x70: {  	v46 =	vld [tilespmem:s17+$0x14150];
	[tilespmem:s17+$0x140E0] =	vst v3;
	v3 =	vmul.f32 v38, v42  }
0x71: {  	v48 =	vld [tilespmem:s17+$0x14160];
	v47 =	vmul.f32 v39, v42;
	[tilespmem:s17+$0x140F0] =	vst v44  }
0x72: {  	v49 =	vld [tilespmem:s17+$0x14170];
	[tilespmem:s17+$0x14100] =	vst v3;
	v3 =	vmul.f32 v41, v42  }
0x73: {  	v51 =	vld [tilespmem:s17+$0x14180];
	v50 =	vmul.f32 v43, v42;
	[tilespmem:s17+$0x14110] =	vst v47  }
0x74: {  	v52 =	vld [tilespmem:s17+$0x14190];
	[tilespmem:s17+$0x14120] =	vst v3;
	v3 =	vmul.f32 v45, v42  }
0x75: {  	v54 =	vld [tilespmem:s17+$0x141A0];
	v53 =	vmul.f32 v46, v42;
	[tilespmem:s17+$0x14130] =	vst v50  }
0x76: {  	v56 =	vld [tilespmem:s17+$0x141B0];
	v55 =	vbroadcast v2, $0x3;
	[tilespmem:s17+$0x14140] =	vst v3;
	v3 =	vmul.f32 v48, v42  }
0x77: {  	v58 =	vld [tilespmem:s17+$0x141C0];
	v57 =	vmul.f32 v49, v42;
	[tilespmem:s17+$0x14150] =	vst v53  }
0x78: {  	v59 =	vld [tilespmem:s17+$0x141D0];
	[tilespmem:s17+$0x14160] =	vst v3;
	v3 =	vmul.f32 v51, v55  }
0x79: {  	v61 =	vld [tilespmem:s17+$0x141E0];
	v60 =	vmul.f32 v52, v55;
	[tilespmem:s17+$0x14170] =	vst v57  }
0x7a: {  	v62 =	vld [tilespmem:s17+$0x141F0];
	[tilespmem:s17+$0x14180] =	vst v3;
	v3 =	vmul.f32 v54, v55  }
0x7b: {  	v12 =	vld [tilespmem:s17+$0x14200];
	v63 =	vmul.f32 v56, v55;
	[tilespmem:s17+$0x14190] =	vst v60  }
0x7c: {  	v13 =	vld [tilespmem:s17+$0x14210];
	[tilespmem:s17+$0x141A0] =	vst v3;
	v3 =	vmul.f32 v58, v55  }
0x7d: {  	v15 =	vld [tilespmem:s17+$0x14220];
	v14 =	vmul.f32 v59, v55;
	[tilespmem:s17+$0x141B0] =	vst v63  }
0x7e: {  	v17 =	vld [tilespmem:s17+$0x14230];
	v16 =	vbroadcast v2, $0x4;
	[tilespmem:s17+$0x141C0] =	vst v3;
	v3 =	vmul.f32 v61, v55  }
0x7f: {  	v19 =	vld [tilespmem:s17+$0x14240];
	v18 =	vmul.f32 v62, v55;
	[tilespmem:s17+$0x141D0] =	vst v14  }
0x80: {  	v20 =	vld [tilespmem:s17+$0x14250];
	[tilespmem:s17+$0x141E0] =	vst v3;
	v3 =	vmul.f32 v12, v16  }
0x81: {  	v22 =	vld [tilespmem:s17+$0x14260];
	v21 =	vmul.f32 v13, v16;
	[tilespmem:s17+$0x141F0] =	vst v18  }
0x82: {  	v23 =	vld [tilespmem:s17+$0x14270];
	[tilespmem:s17+$0x14200] =	vst v3;
	v3 =	vmul.f32 v15, v16  }
0x83: {  	v24 =	vmul.f32 v17, v16;
	[tilespmem:s17+$0x14210] =	vst v21;
	v25 =	vld [tilespmem:s17+$0x14280]  }
0x84: {  	v33 =	vld [tilespmem:s17+$0x142D0];
	[tilespmem:s17+$0x14220] =	vst v3;
	v3 =	vmul.f32 v19, v16  }
0x85: {  	v27 =	vmul.f32 v20, v16;
	[tilespmem:s17+$0x14230] =	vst v24;
	v28 =	vld [tilespmem:s17+$0x142A0]  }
0x86: {  	v36 =	vld [tilespmem:s17+$0x142F0];
	v29 =	vbroadcast v2, $0x5;
	[tilespmem:s17+$0x14240] =	vst v3;
	v3 =	vmul.f32 v22, v16  }
0x87: {  	[tilespmem:s17+$0x14250] =	vst v27;
	v31 =	vmul.f32 v23, v16;
	v32 =	vld [tilespmem:s17+$0x142C0]  }
0x88: {  	v26 =	vld [tilespmem:s17+$0x14290];
	[tilespmem:s17+$0x14260] =	vst v3;
	v3 =	vmul.f32 v25, v29  }
0x89: {  	[tilespmem:s17+$0x14270] =	vst v31;
	v40 =	vmul.f32 v33, v29;
	v35 =	vld [tilespmem:s17+$0x142E0]  }
0x8a: {  	v30 =	vld [tilespmem:s17+$0x142B0];
	[tilespmem:s17+$0x14280] =	vst v3;
	v3 =	vmul.f32 v28, v29  }
0x8b: {  	v44 =	vmul.f32 v36, v29;
	[tilespmem:s17+$0x142D0] =	vst v40;
	v38 =	vld [tilespmem:s17+$0x14300]  }
0x8c: {  	v39 =	vld [tilespmem:s17+$0x14310];
	[tilespmem:s17+$0x142A0] =	vst v3;
	v3 =	vmul.f32 v32, v29  }
0x8d: {  	v34 =	vmul.f32 v26, v29;
	[tilespmem:s17+$0x142F0] =	vst v44;
	v41 =	vld [tilespmem:s17+$0x14320]  }
0x8e: {  	v43 =	vld [tilespmem:s17+$0x14330];
	v42 =	vbroadcast v2, $0x6;
	[tilespmem:s17+$0x142C0] =	vst v3;
	v3 =	vmul.f32 v35, v29  }
0x8f: {  	[tilespmem:s17+$0x14290] =	vst v34;
	v37 =	vmul.f32 v30, v29;
	v45 =	vld [tilespmem:s17+$0x14340]  }
0x90: {  	v46 =	vld [tilespmem:s17+$0x14350];
	[tilespmem:s17+$0x142E0] =	vst v3;
	v3 =	vmul.f32 v38, v42  }
0x91: {  	[tilespmem:s17+$0x142B0] =	vst v37;
	v48 =	vld [tilespmem:s17+$0x14360];
	v47 =	vmul.f32 v39, v42  }
0x92: {  	v49 =	vld [tilespmem:s17+$0x14370];
	[tilespmem:s17+$0x14300] =	vst v3;
	v3 =	vmul.f32 v41, v42  }
0x93: {  	v50 =	vmul.f32 v43, v42;
	v51 =	vld [tilespmem:s17+$0x14380];
	[tilespmem:s17+$0x14310] =	vst v47  }
0x94: {  	v52 =	vld [tilespmem:s17+$0x14390];
	[tilespmem:s17+$0x14320] =	vst v3;
	v3 =	vmul.f32 v45, v42  }
0x95: {  	v53 =	vmul.f32 v46, v42;
	[tilespmem:s17+$0x14330] =	vst v50;
	v54 =	vld [tilespmem:s17+$0x143A0]  }
0x96: {  	v56 =	vld [tilespmem:s17+$0x143B0];
	v55 =	vbroadcast v2, $0x7;
	[tilespmem:s17+$0x14340] =	vst v3;
	v3 =	vmul.f32 v48, v42  }
0x97: {  	v57 =	vmul.f32 v49, v42;
	[tilespmem:s17+$0x14350] =	vst v53;
	v58 =	vld [tilespmem:s17+$0x143C0]  }
0x98: {  	v59 =	vld [tilespmem:s17+$0x143D0];
	[tilespmem:s17+$0x14360] =	vst v3;
	v3 =	vmul.f32 v51, v55  }
0x99: {  	[tilespmem:s17+$0x14370] =	vst v57;
	v61 =	vld [tilespmem:s17+$0x143E0];
	v60 =	vmul.f32 v52, v55  }
0x9a: {  	v62 =	vld [tilespmem:s17+$0x143F0];
	[tilespmem:s17+$0x14380] =	vst v3;
	v3 =	vmul.f32 v54, v55  }
0x9b: {  	v63 =	vmul.f32 v56, v55;
	v12 =	vld [tilespmem:s17+$0x14400];
	[tilespmem:s17+$0x14390] =	vst v60  }
0x9c: {  	v13 =	vld [tilespmem:s17+$0x14410];
	[tilespmem:s17+$0x143A0] =	vst v3;
	v3 =	vmul.f32 v58, v55  }
0x9d: {  	v14 =	vmul.f32 v59, v55;
	[tilespmem:s17+$0x143B0] =	vst v63;
	v15 =	vld [tilespmem:s17+$0x14420]  }
0x9e: {  	v17 =	vld [tilespmem:s17+$0x14430];
	v16 =	vbroadcast v2, $0x8;
	[tilespmem:s17+$0x143C0] =	vst v3;
	v3 =	vmul.f32 v61, v55  }
0x9f: {  	v18 =	vmul.f32 v62, v55;
	[tilespmem:s17+$0x143D0] =	vst v14;
	v19 =	vld [tilespmem:s17+$0x14440]  }
0xa0: {  	v20 =	vld [tilespmem:s17+$0x14450];
	[tilespmem:s17+$0x143E0] =	vst v3;
	v3 =	vmul.f32 v12, v16  }
0xa1: {  	[tilespmem:s17+$0x143F0] =	vst v18;
	v22 =	vld [tilespmem:s17+$0x14460];
	v21 =	vmul.f32 v13, v16  }
0xa2: {  	v23 =	vld [tilespmem:s17+$0x14470];
	[tilespmem:s17+$0x14400] =	vst v3;
	v3 =	vmul.f32 v15, v16  }
0xa3: {  	v24 =	vmul.f32 v17, v16;
	v25 =	vld [tilespmem:s17+$0x14480];
	[tilespmem:s17+$0x14410] =	vst v21  }
0xa4: {  	v26 =	vld [tilespmem:s17+$0x14490];
	[tilespmem:s17+$0x14420] =	vst v3;
	v3 =	vmul.f32 v19, v16  }
0xa5: {  	v27 =	vmul.f32 v20, v16;
	[tilespmem:s17+$0x14430] =	vst v24;
	v28 =	vld [tilespmem:s17+$0x144A0]  }
0xa6: {  	v30 =	vld [tilespmem:s17+$0x144B0];
	v29 =	vbroadcast v2, $0x9;
	[tilespmem:s17+$0x14440] =	vst v3;
	v3 =	vmul.f32 v22, v16  }
0xa7: {  	v31 =	vmul.f32 v23, v16;
	[tilespmem:s17+$0x14450] =	vst v27;
	v32 =	vld [tilespmem:s17+$0x144C0]  }
0xa8: {  	v33 =	vld [tilespmem:s17+$0x144D0];
	[tilespmem:s17+$0x14460] =	vst v3;
	v3 =	vmul.f32 v25, v29  }
0xa9: {  	[tilespmem:s17+$0x14470] =	vst v31;
	v35 =	vld [tilespmem:s17+$0x144E0];
	v34 =	vmul.f32 v26, v29  }
0xaa: {  	v36 =	vld [tilespmem:s17+$0x144F0];
	[tilespmem:s17+$0x14480] =	vst v3;
	v3 =	vmul.f32 v28, v29  }
0xab: {  	v37 =	vmul.f32 v30, v29;
	v38 =	vld [tilespmem:s17+$0x14500];
	[tilespmem:s17+$0x14490] =	vst v34  }
0xac: {  	v39 =	vld [tilespmem:s17+$0x14510];
	[tilespmem:s17+$0x144A0] =	vst v3;
	v3 =	vmul.f32 v32, v29  }
0xad: {  	v40 =	vmul.f32 v33, v29;
	[tilespmem:s17+$0x144B0] =	vst v37;
	v41 =	vld [tilespmem:s17+$0x14520]  }
0xae: {  	v43 =	vld [tilespmem:s17+$0x14530];
	v42 =	vbroadcast v2, $0xA;
	[tilespmem:s17+$0x144C0] =	vst v3;
	v3 =	vmul.f32 v35, v29  }
0xaf: {  	v44 =	vmul.f32 v36, v29;
	[tilespmem:s17+$0x144D0] =	vst v40;
	v45 =	vld [tilespmem:s17+$0x14540]  }
0xb0: {  	v46 =	vld [tilespmem:s17+$0x14550];
	[tilespmem:s17+$0x144E0] =	vst v3;
	v3 =	vmul.f32 v38, v42  }
0xb1: {  	[tilespmem:s17+$0x144F0] =	vst v44;
	v48 =	vld [tilespmem:s17+$0x14560];
	v47 =	vmul.f32 v39, v42  }
0xb2: {  	v49 =	vld [tilespmem:s17+$0x14570];
	[tilespmem:s17+$0x14500] =	vst v3;
	v3 =	vmul.f32 v41, v42  }
0xb3: {  	v50 =	vmul.f32 v43, v42;
	v51 =	vld [tilespmem:s17+$0x14580];
	[tilespmem:s17+$0x14510] =	vst v47  }
0xb4: {  	v52 =	vld [tilespmem:s17+$0x14590];
	[tilespmem:s17+$0x14520] =	vst v3;
	v3 =	vmul.f32 v45, v42  }
0xb5: {  	v53 =	vmul.f32 v46, v42;
	[tilespmem:s17+$0x14530] =	vst v50;
	v54 =	vld [tilespmem:s17+$0x145A0]  }
0xb6: {  	v56 =	vld [tilespmem:s17+$0x145B0];
	v55 =	vbroadcast v2, $0xB;
	[tilespmem:s17+$0x14540] =	vst v3;
	v3 =	vmul.f32 v48, v42  }
0xb7: {  	v57 =	vmul.f32 v49, v42;
	[tilespmem:s17+$0x14550] =	vst v53;
	v58 =	vld [tilespmem:s17+$0x145C0]  }
0xb8: {  	v59 =	vld [tilespmem:s17+$0x145D0];
	[tilespmem:s17+$0x14560] =	vst v3;
	v3 =	vmul.f32 v51, v55  }
0xb9: {  	[tilespmem:s17+$0x14570] =	vst v57;
	v61 =	vld [tilespmem:s17+$0x145E0];
	v60 =	vmul.f32 v52, v55  }
0xba: {  	v62 =	vld [tilespmem:s17+$0x145F0];
	[tilespmem:s17+$0x14580] =	vst v3;
	v3 =	vmul.f32 v54, v55  }
0xbb: {  	v63 =	vmul.f32 v56, v55;
	v12 =	vld [tilespmem:s17+$0x14600];
	[tilespmem:s17+$0x14590] =	vst v60  }
0xbc: {  	v13 =	vld [tilespmem:s17+$0x14610];
	[tilespmem:s17+$0x145A0] =	vst v3;
	v3 =	vmul.f32 v58, v55  }
0xbd: {  	v14 =	vmul.f32 v59, v55;
	[tilespmem:s17+$0x145B0] =	vst v63;
	v15 =	vld [tilespmem:s17+$0x14620]  }
0xbe: {  	v17 =	vld [tilespmem:s17+$0x14630];
	v16 =	vbroadcast v2, $0xC;
	[tilespmem:s17+$0x145C0] =	vst v3;
	v3 =	vmul.f32 v61, v55  }
0xbf: {  	v18 =	vmul.f32 v62, v55;
	[tilespmem:s17+$0x145D0] =	vst v14;
	v19 =	vld [tilespmem:s17+$0x14640]  }
0xc0: {  	v20 =	vld [tilespmem:s17+$0x14650];
	[tilespmem:s17+$0x145E0] =	vst v3;
	v3 =	vmul.f32 v12, v16  }
0xc1: {  	[tilespmem:s17+$0x145F0] =	vst v18;
	v22 =	vld [tilespmem:s17+$0x14660];
	v21 =	vmul.f32 v13, v16  }
0xc2: {  	v23 =	vld [tilespmem:s17+$0x14670];
	[tilespmem:s17+$0x14600] =	vst v3;
	v3 =	vmul.f32 v15, v16  }
0xc3: {  	v24 =	vmul.f32 v17, v16;
	v25 =	vld [tilespmem:s17+$0x14680];
	[tilespmem:s17+$0x14610] =	vst v21  }
0xc4: {  	v26 =	vld [tilespmem:s17+$0x14690];
	[tilespmem:s17+$0x14620] =	vst v3;
	v3 =	vmul.f32 v19, v16  }
0xc5: {  	v27 =	vmul.f32 v20, v16;
	[tilespmem:s17+$0x14630] =	vst v24;
	v28 =	vld [tilespmem:s17+$0x146A0]  }
0xc6: {  	v30 =	vld [tilespmem:s17+$0x146B0];
	v29 =	vbroadcast v2, $0xD;
	[tilespmem:s17+$0x14640] =	vst v3;
	v3 =	vmul.f32 v22, v16  }
0xc7: {  	v31 =	vmul.f32 v23, v16;
	[tilespmem:s17+$0x14650] =	vst v27;
	v32 =	vld [tilespmem:s17+$0x146C0]  }
0xc8: {  	v33 =	vld [tilespmem:s17+$0x146D0];
	[tilespmem:s17+$0x14660] =	vst v3;
	v3 =	vmul.f32 v25, v29  }
0xc9: {  	[tilespmem:s17+$0x14670] =	vst v31;
	v35 =	vld [tilespmem:s17+$0x146E0];
	v34 =	vmul.f32 v26, v29  }
0xca: {  	v36 =	vld [tilespmem:s17+$0x146F0];
	[tilespmem:s17+$0x14680] =	vst v3;
	v3 =	vmul.f32 v28, v29  }
0xcb: {  	v37 =	vmul.f32 v30, v29;
	v38 =	vld [tilespmem:s17+$0x14700];
	[tilespmem:s17+$0x14690] =	vst v34  }
0xcc: {  	v39 =	vld [tilespmem:s17+$0x14710];
	[tilespmem:s17+$0x146A0] =	vst v3;
	v3 =	vmul.f32 v32, v29  }
0xcd: {  	v40 =	vmul.f32 v33, v29;
	[tilespmem:s17+$0x146B0] =	vst v37;
	v41 =	vld [tilespmem:s17+$0x14720]  }
0xce: {  	v43 =	vld [tilespmem:s17+$0x14730];
	v42 =	vbroadcast v2, $0xE;
	[tilespmem:s17+$0x146C0] =	vst v3;
	v3 =	vmul.f32 v35, v29  }
0xcf: {  	v44 =	vmul.f32 v36, v29;
	[tilespmem:s17+$0x146D0] =	vst v40;
	v45 =	vld [tilespmem:s17+$0x14740]  }
0xd0: {  	v46 =	vld [tilespmem:s17+$0x14750];
	[tilespmem:s17+$0x146E0] =	vst v3;
	v3 =	vmul.f32 v38, v42  }
0xd1: {  	[tilespmem:s17+$0x146F0] =	vst v44;
	v48 =	vld [tilespmem:s17+$0x14760];
	v47 =	vmul.f32 v39, v42  }
0xd2: {  	v49 =	vld [tilespmem:s17+$0x14770];
	[tilespmem:s17+$0x14700] =	vst v3;
	v3 =	vmul.f32 v41, v42  }
0xd3: {  	v50 =	vmul.f32 v43, v42;
	v51 =	vld [tilespmem:s17+$0x14780];
	[tilespmem:s17+$0x14710] =	vst v47  }
0xd4: {  	v52 =	vld [tilespmem:s17+$0x14790];
	[tilespmem:s17+$0x14720] =	vst v3;
	v3 =	vmul.f32 v45, v42  }
0xd5: {  	v53 =	vmul.f32 v46, v42;
	[tilespmem:s17+$0x14730] =	vst v50;
	v54 =	vld [tilespmem:s17+$0x147A0]  }
0xd6: {  	v2 =	vbroadcast v2, $0xF;
	v58 =	vld [tilespmem:s17+$0x147D0];
	[tilespmem:s17+$0x14740] =	vst v3;
	v3 =	vmul.f32 v48, v42  }
0xd7: {  	v57 =	vld [tilespmem:s17+$0x147C0];
	v56 =	vmul.f32 v49, v42;
	[tilespmem:s17+$0x14750] =	vst v53  }
0xd8: {  	v55 =	vld [tilespmem:s17+$0x147B0];
	[tilespmem:s17+$0x14760] =	vst v3;
	v3 =	vmul.f32 v51, v2  }
0xd9: {  	v60 =	vld [tilespmem:s17+$0x147E0];
	v59 =	vmul.f32 v52, v2;
	[tilespmem:s17+$0x14770] =	vst v56  }
0xda: {  	v61 =	vld [tilespmem:s17+$0x147F0];
	[tilespmem:s17+$0x14780] =	vst v3;
	v3 =	vmul.f32 v54, v2  }
0xdb: {  	[tilespmem:s17+$0x14790] =	vst v59;
	v63 =	vmul.f32 v58, v2  }
0xdc: {  	p0 =	sne.s32 s16, $0x7;
	[tilespmem:s17+$0x147A0] =	vst v3;
	v3 =	vmul.f32 v57, v2  }
.Ltmp1:
0xdd: {  	v62 =	vmul.f32 v55, v2;
	[tilespmem:s17+$0x147D0] =	vst v63;
	(pc) =	sbr.rel @p0 .LBB2_6-.Ltmp1, $4  }
0xde: {  	[tilespmem:s17+$0x147C0] =	vst v3;
	v3 =	vmul.f32 v60, v2  }
0xdf: {  	[tilespmem:s17+$0x147B0] =	vst v62;
	v2 =	vmul.f32 v61, v2  }
0xe0: {  	[tilespmem:s17+$0x147E0] =	vst v3  }
0xe1: {  	s16 =	sadd.s32 $0x1, s16;
	[tilespmem:s17+$0x147F0] =	vst v2  }
0xe2: {  	s15 =	sadd.s32 $0x1C000, s15  }
0xe3: {  	[spmem:s1] =	stream.indirect.scatter.add.f32 [tilespmem:s20], [sflag:$0x3], $0x80, s15, s25, $0xb8;
	[tilespmem:$0x1D800] =	vst v63  }
0xe4: {  	p0 =	seq.s32 s0, $0x7;
	s17 =	sadd.s32 $0x1C800, s3;
	_ =	swait.ge [sflag:s21], $0x4000  }
0xe5: {  	s14 =	sshrl.u32 @!p0 s14, $0x2;
	s15 =	simm.s32 @!p0 $0x80;
	[sflag:s21] =	ssyncset.done $0x0  }
0xe6: {  	s16 =	simm.s32 @!p0 $0x14000;
	s14 =	sadd.s32 @!p0 $0x1D100, s14;
	[sflag:s21] =	ssyncadd.s32 $0xFFFFC000  }
0xe7: {  	[tilespmem:s16], [sflag:$0x1] =	stream.indirect.gather @!p0 [hbm4b:s4+s15], $0x80, s14, s15, $0xb8;
	[tilespmem:$0x1D800] =	vst v63  }
0xe8: {  	v1 =	vmov s17;
	_ =	swait.ge [sflag:s29], $0x4000  }
0xe9: {  	[sflag:s29] =	ssyncset.done $0x0  }
0xea: {  	s14 =	simm.s32 $0x0;
	[sflag:s29] =	ssyncadd.s32 $0xFFFFC000  }
.LBB2_8:
0xeb: {  	s15 =	sshll.u32 s14, $0x4  }
0xec: {  	s15 =	sand.u32 $0x3FFFFFF0, s15  }
0xed: {  	s17 =	sshll.u32 s14, $0xB;
	v2 =	vld.idx.msk [tilespmem:v1+s15+$0x0 ss:$0x1], $0xffff  }
0xee: {  	s15 =	sand.u32 $0x3FFFF800, s17  }
0xef: {  	v3 =	vld [tilespmem:s15+$0x18000]  }
0xf0: {  	v4 =	vld [tilespmem:s15+$0x18010]  }
0xf1: {  	v5 =	vld [tilespmem:s15+$0x18020]  }
0xf2: {  	v7 =	vld [tilespmem:s15+$0x18030];
	v6 =	vbroadcast v2, $0x0  }
0xf3: {  	v8 =	vld [tilespmem:s15+$0x18040]  }
0xf4: {  	v9 =	vld [tilespmem:s15+$0x18050];
	v3 =	vmul.f32 v6, v3  }
0xf5: {  	v10 =	vld [tilespmem:s15+$0x18060];
	v4 =	vmul.f32 v4, v6  }
0xf6: {  	v24 =	vld [tilespmem:s15+$0x18070];
	[tilespmem:s15+$0x18000] =	vst v3;
	v3 =	vmul.f32 v5, v6  }
0xf7: {  	v26 =	vld [tilespmem:s15+$0x18080];
	v25 =	vmul.f32 v7, v6;
	[tilespmem:s15+$0x18010] =	vst v4  }
0xf8: {  	v27 =	vld [tilespmem:s15+$0x18090];
	[tilespmem:s15+$0x18020] =	vst v3;
	v3 =	vmul.f32 v8, v6  }
0xf9: {  	v29 =	vld [tilespmem:s15+$0x180A0];
	v28 =	vmul.f32 v9, v6;
	[tilespmem:s15+$0x18030] =	vst v25  }
0xfa: {  	v11 =	vld [tilespmem:s15+$0x180B0];
	v30 =	vbroadcast v2, $0x1;
	[tilespmem:s15+$0x18040] =	vst v3;
	v3 =	vmul.f32 v10, v6  }
0xfb: {  	v32 =	vld [tilespmem:s15+$0x180C0];
	v31 =	vmul.f32 v24, v6;
	[tilespmem:s15+$0x18050] =	vst v28  }
0xfc: {  	v33 =	vld [tilespmem:s15+$0x180D0];
	[tilespmem:s15+$0x18060] =	vst v3;
	v3 =	vmul.f32 v26, v30  }
0xfd: {  	v35 =	vld [tilespmem:s15+$0x180E0];
	v34 =	vmul.f32 v27, v30;
	[tilespmem:s15+$0x18070] =	vst v31  }
0xfe: {  	v36 =	vld [tilespmem:s15+$0x180F0];
	[tilespmem:s15+$0x18080] =	vst v3;
	v3 =	vmul.f32 v29, v30  }
0xff: {  	v38 =	vld [tilespmem:s15+$0x18100];
	v37 =	vmul.f32 v11, v30;
	[tilespmem:s15+$0x18090] =	vst v34  }
0x100: {  	v39 =	vld [tilespmem:s15+$0x18110];
	[tilespmem:s15+$0x180A0] =	vst v3;
	v3 =	vmul.f32 v32, v30  }
0x101: {  	v41 =	vld [tilespmem:s15+$0x18120];
	v40 =	vmul.f32 v33, v30;
	[tilespmem:s15+$0x180B0] =	vst v37  }
0x102: {  	v43 =	vld [tilespmem:s15+$0x18130];
	v42 =	vbroadcast v2, $0x2;
	[tilespmem:s15+$0x180C0] =	vst v3;
	v3 =	vmul.f32 v35, v30  }
0x103: {  	v45 =	vld [tilespmem:s15+$0x18140];
	v44 =	vmul.f32 v36, v30;
	[tilespmem:s15+$0x180D0] =	vst v40  }
0x104: {  	v46 =	vld [tilespmem:s15+$0x18150];
	[tilespmem:s15+$0x180E0] =	vst v3;
	v3 =	vmul.f32 v38, v42  }
0x105: {  	v48 =	vld [tilespmem:s15+$0x18160];
	v47 =	vmul.f32 v39, v42;
	[tilespmem:s15+$0x180F0] =	vst v44  }
0x106: {  	v49 =	vld [tilespmem:s15+$0x18170];
	[tilespmem:s15+$0x18100] =	vst v3;
	v3 =	vmul.f32 v41, v42  }
0x107: {  	v51 =	vld [tilespmem:s15+$0x18180];
	v50 =	vmul.f32 v43, v42;
	[tilespmem:s15+$0x18110] =	vst v47  }
0x108: {  	v52 =	vld [tilespmem:s15+$0x18190];
	[tilespmem:s15+$0x18120] =	vst v3;
	v3 =	vmul.f32 v45, v42  }
0x109: {  	v54 =	vld [tilespmem:s15+$0x181A0];
	v53 =	vmul.f32 v46, v42;
	[tilespmem:s15+$0x18130] =	vst v50  }
0x10a: {  	v56 =	vld [tilespmem:s15+$0x181B0];
	v55 =	vbroadcast v2, $0x3;
	[tilespmem:s15+$0x18140] =	vst v3;
	v3 =	vmul.f32 v48, v42  }
0x10b: {  	v58 =	vld [tilespmem:s15+$0x181C0];
	v57 =	vmul.f32 v49, v42;
	[tilespmem:s15+$0x18150] =	vst v53  }
0x10c: {  	v59 =	vld [tilespmem:s15+$0x181D0];
	[tilespmem:s15+$0x18160] =	vst v3;
	v3 =	vmul.f32 v51, v55  }
0x10d: {  	v61 =	vld [tilespmem:s15+$0x181E0];
	v60 =	vmul.f32 v52, v55;
	[tilespmem:s15+$0x18170] =	vst v57  }
0x10e: {  	v62 =	vld [tilespmem:s15+$0x181F0];
	[tilespmem:s15+$0x18180] =	vst v3;
	v3 =	vmul.f32 v54, v55  }
0x10f: {  	v12 =	vld [tilespmem:s15+$0x18200];
	v63 =	vmul.f32 v56, v55;
	[tilespmem:s15+$0x18190] =	vst v60  }
0x110: {  	v13 =	vld [tilespmem:s15+$0x18210];
	[tilespmem:s15+$0x181A0] =	vst v3;
	v3 =	vmul.f32 v58, v55  }
0x111: {  	v15 =	vld [tilespmem:s15+$0x18220];
	v14 =	vmul.f32 v59, v55;
	[tilespmem:s15+$0x181B0] =	vst v63  }
0x112: {  	v17 =	vld [tilespmem:s15+$0x18230];
	v16 =	vbroadcast v2, $0x4;
	[tilespmem:s15+$0x181C0] =	vst v3;
	v3 =	vmul.f32 v61, v55  }
0x113: {  	v19 =	vld [tilespmem:s15+$0x18240];
	v18 =	vmul.f32 v62, v55;
	[tilespmem:s15+$0x181D0] =	vst v14  }
0x114: {  	v20 =	vld [tilespmem:s15+$0x18250];
	[tilespmem:s15+$0x181E0] =	vst v3;
	v3 =	vmul.f32 v12, v16  }
0x115: {  	v22 =	vld [tilespmem:s15+$0x18260];
	v21 =	vmul.f32 v13, v16;
	[tilespmem:s15+$0x181F0] =	vst v18  }
0x116: {  	v23 =	vld [tilespmem:s15+$0x18270];
	[tilespmem:s15+$0x18200] =	vst v3;
	v3 =	vmul.f32 v15, v16  }
0x117: {  	v24 =	vmul.f32 v17, v16;
	[tilespmem:s15+$0x18210] =	vst v21;
	v25 =	vld [tilespmem:s15+$0x18280]  }
0x118: {  	v33 =	vld [tilespmem:s15+$0x182D0];
	[tilespmem:s15+$0x18220] =	vst v3;
	v3 =	vmul.f32 v19, v16  }
0x119: {  	v27 =	vmul.f32 v20, v16;
	[tilespmem:s15+$0x18230] =	vst v24;
	v28 =	vld [tilespmem:s15+$0x182A0]  }
0x11a: {  	v36 =	vld [tilespmem:s15+$0x182F0];
	v29 =	vbroadcast v2, $0x5;
	[tilespmem:s15+$0x18240] =	vst v3;
	v3 =	vmul.f32 v22, v16  }
0x11b: {  	[tilespmem:s15+$0x18250] =	vst v27;
	v31 =	vmul.f32 v23, v16;
	v32 =	vld [tilespmem:s15+$0x182C0]  }
0x11c: {  	v26 =	vld [tilespmem:s15+$0x18290];
	[tilespmem:s15+$0x18260] =	vst v3;
	v3 =	vmul.f32 v25, v29  }
0x11d: {  	[tilespmem:s15+$0x18270] =	vst v31;
	v40 =	vmul.f32 v33, v29;
	v35 =	vld [tilespmem:s15+$0x182E0]  }
0x11e: {  	v30 =	vld [tilespmem:s15+$0x182B0];
	[tilespmem:s15+$0x18280] =	vst v3;
	v3 =	vmul.f32 v28, v29  }
0x11f: {  	v44 =	vmul.f32 v36, v29;
	[tilespmem:s15+$0x182D0] =	vst v40;
	v38 =	vld [tilespmem:s15+$0x18300]  }
0x120: {  	v39 =	vld [tilespmem:s15+$0x18310];
	[tilespmem:s15+$0x182A0] =	vst v3;
	v3 =	vmul.f32 v32, v29  }
0x121: {  	v34 =	vmul.f32 v26, v29;
	[tilespmem:s15+$0x182F0] =	vst v44;
	v41 =	vld [tilespmem:s15+$0x18320]  }
0x122: {  	v43 =	vld [tilespmem:s15+$0x18330];
	v42 =	vbroadcast v2, $0x6;
	[tilespmem:s15+$0x182C0] =	vst v3;
	v3 =	vmul.f32 v35, v29  }
0x123: {  	[tilespmem:s15+$0x18290] =	vst v34;
	v37 =	vmul.f32 v30, v29;
	v45 =	vld [tilespmem:s15+$0x18340]  }
0x124: {  	v46 =	vld [tilespmem:s15+$0x18350];
	[tilespmem:s15+$0x182E0] =	vst v3;
	v3 =	vmul.f32 v38, v42  }
0x125: {  	[tilespmem:s15+$0x182B0] =	vst v37;
	v48 =	vld [tilespmem:s15+$0x18360];
	v47 =	vmul.f32 v39, v42  }
0x126: {  	v49 =	vld [tilespmem:s15+$0x18370];
	[tilespmem:s15+$0x18300] =	vst v3;
	v3 =	vmul.f32 v41, v42  }
0x127: {  	v50 =	vmul.f32 v43, v42;
	v51 =	vld [tilespmem:s15+$0x18380];
	[tilespmem:s15+$0x18310] =	vst v47  }
0x128: {  	v52 =	vld [tilespmem:s15+$0x18390];
	[tilespmem:s15+$0x18320] =	vst v3;
	v3 =	vmul.f32 v45, v42  }
0x129: {  	v53 =	vmul.f32 v46, v42;
	[tilespmem:s15+$0x18330] =	vst v50;
	v54 =	vld [tilespmem:s15+$0x183A0]  }
0x12a: {  	v56 =	vld [tilespmem:s15+$0x183B0];
	v55 =	vbroadcast v2, $0x7;
	[tilespmem:s15+$0x18340] =	vst v3;
	v3 =	vmul.f32 v48, v42  }
0x12b: {  	v57 =	vmul.f32 v49, v42;
	[tilespmem:s15+$0x18350] =	vst v53;
	v58 =	vld [tilespmem:s15+$0x183C0]  }
0x12c: {  	v59 =	vld [tilespmem:s15+$0x183D0];
	[tilespmem:s15+$0x18360] =	vst v3;
	v3 =	vmul.f32 v51, v55  }
0x12d: {  	[tilespmem:s15+$0x18370] =	vst v57;
	v61 =	vld [tilespmem:s15+$0x183E0];
	v60 =	vmul.f32 v52, v55  }
0x12e: {  	v62 =	vld [tilespmem:s15+$0x183F0];
	[tilespmem:s15+$0x18380] =	vst v3;
	v3 =	vmul.f32 v54, v55  }
0x12f: {  	v63 =	vmul.f32 v56, v55;
	v12 =	vld [tilespmem:s15+$0x18400];
	[tilespmem:s15+$0x18390] =	vst v60  }
0x130: {  	v13 =	vld [tilespmem:s15+$0x18410];
	[tilespmem:s15+$0x183A0] =	vst v3;
	v3 =	vmul.f32 v58, v55  }
0x131: {  	v14 =	vmul.f32 v59, v55;
	[tilespmem:s15+$0x183B0] =	vst v63;
	v15 =	vld [tilespmem:s15+$0x18420]  }
0x132: {  	v17 =	vld [tilespmem:s15+$0x18430];
	v16 =	vbroadcast v2, $0x8;
	[tilespmem:s15+$0x183C0] =	vst v3;
	v3 =	vmul.f32 v61, v55  }
0x133: {  	v18 =	vmul.f32 v62, v55;
	[tilespmem:s15+$0x183D0] =	vst v14;
	v19 =	vld [tilespmem:s15+$0x18440]  }
0x134: {  	v20 =	vld [tilespmem:s15+$0x18450];
	[tilespmem:s15+$0x183E0] =	vst v3;
	v3 =	vmul.f32 v12, v16  }
0x135: {  	[tilespmem:s15+$0x183F0] =	vst v18;
	v22 =	vld [tilespmem:s15+$0x18460];
	v21 =	vmul.f32 v13, v16  }
0x136: {  	v23 =	vld [tilespmem:s15+$0x18470];
	[tilespmem:s15+$0x18400] =	vst v3;
	v3 =	vmul.f32 v15, v16  }
0x137: {  	v24 =	vmul.f32 v17, v16;
	v25 =	vld [tilespmem:s15+$0x18480];
	[tilespmem:s15+$0x18410] =	vst v21  }
0x138: {  	v26 =	vld [tilespmem:s15+$0x18490];
	[tilespmem:s15+$0x18420] =	vst v3;
	v3 =	vmul.f32 v19, v16  }
0x139: {  	v27 =	vmul.f32 v20, v16;
	[tilespmem:s15+$0x18430] =	vst v24;
	v28 =	vld [tilespmem:s15+$0x184A0]  }
0x13a: {  	v30 =	vld [tilespmem:s15+$0x184B0];
	v29 =	vbroadcast v2, $0x9;
	[tilespmem:s15+$0x18440] =	vst v3;
	v3 =	vmul.f32 v22, v16  }
0x13b: {  	v31 =	vmul.f32 v23, v16;
	[tilespmem:s15+$0x18450] =	vst v27;
	v32 =	vld [tilespmem:s15+$0x184C0]  }
0x13c: {  	v33 =	vld [tilespmem:s15+$0x184D0];
	[tilespmem:s15+$0x18460] =	vst v3;
	v3 =	vmul.f32 v25, v29  }
0x13d: {  	[tilespmem:s15+$0x18470] =	vst v31;
	v35 =	vld [tilespmem:s15+$0x184E0];
	v34 =	vmul.f32 v26, v29  }
0x13e: {  	v36 =	vld [tilespmem:s15+$0x184F0];
	[tilespmem:s15+$0x18480] =	vst v3;
	v3 =	vmul.f32 v28, v29  }
0x13f: {  	v37 =	vmul.f32 v30, v29;
	v38 =	vld [tilespmem:s15+$0x18500];
	[tilespmem:s15+$0x18490] =	vst v34  }
0x140: {  	v39 =	vld [tilespmem:s15+$0x18510];
	[tilespmem:s15+$0x184A0] =	vst v3;
	v3 =	vmul.f32 v32, v29  }
0x141: {  	v40 =	vmul.f32 v33, v29;
	[tilespmem:s15+$0x184B0] =	vst v37;
	v41 =	vld [tilespmem:s15+$0x18520]  }
0x142: {  	v43 =	vld [tilespmem:s15+$0x18530];
	v42 =	vbroadcast v2, $0xA;
	[tilespmem:s15+$0x184C0] =	vst v3;
	v3 =	vmul.f32 v35, v29  }
0x143: {  	v44 =	vmul.f32 v36, v29;
	[tilespmem:s15+$0x184D0] =	vst v40;
	v45 =	vld [tilespmem:s15+$0x18540]  }
0x144: {  	v46 =	vld [tilespmem:s15+$0x18550];
	[tilespmem:s15+$0x184E0] =	vst v3;
	v3 =	vmul.f32 v38, v42  }
0x145: {  	[tilespmem:s15+$0x184F0] =	vst v44;
	v48 =	vld [tilespmem:s15+$0x18560];
	v47 =	vmul.f32 v39, v42  }
0x146: {  	v49 =	vld [tilespmem:s15+$0x18570];
	[tilespmem:s15+$0x18500] =	vst v3;
	v3 =	vmul.f32 v41, v42  }
0x147: {  	v50 =	vmul.f32 v43, v42;
	v51 =	vld [tilespmem:s15+$0x18580];
	[tilespmem:s15+$0x18510] =	vst v47  }
0x148: {  	v52 =	vld [tilespmem:s15+$0x18590];
	[tilespmem:s15+$0x18520] =	vst v3;
	v3 =	vmul.f32 v45, v42  }
0x149: {  	v53 =	vmul.f32 v46, v42;
	[tilespmem:s15+$0x18530] =	vst v50;
	v54 =	vld [tilespmem:s15+$0x185A0]  }
0x14a: {  	v56 =	vld [tilespmem:s15+$0x185B0];
	v55 =	vbroadcast v2, $0xB;
	[tilespmem:s15+$0x18540] =	vst v3;
	v3 =	vmul.f32 v48, v42  }
0x14b: {  	v57 =	vmul.f32 v49, v42;
	[tilespmem:s15+$0x18550] =	vst v53;
	v58 =	vld [tilespmem:s15+$0x185C0]  }
0x14c: {  	v59 =	vld [tilespmem:s15+$0x185D0];
	[tilespmem:s15+$0x18560] =	vst v3;
	v3 =	vmul.f32 v51, v55  }
0x14d: {  	[tilespmem:s15+$0x18570] =	vst v57;
	v61 =	vld [tilespmem:s15+$0x185E0];
	v60 =	vmul.f32 v52, v55  }
0x14e: {  	v62 =	vld [tilespmem:s15+$0x185F0];
	[tilespmem:s15+$0x18580] =	vst v3;
	v3 =	vmul.f32 v54, v55  }
0x14f: {  	v63 =	vmul.f32 v56, v55;
	v12 =	vld [tilespmem:s15+$0x18600];
	[tilespmem:s15+$0x18590] =	vst v60  }
0x150: {  	v13 =	vld [tilespmem:s15+$0x18610];
	[tilespmem:s15+$0x185A0] =	vst v3;
	v3 =	vmul.f32 v58, v55  }
0x151: {  	v14 =	vmul.f32 v59, v55;
	[tilespmem:s15+$0x185B0] =	vst v63;
	v15 =	vld [tilespmem:s15+$0x18620]  }
0x152: {  	v17 =	vld [tilespmem:s15+$0x18630];
	v16 =	vbroadcast v2, $0xC;
	[tilespmem:s15+$0x185C0] =	vst v3;
	v3 =	vmul.f32 v61, v55  }
0x153: {  	v18 =	vmul.f32 v62, v55;
	[tilespmem:s15+$0x185D0] =	vst v14;
	v19 =	vld [tilespmem:s15+$0x18640]  }
0x154: {  	v20 =	vld [tilespmem:s15+$0x18650];
	[tilespmem:s15+$0x185E0] =	vst v3;
	v3 =	vmul.f32 v12, v16  }
0x155: {  	[tilespmem:s15+$0x185F0] =	vst v18;
	v22 =	vld [tilespmem:s15+$0x18660];
	v21 =	vmul.f32 v13, v16  }
0x156: {  	v23 =	vld [tilespmem:s15+$0x18670];
	[tilespmem:s15+$0x18600] =	vst v3;
	v3 =	vmul.f32 v15, v16  }
0x157: {  	v24 =	vmul.f32 v17, v16;
	v25 =	vld [tilespmem:s15+$0x18680];
	[tilespmem:s15+$0x18610] =	vst v21  }
0x158: {  	v26 =	vld [tilespmem:s15+$0x18690];
	[tilespmem:s15+$0x18620] =	vst v3;
	v3 =	vmul.f32 v19, v16  }
0x159: {  	v27 =	vmul.f32 v20, v16;
	[tilespmem:s15+$0x18630] =	vst v24;
	v28 =	vld [tilespmem:s15+$0x186A0]  }
0x15a: {  	v30 =	vld [tilespmem:s15+$0x186B0];
	v29 =	vbroadcast v2, $0xD;
	[tilespmem:s15+$0x18640] =	vst v3;
	v3 =	vmul.f32 v22, v16  }
0x15b: {  	v31 =	vmul.f32 v23, v16;
	[tilespmem:s15+$0x18650] =	vst v27;
	v32 =	vld [tilespmem:s15+$0x186C0]  }
0x15c: {  	v33 =	vld [tilespmem:s15+$0x186D0];
	[tilespmem:s15+$0x18660] =	vst v3;
	v3 =	vmul.f32 v25, v29  }
0x15d: {  	[tilespmem:s15+$0x18670] =	vst v31;
	v35 =	vld [tilespmem:s15+$0x186E0];
	v34 =	vmul.f32 v26, v29  }
0x15e: {  	v36 =	vld [tilespmem:s15+$0x186F0];
	[tilespmem:s15+$0x18680] =	vst v3;
	v3 =	vmul.f32 v28, v29  }
0x15f: {  	v37 =	vmul.f32 v30, v29;
	v38 =	vld [tilespmem:s15+$0x18700];
	[tilespmem:s15+$0x18690] =	vst v34  }
0x160: {  	v39 =	vld [tilespmem:s15+$0x18710];
	[tilespmem:s15+$0x186A0] =	vst v3;
	v3 =	vmul.f32 v32, v29  }
0x161: {  	v40 =	vmul.f32 v33, v29;
	[tilespmem:s15+$0x186B0] =	vst v37;
	v41 =	vld [tilespmem:s15+$0x18720]  }
0x162: {  	v43 =	vld [tilespmem:s15+$0x18730];
	v42 =	vbroadcast v2, $0xE;
	[tilespmem:s15+$0x186C0] =	vst v3;
	v3 =	vmul.f32 v35, v29  }
0x163: {  	v44 =	vmul.f32 v36, v29;
	[tilespmem:s15+$0x186D0] =	vst v40;
	v45 =	vld [tilespmem:s15+$0x18740]  }
0x164: {  	v46 =	vld [tilespmem:s15+$0x18750];
	[tilespmem:s15+$0x186E0] =	vst v3;
	v3 =	vmul.f32 v38, v42  }
0x165: {  	[tilespmem:s15+$0x186F0] =	vst v44;
	v48 =	vld [tilespmem:s15+$0x18760];
	v47 =	vmul.f32 v39, v42  }
0x166: {  	v49 =	vld [tilespmem:s15+$0x18770];
	[tilespmem:s15+$0x18700] =	vst v3;
	v3 =	vmul.f32 v41, v42  }
0x167: {  	v50 =	vmul.f32 v43, v42;
	v51 =	vld [tilespmem:s15+$0x18780];
	[tilespmem:s15+$0x18710] =	vst v47  }
0x168: {  	v52 =	vld [tilespmem:s15+$0x18790];
	[tilespmem:s15+$0x18720] =	vst v3;
	v3 =	vmul.f32 v45, v42  }
0x169: {  	v53 =	vmul.f32 v46, v42;
	[tilespmem:s15+$0x18730] =	vst v50;
	v54 =	vld [tilespmem:s15+$0x187A0]  }
0x16a: {  	v2 =	vbroadcast v2, $0xF;
	v58 =	vld [tilespmem:s15+$0x187D0];
	[tilespmem:s15+$0x18740] =	vst v3;
	v3 =	vmul.f32 v48, v42  }
0x16b: {  	v57 =	vld [tilespmem:s15+$0x187C0];
	v56 =	vmul.f32 v49, v42;
	[tilespmem:s15+$0x18750] =	vst v53  }
0x16c: {  	v55 =	vld [tilespmem:s15+$0x187B0];
	[tilespmem:s15+$0x18760] =	vst v3;
	v3 =	vmul.f32 v51, v2  }
0x16d: {  	v60 =	vld [tilespmem:s15+$0x187E0];
	v59 =	vmul.f32 v52, v2;
	[tilespmem:s15+$0x18770] =	vst v56  }
0x16e: {  	v61 =	vld [tilespmem:s15+$0x187F0];
	[tilespmem:s15+$0x18780] =	vst v3;
	v3 =	vmul.f32 v54, v2  }
0x16f: {  	[tilespmem:s15+$0x18790] =	vst v59;
	v63 =	vmul.f32 v58, v2  }
0x170: {  	p0 =	sne.s32 s14, $0x7;
	[tilespmem:s15+$0x187A0] =	vst v3;
	v3 =	vmul.f32 v57, v2  }
.Ltmp2:
0x171: {  	v62 =	vmul.f32 v55, v2;
	[tilespmem:s15+$0x187D0] =	vst v63;
	(pc) =	sbr.rel @p0 .LBB2_8-.Ltmp2, $4  }
0x172: {  	[tilespmem:s15+$0x187C0] =	vst v3;
	v3 =	vmul.f32 v60, v2  }
0x173: {  	[tilespmem:s15+$0x187B0] =	vst v62;
	v2 =	vmul.f32 v61, v2  }
0x174: {  	[tilespmem:s15+$0x187E0] =	vst v3  }
0x175: {  	s14 =	sadd.s32 $0x1, s14;
	[tilespmem:s15+$0x187F0] =	vst v2  }
0x176: {  	s0 =	sadd.s32 $0x1, s0  }
0x177: {  	p0 =	sne.s32 s0, $0x8  }
.Ltmp3:
0x178: {  	s3 =	sadd.s32 $0x1C000, s3;
	(pc) =	sbr.rel @p0 .LBB2_5-.Ltmp3, $4  }
0x179: {  	[spmem:s1] =	stream.indirect.scatter.add.f32 [tilespmem:s26], [sflag:$0x3], $0x80, s3, s25, $0xb8;
	[tilespmem:$0x1D800] =	vst v63  }
0x17a: {  	_ =	swait.ge [sflag:s21], $0x4000  }
0x17b: {  	[sflag:s21] =	ssyncset.done $0x0  }
0x17c: {  	[sflag:s21] =	ssyncadd.s32 $0xFFFFC000  }
0x17d: {  	s31 =	sadd.s32 $0x1, s31  }
0x17e: {  	p0 =	sne.s32 s31, $0x5  }
.Ltmp4:
0x17f: {  	_ = 	snop;
	(pc) =	sbr.rel @p0 .LBB2_4-.Ltmp4, $1  }
0x180: {  	_ =	sdelay $0x3  }
0x181: {  	s0 =	stileid.u32  }
0x182: {  	[bflag:$0x0] =	sbarrier.arrive $0xFFFF;
	s0 =	sshll.u32 s0, $0x6  }
0x183: {  	s3 =	sshrl.u32 s8, $0x3;
	s14 =	rddreg [dreg:$0x3];
	s0 =	sor.u32 $0x1C03, s0  }
0x184: {  	[hbm:s14], [sflag:s0] =	dma.local [spmem:s3], $0x800  }
0x185: {  	_ =	swait.ge [sflag:s21], $0x800  }
0x186: {  	[sflag:s21] =	ssyncset.done $0x0  }
0x187: {  	s17 =	sshrl.u32 s9, $0x3;
	s31 =	rddreg [dreg:$0x4];
	[sflag:s21] =	ssyncadd.s32 $0xFFFFF800  }
0x188: {  	[hbm:s31], [sflag:s0] =	dma.local [spmem:s17], $0x800  }
0x189: {  	_ =	swait.ge [sflag:s21], $0x800  }
0x18a: {  	[sflag:s21] =	ssyncset.done $0x0  }
0x18b: {  	s14 =	sshrl.u32 s10, $0x3;
	s15 =	rddreg [dreg:$0x5];
	[sflag:s21] =	ssyncadd.s32 $0xFFFFF800  }
0x18c: {  	[hbm:s15], [sflag:s0] =	dma.local [spmem:s14], $0x800  }
0x18d: {  	_ =	swait.ge [sflag:s21], $0x800  }
0x18e: {  	[sflag:s21] =	ssyncset.done $0x0  }
0x18f: {  	s16 =	sshrl.u32 s11, $0x3;
	s17 =	rddreg [dreg:$0x6];
	[sflag:s21] =	ssyncadd.s32 $0xFFFFF800  }
0x190: {  	[hbm:s17], [sflag:s0] =	dma.local [spmem:s16], $0x800  }
0x191: {  	s2 =	sadd.s32 $0x1, s2;
	_ =	swait.ge [sflag:s21], $0x800  }
0x192: {  	p0 =	sne.s32 s2, s19;
	[sflag:s21] =	ssyncset.done $0x0  }
.Ltmp5:
0x193: {  	s31 =	sshrl.u32 s12, $0x3;
	[sflag:s21] =	ssyncadd.s32 $0xFFFFF800;
	(pc) =	sbr.rel @p0 .LBB2_1-.Ltmp5, $4  }
0x194: {  	[hbm:s18], [sflag:s0] =	dma.local [spmem:s31], $0x800  }
0x195: {  	_ =	swait.ge [sflag:s21], $0x800  }
0x196: {  	[sflag:s21] =	ssyncset.done $0x0  }
0x197: {  	[sflag:s21] =	ssyncadd.s32 $0xFFFFF800  }
0x198: {  	_ =	sfence.sel $0x180000  }
0x199: {  	[bflag:$0x0] =	sbarrier.arrive $0xFFFF  }
0x19a: {  	_ =	strace $0x9000004A  }
0x19b: {  	s0 =	stileid.u32;
	[bflag:$0x2] =	sbarrier.arrive $0xFFFF  }
0x19c: {  	p0 =	sne.s32 s0, $0x0;
	s0 =	rddreg [dreg:$0x2]  }
0x19d: {  	s0 =	sadd.s32 @!p0 $0x100000, s0  }
0x19e: {  	[sflag:s0] =	ssyncadd.tile.s32 @!p0 $0x1;
	_ =	shalt  }
.Lfunc_end2:
_tile_overlayer_lowered:
.L_overlay_start_2:
0x19f: {  	(tag) =	ssettag $0x2  }
0x1a0: {  	s0 =	rddreg [dreg:$0x0];
	s2 =	stileid.u32  }
0x1a1: {  	s1 =	rddreg [dreg:$0x1];
	p0 =	sne.s32 s2, $0x0  }
0x1a2: {  	s3 =	rddreg [dreg:$0x2];
	[bflag:$0x3] =	sbarrier.arrive $0xFFFF;
	s2 =	simm.s32 @!p0 $0x1C03  }
0x1a3: {  	[timem:s3], [sflag:s2] =	dma.local @!p0 [hbm:s0], s1  }
0x1a4: {  	s0 =	simm.s32 @!p0 $0x3  }
0x1a5: {  	_ =	swait.ge @!p0 [sflag:s0], s1  }
0x1a6: {  	s1 =	ssub.s32 @!p0 $0x0, s1;
	[sflag:s0] =	ssyncset.done @!p0 $0x0  }
0x1a7: {  	[sflag:s0] =	ssyncadd.s32 @!p0 s1  }
0x1a8: {  	[bflag:$0x3] =	sbarrier.arrive $0xFFFF  }
0x1a9: {  	_ =	shalt  }

// kernel: kernel.15.cloned.1.call-start
scs
__scs_entry_jumppad:
0x0: {  	(pc) =	sbr.rel $0x88, $3  }
0x1: {  	(tag) =	ssettag $0x0;
	lr =	simm.s32 $0x1  }
0x2: {  	[smem:$0x3F9A] =	sst lr;
	_ =	strace $0xD0000000  }
0x3: {  	_ = 	snop  }
0x4: {  	_ = 	snop  }
0x5: {  	_ = 	snop  }
0x6: {  	_ = 	snop  }
0x7: {  	_ = 	snop  }
__scs_overlays_trampoline_lowered:
0x8: {  	[smem:$0x3FA9] =	sst s0  }
0x9: {  	[smem:$0x3FAA] =	sst s1  }
0xa: {  	[smem:$0x3FAB] =	sst s2  }
0xb: {  	[smem:$0x3FAC] =	sst s3  }
0xc: {  	[smem:$0x3FAD] =	sst s4  }
0xd: {  	[smem:$0x3FAE] =	sst s5  }
0xe: {  	[smem:$0x3FAF] =	sst s6  }
0xf: {  	[smem:$0x3FB0] =	sst s7  }
0x10: {  	[smem:$0x3FB1] =	sst s8  }
0x11: {  	[smem:$0x3FB2] =	sst s9;
	s0 =	simm.s32 @!p0 $0x0  }
0x12: {  	s1 =	sld [smem:$0x3F98];
	s0 =	simm.s32 @p0 $0x1  }
0x13: {  	[smem:$0x3FB3] =	sst s0;
	s0 =	simm.s32 @!p1 $0x0  }
0x14: {  	s2 =	sld [smem:$0x3F97];
	s0 =	simm.s32 @p1 $0x1  }
0x15: {  	[smem:$0x3FB4] =	sst s0;
	s0 =	simm.s32 @!p2 $0x0  }
0x16: {  	s3 =	sld [smem:$0x3FDB];
	s0 =	simm.s32 @p2 $0x1  }
0x17: {  	s4 =	simm.s32 $0x1BF5;
	[smem:$0x3FB6] =	sst s0  }
0x18: {  	s0 =	sld [smem:$0x3F99];
	_ =	swait.ge [sflag:s4], $0x0  }
0x19: {  	s7 =	sld [smem:$0x3F9A]  }
0x1a: {  	s8 =	sadd.s32 $0xFFFFE003, lr  }
0x1b: {  	s9 =	sadd.s32 $0xFFFFFEF7, lr;
	s5 =	simm.s32 $0xFFFFFFFF;
	p2 =	slt.u32 s8, $0xFFFFF086  }
0x1c: {  	p1 =	slt.u32 s9, $0xF7A;
	s5 =	simm.s32 @!p2 $0x0  }
0x1d: {  	s5 =	simm.s32 @p1 $0x1;
	p0 =	seq.s32 s7, s2  }
0x1e: {  	s7 =	smul.u32 @!p0 $0xF7A, s2;
	p2 =	seq.s32 @!p0 s5, $0x0  }
0x1f: {  	s9 =	smul.u32 $0xF7A, s1;
	s8 =	simm.s32 @!p0 $0x1BF5;
	p2 =	por !p2, p0  }
0x20: {  	[sflag:s8] =	ssyncset.s32 @!p0 $0xFFFFF086;
	s6 =	sadd.s32 @!p0 s3, s7;
	s7 =	simm.s32 @!p0 $0x108  }
0x21: {  	s3 =	sadd.s32 s3, s9;
	s6 =	sadd.s32 @!p0 $0x88, s6;
	s7 =	simm.s32 @p2 $0x1082  }
0x22: {  	[simem:s7], [sflag:s8] =	dma.local @!p0 [hbm:s6], $0xF7A  }
0x23: {  	s9 =	sor.u32 $0xD0000000, s2;
	s6 =	simm.s32 $0x108;
	_ =	swait.ge @!p0 [sflag:s8], $0x0  }
0x24: {  	s3 =	sadd.s32 $0x88, s3;
	s6 =	simm.s32 @!p1 $0x1082;
	[sflag:s4] =	ssyncset.s32 $0xFFFFF086  }
0x25: {  	[simem:s6], [sflag:s4] =	dma.local [hbm:s3], $0xF7A  }
0x26: {  	[smem:$0x3F9A] =	sst s1;
	(tag) =	ssettag s2;
	_ =	strace s9  }
0x27: {  	s1 =	sld [smem:$0x3FAA]  }
0x28: {  	s2 =	sld [smem:$0x3FAB]  }
0x29: {  	s4 =	sld [smem:$0x3FAD]  }
0x2a: {  	p0 =	seq.s32 s5, $0x0;
	s5 =	sld [smem:$0x3FAE]  }
0x2b: {  	s6 =	sld [smem:$0x3FAF]  }
0x2c: {  	s7 =	sld [smem:$0x3FB0]  }
0x2d: {  	s3 =	simm.s32 $0x108;
	s8 =	sld [smem:$0x3FB1]  }
0x2e: {  	s3 =	simm.s32 @!p0 $0x1082;
	s9 =	sld [smem:$0x3FB2]  }
0x2f: {  	lr =	sadd.s32 s0, s3;
	s0 =	sld [smem:$0x3FA9]  }
0x30: {  	s3 =	sld [smem:$0x3FAC]  }
0x31: {  	[smem:$0x3FB5] =	sst s10  }
0x32: {  	s10 =	sld [smem:$0x3FB3];
	_ =	sdelay $0x3  }
0x33: {  	p0 =	seq.s32 s10, $0x1;
	s10 =	sld [smem:$0x3FB5];
	_ =	sdelay $0x3  }
0x34: {  	[smem:$0x3FB5] =	sst s10  }
0x35: {  	s10 =	sld [smem:$0x3FB4];
	_ =	sdelay $0x3  }
0x36: {  	p1 =	seq.s32 s10, $0x1;
	s10 =	sld [smem:$0x3FB5];
	_ =	sdelay $0x3  }
0x37: {  	[smem:$0x3FB5] =	sst s10  }
0x38: {  	s10 =	sld [smem:$0x3FB6]  }
0x39: {  	_ = 	snop;
	(pc) =	sbr.ind lr, $3  }
0x3a: {  	_ = 	snop  }
0x3b: {  	_ = 	snop  }
0x3c: {  	p2 =	seq.s32 s10, $0x1;
	s10 =	sld [smem:$0x3FB5]  }
0x3d: {  	_ =	shalt  }
0x3e: {  	_ =	shalt  }
0x3f: {  	_ =	shalt  }
0x40: {  	_ =	shalt  }
0x41: {  	_ =	shalt  }
0x42: {  	_ =	shalt  }
0x43: {  	_ =	shalt  }
0x44: {  	_ =	shalt  }
0x45: {  	_ =	shalt  }
0x46: {  	_ =	shalt  }
0x47: {  	_ =	shalt  }
0x48: {  	_ =	shalt  }
0x49: {  	_ =	shalt  }
0x4a: {  	_ =	shalt  }
0x4b: {  	_ =	shalt  }
0x4c: {  	_ =	shalt  }
0x4d: {  	_ =	shalt  }
0x4e: {  	_ =	shalt  }
0x4f: {  	_ =	shalt  }
0x50: {  	_ =	shalt  }
0x51: {  	_ =	shalt  }
0x52: {  	_ =	shalt  }
0x53: {  	_ =	shalt  }
0x54: {  	_ =	shalt  }
0x55: {  	_ =	shalt  }
0x56: {  	_ =	shalt  }
0x57: {  	_ =	shalt  }
0x58: {  	_ =	shalt  }
0x59: {  	_ =	shalt  }
0x5a: {  	_ =	shalt  }
0x5b: {  	_ =	shalt  }
0x5c: {  	_ =	shalt  }
0x5d: {  	_ =	shalt  }
0x5e: {  	_ =	shalt  }
0x5f: {  	_ =	shalt  }
0x60: {  	_ =	shalt  }
0x61: {  	_ =	shalt  }
0x62: {  	_ =	shalt  }
0x63: {  	_ =	shalt  }
0x64: {  	_ =	shalt  }
0x65: {  	_ =	shalt  }
0x66: {  	_ =	shalt  }
0x67: {  	_ =	shalt  }
0x68: {  	_ =	shalt  }
0x69: {  	_ =	shalt  }
0x6a: {  	_ =	shalt  }
0x6b: {  	_ =	shalt  }
0x6c: {  	_ =	shalt  }
0x6d: {  	_ =	shalt  }
0x6e: {  	_ =	shalt  }
0x6f: {  	_ =	shalt  }
0x70: {  	_ =	shalt  }
0x71: {  	_ =	shalt  }
0x72: {  	_ =	shalt  }
0x73: {  	_ =	shalt  }
0x74: {  	_ =	shalt  }
0x75: {  	_ =	shalt  }
0x76: {  	_ =	shalt  }
0x77: {  	_ =	shalt  }
0x78: {  	_ =	shalt  }
0x79: {  	_ =	shalt  }
0x7a: {  	_ =	shalt  }
0x7b: {  	_ =	shalt  }
0x7c: {  	_ =	shalt  }
0x7d: {  	_ =	shalt  }
0x7e: {  	_ =	shalt  }
0x7f: {  	_ =	shalt  }
0x80: {  	_ =	shalt  }
0x81: {  	_ =	shalt  }
0x82: {  	_ =	shalt  }
0x83: {  	_ =	shalt  }
0x84: {  	_ =	shalt  }
0x85: {  	_ =	shalt  }
0x86: {  	_ =	shalt  }
0x87: {  	_ =	shalt  }
.Lfunc_end0:
.L_simem_size_0:
called_computation.2_lowered:
.L_overlay_start_0:
0x88: {  	s2 =	sld [smem:$0x3FD9]  }
0x89: {  	s3 =	sld [smem:$0x3FFE];
	_ =	sdelay $0x1  }
0x8a: {  	s1 =	srdreg.scid  }
0x8b: {  	s0 =	sand.u32 $0x1, s1  }
0x8c: {  	s17 =	sshll.u32 s0, $0xA;
	s2 =	sadd.s32 s3, s2  }
0x8d: {  	s2 =	sadd.s32 s2, s17  }
0x8e: {  	[smem:$0x3FC1] =	sst s2  }
0x8f: {  	_ = 	snop  }
0x90: {  	s2 =	sld [smem:$0x3FD0];
	(tm) =	ssettm $0x1  }
0x91: {  	s18 =	sld [smem:$0x3FFB];
	_ =	sdelay $0x3  }
0x92: {  	_ =	strace s18  }
0x93: {  	s3 =	sld [smem:$0x3FFC];
	_ =	sdelay $0x3  }
0x94: {  	_ =	strace s3  }
0x95: {  	s3 =	sld [smem:$0x3FFD];
	_ =	sdelay $0x3  }
0x96: {  	_ =	strace s3  }
0x97: {  	_ =	strace $0x8FFFFFFF  }
0x98: {  	s19 =	sld [smem:$0x3FDB];
	_ =	sdelay $0x1  }
0x99: {  	s4 =	simm.s32 $_scs_section_size  }
0x9a: {  	s5 =	simm.s32 $_size__tile_overlayer_lowered;
	s6 =	simm.s32 $_tile_overlayer_lowered  }
0x9b: {  	s22 =	simm.s32 $0x1BFF;
	s21 =	sshll.u32 s6, $0x1;
	s3 =	sadd.s32 s4, s19  }
0x9c: {  	s7 =	simm.s32 $0x0;
	s20 =	sshll.u32 s5, $0x1;
	s5 =	sadd.s32 s21, s3  }
0x9d: {  	[timem:s7], [sflag:s22] =	dma.local [hbm:s5], s20  }
0x9e: {  	_ =	swait.ge [sflag:s22], s20  }
0x9f: {  	s4 =	ssub.s32 $0x0, s20;
	[sflag:s22] =	ssyncset.done $0x0  }
0xa0: {  	[sflag:s22] =	ssyncadd.s32 s4;
	_ =	sdelay $0x1  }
0xa1: {  	s23 =	simm.s32 $0x1B8B  }
0xa2: {  	_ =	swait.ge [sflag:s23], $0x1  }
0xa3: {  	[sflag:s23] =	ssyncset.done $0x0  }
0xa4: {  	s25 =	simm.s32 $0x1B8E;
	s24 =	sld [smem:$0x3FFE];
	[sflag:s23] =	ssyncadd.s32 $0xFFFFFFFF  }
0xa5: {  	s26 =	simm.s32 $execute0_lowered;
	[smem:$0x3FD2] =	sst s25  }
0xa6: {  	s5 =	sshll.u32 s26, $0x1;
	_ =	strace $0x8000004C;
	[dreg:$0x1] =	wrdreg $0xFFFFFFFF  }
0xa7: {  	s28 =	simm.s32 $_size_execute0_lowered;
	s3 =	sadd.s32 s3, s5;
	[dreg:$0x0] =	wrdreg $0x0  }
0xa8: {  	s5 =	sshll.u32 s28, $0x1;
	[dreg:$0x2] =	wrdreg s3  }
0xa9: {  	[dreg:$0x3] =	wrdreg s5  }
0xaa: {  	[dreg:$0x4] =	wrdreg $0xC0  }
0xab: {  	_ =	task [dreg:s7], $0x5FFFF  }
0xac: {  	[dreg:$0x1] =	wrdreg $0xFFFFFFFF  }
0xad: {  	[dreg:$0x0] =	wrdreg $0x60  }
0xae: {  	[dreg:$0x2] =	wrdreg s2  }
0xaf: {  	[dreg:$0x3] =	wrdreg s24  }
0xb0: {  	[dreg:$0x4] =	wrdreg $0x0  }
0xb1: {  	[dreg:$0x5] =	wrdreg $0x9  }
0xb2: {  	_ =	task.clear_ibuf [dreg:s7], $0x6FFFF;
	_ =	strace $0x9000004C  }
0xb3: {  	s29 =	simm.s32 $0x9;
	_ =	strace $0x8000004E  }
0xb4: {  	_ =	swait.ge [sflag:s29], $0x1  }
0xb5: {  	[sflag:s29] =	ssyncadd.s32 $0xFFFFFFFF  }
0xb6: {  	_ =	strace $0x9000004E  }
0xb7: {  	_ =	sfence  }
0xb8: {  	s30 =	sld [smem:$0x0];
	_ =	sdelay $0x2  }
0xb9: {  	s31 =	sshll.u32 s1, $0xD;
	s1 =	sshrl.u32 s1, $0x2  }
0xba: {  	s3 =	sand.u32 $0x4000, s31;
	s1 =	sadd.s32 s1, s30  }
0xbb: {  	s0 =	sor.u32 s3, s0;
	s1 =	sshll.u32 s1, $0x11  }
0xbc: {  	s0 =	sor.u32 s1, s0  }
0xbd: {  	s0 =	sadd.s32 $0x8F2B, s0  }
0xbe: {  	[sflag:s0] =	ssyncadd.remote.s32 $0x1  }
0xbf: {  	_ =	sfence.sel $0xFFFF  }
0xc0: {  	[dreg:$0x0] =	wrdreg $0xFFFFFFFF;
	(pc) =	sbr.abs _section_cstart, $3  }
0xc1: {  	[dreg:$0x1] =	wrdreg $0xFFFFFFFF  }
0xc2: {  	_ =	task.clear_ibuf [dreg:s7], $0x2FFFF;
	_ =	strace $0x9FFFFFFF  }
0xc3: {  	(tm) =	ssettm $0x7FFFFFFF  }
tec
execute0_lowered:
.L_overlay_start_1:
0x0: {  	(tag) =	ssettag $0x1  }
0x1: {  	s1 =	rddreg [dreg:$0x0]  }
0x2: {  	s5 =	rddreg [dreg:$0x1]  }
0x3: {  	s3 =	rddreg [dreg:$0x2];
	s4 =	srdreg.scid  }
0x4: {  	s0 =	rddreg [dreg:$0x3];
	s2 =	stileid.u32;
	s12 =	simm.s32 $0x3  }
0x5: {  	s13 =	simm.s32 $0x280;
	s14 =	simm.s32 $0x2A80;
	s15 =	simm.s32 $0x5280  }
0x6: {  	s16 =	simm.s32 $0x80;
	s17 =	simm.s32 $0x7D00;
	s18 =	simm.s32 $0x7D80  }
0x7: {  	s19 =	simm.s32 $0x1;
	s20 =	simm.s32 $0x2;
	s23 =	simm.s32 $0x20  }
0x8: {  	s24 =	simm.s32 $0x10;
	s25 =	simm.s32 $0x0;
	s8 =	smul.u32 $0x500, s2  }
0x9: {  	s6 =	sand.u32 $0x1, s4;
	s4 =	simm.s32 $0x0;
	s29 =	smul.u32 $0xA00, s2  }
0xa: {  	s21 =	sshll.u32 s2, $0x6;
	s7 =	sshll.u32 s6, $0x4;
	[smem:$0x7FF] =	sst s4  }
0xb: {  	s9 =	sshll.u32 s6, $0x7;
	s6 =	ssub.s32 $0x2, s6;
	s21 =	sor.u32 $0x1C03, s21  }
0xc: {  	s7 =	sor.u32 s2, s7;
	_ =	strace $0x8000004D;
	s8 =	sor.u32 s9, s8  }
0xd: {  	s30 =	sshrl.u32 s6, $0x1;
	s7 =	smul.u32 $0x500, s7;
	s8 =	sshrl.u32 s8, $0x3  }
0xe: {  	s31 =	sshrl.u32 s29, $0x2;
	s11 =	ssub.s32 s6, s30;
	s10 =	sadd.s32 s8, s5  }
0xf: {  	s8 =	sadd.s32 s31, s3;
	s7 =	sadd.s32 s7, s5;
	s9 =	sadd.s32 $0x14800, s10  }
0x10: {  	s10 =	smax.u32 s11, $0x1;
	s11 =	simm.s32 $0x5500;
	s22 =	sshrl.u32 s8, $0x3  }
0x11: {  	v0 =	vimm.f32 $0.0e+00;
	s5 =	sadd.s32 $0x15200, s7;
	s6 =	sadd.s32 $0x800, s7;
	s7 =	sadd.s32 $0xA800, s7  }
.LBB2_1:
0x12: {  	[tilespmem:s11], [sflag:$0x3] =	stream.linear.gather [hbm4b:s5+s4], $0x2800, $0x38;
	[tilespmem:$0x7E00] =	vst v63  }
0x13: {  	_ =	swait.ge [sflag:s12], $0x2800  }
0x14: {  	[sflag:s12] =	ssyncset.done $0x0  }
0x15: {  	[sflag:s12] =	ssyncadd.s32 $0xFFFFD800  }
0x16: {  	[tilespmem:s13], [sflag:$0x3] =	stream.linear.gather [hbm4b:s6+s4], $0x2800, $0x38;
	[tilespmem:$0x7E00] =	vst v63  }
0x17: {  	_ =	swait.ge [sflag:s12], $0x2800  }
0x18: {  	[sflag:s12] =	ssyncset.done $0x0  }
0x19: {  	[sflag:s12] =	ssyncadd.s32 $0xFFFFD800  }
0x1a: {  	[tilespmem:s14], [sflag:$0x3] =	stream.linear.gather [hbm4b:s7+s4], $0x2800, $0x38;
	[tilespmem:$0x7E00] =	vst v63  }
0x1b: {  	_ =	swait.ge [sflag:s12], $0x2800  }
0x1c: {  	[sflag:s12] =	ssyncset.done $0x0  }
0x1d: {  	[sflag:s12] =	ssyncadd.s32 $0xFFFFD800  }
0x1e: {  	[tilespmem:$0x5280] =	vst v0  }
0x1f: {  	[tilespmem:$0x5290] =	vst v0  }
0x20: {  	[tilespmem:$0x52A0] =	vst v0  }
0x21: {  	[tilespmem:$0x52B0] =	vst v0  }
0x22: {  	[tilespmem:$0x52C0] =	vst v0  }
0x23: {  	[tilespmem:$0x52D0] =	vst v0  }
0x24: {  	[tilespmem:$0x52E0] =	vst v0  }
0x25: {  	[tilespmem:$0x52F0] =	vst v0  }
0x26: {  	[tilespmem:$0x5300] =	vst v0  }
0x27: {  	[tilespmem:$0x5310] =	vst v0  }
0x28: {  	[tilespmem:$0x5320] =	vst v0  }
0x29: {  	[tilespmem:$0x5330] =	vst v0  }
0x2a: {  	[tilespmem:$0x5340] =	vst v0  }
0x2b: {  	[tilespmem:$0x5350] =	vst v0  }
0x2c: {  	[tilespmem:$0x5360] =	vst v0  }
0x2d: {  	[tilespmem:$0x5370] =	vst v0  }
0x2e: {  	[tilespmem:$0x5380] =	vst v0  }
0x2f: {  	[tilespmem:$0x5390] =	vst v0  }
0x30: {  	[tilespmem:$0x53A0] =	vst v0  }
0x31: {  	[tilespmem:$0x53B0] =	vst v0  }
0x32: {  	[tilespmem:$0x53C0] =	vst v0  }
0x33: {  	[tilespmem:$0x53D0] =	vst v0  }
0x34: {  	[tilespmem:$0x53E0] =	vst v0  }
0x35: {  	[tilespmem:$0x53F0] =	vst v0  }
0x36: {  	[tilespmem:$0x5400] =	vst v0  }
0x37: {  	[tilespmem:$0x5410] =	vst v0  }
0x38: {  	[tilespmem:$0x5420] =	vst v0  }
0x39: {  	[tilespmem:$0x5430] =	vst v0  }
0x3a: {  	[tilespmem:$0x5440] =	vst v0  }
0x3b: {  	[tilespmem:$0x5450] =	vst v0  }
0x3c: {  	[tilespmem:$0x5460] =	vst v0  }
0x3d: {  	[tilespmem:$0x5470] =	vst v0  }
0x3e: {  	[tilespmem:$0x5480] =	vst v0  }
0x3f: {  	[tilespmem:$0x5490] =	vst v0  }
0x40: {  	[tilespmem:$0x54A0] =	vst v0  }
0x41: {  	[tilespmem:$0x54B0] =	vst v0  }
0x42: {  	[tilespmem:$0x54C0] =	vst v0  }
0x43: {  	[tilespmem:$0x54D0] =	vst v0  }
0x44: {  	[tilespmem:$0x54E0] =	vst v0  }
0x45: {  	[tilespmem:$0x54F0] =	vst v0  }
0x46: {  	[spmem:s8] =	stream.linear.scatter [tilespmem:s15], [sflag:$0x3], $0x280, $0x38;
	[tilespmem:$0x7E00] =	vst v63  }
0x47: {  	_ =	swait.ge [sflag:s12], $0x280  }
0x48: {  	[sflag:s12] =	ssyncset.done $0x0  }
0x49: {  	[sflag:s12] =	ssyncadd.s32 $0xFFFFFD80  }
0x4a: {  	[bflag:$0x0] =	sbarrier.arrive $0xFFFF  }
0x4b: {  	[tilespmem:s17], [sflag:$0x1] =	stream.indirect.gather [hbm4b:s1+s16], $0x1, s11, s16, $0xb8;
	[tilespmem:$0x7E00] =	vst v63  }
0x4c: {  	s26 =	simm.s32 $0x5580  }
0x4d: {  	[tilespmem:s18], [sflag:$0x2] =	stream.indirect.gather [hbm4b:s1+s16], $0x1, s26, s16, $0xb8;
	[tilespmem:$0x7E00] =	vst v63  }
0x4e: {  	_ =	swait.ge [sflag:s19], $0x80  }
0x4f: {  	[sflag:s19] =	ssyncset.done $0x0  }
0x50: {  	[sflag:s19] =	ssyncadd.s32 $0xFFFFFF80  }
0x51: {  	s31 =	simm.s32 $0x0;
	v1 =	vld [tilespmem:$0x7D00]  }
0x52: {  	v2 =	vld [tilespmem:s31+$0x2A80];
	_ =	sdelay $0x4  }
0x53: {  	v1 =	vmul.f32 v2, v1;
	_ =	sdelay $0x1  }
0x54: {  	[tilespmem:$0x7D00] =	vst v1;
	v1 =	vld [tilespmem:$0x7D10]  }
0x55: {  	v2 =	vld [tilespmem:s31+$0x2A90];
	_ =	sdelay $0x4  }
0x56: {  	v1 =	vmul.f32 v2, v1;
	_ =	sdelay $0x1  }
0x57: {  	[tilespmem:$0x7D10] =	vst v1;
	v1 =	vld [tilespmem:$0x7D20]  }
0x58: {  	v2 =	vld [tilespmem:s31+$0x2AA0];
	_ =	sdelay $0x4  }
0x59: {  	v1 =	vmul.f32 v2, v1;
	_ =	sdelay $0x1  }
0x5a: {  	[tilespmem:$0x7D20] =	vst v1;
	v1 =	vld [tilespmem:$0x7D30]  }
0x5b: {  	v2 =	vld [tilespmem:s31+$0x2AB0];
	_ =	sdelay $0x4  }
0x5c: {  	v1 =	vmul.f32 v2, v1;
	_ =	sdelay $0x1  }
0x5d: {  	[tilespmem:$0x7D30] =	vst v1;
	v1 =	vld [tilespmem:$0x7D40]  }
0x5e: {  	v2 =	vld [tilespmem:s31+$0x2AC0];
	_ =	sdelay $0x4  }
0x5f: {  	v1 =	vmul.f32 v2, v1;
	_ =	sdelay $0x1  }
0x60: {  	[tilespmem:$0x7D40] =	vst v1;
	v1 =	vld [tilespmem:$0x7D50]  }
0x61: {  	v2 =	vld [tilespmem:s31+$0x2AD0];
	_ =	sdelay $0x4  }
0x62: {  	v1 =	vmul.f32 v2, v1;
	_ =	sdelay $0x1  }
0x63: {  	[tilespmem:$0x7D50] =	vst v1;
	v1 =	vld [tilespmem:$0x7D60]  }
0x64: {  	v2 =	vld [tilespmem:s31+$0x2AE0];
	_ =	sdelay $0x4  }
0x65: {  	v1 =	vmul.f32 v2, v1;
	_ =	sdelay $0x1  }
0x66: {  	[tilespmem:$0x7D60] =	vst v1;
	v1 =	vld [tilespmem:$0x7D70]  }
0x67: {  	v2 =	vld [tilespmem:s31+$0x2AF0];
	_ =	sdelay $0x4  }
0x68: {  	v1 =	vmul.f32 v2, v1;
	_ =	sdelay $0x1  }
0x69: {  	s28 =	simm.s32 $0x280;
	[tilespmem:$0x7D70] =	vst v1  }
0x6a: {  	[spmem:s3] =	stream.indirect.scatter.add.f32 [tilespmem:s17], [sflag:$0x3], $0x1, s28, s16, $0xb8;
	[tilespmem:$0x7E00] =	vst v63  }
0x6b: {  	p0 =	por $0x0, $0x0;
	_ =	swait.ge [sflag:s12], $0x80  }
0x6c: {  	s29 =	simm.s32 @!p0 $0x5600;
	[sflag:s12] =	ssyncset.done $0x0  }
0x6d: {  	s30 =	simm.s32 @!p0 $0x80;
	s28 =	simm.s32 @!p0 $0x7D00;
	[sflag:s12] =	ssyncadd.s32 $0xFFFFFF80  }
0x6e: {  	[tilespmem:s28], [sflag:$0x1] =	stream.indirect.gather @!p0 [hbm4b:s1+s30], $0x1, s29, s30, $0xb8;
	[tilespmem:$0x7E00] =	vst v63  }
0x6f: {  	_ =	swait.ge [sflag:s20], $0x80  }
0x70: {  	[sflag:s20] =	ssyncset.done $0x0  }
0x71: {  	[sflag:s20] =	ssyncadd.s32 $0xFFFFFF80  }
0x72: {  	v1 =	vld [tilespmem:$0x7D80]  }
0x73: {  	v2 =	vld [tilespmem:s31+$0x2B00];
	_ =	sdelay $0x4  }
0x74: {  	v1 =	vmul.f32 v2, v1;
	_ =	sdelay $0x1  }
0x75: {  	v2 =	vld [tilespmem:$0x7D90];
	[tilespmem:$0x7D80] =	vst v1  }
0x76: {  	v1 =	vld [tilespmem:s31+$0x2B10];
	_ =	sdelay $0x4  }
0x77: {  	v1 =	vmul.f32 v1, v2;
	_ =	sdelay $0x1  }
0x78: {  	v2 =	vld [tilespmem:$0x7DA0];
	[tilespmem:$0x7D90] =	vst v1  }
0x79: {  	v1 =	vld [tilespmem:s31+$0x2B20];
	_ =	sdelay $0x4  }
0x7a: {  	v1 =	vmul.f32 v1, v2;
	_ =	sdelay $0x1  }
0x7b: {  	v2 =	vld [tilespmem:$0x7DB0];
	[tilespmem:$0x7DA0] =	vst v1  }
0x7c: {  	v1 =	vld [tilespmem:s31+$0x2B30];
	_ =	sdelay $0x4  }
0x7d: {  	v1 =	vmul.f32 v1, v2;
	_ =	sdelay $0x1  }
0x7e: {  	v2 =	vld [tilespmem:$0x7DC0];
	[tilespmem:$0x7DB0] =	vst v1  }
0x7f: {  	v1 =	vld [tilespmem:s31+$0x2B40];
	_ =	sdelay $0x4  }
0x80: {  	v1 =	vmul.f32 v1, v2;
	_ =	sdelay $0x1  }
0x81: {  	v2 =	vld [tilespmem:$0x7DD0];
	[tilespmem:$0x7DC0] =	vst v1  }
0x82: {  	v1 =	vld [tilespmem:s31+$0x2B50];
	_ =	sdelay $0x4  }
0x83: {  	v1 =	vmul.f32 v1, v2;
	_ =	sdelay $0x1  }
0x84: {  	v2 =	vld [tilespmem:$0x7DE0];
	[tilespmem:$0x7DD0] =	vst v1  }
0x85: {  	v1 =	vld [tilespmem:s31+$0x2B60];
	_ =	sdelay $0x4  }
0x86: {  	v1 =	vmul.f32 v1, v2;
	_ =	sdelay $0x1  }
0x87: {  	v2 =	vld [tilespmem:$0x7DF0];
	[tilespmem:$0x7DE0] =	vst v1  }
0x88: {  	v1 =	vld [tilespmem:s31+$0x2B70];
	_ =	sdelay $0x4  }
0x89: {  	v1 =	vmul.f32 v1, v2;
	_ =	sdelay $0x1  }
0x8a: {  	s26 =	simm.s32 $0x400;
	s31 =	simm.s32 $0x300;
	[tilespmem:$0x7DF0] =	vst v1  }
0x8b: {  	[spmem:s3] =	stream.indirect.scatter.add.f32 [tilespmem:s18], [sflag:$0x3], $0x1, s31, s16, $0xb8;
	[tilespmem:$0x7E00] =	vst v63  }
.LBB2_2:
0x8c: {  	_ =	swait.ge [sflag:s12], $0x80;
	s29 =	smov.u32 s26;
	s26 =	sadd.s32 $0x400, s26  }
0x8d: {  	s28 =	sshra.s32 s29, $0x2;
	p0 =	sne.s32 s26, $0xA000;
	[sflag:s12] =	ssyncset.done $0x0  }
0x8e: {  	s30 =	sadd.s32 $0x5580, s28;
	[sflag:s12] =	ssyncadd.s32 $0xFFFFFF80  }
0x8f: {  	[tilespmem:s18], [sflag:$0x2] =	stream.indirect.gather [hbm4b:s1+s16], $0x1, s30, s16, $0xb8;
	[tilespmem:$0x7E00] =	vst v63  }
0x90: {  	_ =	swait.ge [sflag:s19], $0x80  }
0x91: {  	[sflag:s19] =	ssyncset.done $0x0  }
0x92: {  	[sflag:s19] =	ssyncadd.s32 $0xFFFFFF80  }
0x93: {  	v1 =	vld [tilespmem:$0x7D00]  }
0x94: {  	v2 =	vld [tilespmem:s28+$0x2A80];
	_ =	sdelay $0x4  }
0x95: {  	v1 =	vmul.f32 v2, v1;
	_ =	sdelay $0x1  }
0x96: {  	[tilespmem:$0x7D00] =	vst v1;
	v1 =	vld [tilespmem:$0x7D10]  }
0x97: {  	v2 =	vld [tilespmem:s28+$0x2A90];
	_ =	sdelay $0x4  }
0x98: {  	v1 =	vmul.f32 v2, v1;
	_ =	sdelay $0x1  }
0x99: {  	[tilespmem:$0x7D10] =	vst v1;
	v1 =	vld [tilespmem:$0x7D20]  }
0x9a: {  	v2 =	vld [tilespmem:s28+$0x2AA0];
	_ =	sdelay $0x4  }
0x9b: {  	v1 =	vmul.f32 v2, v1;
	_ =	sdelay $0x1  }
0x9c: {  	[tilespmem:$0x7D20] =	vst v1;
	v1 =	vld [tilespmem:$0x7D30]  }
0x9d: {  	v2 =	vld [tilespmem:s28+$0x2AB0];
	_ =	sdelay $0x4  }
0x9e: {  	v1 =	vmul.f32 v2, v1;
	_ =	sdelay $0x1  }
0x9f: {  	[tilespmem:$0x7D30] =	vst v1;
	v1 =	vld [tilespmem:$0x7D40]  }
0xa0: {  	v2 =	vld [tilespmem:s28+$0x2AC0];
	_ =	sdelay $0x4  }
0xa1: {  	v1 =	vmul.f32 v2, v1;
	_ =	sdelay $0x1  }
0xa2: {  	[tilespmem:$0x7D40] =	vst v1;
	v1 =	vld [tilespmem:$0x7D50]  }
0xa3: {  	v2 =	vld [tilespmem:s28+$0x2AD0];
	_ =	sdelay $0x4  }
0xa4: {  	v1 =	vmul.f32 v2, v1;
	_ =	sdelay $0x1  }
0xa5: {  	[tilespmem:$0x7D50] =	vst v1;
	v1 =	vld [tilespmem:$0x7D60]  }
0xa6: {  	v2 =	vld [tilespmem:s28+$0x2AE0];
	_ =	sdelay $0x4  }
0xa7: {  	v1 =	vmul.f32 v2, v1;
	_ =	sdelay $0x1  }
0xa8: {  	[tilespmem:$0x7D60] =	vst v1;
	v1 =	vld [tilespmem:$0x7D70]  }
0xa9: {  	v2 =	vld [tilespmem:s28+$0x2AF0];
	_ =	sdelay $0x4  }
0xaa: {  	v1 =	vmul.f32 v2, v1  }
0xab: {  	s30 =	sadd.s32 $0x280, s28  }
0xac: {  	p1 =	seq.s32 s29, $0x9C00;
	[tilespmem:$0x7D70] =	vst v1  }
0xad: {  	[spmem:s3] =	stream.indirect.scatter.add.f32 [tilespmem:s17], [sflag:$0x3], $0x1, s30, s16, $0xb8;
	[tilespmem:$0x7E00] =	vst v63  }
0xae: {  	s29 =	sshra.s32 @!p1 s29, $0x2;
	s30 =	simm.s32 @!p1 $0x7D00;
	_ =	swait.ge [sflag:s12], $0x80  }
0xaf: {  	s31 =	simm.s32 @!p1 $0x80;
	s29 =	sadd.s32 @!p1 $0x5600, s29;
	[sflag:s12] =	ssyncset.done $0x0  }
0xb0: {  	[sflag:s12] =	ssyncadd.s32 $0xFFFFFF80  }
0xb1: {  	[tilespmem:s30], [sflag:$0x1] =	stream.indirect.gather @!p1 [hbm4b:s1+s31], $0x1, s29, s31, $0xb8;
	[tilespmem:$0x7E00] =	vst v63  }
0xb2: {  	_ =	swait.ge [sflag:s20], $0x80  }
0xb3: {  	[sflag:s20] =	ssyncset.done $0x0  }
0xb4: {  	[sflag:s20] =	ssyncadd.s32 $0xFFFFFF80  }
0xb5: {  	v1 =	vld [tilespmem:$0x7D80]  }
0xb6: {  	v2 =	vld [tilespmem:s28+$0x2B00];
	_ =	sdelay $0x4  }
0xb7: {  	v1 =	vmul.f32 v2, v1  }
0xb8: {  	v2 =	vld [tilespmem:$0x7D90]  }
0xb9: {  	[tilespmem:$0x7D80] =	vst v1  }
0xba: {  	v1 =	vld [tilespmem:s28+$0x2B10];
	_ =	sdelay $0x4  }
0xbb: {  	v1 =	vmul.f32 v1, v2  }
0xbc: {  	v2 =	vld [tilespmem:$0x7DA0]  }
0xbd: {  	[tilespmem:$0x7D90] =	vst v1  }
0xbe: {  	v1 =	vld [tilespmem:s28+$0x2B20];
	_ =	sdelay $0x4  }
0xbf: {  	v1 =	vmul.f32 v1, v2  }
0xc0: {  	v2 =	vld [tilespmem:$0x7DB0]  }
0xc1: {  	[tilespmem:$0x7DA0] =	vst v1  }
0xc2: {  	v1 =	vld [tilespmem:s28+$0x2B30];
	_ =	sdelay $0x4  }
0xc3: {  	v1 =	vmul.f32 v1, v2  }
0xc4: {  	v2 =	vld [tilespmem:$0x7DC0]  }
0xc5: {  	[tilespmem:$0x7DB0] =	vst v1  }
0xc6: {  	v1 =	vld [tilespmem:s28+$0x2B40];
	_ =	sdelay $0x4  }
0xc7: {  	v1 =	vmul.f32 v1, v2  }
0xc8: {  	v2 =	vld [tilespmem:$0x7DD0]  }
0xc9: {  	[tilespmem:$0x7DC0] =	vst v1  }
0xca: {  	v1 =	vld [tilespmem:s28+$0x2B50];
	_ =	sdelay $0x4  }
0xcb: {  	v1 =	vmul.f32 v1, v2  }
0xcc: {  	v2 =	vld [tilespmem:$0x7DE0]  }
0xcd: {  	[tilespmem:$0x7DD0] =	vst v1  }
0xce: {  	v1 =	vld [tilespmem:s28+$0x2B60];
	_ =	sdelay $0x4  }
0xcf: {  	v1 =	vmul.f32 v1, v2  }
0xd0: {  	v2 =	vld [tilespmem:$0x7DF0]  }
0xd1: {  	[tilespmem:$0x7DE0] =	vst v1  }
0xd2: {  	v1 =	vld [tilespmem:s28+$0x2B70];
	_ =	sdelay $0x3  }
.Ltmp0:
0xd3: {  	(pc) =	sbr.rel @p0 .LBB2_2-.Ltmp0, $3  }
0xd4: {  	s28 =	sadd.s32 $0x300, s28;
	v1 =	vmul.f32 v1, v2;
	_ =	sdelay $0x1  }
0xd5: {  	[tilespmem:$0x7DF0] =	vst v1  }
0xd6: {  	[spmem:s3] =	stream.indirect.scatter.add.f32 [tilespmem:s18], [sflag:$0x3], $0x1, s28, s16, $0xb8;
	[tilespmem:$0x7E00] =	vst v63  }
0xd7: {  	_ =	swait.ge [sflag:s12], $0x80  }
0xd8: {  	s25 =	sadd.s32 $0x1, s25;
	[sflag:s12] =	ssyncset.done $0x0  }
0xd9: {  	p0 =	sne.s32 s25, s10;
	[sflag:s12] =	ssyncadd.s32 $0xFFFFFF80  }
.Ltmp1:
0xda: {  	[bflag:$0x0] =	sbarrier.arrive $0xFFFF;
	(pc) =	sbr.rel @p0 .LBB2_1-.Ltmp1, $4  }
0xdb: {  	[hbm:s9@s23], [sflag:s21] =	dma.strided [spmem:s22@s24], $0x50, s19, $0x10   }
0xdc: {  	_ =	swait.ge [sflag:s12], $0x50  }
0xdd: {  	[sflag:s12] =	ssyncset.done $0x0  }
0xde: {  	[sflag:s12] =	ssyncadd.s32 $0xFFFFFFB0  }
0xdf: {  	_ =	sfence.sel $0x180000  }
0xe0: {  	[bflag:$0x0] =	sbarrier.arrive $0xFFFF  }
0xe1: {  	p0 =	sne.s32 s2, $0x0;
	_ =	strace $0x9000004D  }
0xe2: {  	s0 =	sadd.s32 @!p0 $0x100000, s0;
	[bflag:$0x2] =	sbarrier.arrive $0xFFFF  }
0xe3: {  	[sflag:s0] =	ssyncadd.tile.s32 @!p0 $0x1;
	_ =	shalt  }
.Lfunc_end2:
_tile_overlayer_lowered:
.L_overlay_start_2:
0xe4: {  	(tag) =	ssettag $0x2  }
0xe5: {  	s0 =	rddreg [dreg:$0x0];
	s2 =	stileid.u32  }
0xe6: {  	s1 =	rddreg [dreg:$0x1];
	p0 =	sne.s32 s2, $0x0  }
0xe7: {  	s3 =	rddreg [dreg:$0x2];
	[bflag:$0x3] =	sbarrier.arrive $0xFFFF;
	s2 =	simm.s32 @!p0 $0x1C03  }
0xe8: {  	[timem:s3], [sflag:s2] =	dma.local @!p0 [hbm:s0], s1  }
0xe9: {  	s0 =	simm.s32 @!p0 $0x3  }
0xea: {  	_ =	swait.ge @!p0 [sflag:s0], s1  }
0xeb: {  	s1 =	ssub.s32 @!p0 $0x0, s1;
	[sflag:s0] =	ssyncset.done @!p0 $0x0  }
0xec: {  	[sflag:s0] =	ssyncadd.s32 @!p0 s1  }
0xed: {  	[bflag:$0x3] =	sbarrier.arrive $0xFFFF  }
0xee: {  	_ =	shalt  }

// kernel: kernel.9.cloned.1.call-start
scs
__scs_entry_jumppad:
0x0: {  	(pc) =	sbr.rel $0x88, $3  }
0x1: {  	(tag) =	ssettag $0x0;
	lr =	simm.s32 $0x1  }
0x2: {  	[smem:$0x3F9A] =	sst lr;
	_ =	strace $0xD0000000  }
0x3: {  	_ = 	snop  }
0x4: {  	_ = 	snop  }
0x5: {  	_ = 	snop  }
0x6: {  	_ = 	snop  }
0x7: {  	_ = 	snop  }
__scs_overlays_trampoline_lowered:
0x8: {  	[smem:$0x3FA9] =	sst s0  }
0x9: {  	[smem:$0x3FAA] =	sst s1  }
0xa: {  	[smem:$0x3FAB] =	sst s2  }
0xb: {  	[smem:$0x3FAC] =	sst s3  }
0xc: {  	[smem:$0x3FAD] =	sst s4  }
0xd: {  	[smem:$0x3FAE] =	sst s5  }
0xe: {  	[smem:$0x3FAF] =	sst s6  }
0xf: {  	[smem:$0x3FB0] =	sst s7  }
0x10: {  	[smem:$0x3FB1] =	sst s8  }
0x11: {  	[smem:$0x3FB2] =	sst s9;
	s0 =	simm.s32 @!p0 $0x0  }
0x12: {  	s1 =	sld [smem:$0x3F98];
	s0 =	simm.s32 @p0 $0x1  }
0x13: {  	[smem:$0x3FB3] =	sst s0;
	s0 =	simm.s32 @!p1 $0x0  }
0x14: {  	s2 =	sld [smem:$0x3F97];
	s0 =	simm.s32 @p1 $0x1  }
0x15: {  	[smem:$0x3FB4] =	sst s0;
	s0 =	simm.s32 @!p2 $0x0  }
0x16: {  	s3 =	sld [smem:$0x3FDB];
	s0 =	simm.s32 @p2 $0x1  }
0x17: {  	s4 =	simm.s32 $0x1BF5;
	[smem:$0x3FB6] =	sst s0  }
0x18: {  	s0 =	sld [smem:$0x3F99];
	_ =	swait.ge [sflag:s4], $0x0  }
0x19: {  	s7 =	sld [smem:$0x3F9A]  }
0x1a: {  	s8 =	sadd.s32 $0xFFFFE003, lr  }
0x1b: {  	s9 =	sadd.s32 $0xFFFFFEF7, lr;
	s5 =	simm.s32 $0xFFFFFFFF;
	p2 =	slt.u32 s8, $0xFFFFF086  }
0x1c: {  	p1 =	slt.u32 s9, $0xF7A;
	s5 =	simm.s32 @!p2 $0x0  }
0x1d: {  	s5 =	simm.s32 @p1 $0x1;
	p0 =	seq.s32 s7, s2  }
0x1e: {  	s7 =	smul.u32 @!p0 $0xF7A, s2;
	p2 =	seq.s32 @!p0 s5, $0x0  }
0x1f: {  	s9 =	smul.u32 $0xF7A, s1;
	s8 =	simm.s32 @!p0 $0x1BF5;
	p2 =	por !p2, p0  }
0x20: {  	[sflag:s8] =	ssyncset.s32 @!p0 $0xFFFFF086;
	s6 =	sadd.s32 @!p0 s3, s7;
	s7 =	simm.s32 @!p0 $0x108  }
0x21: {  	s3 =	sadd.s32 s3, s9;
	s6 =	sadd.s32 @!p0 $0x88, s6;
	s7 =	simm.s32 @p2 $0x1082  }
0x22: {  	[simem:s7], [sflag:s8] =	dma.local @!p0 [hbm:s6], $0xF7A  }
0x23: {  	s9 =	sor.u32 $0xD0000000, s2;
	s6 =	simm.s32 $0x108;
	_ =	swait.ge @!p0 [sflag:s8], $0x0  }
0x24: {  	s3 =	sadd.s32 $0x88, s3;
	s6 =	simm.s32 @!p1 $0x1082;
	[sflag:s4] =	ssyncset.s32 $0xFFFFF086  }
0x25: {  	[simem:s6], [sflag:s4] =	dma.local [hbm:s3], $0xF7A  }
0x26: {  	[smem:$0x3F9A] =	sst s1;
	(tag) =	ssettag s2;
	_ =	strace s9  }
0x27: {  	s1 =	sld [smem:$0x3FAA]  }
0x28: {  	s2 =	sld [smem:$0x3FAB]  }
0x29: {  	s4 =	sld [smem:$0x3FAD]  }
0x2a: {  	p0 =	seq.s32 s5, $0x0;
	s5 =	sld [smem:$0x3FAE]  }
0x2b: {  	s6 =	sld [smem:$0x3FAF]  }
0x2c: {  	s7 =	sld [smem:$0x3FB0]  }
0x2d: {  	s3 =	simm.s32 $0x108;
	s8 =	sld [smem:$0x3FB1]  }
0x2e: {  	s3 =	simm.s32 @!p0 $0x1082;
	s9 =	sld [smem:$0x3FB2]  }
0x2f: {  	lr =	sadd.s32 s0, s3;
	s0 =	sld [smem:$0x3FA9]  }
0x30: {  	s3 =	sld [smem:$0x3FAC]  }
0x31: {  	[smem:$0x3FB5] =	sst s10  }
0x32: {  	s10 =	sld [smem:$0x3FB3];
	_ =	sdelay $0x3  }
0x33: {  	p0 =	seq.s32 s10, $0x1;
	s10 =	sld [smem:$0x3FB5];
	_ =	sdelay $0x3  }
0x34: {  	[smem:$0x3FB5] =	sst s10  }
0x35: {  	s10 =	sld [smem:$0x3FB4];
	_ =	sdelay $0x3  }
0x36: {  	p1 =	seq.s32 s10, $0x1;
	s10 =	sld [smem:$0x3FB5];
	_ =	sdelay $0x3  }
0x37: {  	[smem:$0x3FB5] =	sst s10  }
0x38: {  	s10 =	sld [smem:$0x3FB6]  }
0x39: {  	_ = 	snop;
	(pc) =	sbr.ind lr, $3  }
0x3a: {  	_ = 	snop  }
0x3b: {  	_ = 	snop  }
0x3c: {  	p2 =	seq.s32 s10, $0x1;
	s10 =	sld [smem:$0x3FB5]  }
0x3d: {  	_ =	shalt  }
0x3e: {  	_ =	shalt  }
0x3f: {  	_ =	shalt  }
0x40: {  	_ =	shalt  }
0x41: {  	_ =	shalt  }
0x42: {  	_ =	shalt  }
0x43: {  	_ =	shalt  }
0x44: {  	_ =	shalt  }
0x45: {  	_ =	shalt  }
0x46: {  	_ =	shalt  }
0x47: {  	_ =	shalt  }
0x48: {  	_ =	shalt  }
0x49: {  	_ =	shalt  }
0x4a: {  	_ =	shalt  }
0x4b: {  	_ =	shalt  }
0x4c: {  	_ =	shalt  }
0x4d: {  	_ =	shalt  }
0x4e: {  	_ =	shalt  }
0x4f: {  	_ =	shalt  }
0x50: {  	_ =	shalt  }
0x51: {  	_ =	shalt  }
0x52: {  	_ =	shalt  }
0x53: {  	_ =	shalt  }
0x54: {  	_ =	shalt  }
0x55: {  	_ =	shalt  }
0x56: {  	_ =	shalt  }
0x57: {  	_ =	shalt  }
0x58: {  	_ =	shalt  }
0x59: {  	_ =	shalt  }
0x5a: {  	_ =	shalt  }
0x5b: {  	_ =	shalt  }
0x5c: {  	_ =	shalt  }
0x5d: {  	_ =	shalt  }
0x5e: {  	_ =	shalt  }
0x5f: {  	_ =	shalt  }
0x60: {  	_ =	shalt  }
0x61: {  	_ =	shalt  }
0x62: {  	_ =	shalt  }
0x63: {  	_ =	shalt  }
0x64: {  	_ =	shalt  }
0x65: {  	_ =	shalt  }
0x66: {  	_ =	shalt  }
0x67: {  	_ =	shalt  }
0x68: {  	_ =	shalt  }
0x69: {  	_ =	shalt  }
0x6a: {  	_ =	shalt  }
0x6b: {  	_ =	shalt  }
0x6c: {  	_ =	shalt  }
0x6d: {  	_ =	shalt  }
0x6e: {  	_ =	shalt  }
0x6f: {  	_ =	shalt  }
0x70: {  	_ =	shalt  }
0x71: {  	_ =	shalt  }
0x72: {  	_ =	shalt  }
0x73: {  	_ =	shalt  }
0x74: {  	_ =	shalt  }
0x75: {  	_ =	shalt  }
0x76: {  	_ =	shalt  }
0x77: {  	_ =	shalt  }
0x78: {  	_ =	shalt  }
0x79: {  	_ =	shalt  }
0x7a: {  	_ =	shalt  }
0x7b: {  	_ =	shalt  }
0x7c: {  	_ =	shalt  }
0x7d: {  	_ =	shalt  }
0x7e: {  	_ =	shalt  }
0x7f: {  	_ =	shalt  }
0x80: {  	_ =	shalt  }
0x81: {  	_ =	shalt  }
0x82: {  	_ =	shalt  }
0x83: {  	_ =	shalt  }
0x84: {  	_ =	shalt  }
0x85: {  	_ =	shalt  }
0x86: {  	_ =	shalt  }
0x87: {  	_ =	shalt  }
.Lfunc_end0:
.L_simem_size_0:
called_computation_lowered:
.L_overlay_start_0:
0x88: {  	s2 =	sld [smem:$0x3FD9]  }
0x89: {  	s3 =	sld [smem:$0x3FFE];
	_ =	sdelay $0x1  }
0x8a: {  	s1 =	srdreg.scid  }
0x8b: {  	s0 =	sand.u32 $0x1, s1  }
0x8c: {  	s16 =	sshll.u32 s0, $0xA;
	s2 =	sadd.s32 s3, s2  }
0x8d: {  	s2 =	sadd.s32 s2, s16  }
0x8e: {  	[smem:$0x3FC1] =	sst s2  }
0x8f: {  	_ = 	snop  }
0x90: {  	(tm) =	ssettm $0x1  }
0x91: {  	s17 =	sld [smem:$0x3FFB];
	_ =	sdelay $0x3  }
0x92: {  	_ =	strace s17  }
0x93: {  	s2 =	sld [smem:$0x3FFC];
	_ =	sdelay $0x3  }
0x94: {  	_ =	strace s2  }
0x95: {  	s2 =	sld [smem:$0x3FFD];
	_ =	sdelay $0x3  }
0x96: {  	_ =	strace s2  }
0x97: {  	_ =	strace $0x8FFFFFFF  }
0x98: {  	s18 =	sld [smem:$0x3FDB];
	_ =	sdelay $0x1  }
0x99: {  	s19 =	simm.s32 $_scs_section_size  }
0x9a: {  	s4 =	simm.s32 $_size__tile_overlayer_lowered;
	s5 =	simm.s32 $_tile_overlayer_lowered  }
0x9b: {  	s22 =	simm.s32 $0x1BFF;
	s21 =	sshll.u32 s5, $0x1;
	s2 =	sadd.s32 s19, s18  }
0x9c: {  	s6 =	simm.s32 $0x0;
	s20 =	sshll.u32 s4, $0x1;
	s4 =	sadd.s32 s21, s2  }
0x9d: {  	[timem:s6], [sflag:s22] =	dma.local [hbm:s4], s20  }
0x9e: {  	_ =	swait.ge [sflag:s22], s20  }
0x9f: {  	s3 =	ssub.s32 $0x0, s20;
	[sflag:s22] =	ssyncset.done $0x0  }
0xa0: {  	[sflag:s22] =	ssyncadd.s32 s3;
	_ =	sdelay $0x1  }
0xa1: {  	s23 =	simm.s32 $0x1B8B  }
0xa2: {  	_ =	swait.ge [sflag:s23], $0x1  }
0xa3: {  	[sflag:s23] =	ssyncset.done $0x0  }
0xa4: {  	s25 =	simm.s32 $0x1B8E;
	s24 =	sld [smem:$0x3FFE];
	[sflag:s23] =	ssyncadd.s32 $0xFFFFFFFF  }
0xa5: {  	s26 =	simm.s32 $execute0_lowered;
	[smem:$0x3FD2] =	sst s25  }
0xa6: {  	s4 =	sshll.u32 s26, $0x1;
	_ =	strace $0x80000046;
	[dreg:$0x1] =	wrdreg $0xFFFFFFFF  }
0xa7: {  	s28 =	simm.s32 $_size_execute0_lowered;
	s2 =	sadd.s32 s2, s4;
	[dreg:$0x0] =	wrdreg $0x0  }
0xa8: {  	s4 =	sshll.u32 s28, $0x1;
	[dreg:$0x2] =	wrdreg s2  }
0xa9: {  	[dreg:$0x3] =	wrdreg s4  }
0xaa: {  	[dreg:$0x4] =	wrdreg $0xC0  }
0xab: {  	_ =	task [dreg:s6], $0x5FFFF  }
0xac: {  	[dreg:$0x1] =	wrdreg $0xFFFFFFFF  }
0xad: {  	[dreg:$0x0] =	wrdreg $0x60  }
0xae: {  	[dreg:$0x2] =	wrdreg s24  }
0xaf: {  	[dreg:$0x3] =	wrdreg $0x0  }
0xb0: {  	[dreg:$0x4] =	wrdreg $0x9  }
0xb1: {  	_ =	task.clear_ibuf [dreg:s6], $0x5FFFF;
	_ =	strace $0x90000046  }
0xb2: {  	s29 =	simm.s32 $0x9;
	_ =	strace $0x80000048  }
0xb3: {  	_ =	swait.ge [sflag:s29], $0x1  }
0xb4: {  	[sflag:s29] =	ssyncadd.s32 $0xFFFFFFFF  }
0xb5: {  	_ =	strace $0x90000048  }
0xb6: {  	_ =	sfence  }
0xb7: {  	s30 =	sld [smem:$0x0];
	_ =	sdelay $0x2  }
0xb8: {  	s31 =	sshll.u32 s1, $0xD;
	s1 =	sshrl.u32 s1, $0x2  }
0xb9: {  	s3 =	sand.u32 $0x4000, s31;
	s1 =	sadd.s32 s1, s30  }
0xba: {  	s0 =	sor.u32 s3, s0;
	s1 =	sshll.u32 s1, $0x11  }
0xbb: {  	s0 =	sor.u32 s1, s0  }
0xbc: {  	s0 =	sadd.s32 $0x8F2B, s0  }
0xbd: {  	[sflag:s0] =	ssyncadd.remote.s32 $0x1  }
0xbe: {  	_ =	sfence.sel $0xFFFF  }
0xbf: {  	[dreg:$0x0] =	wrdreg $0xFFFFFFFF;
	(pc) =	sbr.abs _section_cstart, $3  }
0xc0: {  	[dreg:$0x1] =	wrdreg $0xFFFFFFFF  }
0xc1: {  	_ =	task.clear_ibuf [dreg:s6], $0x2FFFF;
	_ =	strace $0x9FFFFFFF  }
0xc2: {  	(tm) =	ssettm $0x7FFFFFFF  }
0xc3: {  	_ =	shalt  }
tec
execute0_lowered:
.L_overlay_start_1:
0x0: {  	(tag) =	ssettag $0x1  }
0x1: {  	s4 =	rddreg [dreg:$0x0]  }
0x2: {  	s2 =	rddreg [dreg:$0x1];
	s3 =	srdreg.scid  }
0x3: {  	s0 =	rddreg [dreg:$0x2];
	s1 =	stileid.u32;
	s10 =	simm.s32 $0x1  }
0x4: {  	s11 =	simm.s32 $0x2A80;
	s12 =	simm.s32 $0x5280;
	s13 =	simm.s32 $0x80  }
0x5: {  	s16 =	simm.s32 $0x20;
	s17 =	simm.s32 $0x10;
	s18 =	simm.s32 $0x0  }
0x6: {  	s5 =	sand.u32 $0x1, s3;
	s3 =	simm.s32 $0x0;
	s7 =	smul.u32 $0x500, s1  }
0x7: {  	s30 =	smul.u32 $0xA00, s1;
	s14 =	sshll.u32 s1, $0x6;
	s6 =	sshll.u32 s5, $0x4  }
0x8: {  	[smem:$0x7FF] =	sst s3;
	s8 =	sshll.u32 s5, $0x7;
	s5 =	ssub.s32 $0x2, s5  }
0x9: {  	s14 =	sor.u32 $0x1C01, s14;
	s6 =	sor.u32 s1, s6;
	s7 =	sor.u32 s8, s7  }
0xa: {  	_ =	strace $0x80000047;
	s6 =	smul.u32 $0x500, s6;
	s7 =	sshrl.u32 s7, $0x3  }
0xb: {  	s31 =	sshrl.u32 s5, $0x1;
	s8 =	sshrl.u32 s30, $0x2;
	s7 =	sadd.s32 s7, s4  }
0xc: {  	s9 =	ssub.s32 s5, s31;
	s6 =	sadd.s32 s6, s4;
	s7 =	sadd.s32 $0x14800, s7  }
0xd: {  	s4 =	sadd.s32 $0x800, s6;
	s5 =	sadd.s32 $0xA800, s6;
	s6 =	sadd.s32 s8, s2  }
0xe: {  	v0 =	vimm.f32 $0.0e+00;
	s8 =	smax.u32 s9, $0x1;
	s9 =	simm.s32 $0x280;
	s15 =	sshrl.u32 s6, $0x3  }
.LBB2_1:
0xf: {  	[tilespmem:s9], [sflag:$0x1] =	stream.linear.gather [hbm4b:s4+s3], $0x2800, $0x38;
	[tilespmem:$0x5500] =	vst v63  }
0x10: {  	_ =	swait.ge [sflag:s10], $0x2800  }
0x11: {  	[sflag:s10] =	ssyncset.done $0x0  }
0x12: {  	[sflag:s10] =	ssyncadd.s32 $0xFFFFD800  }
0x13: {  	[tilespmem:s11], [sflag:$0x1] =	stream.linear.gather [hbm4b:s5+s3], $0x2800, $0x38;
	[tilespmem:$0x5500] =	vst v63  }
0x14: {  	_ =	swait.ge [sflag:s10], $0x2800  }
0x15: {  	[sflag:s10] =	ssyncset.done $0x0  }
0x16: {  	[sflag:s10] =	ssyncadd.s32 $0xFFFFD800  }
0x17: {  	[tilespmem:$0x5280] =	vst v0  }
0x18: {  	[tilespmem:$0x5290] =	vst v0  }
0x19: {  	[tilespmem:$0x52A0] =	vst v0  }
0x1a: {  	[tilespmem:$0x52B0] =	vst v0  }
0x1b: {  	[tilespmem:$0x52C0] =	vst v0  }
0x1c: {  	[tilespmem:$0x52D0] =	vst v0  }
0x1d: {  	[tilespmem:$0x52E0] =	vst v0  }
0x1e: {  	[tilespmem:$0x52F0] =	vst v0  }
0x1f: {  	[tilespmem:$0x5300] =	vst v0  }
0x20: {  	[tilespmem:$0x5310] =	vst v0  }
0x21: {  	[tilespmem:$0x5320] =	vst v0  }
0x22: {  	[tilespmem:$0x5330] =	vst v0  }
0x23: {  	[tilespmem:$0x5340] =	vst v0  }
0x24: {  	[tilespmem:$0x5350] =	vst v0  }
0x25: {  	[tilespmem:$0x5360] =	vst v0  }
0x26: {  	[tilespmem:$0x5370] =	vst v0  }
0x27: {  	[tilespmem:$0x5380] =	vst v0  }
0x28: {  	[tilespmem:$0x5390] =	vst v0  }
0x29: {  	[tilespmem:$0x53A0] =	vst v0  }
0x2a: {  	[tilespmem:$0x53B0] =	vst v0  }
0x2b: {  	[tilespmem:$0x53C0] =	vst v0  }
0x2c: {  	[tilespmem:$0x53D0] =	vst v0  }
0x2d: {  	[tilespmem:$0x53E0] =	vst v0  }
0x2e: {  	[tilespmem:$0x53F0] =	vst v0  }
0x2f: {  	[tilespmem:$0x5400] =	vst v0  }
0x30: {  	[tilespmem:$0x5410] =	vst v0  }
0x31: {  	[tilespmem:$0x5420] =	vst v0  }
0x32: {  	[tilespmem:$0x5430] =	vst v0  }
0x33: {  	[tilespmem:$0x5440] =	vst v0  }
0x34: {  	[tilespmem:$0x5450] =	vst v0  }
0x35: {  	[tilespmem:$0x5460] =	vst v0  }
0x36: {  	[tilespmem:$0x5470] =	vst v0  }
0x37: {  	[tilespmem:$0x5480] =	vst v0  }
0x38: {  	[tilespmem:$0x5490] =	vst v0  }
0x39: {  	[tilespmem:$0x54A0] =	vst v0  }
0x3a: {  	[tilespmem:$0x54B0] =	vst v0  }
0x3b: {  	[tilespmem:$0x54C0] =	vst v0  }
0x3c: {  	[tilespmem:$0x54D0] =	vst v0  }
0x3d: {  	[tilespmem:$0x54E0] =	vst v0  }
0x3e: {  	[tilespmem:$0x54F0] =	vst v0  }
0x3f: {  	[spmem:s6] =	stream.linear.scatter [tilespmem:s12], [sflag:$0x1], $0x280, $0x38;
	[tilespmem:$0x5500] =	vst v63  }
0x40: {  	_ =	swait.ge [sflag:s10], $0x280  }
0x41: {  	[sflag:s10] =	ssyncset.done $0x0  }
0x42: {  	[sflag:s10] =	ssyncadd.s32 $0xFFFFFD80  }
0x43: {  	s19 =	simm.s32 $0x2A80;
	s20 =	simm.s32 $0x280;
	[bflag:$0x0] =	sbarrier.arrive $0xFFFF  }
0x44: {  	[spmem:s2] =	stream.indirect.scatter.add.f32 [tilespmem:s19], [sflag:$0x1], $0x1, s20, s13, $0xb8;
	[tilespmem:$0x5500] =	vst v63  }
0x45: {  	s19 =	simm.s32 $0x200;
	_ =	swait.ge [sflag:s10], $0x80  }
.LBB2_2:
0x46: {  	s20 =	sshra.s32 s19, $0x2  }
0x47: {  	[sflag:s10] =	ssyncset.done $0x0;
	p0 =	sne.s32 s19, $0x9E00;
	s21 =	sadd.s32 $0x2A80, s20  }
.Ltmp0:
0x48: {  	s20 =	sadd.s32 $0x280, s20;
	[sflag:s10] =	ssyncadd.s32 $0xFFFFFF80;
	(pc) =	sbr.rel @p0 .LBB2_2-.Ltmp0, $3  }
0x49: {  	[spmem:s2] =	stream.indirect.scatter.add.f32 [tilespmem:s21], [sflag:$0x1], $0x1, s20, s13, $0xb8;
	[tilespmem:$0x5500] =	vst v63  }
0x4a: {  	s19 =	sadd.s32 $0x200, s19;
	_ =	sdelay $0x1  }
0x4b: {  	_ =	swait.ge [sflag:s10], $0x80  }
0x4c: {  	[sflag:s10] =	ssyncset.done $0x0;
	s18 =	sadd.s32 $0x1, s18  }
0x4d: {  	[sflag:s10] =	ssyncadd.s32 $0xFFFFFF80;
	p0 =	sne.s32 s18, s8  }
.Ltmp1:
0x4e: {  	[bflag:$0x0] =	sbarrier.arrive $0xFFFF;
	(pc) =	sbr.rel @p0 .LBB2_1-.Ltmp1, $4  }
0x4f: {  	[hbm:s7@s16], [sflag:s14] =	dma.strided [spmem:s15@s17], $0x50, s10, $0x10   }
0x50: {  	_ =	swait.ge [sflag:s10], $0x50  }
0x51: {  	[sflag:s10] =	ssyncset.done $0x0  }
0x52: {  	[sflag:s10] =	ssyncadd.s32 $0xFFFFFFB0  }
0x53: {  	_ =	sfence.sel $0x180000  }
0x54: {  	[bflag:$0x0] =	sbarrier.arrive $0xFFFF  }
0x55: {  	p0 =	sne.s32 s1, $0x0;
	_ =	strace $0x90000047  }
0x56: {  	s0 =	sadd.s32 @!p0 $0x100000, s0;
	[bflag:$0x2] =	sbarrier.arrive $0xFFFF  }
0x57: {  	[sflag:s0] =	ssyncadd.tile.s32 @!p0 $0x1;
	_ =	shalt  }
.Lfunc_end2:
_tile_overlayer_lowered:
.L_overlay_start_2:
0x58: {  	(tag) =	ssettag $0x2  }
0x59: {  	s0 =	rddreg [dreg:$0x0];
	s2 =	stileid.u32  }
0x5a: {  	s1 =	rddreg [dreg:$0x1];
	p0 =	sne.s32 s2, $0x0  }
0x5b: {  	s3 =	rddreg [dreg:$0x2];
	[bflag:$0x3] =	sbarrier.arrive $0xFFFF;
	s2 =	simm.s32 @!p0 $0x1C01  }
0x5c: {  	[timem:s3], [sflag:s2] =	dma.local @!p0 [hbm:s0], s1  }
0x5d: {  	s0 =	simm.s32 @!p0 $0x1  }
0x5e: {  	_ =	swait.ge @!p0 [sflag:s0], s1  }
0x5f: {  	s1 =	ssub.s32 @!p0 $0x0, s1;
	[sflag:s0] =	ssyncset.done @!p0 $0x0  }
0x60: {  	[sflag:s0] =	ssyncadd.s32 @!p0 s1  }
0x61: {  	[bflag:$0x3] =	sbarrier.arrive $0xFFFF  }
0x62: {  	_ =	shalt  }

</sc_bundles>
